<compile_context>
chip_gen: v7x
topology: tpu7x:2x2x1
jax: 0.10.2.dev20260603
libtpu: 0.0.44.dev20260713+nightly
codegen_flags: <defaults>
</compile_context>

<pallas_src>
import functools

import jax
import jax.numpy as jnp
from jax import lax
from jax.experimental import pallas as pl
from jax.experimental.pallas import tpu as pltpu
from jax.experimental.pallas import tpu_sc as plsc

B = 4096
L = 50
D = 64
NSEQ = B * L
NTGT = B

NC = 2
NS = 16
NW = NC * NS
SEQ_PER_W = NSEQ // NW
TGT_PER_W = NTGT // NW
CHUNK = 400
NCHUNKS = SEQ_PER_W // CHUNK
NB = 3


def _emb_body(item_hbm, time_hbm, pos_hbm,
              seq_idx_hbm, time_idx_hbm, pos_idx_hbm, tgt_idx_hbm,
              seq_out, time_out, pos_out, tgt_out,
              seq_idx_v, time_idx_v, pos_idx_v, tgt_idx_v,
              rows0, rows1, rows2,
              sem_i, gsem0, gsem1, gsem2, ssem0, ssem1, ssem2):
    wid = lax.axis_index("s") * NC + lax.axis_index("c")
    base = wid * SEQ_PER_W
    tbase = wid * TGT_PER_W

    idx_cps = [
        pltpu.async_copy(seq_idx_hbm.at[pl.ds(base, SEQ_PER_W)], seq_idx_v, sem_i),
        pltpu.async_copy(time_idx_hbm.at[pl.ds(base, SEQ_PER_W)], time_idx_v, sem_i),
        pltpu.async_copy(pos_idx_hbm.at[pl.ds(base, SEQ_PER_W)], pos_idx_v, sem_i),
        pltpu.async_copy(tgt_idx_hbm.at[pl.ds(tbase, TGT_PER_W)], tgt_idx_v, sem_i),
    ]
    for cp in idx_cps:
        cp.wait()

    jobs = []
    for tbl, idx_v, out_hbm in ((item_hbm, seq_idx_v, seq_out),
                                (time_hbm, time_idx_v, time_out),
                                (pos_hbm, pos_idx_v, pos_out)):
        for c in range(NCHUNKS):
            jobs.append((tbl,
                         idx_v.at[pl.ds(c * CHUNK, CHUNK)],
                         out_hbm.at[pl.ds(base + c * CHUNK, CHUNK)],
                         CHUNK))
    jobs.append((item_hbm, tgt_idx_v, tgt_out.at[pl.ds(tbase, TGT_PER_W)],
                 TGT_PER_W))

    bufs = (rows0, rows1, rows2)
    gsems = (gsem0, gsem1, gsem2)
    ssems = (ssem0, ssem1, ssem2)
    pend_g = [None] * NB
    pend_s = [None] * NB
    n = len(jobs)
    for t in range(n + NB - 1):
        if t < n:
            b = t % NB
            if pend_s[b] is not None:
                pend_s[b].wait()
            tbl, idxs, outs, cnt = jobs[t]
            buf = bufs[b] if cnt == CHUNK else bufs[b].at[pl.ds(0, cnt)]
            pend_g[b] = (pltpu.async_copy(tbl.at[idxs], buf, gsems[b]),
                         buf, outs)
        j = t - (NB - 1)
        if 0 <= j < n:
            b2 = j % NB
            cp, buf, outs = pend_g[b2]
            cp.wait()
            pend_s[b2] = pltpu.async_copy(buf, outs, ssems[b2])
    for p in pend_s:
        if p is not None:
            p.wait()


@jax.jit
def _run(seq_idx, time_idx, pos_idx, tgt_idx, item_table, time_table, pos_table):
    mesh = plsc.VectorSubcoreMesh(core_axis_name="c", subcore_axis_name="s")
    f = functools.partial(
        pl.kernel,
        mesh=mesh,
        compiler_params=pltpu.CompilerParams(use_tc_tiling_on_sc=False),
        out_type=[
            jax.ShapeDtypeStruct((NSEQ, D), jnp.float32),
            jax.ShapeDtypeStruct((NSEQ, D), jnp.float32),
            jax.ShapeDtypeStruct((NSEQ, D), jnp.float32),
            jax.ShapeDtypeStruct((NTGT, D), jnp.float32),
        ],
        scratch_types=[
            pltpu.VMEM((SEQ_PER_W,), jnp.int32),
            pltpu.VMEM((SEQ_PER_W,), jnp.int32),
            pltpu.VMEM((SEQ_PER_W,), jnp.int32),
            pltpu.VMEM((TGT_PER_W,), jnp.int32),
            pltpu.VMEM((CHUNK, D), jnp.float32),
            pltpu.VMEM((CHUNK, D), jnp.float32),
            pltpu.VMEM((CHUNK, D), jnp.float32),
            pltpu.SemaphoreType.DMA,
            pltpu.SemaphoreType.DMA,
            pltpu.SemaphoreType.DMA,
            pltpu.SemaphoreType.DMA,
            pltpu.SemaphoreType.DMA,
            pltpu.SemaphoreType.DMA,
            pltpu.SemaphoreType.DMA,
        ],
    )(_emb_body)
    return f(item_table, time_table, pos_table,
             seq_idx, time_idx, pos_idx, tgt_idx)


def kernel(seq_items, times, pos, target_items, item_table, time_table, pos_table):
    seq_idx = seq_items.reshape(-1).astype(jnp.int32)
    time_idx = times.reshape(-1).astype(jnp.int32)
    pos_idx = pos.reshape(-1).astype(jnp.int32)
    tgt_idx = target_items.astype(jnp.int32)
    seq_e, time_e, pos_e, tgt_e = _run(seq_idx, time_idx, pos_idx, tgt_idx,
                                       item_table, time_table, pos_table)
    return (seq_e.reshape(B, L, D), time_e.reshape(B, L, D),
            pos_e.reshape(B, L, D), tgt_e)

# --- scband reference (transcript-rebuilt; emitter-appended) ---
"""Pipeline reference for scband-embedding-layer-34514357190901 (READ-ONLY COPY).

The authoritative reference and input builder live on the scoring server;
editing this copy changes nothing except your own understanding.
"""

import jax, jax.numpy as jnp
import numpy as np

ITEM_SIZE = 100000
TIME_SIZE = 512
POS_SIZE = 50
EMBED_DIM = 64
B = 4096
L = 50


def setup_inputs(seed: int = 0) -> dict:
    key = jax.random.key(seed)
    ks = jax.random.split(key, 7)
    seq_items = jax.random.randint(ks[0], (B, L), 0, ITEM_SIZE)
    times = jax.random.randint(ks[1], (B, L), 0, TIME_SIZE)
    pos = jax.random.randint(ks[2], (B, L), 0, POS_SIZE)
    target_items = jax.random.randint(ks[3], (B,), 0, ITEM_SIZE)
    # Embedding tables sized (size + 1, embed_dim) with padding_idx=0 zeroed.
    item_table = jax.random.normal(ks[4], (ITEM_SIZE + 1, EMBED_DIM), dtype=jnp.float32)
    item_table = item_table.at[0].set(0.0)
    time_table = jax.random.normal(ks[5], (TIME_SIZE + 1, EMBED_DIM), dtype=jnp.float32)
    time_table = time_table.at[0].set(0.0)
    pos_table = jax.random.normal(ks[6], (POS_SIZE + 1, EMBED_DIM), dtype=jnp.float32)
    pos_table = pos_table.at[0].set(0.0)
    return {
        "seq_items": seq_items,
        "times": times,
        "pos": pos,
        "target_items": target_items,
        "item_table": item_table,
        "time_table": time_table,
        "pos_table": pos_table,
    }


def reference(seq_items, times, pos, target_items, item_table, time_table, pos_table):
    seq_emb = jnp.take(item_table, seq_items, axis=0)
    time_emb = jnp.take(time_table, times, axis=0)
    pos_emb = jnp.take(pos_table, pos, axis=0)
    target_emb = jnp.take(item_table, target_items, axis=0)
    return (seq_emb, time_emb, pos_emb, target_emb)

if __name__ == "__main__":
    import jax
    _d = setup_inputs()
    print(jax.jit(kernel)(*tuple(_d.values())))

</pallas_src>

<mosaic_0001>
#map = affine_map<(d0, d1) -> (0, 0)>
#map1 = affine_map<(d0, d1) -> (0)>
module attributes {stable_mosaic.version = 14 : i64} {
  func.func @_emb_body(%arg0: i32, %arg1: i32, %arg2: memref<100001x64xf32, #tpu.memory_space<hbm>>, %arg3: memref<513x64xf32, #tpu.memory_space<hbm>>, %arg4: memref<51x64xf32, #tpu.memory_space<hbm>>, %arg5: memref<204800xi32, #tpu.memory_space<hbm>>, %arg6: memref<204800xi32, #tpu.memory_space<hbm>>, %arg7: memref<204800xi32, #tpu.memory_space<hbm>>, %arg8: memref<4096xi32, #tpu.memory_space<hbm>>, %arg9: memref<204800x64xf32, #tpu.memory_space<hbm>>, %arg10: memref<204800x64xf32, #tpu.memory_space<hbm>>, %arg11: memref<204800x64xf32, #tpu.memory_space<hbm>>, %arg12: memref<4096x64xf32, #tpu.memory_space<hbm>>, %arg13: memref<6400xi32, #tpu.memory_space<vmem>>, %arg14: memref<6400xi32, #tpu.memory_space<vmem>>, %arg15: memref<6400xi32, #tpu.memory_space<vmem>>, %arg16: memref<128xi32, #tpu.memory_space<vmem>>, %arg17: memref<400x64xf32, #tpu.memory_space<vmem>>, %arg18: memref<400x64xf32, #tpu.memory_space<vmem>>, %arg19: memref<400x64xf32, #tpu.memory_space<vmem>>, %arg20: memref<!tpu.dma_semaphore, #tpu.memory_space<semaphore_mem>>, %arg21: memref<!tpu.dma_semaphore, #tpu.memory_space<semaphore_mem>>, %arg22: memref<!tpu.dma_semaphore, #tpu.memory_space<semaphore_mem>>, %arg23: memref<!tpu.dma_semaphore, #tpu.memory_space<semaphore_mem>>, %arg24: memref<!tpu.dma_semaphore, #tpu.memory_space<semaphore_mem>>, %arg25: memref<!tpu.dma_semaphore, #tpu.memory_space<semaphore_mem>>, %arg26: memref<!tpu.dma_semaphore, #tpu.memory_space<semaphore_mem>>) attributes {dimension_semantics = [#tpu.dimension_semantics<core_parallel>, #tpu.dimension_semantics<subcore_parallel>], iteration_bounds = array<i64: 2, 16>, scalar_prefetch = 0 : i64, scratch_operands = 14 : i64, tpu.core_type = #tpu.core_type<sc_vector_subcore>, window_params = [{transform_indices = #map}, {transform_indices = #map}, {transform_indices = #map}, {transform_indices = #map1}, {transform_indices = #map1}, {transform_indices = #map1}, {transform_indices = #map1}, {transform_indices = #map}, {transform_indices = #map}, {transform_indices = #map}, {transform_indices = #map}]} {
    %mul3A = arith.constant 2 : i32
    %mul3A_0 = arith.muli %arg1, %mul3A : i32
    %add3A = arith.addi %mul3A_0, %arg0 : i32
    %mul3A_1 = arith.constant 6400 : i32
    %mul3A_2 = arith.muli %add3A, %mul3A_1 : i32
    %mul3A_3 = arith.constant 128 : i32
    %mul3A_4 = arith.muli %add3A, %mul3A_3 : i32
    %dma_start3A = tpu.memref_slice %arg5[%mul3A_2] : memref<204800xi32, #tpu.memory_space<hbm>> -> memref<6400xi32, #tpu.memory_space<hbm>>
    %dma_start3A_5 = tpu.memref_slice %arg5[%mul3A_2] : memref<204800xi32, #tpu.memory_space<hbm>> -> memref<6400xi32, #tpu.memory_space<hbm>>
    tpu.enqueue_dma source(%dma_start3A_5 : memref<6400xi32, #tpu.memory_space<hbm>>) target(%arg13 : memref<6400xi32, #tpu.memory_space<vmem>>) target_semaphore(%arg20 : memref<!tpu.dma_semaphore, #tpu.memory_space<semaphore_mem>>)
    %dma_start3A_6 = tpu.memref_slice %arg6[%mul3A_2] : memref<204800xi32, #tpu.memory_space<hbm>> -> memref<6400xi32, #tpu.memory_space<hbm>>
    %dma_start3A_7 = tpu.memref_slice %arg6[%mul3A_2] : memref<204800xi32, #tpu.memory_space<hbm>> -> memref<6400xi32, #tpu.memory_space<hbm>>
    tpu.enqueue_dma source(%dma_start3A_7 : memref<6400xi32, #tpu.memory_space<hbm>>) target(%arg14 : memref<6400xi32, #tpu.memory_space<vmem>>) target_semaphore(%arg20 : memref<!tpu.dma_semaphore, #tpu.memory_space<semaphore_mem>>)
    %dma_start3A_8 = tpu.memref_slice %arg7[%mul3A_2] : memref<204800xi32, #tpu.memory_space<hbm>> -> memref<6400xi32, #tpu.memory_space<hbm>>
    %dma_start3A_9 = tpu.memref_slice %arg7[%mul3A_2] : memref<204800xi32, #tpu.memory_space<hbm>> -> memref<6400xi32, #tpu.memory_space<hbm>>
    tpu.enqueue_dma source(%dma_start3A_9 : memref<6400xi32, #tpu.memory_space<hbm>>) target(%arg15 : memref<6400xi32, #tpu.memory_space<vmem>>) target_semaphore(%arg20 : memref<!tpu.dma_semaphore, #tpu.memory_space<semaphore_mem>>)
    %dma_start3A_10 = tpu.memref_slice %arg8[%mul3A_4] : memref<4096xi32, #tpu.memory_space<hbm>> -> memref<128xi32, #tpu.memory_space<hbm>>
    %dma_start3A_11 = tpu.memref_slice %arg8[%mul3A_4] : memref<4096xi32, #tpu.memory_space<hbm>> -> memref<128xi32, #tpu.memory_space<hbm>>
    tpu.enqueue_dma source(%dma_start3A_11 : memref<128xi32, #tpu.memory_space<hbm>>) target(%arg16 : memref<128xi32, #tpu.memory_space<vmem>>) target_semaphore(%arg20 : memref<!tpu.dma_semaphore, #tpu.memory_space<semaphore_mem>>)
    %dma_wait3A = tpu.memref_slice %arg5[%mul3A_2] : memref<204800xi32, #tpu.memory_space<hbm>> -> memref<6400xi32, #tpu.memory_space<hbm>>
    %dma_wait3A_12 = tpu.memref_slice %arg5[%mul3A_2] : memref<204800xi32, #tpu.memory_space<hbm>> -> memref<6400xi32, #tpu.memory_space<hbm>>
    tpu.wait_dma2 semaphore(%arg20 : memref<!tpu.dma_semaphore, #tpu.memory_space<semaphore_mem>>) src(%dma_wait3A_12 : memref<6400xi32, #tpu.memory_space<hbm>>) dst(%arg13 : memref<6400xi32, #tpu.memory_space<vmem>>)
    %dma_wait3A_13 = tpu.memref_slice %arg6[%mul3A_2] : memref<204800xi32, #tpu.memory_space<hbm>> -> memref<6400xi32, #tpu.memory_space<hbm>>
    %dma_wait3A_14 = tpu.memref_slice %arg6[%mul3A_2] : memref<204800xi32, #tpu.memory_space<hbm>> -> memref<6400xi32, #tpu.memory_space<hbm>>
    tpu.wait_dma2 semaphore(%arg20 : memref<!tpu.dma_semaphore, #tpu.memory_space<semaphore_mem>>) src(%dma_wait3A_14 : memref<6400xi32, #tpu.memory_space<hbm>>) dst(%arg14 : memref<6400xi32, #tpu.memory_space<vmem>>)
    %dma_wait3A_15 = tpu.memref_slice %arg7[%mul3A_2] : memref<204800xi32, #tpu.memory_space<hbm>> -> memref<6400xi32, #tpu.memory_space<hbm>>
    %dma_wait3A_16 = tpu.memref_slice %arg7[%mul3A_2] : memref<204800xi32, #tpu.memory_space<hbm>> -> memref<6400xi32, #tpu.memory_space<hbm>>
    tpu.wait_dma2 semaphore(%arg20 : memref<!tpu.dma_semaphore, #tpu.memory_space<semaphore_mem>>) src(%dma_wait3A_16 : memref<6400xi32, #tpu.memory_space<hbm>>) dst(%arg15 : memref<6400xi32, #tpu.memory_space<vmem>>)
    %dma_wait3A_17 = tpu.memref_slice %arg8[%mul3A_4] : memref<4096xi32, #tpu.memory_space<hbm>> -> memref<128xi32, #tpu.memory_space<hbm>>
    %dma_wait3A_18 = tpu.memref_slice %arg8[%mul3A_4] : memref<4096xi32, #tpu.memory_space<hbm>> -> memref<128xi32, #tpu.memory_space<hbm>>
    tpu.wait_dma2 semaphore(%arg20 : memref<!tpu.dma_semaphore, #tpu.memory_space<semaphore_mem>>) src(%dma_wait3A_18 : memref<128xi32, #tpu.memory_space<hbm>>) dst(%arg16 : memref<128xi32, #tpu.memory_space<vmem>>)
    %add3A_19 = arith.constant 0 : i32
    %add3A_20 = arith.addi %mul3A_2, %add3A_19 : i32
    %add3A_21 = arith.constant 400 : i32
    %add3A_22 = arith.addi %mul3A_2, %add3A_21 : i32
    %add3A_23 = arith.constant 800 : i32
    %add3A_24 = arith.addi %mul3A_2, %add3A_23 : i32
    %add3A_25 = arith.constant 1200 : i32
    %add3A_26 = arith.addi %mul3A_2, %add3A_25 : i32
    %add3A_27 = arith.constant 1600 : i32
    %add3A_28 = arith.addi %mul3A_2, %add3A_27 : i32
    %add3A_29 = arith.constant 2000 : i32
    %add3A_30 = arith.addi %mul3A_2, %add3A_29 : i32
    %add3A_31 = arith.constant 2400 : i32
    %add3A_32 = arith.addi %mul3A_2, %add3A_31 : i32
    %add3A_33 = arith.constant 2800 : i32
    %add3A_34 = arith.addi %mul3A_2, %add3A_33 : i32
    %add3A_35 = arith.constant 3200 : i32
    %add3A_36 = arith.addi %mul3A_2, %add3A_35 : i32
    %add3A_37 = arith.constant 3600 : i32
    %add3A_38 = arith.addi %mul3A_2, %add3A_37 : i32
    %add3A_39 = arith.constant 4000 : i32
    %add3A_40 = arith.addi %mul3A_2, %add3A_39 : i32
    %add3A_41 = arith.constant 4400 : i32
    %add3A_42 = arith.addi %mul3A_2, %add3A_41 : i32
    %add3A_43 = arith.constant 4800 : i32
    %add3A_44 = arith.addi %mul3A_2, %add3A_43 : i32
    %add3A_45 = arith.constant 5200 : i32
    %add3A_46 = arith.addi %mul3A_2, %add3A_45 : i32
    %add3A_47 = arith.constant 5600 : i32
    %add3A_48 = arith.addi %mul3A_2, %add3A_47 : i32
    %add3A_49 = arith.constant 6000 : i32
    %add3A_50 = arith.addi %mul3A_2, %add3A_49 : i32
    %add3A_51 = arith.constant 0 : i32
    %add3A_52 = arith.addi %mul3A_2, %add3A_51 : i32
    %add3A_53 = arith.constant 400 : i32
    %add3A_54 = arith.addi %mul3A_2, %add3A_53 : i32
    %add3A_55 = arith.constant 800 : i32
    %add3A_56 = arith.addi %mul3A_2, %add3A_55 : i32
    %add3A_57 = arith.constant 1200 : i32
    %add3A_58 = arith.addi %mul3A_2, %add3A_57 : i32
    %add3A_59 = arith.constant 1600 : i32
    %add3A_60 = arith.addi %mul3A_2, %add3A_59 : i32
    %add3A_61 = arith.constant 2000 : i32
    %add3A_62 = arith.addi %mul3A_2, %add3A_61 : i32
    %add3A_63 = arith.constant 2400 : i32
    %add3A_64 = arith.addi %mul3A_2, %add3A_63 : i32
    %add3A_65 = arith.constant 2800 : i32
    %add3A_66 = arith.addi %mul3A_2, %add3A_65 : i32
    %add3A_67 = arith.constant 3200 : i32
    %add3A_68 = arith.addi %mul3A_2, %add3A_67 : i32
    %add3A_69 = arith.constant 3600 : i32
    %add3A_70 = arith.addi %mul3A_2, %add3A_69 : i32
    %add3A_71 = arith.constant 4000 : i32
    %add3A_72 = arith.addi %mul3A_2, %add3A_71 : i32
    %add3A_73 = arith.constant 4400 : i32
    %add3A_74 = arith.addi %mul3A_2, %add3A_73 : i32
    %add3A_75 = arith.constant 4800 : i32
    %add3A_76 = arith.addi %mul3A_2, %add3A_75 : i32
    %add3A_77 = arith.constant 5200 : i32
    %add3A_78 = arith.addi %mul3A_2, %add3A_77 : i32
    %add3A_79 = arith.constant 5600 : i32
    %add3A_80 = arith.addi %mul3A_2, %add3A_79 : i32
    %add3A_81 = arith.constant 6000 : i32
    %add3A_82 = arith.addi %mul3A_2, %add3A_81 : i32
    %add3A_83 = arith.constant 0 : i32
    %add3A_84 = arith.addi %mul3A_2, %add3A_83 : i32
    %add3A_85 = arith.constant 400 : i32
    %add3A_86 = arith.addi %mul3A_2, %add3A_85 : i32
    %add3A_87 = arith.constant 800 : i32
    %add3A_88 = arith.addi %mul3A_2, %add3A_87 : i32
    %add3A_89 = arith.constant 1200 : i32
    %add3A_90 = arith.addi %mul3A_2, %add3A_89 : i32
    %add3A_91 = arith.constant 1600 : i32
    %add3A_92 = arith.addi %mul3A_2, %add3A_91 : i32
    %add3A_93 = arith.constant 2000 : i32
    %add3A_94 = arith.addi %mul3A_2, %add3A_93 : i32
    %add3A_95 = arith.constant 2400 : i32
    %add3A_96 = arith.addi %mul3A_2, %add3A_95 : i32
    %add3A_97 = arith.constant 2800 : i32
    %add3A_98 = arith.addi %mul3A_2, %add3A_97 : i32
    %add3A_99 = arith.constant 3200 : i32
    %add3A_100 = arith.addi %mul3A_2, %add3A_99 : i32
    %add3A_101 = arith.constant 3600 : i32
    %add3A_102 = arith.addi %mul3A_2, %add3A_101 : i32
    %add3A_103 = arith.constant 4000 : i32
    %add3A_104 = arith.addi %mul3A_2, %add3A_103 : i32
    %add3A_105 = arith.constant 4400 : i32
    %add3A_106 = arith.addi %mul3A_2, %add3A_105 : i32
    %add3A_107 = arith.constant 4800 : i32
    %add3A_108 = arith.addi %mul3A_2, %add3A_107 : i32
    %add3A_109 = arith.constant 5200 : i32
    %add3A_110 = arith.addi %mul3A_2, %add3A_109 : i32
    %add3A_111 = arith.constant 5600 : i32
    %add3A_112 = arith.addi %mul3A_2, %add3A_111 : i32
    %add3A_113 = arith.constant 6000 : i32
    %add3A_114 = arith.addi %mul3A_2, %add3A_113 : i32
    %dma_start3A_115 = arith.constant 0 : i32
    %dma_start3A_116 = tpu.memref_slice %arg13[%dma_start3A_115] : memref<6400xi32, #tpu.memory_space<vmem>> -> memref<400xi32, #tpu.memory_space<vmem>>
    %dma_start3A_117 = arith.constant 0 : i32
    %dma_start3A_118 = arith.constant 0 : i32
    %dma_start3A_119 = tpu.memref_slice %arg2[%dma_start3A_117, %dma_start3A_118] : memref<100001x64xf32, #tpu.memory_space<hbm>> -> memref<100001x64xf32, #tpu.memory_space<hbm>>
    tpu.enqueue_indirect_dma source(%dma_start3A_119 : memref<100001x64xf32, #tpu.memory_space<hbm>>) target(%arg17 : memref<400x64xf32, #tpu.memory_space<vmem>>) offsets(%dma_start3A_116 : memref<400xi32, #tpu.memory_space<vmem>>) semaphore(%arg21 : memref<!tpu.dma_semaphore, #tpu.memory_space<semaphore_mem>>)
    %dma_start3A_120 = arith.constant 400 : i32
    %dma_start3A_121 = tpu.memref_slice %arg13[%dma_start3A_120] : memref<6400xi32, #tpu.memory_space<vmem>> -> memref<400xi32, #tpu.memory_space<vmem>>
    %dma_start3A_122 = arith.constant 0 : i32
    %dma_start3A_123 = arith.constant 0 : i32
    %dma_start3A_124 = tpu.memref_slice %arg2[%dma_start3A_122, %dma_start3A_123] : memref<100001x64xf32, #tpu.memory_space<hbm>> -> memref<100001x64xf32, #tpu.memory_space<hbm>>
    tpu.enqueue_indirect_dma source(%dma_start3A_124 : memref<100001x64xf32, #tpu.memory_space<hbm>>) target(%arg18 : memref<400x64xf32, #tpu.memory_space<vmem>>) offsets(%dma_start3A_121 : memref<400xi32, #tpu.memory_space<vmem>>) semaphore(%arg22 : memref<!tpu.dma_semaphore, #tpu.memory_space<semaphore_mem>>)
    %dma_start3A_125 = arith.constant 800 : i32
    %dma_start3A_126 = tpu.memref_slice %arg13[%dma_start3A_125] : memref<6400xi32, #tpu.memory_space<vmem>> -> memref<400xi32, #tpu.memory_space<vmem>>
    %dma_start3A_127 = arith.constant 0 : i32
    %dma_start3A_128 = arith.constant 0 : i32
    %dma_start3A_129 = tpu.memref_slice %arg2[%dma_start3A_127, %dma_start3A_128] : memref<100001x64xf32, #tpu.memory_space<hbm>> -> memref<100001x64xf32, #tpu.memory_space<hbm>>
    tpu.enqueue_indirect_dma source(%dma_start3A_129 : memref<100001x64xf32, #tpu.memory_space<hbm>>) target(%arg19 : memref<400x64xf32, #tpu.memory_space<vmem>>) offsets(%dma_start3A_126 : memref<400xi32, #tpu.memory_space<vmem>>) semaphore(%arg23 : memref<!tpu.dma_semaphore, #tpu.memory_space<semaphore_mem>>)
    %dma_wait3A_130 = arith.constant 0 : i32
    %dma_wait3A_131 = tpu.memref_slice %arg13[%dma_wait3A_130] : memref<6400xi32, #tpu.memory_space<vmem>> -> memref<400xi32, #tpu.memory_space<vmem>>
    %dma_wait3A_132 = arith.constant 0 : i32
    %dma_wait3A_133 = arith.constant 0 : i32
    %dma_wait3A_134 = tpu.memref_slice %arg2[%dma_wait3A_132, %dma_wait3A_133] : memref<100001x64xf32, #tpu.memory_space<hbm>> -> memref<100001x64xf32, #tpu.memory_space<hbm>>
    tpu.wait_indirect_dma semaphore(%arg21 : memref<!tpu.dma_semaphore, #tpu.memory_space<semaphore_mem>>) src(%dma_wait3A_134 : memref<100001x64xf32, #tpu.memory_space<hbm>>) dst(%arg17 : memref<400x64xf32, #tpu.memory_space<vmem>>)
    %dma_start3A_135 = arith.constant 0 : i32
    %dma_start3A_136 = tpu.memref_slice %arg9[%add3A_20, %dma_start3A_135] : memref<204800x64xf32, #tpu.memory_space<hbm>> -> memref<400x64xf32, #tpu.memory_space<hbm>>
    %dma_start3A_137 = arith.constant 0 : i32
    %dma_start3A_138 = tpu.memref_slice %arg9[%add3A_20, %dma_start3A_137] : memref<204800x64xf32, #tpu.memory_space<hbm>> -> memref<400x64xf32, #tpu.memory_space<hbm>>
    tpu.enqueue_dma source(%arg17 : memref<400x64xf32, #tpu.memory_space<vmem>>) target(%dma_start3A_138 : memref<400x64xf32, #tpu.memory_space<hbm>>) target_semaphore(%arg24 : memref<!tpu.dma_semaphore, #tpu.memory_space<semaphore_mem>>)
    %dma_wait3A_139 = arith.constant 0 : i32
    %dma_wait3A_140 = tpu.memref_slice %arg9[%add3A_20, %dma_wait3A_139] : memref<204800x64xf32, #tpu.memory_space<hbm>> -> memref<400x64xf32, #tpu.memory_space<hbm>>
    %dma_wait3A_141 = arith.constant 0 : i32
    %dma_wait3A_142 = tpu.memref_slice %arg9[%add3A_20, %dma_wait3A_141] : memref<204800x64xf32, #tpu.memory_space<hbm>> -> memref<400x64xf32, #tpu.memory_space<hbm>>
    tpu.wait_dma2 semaphore(%arg24 : memref<!tpu.dma_semaphore, #tpu.memory_space<semaphore_mem>>) src(%arg17 : memref<400x64xf32, #tpu.memory_space<vmem>>) dst(%dma_wait3A_142 : memref<400x64xf32, #tpu.memory_space<hbm>>)
    %dma_start3A_143 = arith.constant 1200 : i32
    %dma_start3A_144 = tpu.memref_slice %arg13[%dma_start3A_143] : memref<6400xi32, #tpu.memory_space<vmem>> -> memref<400xi32, #tpu.memory_space<vmem>>
    %dma_start3A_145 = arith.constant 0 : i32
    %dma_start3A_146 = arith.constant 0 : i32
    %dma_start3A_147 = tpu.memref_slice %arg2[%dma_start3A_145, %dma_start3A_146] : memref<100001x64xf32, #tpu.memory_space<hbm>> -> memref<100001x64xf32, #tpu.memory_space<hbm>>
    tpu.enqueue_indirect_dma source(%dma_start3A_147 : memref<100001x64xf32, #tpu.memory_space<hbm>>) target(%arg17 : memref<400x64xf32, #tpu.memory_space<vmem>>) offsets(%dma_start3A_144 : memref<400xi32, #tpu.memory_space<vmem>>) semaphore(%arg21 : memref<!tpu.dma_semaphore, #tpu.memory_space<semaphore_mem>>)
    %dma_wait3A_148 = arith.constant 400 : i32
    %dma_wait3A_149 = tpu.memref_slice %arg13[%dma_wait3A_148] : memref<6400xi32, #tpu.memory_space<vmem>> -> memref<400xi32, #tpu.memory_space<vmem>>
    %dma_wait3A_150 = arith.constant 0 : i32
    %dma_wait3A_151 = arith.constant 0 : i32
    %dma_wait3A_152 = tpu.memref_slice %arg2[%dma_wait3A_150, %dma_wait3A_151] : memref<100001x64xf32, #tpu.memory_space<hbm>> -> memref<100001x64xf32, #tpu.memory_space<hbm>>
    tpu.wait_indirect_dma semaphore(%arg22 : memref<!tpu.dma_semaphore, #tpu.memory_space<semaphore_mem>>) src(%dma_wait3A_152 : memref<100001x64xf32, #tpu.memory_space<hbm>>) dst(%arg18 : memref<400x64xf32, #tpu.memory_space<vmem>>)
    %dma_start3A_153 = arith.constant 0 : i32
    %dma_start3A_154 = tpu.memref_slice %arg9[%add3A_22, %dma_start3A_153] : memref<204800x64xf32, #tpu.memory_space<hbm>> -> memref<400x64xf32, #tpu.memory_space<hbm>>
    %dma_start3A_155 = arith.constant 0 : i32
    %dma_start3A_156 = tpu.memref_slice %arg9[%add3A_22, %dma_start3A_155] : memref<204800x64xf32, #tpu.memory_space<hbm>> -> memref<400x64xf32, #tpu.memory_space<hbm>>
    tpu.enqueue_dma source(%arg18 : memref<400x64xf32, #tpu.memory_space<vmem>>) target(%dma_start3A_156 : memref<400x64xf32, #tpu.memory_space<hbm>>) target_semaphore(%arg25 : memref<!tpu.dma_semaphore, #tpu.memory_space<semaphore_mem>>)
    %dma_wait3A_157 = arith.constant 0 : i32
    %dma_wait3A_158 = tpu.memref_slice %arg9[%add3A_22, %dma_wait3A_157] : memref<204800x64xf32, #tpu.memory_space<hbm>> -> memref<400x64xf32, #tpu.memory_space<hbm>>
    %dma_wait3A_159 = arith.constant 0 : i32
    %dma_wait3A_160 = tpu.memref_slice %arg9[%add3A_22, %dma_wait3A_159] : memref<204800x64xf32, #tpu.memory_space<hbm>> -> memref<400x64xf32, #tpu.memory_space<hbm>>
    tpu.wait_dma2 semaphore(%arg25 : memref<!tpu.dma_semaphore, #tpu.memory_space<semaphore_mem>>) src(%arg18 : memref<400x64xf32, #tpu.memory_space<vmem>>) dst(%dma_wait3A_160 : memref<400x64xf32, #tpu.memory_space<hbm>>)
    %dma_start3A_161 = arith.constant 1600 : i32
    %dma_start3A_162 = tpu.memref_slice %arg13[%dma_start3A_161] : memref<6400xi32, #tpu.memory_space<vmem>> -> memref<400xi32, #tpu.memory_space<vmem>>
    %dma_start3A_163 = arith.constant 0 : i32
    %dma_start3A_164 = arith.constant 0 : i32
    %dma_start3A_165 = tpu.memref_slice %arg2[%dma_start3A_163, %dma_start3A_164] : memref<100001x64xf32, #tpu.memory_space<hbm>> -> memref<100001x64xf32, #tpu.memory_space<hbm>>
    tpu.enqueue_indirect_dma source(%dma_start3A_165 : memref<100001x64xf32, #tpu.memory_space<hbm>>) target(%arg18 : memref<400x64xf32, #tpu.memory_space<vmem>>) offsets(%dma_start3A_162 : memref<400xi32, #tpu.memory_space<vmem>>) semaphore(%arg22 : memref<!tpu.dma_semaphore, #tpu.memory_space<semaphore_mem>>)
    %dma_wait3A_166 = arith.constant 800 : i32
    %dma_wait3A_167 = tpu.memref_slice %arg13[%dma_wait3A_166] : memref<6400xi32, #tpu.memory_space<vmem>> -> memref<400xi32, #tpu.memory_space<vmem>>
    %dma_wait3A_168 = arith.constant 0 : i32
    %dma_wait3A_169 = arith.constant 0 : i32
    %dma_wait3A_170 = tpu.memref_slice %arg2[%dma_wait3A_168, %dma_wait3A_169] : memref<100001x64xf32, #tpu.memory_space<hbm>> -> memref<100001x64xf32, #tpu.memory_space<hbm>>
    tpu.wait_indirect_dma semaphore(%arg23 : memref<!tpu.dma_semaphore, #tpu.memory_space<semaphore_mem>>) src(%dma_wait3A_170 : memref<100001x64xf32, #tpu.memory_space<hbm>>) dst(%arg19 : memref<400x64xf32, #tpu.memory_space<vmem>>)
    %dma_start3A_171 = arith.constant 0 : i32
    %dma_start3A_172 = tpu.memref_slice %arg9[%add3A_24, %dma_start3A_171] : memref<204800x64xf32, #tpu.memory_space<hbm>> -> memref<400x64xf32, #tpu.memory_space<hbm>>
    %dma_start3A_173 = arith.constant 0 : i32
    %dma_start3A_174 = tpu.memref_slice %arg9[%add3A_24, %dma_start3A_173] : memref<204800x64xf32, #tpu.memory_space<hbm>> -> memref<400x64xf32, #tpu.memory_space<hbm>>
    tpu.enqueue_dma source(%arg19 : memref<400x64xf32, #tpu.memory_space<vmem>>) target(%dma_start3A_174 : memref<400x64xf32, #tpu.memory_space<hbm>>) target_semaphore(%arg26 : memref<!tpu.dma_semaphore, #tpu.memory_space<semaphore_mem>>)
    %dma_wait3A_175 = arith.constant 0 : i32
    %dma_wait3A_176 = tpu.memref_slice %arg9[%add3A_24, %dma_wait3A_175] : memref<204800x64xf32, #tpu.memory_space<hbm>> -> memref<400x64xf32, #tpu.memory_space<hbm>>
    %dma_wait3A_177 = arith.constant 0 : i32
    %dma_wait3A_178 = tpu.memref_slice %arg9[%add3A_24, %dma_wait3A_177] : memref<204800x64xf32, #tpu.memory_space<hbm>> -> memref<400x64xf32, #tpu.memory_space<hbm>>
    tpu.wait_dma2 semaphore(%arg26 : memref<!tpu.dma_semaphore, #tpu.memory_space<semaphore_mem>>) src(%arg19 : memref<400x64xf32, #tpu.memory_space<vmem>>) dst(%dma_wait3A_178 : memref<400x64xf32, #tpu.memory_space<hbm>>)
    %dma_start3A_179 = arith.constant 2000 : i32
    %dma_start3A_180 = tpu.memref_slice %arg13[%dma_start3A_179] : memref<6400xi32, #tpu.memory_space<vmem>> -> memref<400xi32, #tpu.memory_space<vmem>>
    %dma_start3A_181 = arith.constant 0 : i32
    %dma_start3A_182 = arith.constant 0 : i32
    %dma_start3A_183 = tpu.memref_slice %arg2[%dma_start3A_181, %dma_start3A_182] : memref<100001x64xf32, #tpu.memory_space<hbm>> -> memref<100001x64xf32, #tpu.memory_space<hbm>>
    tpu.enqueue_indirect_dma source(%dma_start3A_183 : memref<100001x64xf32, #tpu.memory_space<hbm>>) target(%arg19 : memref<400x64xf32, #tpu.memory_space<vmem>>) offsets(%dma_start3A_180 : memref<400xi32, #tpu.memory_space<vmem>>) semaphore(%arg23 : memref<!tpu.dma_semaphore, #tpu.memory_space<semaphore_mem>>)
    %dma_wait3A_184 = arith.constant 1200 : i32
    %dma_wait3A_185 = tpu.memref_slice %arg13[%dma_wait3A_184] : memref<6400xi32, #tpu.memory_space<vmem>> -> memref<400xi32, #tpu.memory_space<vmem>>
    %dma_wait3A_186 = arith.constant 0 : i32
    %dma_wait3A_187 = arith.constant 0 : i32
    %dma_wait3A_188 = tpu.memref_slice %arg2[%dma_wait3A_186, %dma_wait3A_187] : memref<100001x64xf32, #tpu.memory_space<hbm>> -> memref<100001x64xf32, #tpu.memory_space<hbm>>
    tpu.wait_indirect_dma semaphore(%arg21 : memref<!tpu.dma_semaphore, #tpu.memory_space<semaphore_mem>>) src(%dma_wait3A_188 : memref<100001x64xf32, #tpu.memory_space<hbm>>) dst(%arg17 : memref<400x64xf32, #tpu.memory_space<vmem>>)
    %dma_start3A_189 = arith.constant 0 : i32
    %dma_start3A_190 = tpu.memref_slice %arg9[%add3A_26, %dma_start3A_189] : memref<204800x64xf32, #tpu.memory_space<hbm>> -> memref<400x64xf32, #tpu.memory_space<hbm>>
    %dma_start3A_191 = arith.constant 0 : i32
    %dma_start3A_192 = tpu.memref_slice %arg9[%add3A_26, %dma_start3A_191] : memref<204800x64xf32, #tpu.memory_space<hbm>> -> memref<400x64xf32, #tpu.memory_space<hbm>>
    tpu.enqueue_dma source(%arg17 : memref<400x64xf32, #tpu.memory_space<vmem>>) target(%dma_start3A_192 : memref<400x64xf32, #tpu.memory_space<hbm>>) target_semaphore(%arg24 : memref<!tpu.dma_semaphore, #tpu.memory_space<semaphore_mem>>)
    %dma_wait3A_193 = arith.constant 0 : i32
    %dma_wait3A_194 = tpu.memref_slice %arg9[%add3A_26, %dma_wait3A_193] : memref<204800x64xf32, #tpu.memory_space<hbm>> -> memref<400x64xf32, #tpu.memory_space<hbm>>
    %dma_wait3A_195 = arith.constant 0 : i32
    %dma_wait3A_196 = tpu.memref_slice %arg9[%add3A_26, %dma_wait3A_195] : memref<204800x64xf32, #tpu.memory_space<hbm>> -> memref<400x64xf32, #tpu.memory_space<hbm>>
    tpu.wait_dma2 semaphore(%arg24 : memref<!tpu.dma_semaphore, #tpu.memory_space<semaphore_mem>>) src(%arg17 : memref<400x64xf32, #tpu.memory_space<vmem>>) dst(%dma_wait3A_196 : memref<400x64xf32, #tpu.memory_space<hbm>>)
    %dma_start3A_197 = arith.constant 2400 : i32
    %dma_start3A_198 = tpu.memref_slice %arg13[%dma_start3A_197] : memref<6400xi32, #tpu.memory_space<vmem>> -> memref<400xi32, #tpu.memory_space<vmem>>
    %dma_start3A_199 = arith.constant 0 : i32
    %dma_start3A_200 = arith.constant 0 : i32
    %dma_start3A_201 = tpu.memref_slice %arg2[%dma_start3A_199, %dma_start3A_200] : memref<100001x64xf32, #tpu.memory_space<hbm>> -> memref<100001x64xf32, #tpu.memory_space<hbm>>
    tpu.enqueue_indirect_dma source(%dma_start3A_201 : memref<100001x64xf32, #tpu.memory_space<hbm>>) target(%arg17 : memref<400x64xf32, #tpu.memory_space<vmem>>) offsets(%dma_start3A_198 : memref<400xi32, #tpu.memory_space<vmem>>) semaphore(%arg21 : memref<!tpu.dma_semaphore, #tpu.memory_space<semaphore_mem>>)
    %dma_wait3A_202 = arith.constant 1600 : i32
    %dma_wait3A_203 = tpu.memref_slice %arg13[%dma_wait3A_202] : memref<6400xi32, #tpu.memory_space<vmem>> -> memref<400xi32, #tpu.memory_space<vmem>>
    %dma_wait3A_204 = arith.constant 0 : i32
    %dma_wait3A_205 = arith.constant 0 : i32
    %dma_wait3A_206 = tpu.memref_slice %arg2[%dma_wait3A_204, %dma_wait3A_205] : memref<100001x64xf32, #tpu.memory_space<hbm>> -> memref<100001x64xf32, #tpu.memory_space<hbm>>
    tpu.wait_indirect_dma semaphore(%arg22 : memref<!tpu.dma_semaphore, #tpu.memory_space<semaphore_mem>>) src(%dma_wait3A_206 : memref<100001x64xf32, #tpu.memory_space<hbm>>) dst(%arg18 : memref<400x64xf32, #tpu.memory_space<vmem>>)
    %dma_start3A_207 = arith.constant 0 : i32
    %dma_start3A_208 = tpu.memref_slice %arg9[%add3A_28, %dma_start3A_207] : memref<204800x64xf32, #tpu.memory_space<hbm>> -> memref<400x64xf32, #tpu.memory_space<hbm>>
    %dma_start3A_209 = arith.constant 0 : i32
    %dma_start3A_210 = tpu.memref_slice %arg9[%add3A_28, %dma_start3A_209] : memref<204800x64xf32, #tpu.memory_space<hbm>> -> memref<400x64xf32, #tpu.memory_space<hbm>>
    tpu.enqueue_dma source(%arg18 : memref<400x64xf32, #tpu.memory_space<vmem>>) target(%dma_start3A_210 : memref<400x64xf32, #tpu.memory_space<hbm>>) target_semaphore(%arg25 : memref<!tpu.dma_semaphore, #tpu.memory_space<semaphore_mem>>)
    %dma_wait3A_211 = arith.constant 0 : i32
    %dma_wait3A_212 = tpu.memref_slice %arg9[%add3A_28, %dma_wait3A_211] : memref<204800x64xf32, #tpu.memory_space<hbm>> -> memref<400x64xf32, #tpu.memory_space<hbm>>
    %dma_wait3A_213 = arith.constant 0 : i32
    %dma_wait3A_214 = tpu.memref_slice %arg9[%add3A_28, %dma_wait3A_213] : memref<204800x64xf32, #tpu.memory_space<hbm>> -> memref<400x64xf32, #tpu.memory_space<hbm>>
    tpu.wait_dma2 semaphore(%arg25 : memref<!tpu.dma_semaphore, #tpu.memory_space<semaphore_mem>>) src(%arg18 : memref<400x64xf32, #tpu.memory_space<vmem>>) dst(%dma_wait3A_214 : memref<400x64xf32, #tpu.memory_space<hbm>>)
    %dma_start3A_215 = arith.constant 2800 : i32
    %dma_start3A_216 = tpu.memref_slice %arg13[%dma_start3A_215] : memref<6400xi32, #tpu.memory_space<vmem>> -> memref<400xi32, #tpu.memory_space<vmem>>
    %dma_start3A_217 = arith.constant 0 : i32
    %dma_start3A_218 = arith.constant 0 : i32
    %dma_start3A_219 = tpu.memref_slice %arg2[%dma_start3A_217, %dma_start3A_218] : memref<100001x64xf32, #tpu.memory_space<hbm>> -> memref<100001x64xf32, #tpu.memory_space<hbm>>
    tpu.enqueue_indirect_dma source(%dma_start3A_219 : memref<100001x64xf32, #tpu.memory_space<hbm>>) target(%arg18 : memref<400x64xf32, #tpu.memory_space<vmem>>) offsets(%dma_start3A_216 : memref<400xi32, #tpu.memory_space<vmem>>) semaphore(%arg22 : memref<!tpu.dma_semaphore, #tpu.memory_space<semaphore_mem>>)
    %dma_wait3A_220 = arith.constant 2000 : i32
    %dma_wait3A_221 = tpu.memref_slice %arg13[%dma_wait3A_220] : memref<6400xi32, #tpu.memory_space<vmem>> -> memref<400xi32, #tpu.memory_space<vmem>>
    %dma_wait3A_222 = arith.constant 0 : i32
    %dma_wait3A_223 = arith.constant 0 : i32
    %dma_wait3A_224 = tpu.memref_slice %arg2[%dma_wait3A_222, %dma_wait3A_223] : memref<100001x64xf32, #tpu.memory_space<hbm>> -> memref<100001x64xf32, #tpu.memory_space<hbm>>
    tpu.wait_indirect_dma semaphore(%arg23 : memref<!tpu.dma_semaphore, #tpu.memory_space<semaphore_mem>>) src(%dma_wait3A_224 : memref<100001x64xf32, #tpu.memory_space<hbm>>) dst(%arg19 : memref<400x64xf32, #tpu.memory_space<vmem>>)
    %dma_start3A_225 = arith.constant 0 : i32
    %dma_start3A_226 = tpu.memref_slice %arg9[%add3A_30, %dma_start3A_225] : memref<204800x64xf32, #tpu.memory_space<hbm>> -> memref<400x64xf32, #tpu.memory_space<hbm>>
    %dma_start3A_227 = arith.constant 0 : i32
    %dma_start3A_228 = tpu.memref_slice %arg9[%add3A_30, %dma_start3A_227] : memref<204800x64xf32, #tpu.memory_space<hbm>> -> memref<400x64xf32, #tpu.memory_space<hbm>>
    tpu.enqueue_dma source(%arg19 : memref<400x64xf32, #tpu.memory_space<vmem>>) target(%dma_start3A_228 : memref<400x64xf32, #tpu.memory_space<hbm>>) target_semaphore(%arg26 : memref<!tpu.dma_semaphore, #tpu.memory_space<semaphore_mem>>)
    %dma_wait3A_229 = arith.constant 0 : i32
    %dma_wait3A_230 = tpu.memref_slice %arg9[%add3A_30, %dma_wait3A_229] : memref<204800x64xf32, #tpu.memory_space<hbm>> -> memref<400x64xf32, #tpu.memory_space<hbm>>
    %dma_wait3A_231 = arith.constant 0 : i32
    %dma_wait3A_232 = tpu.memref_slice %arg9[%add3A_30, %dma_wait3A_231] : memref<204800x64xf32, #tpu.memory_space<hbm>> -> memref<400x64xf32, #tpu.memory_space<hbm>>
    tpu.wait_dma2 semaphore(%arg26 : memref<!tpu.dma_semaphore, #tpu.memory_space<semaphore_mem>>) src(%arg19 : memref<400x64xf32, #tpu.memory_space<vmem>>) dst(%dma_wait3A_232 : memref<400x64xf32, #tpu.memory_space<hbm>>)
    %dma_start3A_233 = arith.constant 3200 : i32
    %dma_start3A_234 = tpu.memref_slice %arg13[%dma_start3A_233] : memref<6400xi32, #tpu.memory_space<vmem>> -> memref<400xi32, #tpu.memory_space<vmem>>
    %dma_start3A_235 = arith.constant 0 : i32
    %dma_start3A_236 = arith.constant 0 : i32
    %dma_start3A_237 = tpu.memref_slice %arg2[%dma_start3A_235, %dma_start3A_236] : memref<100001x64xf32, #tpu.memory_space<hbm>> -> memref<100001x64xf32, #tpu.memory_space<hbm>>
    tpu.enqueue_indirect_dma source(%dma_start3A_237 : memref<100001x64xf32, #tpu.memory_space<hbm>>) target(%arg19 : memref<400x64xf32, #tpu.memory_space<vmem>>) offsets(%dma_start3A_234 : memref<400xi32, #tpu.memory_space<vmem>>) semaphore(%arg23 : memref<!tpu.dma_semaphore, #tpu.memory_space<semaphore_mem>>)
    %dma_wait3A_238 = arith.constant 2400 : i32
    %dma_wait3A_239 = tpu.memref_slice %arg13[%dma_wait3A_238] : memref<6400xi32, #tpu.memory_space<vmem>> -> memref<400xi32, #tpu.memory_space<vmem>>
    %dma_wait3A_240 = arith.constant 0 : i32
    %dma_wait3A_241 = arith.constant 0 : i32
    %dma_wait3A_242 = tpu.memref_slice %arg2[%dma_wait3A_240, %dma_wait3A_241] : memref<100001x64xf32, #tpu.memory_space<hbm>> -> memref<100001x64xf32, #tpu.memory_space<hbm>>
    tpu.wait_indirect_dma semaphore(%arg21 : memref<!tpu.dma_semaphore, #tpu.memory_space<semaphore_mem>>) src(%dma_wait3A_242 : memref<100001x64xf32, #tpu.memory_space<hbm>>) dst(%arg17 : memref<400x64xf32, #tpu.memory_space<vmem>>)
    %dma_start3A_243 = arith.constant 0 : i32
    %dma_start3A_244 = tpu.memref_slice %arg9[%add3A_32, %dma_start3A_243] : memref<204800x64xf32, #tpu.memory_space<hbm>> -> memref<400x64xf32, #tpu.memory_space<hbm>>
    %dma_start3A_245 = arith.constant 0 : i32
    %dma_start3A_246 = tpu.memref_slice %arg9[%add3A_32, %dma_start3A_245] : memref<204800x64xf32, #tpu.memory_space<hbm>> -> memref<400x64xf32, #tpu.memory_space<hbm>>
    tpu.enqueue_dma source(%arg17 : memref<400x64xf32, #tpu.memory_space<vmem>>) target(%dma_start3A_246 : memref<400x64xf32, #tpu.memory_space<hbm>>) target_semaphore(%arg24 : memref<!tpu.dma_semaphore, #tpu.memory_space<semaphore_mem>>)
    %dma_wait3A_247 = arith.constant 0 : i32
    %dma_wait3A_248 = tpu.memref_slice %arg9[%add3A_32, %dma_wait3A_247] : memref<204800x64xf32, #tpu.memory_space<hbm>> -> memref<400x64xf32, #tpu.memory_space<hbm>>
    %dma_wait3A_249 = arith.constant 0 : i32
    %dma_wait3A_250 = tpu.memref_slice %arg9[%add3A_32, %dma_wait3A_249] : memref<204800x64xf32, #tpu.memory_space<hbm>> -> memref<400x64xf32, #tpu.memory_space<hbm>>
    tpu.wait_dma2 semaphore(%arg24 : memref<!tpu.dma_semaphore, #tpu.memory_space<semaphore_mem>>) src(%arg17 : memref<400x64xf32, #tpu.memory_space<vmem>>) dst(%dma_wait3A_250 : memref<400x64xf32, #tpu.memory_space<hbm>>)
    %dma_start3A_251 = arith.constant 3600 : i32
    %dma_start3A_252 = tpu.memref_slice %arg13[%dma_start3A_251] : memref<6400xi32, #tpu.memory_space<vmem>> -> memref<400xi32, #tpu.memory_space<vmem>>
    %dma_start3A_253 = arith.constant 0 : i32
    %dma_start3A_254 = arith.constant 0 : i32
    %dma_start3A_255 = tpu.memref_slice %arg2[%dma_start3A_253, %dma_start3A_254] : memref<100001x64xf32, #tpu.memory_space<hbm>> -> memref<100001x64xf32, #tpu.memory_space<hbm>>
    tpu.enqueue_indirect_dma source(%dma_start3A_255 : memref<100001x64xf32, #tpu.memory_space<hbm>>) target(%arg17 : memref<400x64xf32, #tpu.memory_space<vmem>>) offsets(%dma_start3A_252 : memref<400xi32, #tpu.memory_space<vmem>>) semaphore(%arg21 : memref<!tpu.dma_semaphore, #tpu.memory_space<semaphore_mem>>)
    %dma_wait3A_256 = arith.constant 2800 : i32
    %dma_wait3A_257 = tpu.memref_slice %arg13[%dma_wait3A_256] : memref<6400xi32, #tpu.memory_space<vmem>> -> memref<400xi32, #tpu.memory_space<vmem>>
    %dma_wait3A_258 = arith.constant 0 : i32
    %dma_wait3A_259 = arith.constant 0 : i32
    %dma_wait3A_260 = tpu.memref_slice %arg2[%dma_wait3A_258, %dma_wait3A_259] : memref<100001x64xf32, #tpu.memory_space<hbm>> -> memref<100001x64xf32, #tpu.memory_space<hbm>>
    tpu.wait_indirect_dma semaphore(%arg22 : memref<!tpu.dma_semaphore, #tpu.memory_space<semaphore_mem>>) src(%dma_wait3A_260 : memref<100001x64xf32, #tpu.memory_space<hbm>>) dst(%arg18 : memref<400x64xf32, #tpu.memory_space<vmem>>)
    %dma_start3A_261 = arith.constant 0 : i32
    %dma_start3A_262 = tpu.memref_slice %arg9[%add3A_34, %dma_start3A_261] : memref<204800x64xf32, #tpu.memory_space<hbm>> -> memref<400x64xf32, #tpu.memory_space<hbm>>
    %dma_start3A_263 = arith.constant 0 : i32
    %dma_start3A_264 = tpu.memref_slice %arg9[%add3A_34, %dma_start3A_263] : memref<204800x64xf32, #tpu.memory_space<hbm>> -> memref<400x64xf32, #tpu.memory_space<hbm>>
    tpu.enqueue_dma source(%arg18 : memref<400x64xf32, #tpu.memory_space<vmem>>) target(%dma_start3A_264 : memref<400x64xf32, #tpu.memory_space<hbm>>) target_semaphore(%arg25 : memref<!tpu.dma_semaphore, #tpu.memory_space<semaphore_mem>>)
    %dma_wait3A_265 = arith.constant 0 : i32
    %dma_wait3A_266 = tpu.memref_slice %arg9[%add3A_34, %dma_wait3A_265] : memref<204800x64xf32, #tpu.memory_space<hbm>> -> memref<400x64xf32, #tpu.memory_space<hbm>>
    %dma_wait3A_267 = arith.constant 0 : i32
    %dma_wait3A_268 = tpu.memref_slice %arg9[%add3A_34, %dma_wait3A_267] : memref<204800x64xf32, #tpu.memory_space<hbm>> -> memref<400x64xf32, #tpu.memory_space<hbm>>
    tpu.wait_dma2 semaphore(%arg25 : memref<!tpu.dma_semaphore, #tpu.memory_space<semaphore_mem>>) src(%arg18 : memref<400x64xf32, #tpu.memory_space<vmem>>) dst(%dma_wait3A_268 : memref<400x64xf32, #tpu.memory_space<hbm>>)
    %dma_start3A_269 = arith.constant 4000 : i32
    %dma_start3A_270 = tpu.memref_slice %arg13[%dma_start3A_269] : memref<6400xi32, #tpu.memory_space<vmem>> -> memref<400xi32, #tpu.memory_space<vmem>>
    %dma_start3A_271 = arith.constant 0 : i32
    %dma_start3A_272 = arith.constant 0 : i32
    %dma_start3A_273 = tpu.memref_slice %arg2[%dma_start3A_271, %dma_start3A_272] : memref<100001x64xf32, #tpu.memory_space<hbm>> -> memref<100001x64xf32, #tpu.memory_space<hbm>>
    tpu.enqueue_indirect_dma source(%dma_start3A_273 : memref<100001x64xf32, #tpu.memory_space<hbm>>) target(%arg18 : memref<400x64xf32, #tpu.memory_space<vmem>>) offsets(%dma_start3A_270 : memref<400xi32, #tpu.memory_space<vmem>>) semaphore(%arg22 : memref<!tpu.dma_semaphore, #tpu.memory_space<semaphore_mem>>)
    %dma_wait3A_274 = arith.constant 3200 : i32
    %dma_wait3A_275 = tpu.memref_slice %arg13[%dma_wait3A_274] : memref<6400xi32, #tpu.memory_space<vmem>> -> memref<400xi32, #tpu.memory_space<vmem>>
    %dma_wait3A_276 = arith.constant 0 : i32
    %dma_wait3A_277 = arith.constant 0 : i32
    %dma_wait3A_278 = tpu.memref_slice %arg2[%dma_wait3A_276, %dma_wait3A_277] : memref<100001x64xf32, #tpu.memory_space<hbm>> -> memref<100001x64xf32, #tpu.memory_space<hbm>>
    tpu.wait_indirect_dma semaphore(%arg23 : memref<!tpu.dma_semaphore, #tpu.memory_space<semaphore_mem>>) src(%dma_wait3A_278 : memref<100001x64xf32, #tpu.memory_space<hbm>>) dst(%arg19 : memref<400x64xf32, #tpu.memory_space<vmem>>)
    %dma_start3A_279 = arith.constant 0 : i32
    %dma_start3A_280 = tpu.memref_slice %arg9[%add3A_36, %dma_start3A_279] : memref<204800x64xf32, #tpu.memory_space<hbm>> -> memref<400x64xf32, #tpu.memory_space<hbm>>
    %dma_start3A_281 = arith.constant 0 : i32
    %dma_start3A_282 = tpu.memref_slice %arg9[%add3A_36, %dma_start3A_281] : memref<204800x64xf32, #tpu.memory_space<hbm>> -> memref<400x64xf32, #tpu.memory_space<hbm>>
    tpu.enqueue_dma source(%arg19 : memref<400x64xf32, #tpu.memory_space<vmem>>) target(%dma_start3A_282 : memref<400x64xf32, #tpu.memory_space<hbm>>) target_semaphore(%arg26 : memref<!tpu.dma_semaphore, #tpu.memory_space<semaphore_mem>>)
    %dma_wait3A_283 = arith.constant 0 : i32
    %dma_wait3A_284 = tpu.memref_slice %arg9[%add3A_36, %dma_wait3A_283] : memref<204800x64xf32, #tpu.memory_space<hbm>> -> memref<400x64xf32, #tpu.memory_space<hbm>>
    %dma_wait3A_285 = arith.constant 0 : i32
    %dma_wait3A_286 = tpu.memref_slice %arg9[%add3A_36, %dma_wait3A_285] : memref<204800x64xf32, #tpu.memory_space<hbm>> -> memref<400x64xf32, #tpu.memory_space<hbm>>
    tpu.wait_dma2 semaphore(%arg26 : memref<!tpu.dma_semaphore, #tpu.memory_space<semaphore_mem>>) src(%arg19 : memref<400x64xf32, #tpu.memory_space<vmem>>) dst(%dma_wait3A_286 : memref<400x64xf32, #tpu.memory_space<hbm>>)
    %dma_start3A_287 = arith.constant 4400 : i32
    %dma_start3A_288 = tpu.memref_slice %arg13[%dma_start3A_287] : memref<6400xi32, #tpu.memory_space<vmem>> -> memref<400xi32, #tpu.memory_space<vmem>>
    %dma_start3A_289 = arith.constant 0 : i32
    %dma_start3A_290 = arith.constant 0 : i32
    %dma_start3A_291 = tpu.memref_slice %arg2[%dma_start3A_289, %dma_start3A_290] : memref<100001x64xf32, #tpu.memory_space<hbm>> -> memref<100001x64xf32, #tpu.memory_space<hbm>>
    tpu.enqueue_indirect_dma source(%dma_start3A_291 : memref<100001x64xf32, #tpu.memory_space<hbm>>) target(%arg19 : memref<400x64xf32, #tpu.memory_space<vmem>>) offsets(%dma_start3A_288 : memref<400xi32, #tpu.memory_space<vmem>>) semaphore(%arg23 : memref<!tpu.dma_semaphore, #tpu.memory_space<semaphore_mem>>)
    %dma_wait3A_292 = arith.constant 3600 : i32
    %dma_wait3A_293 = tpu.memref_slice %arg13[%dma_wait3A_292] : memref<6400xi32, #tpu.memory_space<vmem>> -> memref<400xi32, #tpu.memory_space<vmem>>
    %dma_wait3A_294 = arith.constant 0 : i32
    %dma_wait3A_295 = arith.constant 0 : i32
    %dma_wait3A_296 = tpu.memref_slice %arg2[%dma_wait3A_294, %dma_wait3A_295] : memref<100001x64xf32, #tpu.memory_space<hbm>> -> memref<100001x64xf32, #tpu.memory_space<hbm>>
    tpu.wait_indirect_dma semaphore(%arg21 : memref<!tpu.dma_semaphore, #tpu.memory_space<semaphore_mem>>) src(%dma_wait3A_296 : memref<100001x64xf32, #tpu.memory_space<hbm>>) dst(%arg17 : memref<400x64xf32, #tpu.memory_space<vmem>>)
    %dma_start3A_297 = arith.constant 0 : i32
    %dma_start3A_298 = tpu.memref_slice %arg9[%add3A_38, %dma_start3A_297] : memref<204800x64xf32, #tpu.memory_space<hbm>> -> memref<400x64xf32, #tpu.memory_space<hbm>>
    %dma_start3A_299 = arith.constant 0 : i32
    %dma_start3A_300 = tpu.memref_slice %arg9[%add3A_38, %dma_start3A_299] : memref<204800x64xf32, #tpu.memory_space<hbm>> -> memref<400x64xf32, #tpu.memory_space<hbm>>
    tpu.enqueue_dma source(%arg17 : memref<400x64xf32, #tpu.memory_space<vmem>>) target(%dma_start3A_300 : memref<400x64xf32, #tpu.memory_space<hbm>>) target_semaphore(%arg24 : memref<!tpu.dma_semaphore, #tpu.memory_space<semaphore_mem>>)
    %dma_wait3A_301 = arith.constant 0 : i32
    %dma_wait3A_302 = tpu.memref_slice %arg9[%add3A_38, %dma_wait3A_301] : memref<204800x64xf32, #tpu.memory_space<hbm>> -> memref<400x64xf32, #tpu.memory_space<hbm>>
    %dma_wait3A_303 = arith.constant 0 : i32
    %dma_wait3A_304 = tpu.memref_slice %arg9[%add3A_38, %dma_wait3A_303] : memref<204800x64xf32, #tpu.memory_space<hbm>> -> memref<400x64xf32, #tpu.memory_space<hbm>>
    tpu.wait_dma2 semaphore(%arg24 : memref<!tpu.dma_semaphore, #tpu.memory_space<semaphore_mem>>) src(%arg17 : memref<400x64xf32, #tpu.memory_space<vmem>>) dst(%dma_wait3A_304 : memref<400x64xf32, #tpu.memory_space<hbm>>)
    %dma_start3A_305 = arith.constant 4800 : i32
    %dma_start3A_306 = tpu.memref_slice %arg13[%dma_start3A_305] : memref<6400xi32, #tpu.memory_space<vmem>> -> memref<400xi32, #tpu.memory_space<vmem>>
    %dma_start3A_307 = arith.constant 0 : i32
    %dma_start3A_308 = arith.constant 0 : i32
    %dma_start3A_309 = tpu.memref_slice %arg2[%dma_start3A_307, %dma_start3A_308] : memref<100001x64xf32, #tpu.memory_space<hbm>> -> memref<100001x64xf32, #tpu.memory_space<hbm>>
    tpu.enqueue_indirect_dma source(%dma_start3A_309 : memref<100001x64xf32, #tpu.memory_space<hbm>>) target(%arg17 : memref<400x64xf32, #tpu.memory_space<vmem>>) offsets(%dma_start3A_306 : memref<400xi32, #tpu.memory_space<vmem>>) semaphore(%arg21 : memref<!tpu.dma_semaphore, #tpu.memory_space<semaphore_mem>>)
    %dma_wait3A_310 = arith.constant 4000 : i32
    %dma_wait3A_311 = tpu.memref_slice %arg13[%dma_wait3A_310] : memref<6400xi32, #tpu.memory_space<vmem>> -> memref<400xi32, #tpu.memory_space<vmem>>
    %dma_wait3A_312 = arith.constant 0 : i32
    %dma_wait3A_313 = arith.constant 0 : i32
    %dma_wait3A_314 = tpu.memref_slice %arg2[%dma_wait3A_312, %dma_wait3A_313] : memref<100001x64xf32, #tpu.memory_space<hbm>> -> memref<100001x64xf32, #tpu.memory_space<hbm>>
    tpu.wait_indirect_dma semaphore(%arg22 : memref<!tpu.dma_semaphore, #tpu.memory_space<semaphore_mem>>) src(%dma_wait3A_314 : memref<100001x64xf32, #tpu.memory_space<hbm>>) dst(%arg18 : memref<400x64xf32, #tpu.memory_space<vmem>>)
    %dma_start3A_315 = arith.constant 0 : i32
    %dma_start3A_316 = tpu.memref_slice %arg9[%add3A_40, %dma_start3A_315] : memref<204800x64xf32, #tpu.memory_space<hbm>> -> memref<400x64xf32, #tpu.memory_space<hbm>>
    %dma_start3A_317 = arith.constant 0 : i32
    %dma_start3A_318 = tpu.memref_slice %arg9[%add3A_40, %dma_start3A_317] : memref<204800x64xf32, #tpu.memory_space<hbm>> -> memref<400x64xf32, #tpu.memory_space<hbm>>
    tpu.enqueue_dma source(%arg18 : memref<400x64xf32, #tpu.memory_space<vmem>>) target(%dma_start3A_318 : memref<400x64xf32, #tpu.memory_space<hbm>>) target_semaphore(%arg25 : memref<!tpu.dma_semaphore, #tpu.memory_space<semaphore_mem>>)
    %dma_wait3A_319 = arith.constant 0 : i32
    %dma_wait3A_320 = tpu.memref_slice %arg9[%add3A_40, %dma_wait3A_319] : memref<204800x64xf32, #tpu.memory_space<hbm>> -> memref<400x64xf32, #tpu.memory_space<hbm>>
    %dma_wait3A_321 = arith.constant 0 : i32
    %dma_wait3A_322 = tpu.memref_slice %arg9[%add3A_40, %dma_wait3A_321] : memref<204800x64xf32, #tpu.memory_space<hbm>> -> memref<400x64xf32, #tpu.memory_space<hbm>>
    tpu.wait_dma2 semaphore(%arg25 : memref<!tpu.dma_semaphore, #tpu.memory_space<semaphore_mem>>) src(%arg18 : memref<400x64xf32, #tpu.memory_space<vmem>>) dst(%dma_wait3A_322 : memref<400x64xf32, #tpu.memory_space<hbm>>)
    %dma_start3A_323 = arith.constant 5200 : i32
    %dma_start3A_324 = tpu.memref_slice %arg13[%dma_start3A_323] : memref<6400xi32, #tpu.memory_space<vmem>> -> memref<400xi32, #tpu.memory_space<vmem>>
    %dma_start3A_325 = arith.constant 0 : i32
    %dma_start3A_326 = arith.constant 0 : i32
    %dma_start3A_327 = tpu.memref_slice %arg2[%dma_start3A_325, %dma_start3A_326] : memref<100001x64xf32, #tpu.memory_space<hbm>> -> memref<100001x64xf32, #tpu.memory_space<hbm>>
    tpu.enqueue_indirect_dma source(%dma_start3A_327 : memref<100001x64xf32, #tpu.memory_space<hbm>>) target(%arg18 : memref<400x64xf32, #tpu.memory_space<vmem>>) offsets(%dma_start3A_324 : memref<400xi32, #tpu.memory_space<vmem>>) semaphore(%arg22 : memref<!tpu.dma_semaphore, #tpu.memory_space<semaphore_mem>>)
    %dma_wait3A_328 = arith.constant 4400 : i32
    %dma_wait3A_329 = tpu.memref_slice %arg13[%dma_wait3A_328] : memref<6400xi32, #tpu.memory_space<vmem>> -> memref<400xi32, #tpu.memory_space<vmem>>
    %dma_wait3A_330 = arith.constant 0 : i32
    %dma_wait3A_331 = arith.constant 0 : i32
    %dma_wait3A_332 = tpu.memref_slice %arg2[%dma_wait3A_330, %dma_wait3A_331] : memref<100001x64xf32, #tpu.memory_space<hbm>> -> memref<100001x64xf32, #tpu.memory_space<hbm>>
    tpu.wait_indirect_dma semaphore(%arg23 : memref<!tpu.dma_semaphore, #tpu.memory_space<semaphore_mem>>) src(%dma_wait3A_332 : memref<100001x64xf32, #tpu.memory_space<hbm>>) dst(%arg19 : memref<400x64xf32, #tpu.memory_space<vmem>>)
    %dma_start3A_333 = arith.constant 0 : i32
    %dma_start3A_334 = tpu.memref_slice %arg9[%add3A_42, %dma_start3A_333] : memref<204800x64xf32, #tpu.memory_space<hbm>> -> memref<400x64xf32, #tpu.memory_space<hbm>>
    %dma_start3A_335 = arith.constant 0 : i32
    %dma_start3A_336 = tpu.memref_slice %arg9[%add3A_42, %dma_start3A_335] : memref<204800x64xf32, #tpu.memory_space<hbm>> -> memref<400x64xf32, #tpu.memory_space<hbm>>
    tpu.enqueue_dma source(%arg19 : memref<400x64xf32, #tpu.memory_space<vmem>>) target(%dma_start3A_336 : memref<400x64xf32, #tpu.memory_space<hbm>>) target_semaphore(%arg26 : memref<!tpu.dma_semaphore, #tpu.memory_space<semaphore_mem>>)
    %dma_wait3A_337 = arith.constant 0 : i32
    %dma_wait3A_338 = tpu.memref_slice %arg9[%add3A_42, %dma_wait3A_337] : memref<204800x64xf32, #tpu.memory_space<hbm>> -> memref<400x64xf32, #tpu.memory_space<hbm>>
    %dma_wait3A_339 = arith.constant 0 : i32
    %dma_wait3A_340 = tpu.memref_slice %arg9[%add3A_42, %dma_wait3A_339] : memref<204800x64xf32, #tpu.memory_space<hbm>> -> memref<400x64xf32, #tpu.memory_space<hbm>>
    tpu.wait_dma2 semaphore(%arg26 : memref<!tpu.dma_semaphore, #tpu.memory_space<semaphore_mem>>) src(%arg19 : memref<400x64xf32, #tpu.memory_space<vmem>>) dst(%dma_wait3A_340 : memref<400x64xf32, #tpu.memory_space<hbm>>)
    %dma_start3A_341 = arith.constant 5600 : i32
    %dma_start3A_342 = tpu.memref_slice %arg13[%dma_start3A_341] : memref<6400xi32, #tpu.memory_space<vmem>> -> memref<400xi32, #tpu.memory_space<vmem>>
    %dma_start3A_343 = arith.constant 0 : i32
    %dma_start3A_344 = arith.constant 0 : i32
    %dma_start3A_345 = tpu.memref_slice %arg2[%dma_start3A_343, %dma_start3A_344] : memref<100001x64xf32, #tpu.memory_space<hbm>> -> memref<100001x64xf32, #tpu.memory_space<hbm>>
    tpu.enqueue_indirect_dma source(%dma_start3A_345 : memref<100001x64xf32, #tpu.memory_space<hbm>>) target(%arg19 : memref<400x64xf32, #tpu.memory_space<vmem>>) offsets(%dma_start3A_342 : memref<400xi32, #tpu.memory_space<vmem>>) semaphore(%arg23 : memref<!tpu.dma_semaphore, #tpu.memory_space<semaphore_mem>>)
    %dma_wait3A_346 = arith.constant 4800 : i32
    %dma_wait3A_347 = tpu.memref_slice %arg13[%dma_wait3A_346] : memref<6400xi32, #tpu.memory_space<vmem>> -> memref<400xi32, #tpu.memory_space<vmem>>
    %dma_wait3A_348 = arith.constant 0 : i32
    %dma_wait3A_349 = arith.constant 0 : i32
    %dma_wait3A_350 = tpu.memref_slice %arg2[%dma_wait3A_348, %dma_wait3A_349] : memref<100001x64xf32, #tpu.memory_space<hbm>> -> memref<100001x64xf32, #tpu.memory_space<hbm>>
    tpu.wait_indirect_dma semaphore(%arg21 : memref<!tpu.dma_semaphore, #tpu.memory_space<semaphore_mem>>) src(%dma_wait3A_350 : memref<100001x64xf32, #tpu.memory_space<hbm>>) dst(%arg17 : memref<400x64xf32, #tpu.memory_space<vmem>>)
    %dma_start3A_351 = arith.constant 0 : i32
    %dma_start3A_352 = tpu.memref_slice %arg9[%add3A_44, %dma_start3A_351] : memref<204800x64xf32, #tpu.memory_space<hbm>> -> memref<400x64xf32, #tpu.memory_space<hbm>>
    %dma_start3A_353 = arith.constant 0 : i32
    %dma_start3A_354 = tpu.memref_slice %arg9[%add3A_44, %dma_start3A_353] : memref<204800x64xf32, #tpu.memory_space<hbm>> -> memref<400x64xf32, #tpu.memory_space<hbm>>
    tpu.enqueue_dma source(%arg17 : memref<400x64xf32, #tpu.memory_space<vmem>>) target(%dma_start3A_354 : memref<400x64xf32, #tpu.memory_space<hbm>>) target_semaphore(%arg24 : memref<!tpu.dma_semaphore, #tpu.memory_space<semaphore_mem>>)
    %dma_wait3A_355 = arith.constant 0 : i32
    %dma_wait3A_356 = tpu.memref_slice %arg9[%add3A_44, %dma_wait3A_355] : memref<204800x64xf32, #tpu.memory_space<hbm>> -> memref<400x64xf32, #tpu.memory_space<hbm>>
    %dma_wait3A_357 = arith.constant 0 : i32
    %dma_wait3A_358 = tpu.memref_slice %arg9[%add3A_44, %dma_wait3A_357] : memref<204800x64xf32, #tpu.memory_space<hbm>> -> memref<400x64xf32, #tpu.memory_space<hbm>>
    tpu.wait_dma2 semaphore(%arg24 : memref<!tpu.dma_semaphore, #tpu.memory_space<semaphore_mem>>) src(%arg17 : memref<400x64xf32, #tpu.memory_space<vmem>>) dst(%dma_wait3A_358 : memref<400x64xf32, #tpu.memory_space<hbm>>)
    %dma_start3A_359 = arith.constant 6000 : i32
    %dma_start3A_360 = tpu.memref_slice %arg13[%dma_start3A_359] : memref<6400xi32, #tpu.memory_space<vmem>> -> memref<400xi32, #tpu.memory_space<vmem>>
    %dma_start3A_361 = arith.constant 0 : i32
    %dma_start3A_362 = arith.constant 0 : i32
    %dma_start3A_363 = tpu.memref_slice %arg2[%dma_start3A_361, %dma_start3A_362] : memref<100001x64xf32, #tpu.memory_space<hbm>> -> memref<100001x64xf32, #tpu.memory_space<hbm>>
    tpu.enqueue_indirect_dma source(%dma_start3A_363 : memref<100001x64xf32, #tpu.memory_space<hbm>>) target(%arg17 : memref<400x64xf32, #tpu.memory_space<vmem>>) offsets(%dma_start3A_360 : memref<400xi32, #tpu.memory_space<vmem>>) semaphore(%arg21 : memref<!tpu.dma_semaphore, #tpu.memory_space<semaphore_mem>>)
    %dma_wait3A_364 = arith.constant 5200 : i32
    %dma_wait3A_365 = tpu.memref_slice %arg13[%dma_wait3A_364] : memref<6400xi32, #tpu.memory_space<vmem>> -> memref<400xi32, #tpu.memory_space<vmem>>
    %dma_wait3A_366 = arith.constant 0 : i32
    %dma_wait3A_367 = arith.constant 0 : i32
    %dma_wait3A_368 = tpu.memref_slice %arg2[%dma_wait3A_366, %dma_wait3A_367] : memref<100001x64xf32, #tpu.memory_space<hbm>> -> memref<100001x64xf32, #tpu.memory_space<hbm>>
    tpu.wait_indirect_dma semaphore(%arg22 : memref<!tpu.dma_semaphore, #tpu.memory_space<semaphore_mem>>) src(%dma_wait3A_368 : memref<100001x64xf32, #tpu.memory_space<hbm>>) dst(%arg18 : memref<400x64xf32, #tpu.memory_space<vmem>>)
    %dma_start3A_369 = arith.constant 0 : i32
    %dma_start3A_370 = tpu.memref_slice %arg9[%add3A_46, %dma_start3A_369] : memref<204800x64xf32, #tpu.memory_space<hbm>> -> memref<400x64xf32, #tpu.memory_space<hbm>>
    %dma_start3A_371 = arith.constant 0 : i32
    %dma_start3A_372 = tpu.memref_slice %arg9[%add3A_46, %dma_start3A_371] : memref<204800x64xf32, #tpu.memory_space<hbm>> -> memref<400x64xf32, #tpu.memory_space<hbm>>
    tpu.enqueue_dma source(%arg18 : memref<400x64xf32, #tpu.memory_space<vmem>>) target(%dma_start3A_372 : memref<400x64xf32, #tpu.memory_space<hbm>>) target_semaphore(%arg25 : memref<!tpu.dma_semaphore, #tpu.memory_space<semaphore_mem>>)
    %dma_wait3A_373 = arith.constant 0 : i32
    %dma_wait3A_374 = tpu.memref_slice %arg9[%add3A_46, %dma_wait3A_373] : memref<204800x64xf32, #tpu.memory_space<hbm>> -> memref<400x64xf32, #tpu.memory_space<hbm>>
    %dma_wait3A_375 = arith.constant 0 : i32
    %dma_wait3A_376 = tpu.memref_slice %arg9[%add3A_46, %dma_wait3A_375] : memref<204800x64xf32, #tpu.memory_space<hbm>> -> memref<400x64xf32, #tpu.memory_space<hbm>>
    tpu.wait_dma2 semaphore(%arg25 : memref<!tpu.dma_semaphore, #tpu.memory_space<semaphore_mem>>) src(%arg18 : memref<400x64xf32, #tpu.memory_space<vmem>>) dst(%dma_wait3A_376 : memref<400x64xf32, #tpu.memory_space<hbm>>)
    %dma_start3A_377 = arith.constant 0 : i32
    %dma_start3A_378 = tpu.memref_slice %arg14[%dma_start3A_377] : memref<6400xi32, #tpu.memory_space<vmem>> -> memref<400xi32, #tpu.memory_space<vmem>>
    %dma_start3A_379 = arith.constant 0 : i32
    %dma_start3A_380 = arith.constant 0 : i32
    %dma_start3A_381 = tpu.memref_slice %arg3[%dma_start3A_379, %dma_start3A_380] : memref<513x64xf32, #tpu.memory_space<hbm>> -> memref<513x64xf32, #tpu.memory_space<hbm>>
    tpu.enqueue_indirect_dma source(%dma_start3A_381 : memref<513x64xf32, #tpu.memory_space<hbm>>) target(%arg18 : memref<400x64xf32, #tpu.memory_space<vmem>>) offsets(%dma_start3A_378 : memref<400xi32, #tpu.memory_space<vmem>>) semaphore(%arg22 : memref<!tpu.dma_semaphore, #tpu.memory_space<semaphore_mem>>)
    %dma_wait3A_382 = arith.constant 5600 : i32
    %dma_wait3A_383 = tpu.memref_slice %arg13[%dma_wait3A_382] : memref<6400xi32, #tpu.memory_space<vmem>> -> memref<400xi32, #tpu.memory_space<vmem>>
    %dma_wait3A_384 = arith.constant 0 : i32
    %dma_wait3A_385 = arith.constant 0 : i32
    %dma_wait3A_386 = tpu.memref_slice %arg2[%dma_wait3A_384, %dma_wait3A_385] : memref<100001x64xf32, #tpu.memory_space<hbm>> -> memref<100001x64xf32, #tpu.memory_space<hbm>>
    tpu.wait_indirect_dma semaphore(%arg23 : memref<!tpu.dma_semaphore, #tpu.memory_space<semaphore_mem>>) src(%dma_wait3A_386 : memref<100001x64xf32, #tpu.memory_space<hbm>>) dst(%arg19 : memref<400x64xf32, #tpu.memory_space<vmem>>)
    %dma_start3A_387 = arith.constant 0 : i32
    %dma_start3A_388 = tpu.memref_slice %arg9[%add3A_48, %dma_start3A_387] : memref<204800x64xf32, #tpu.memory_space<hbm>> -> memref<400x64xf32, #tpu.memory_space<hbm>>
    %dma_start3A_389 = arith.constant 0 : i32
    %dma_start3A_390 = tpu.memref_slice %arg9[%add3A_48, %dma_start3A_389] : memref<204800x64xf32, #tpu.memory_space<hbm>> -> memref<400x64xf32, #tpu.memory_space<hbm>>
    tpu.enqueue_dma source(%arg19 : memref<400x64xf32, #tpu.memory_space<vmem>>) target(%dma_start3A_390 : memref<400x64xf32, #tpu.memory_space<hbm>>) target_semaphore(%arg26 : memref<!tpu.dma_semaphore, #tpu.memory_space<semaphore_mem>>)
    %dma_wait3A_391 = arith.constant 0 : i32
    %dma_wait3A_392 = tpu.memref_slice %arg9[%add3A_48, %dma_wait3A_391] : memref<204800x64xf32, #tpu.memory_space<hbm>> -> memref<400x64xf32, #tpu.memory_space<hbm>>
    %dma_wait3A_393 = arith.constant 0 : i32
    %dma_wait3A_394 = tpu.memref_slice %arg9[%add3A_48, %dma_wait3A_393] : memref<204800x64xf32, #tpu.memory_space<hbm>> -> memref<400x64xf32, #tpu.memory_space<hbm>>
    tpu.wait_dma2 semaphore(%arg26 : memref<!tpu.dma_semaphore, #tpu.memory_space<semaphore_mem>>) src(%arg19 : memref<400x64xf32, #tpu.memory_space<vmem>>) dst(%dma_wait3A_394 : memref<400x64xf32, #tpu.memory_space<hbm>>)
    %dma_start3A_395 = arith.constant 400 : i32
    %dma_start3A_396 = tpu.memref_slice %arg14[%dma_start3A_395] : memref<6400xi32, #tpu.memory_space<vmem>> -> memref<400xi32, #tpu.memory_space<vmem>>
    %dma_start3A_397 = arith.constant 0 : i32
    %dma_start3A_398 = arith.constant 0 : i32
    %dma_start3A_399 = tpu.memref_slice %arg3[%dma_start3A_397, %dma_start3A_398] : memref<513x64xf32, #tpu.memory_space<hbm>> -> memref<513x64xf32, #tpu.memory_space<hbm>>
    tpu.enqueue_indirect_dma source(%dma_start3A_399 : memref<513x64xf32, #tpu.memory_space<hbm>>) target(%arg19 : memref<400x64xf32, #tpu.memory_space<vmem>>) offsets(%dma_start3A_396 : memref<400xi32, #tpu.memory_space<vmem>>) semaphore(%arg23 : memref<!tpu.dma_semaphore, #tpu.memory_space<semaphore_mem>>)
    %dma_wait3A_400 = arith.constant 6000 : i32
    %dma_wait3A_401 = tpu.memref_slice %arg13[%dma_wait3A_400] : memref<6400xi32, #tpu.memory_space<vmem>> -> memref<400xi32, #tpu.memory_space<vmem>>
    %dma_wait3A_402 = arith.constant 0 : i32
    %dma_wait3A_403 = arith.constant 0 : i32
    %dma_wait3A_404 = tpu.memref_slice %arg2[%dma_wait3A_402, %dma_wait3A_403] : memref<100001x64xf32, #tpu.memory_space<hbm>> -> memref<100001x64xf32, #tpu.memory_space<hbm>>
    tpu.wait_indirect_dma semaphore(%arg21 : memref<!tpu.dma_semaphore, #tpu.memory_space<semaphore_mem>>) src(%dma_wait3A_404 : memref<100001x64xf32, #tpu.memory_space<hbm>>) dst(%arg17 : memref<400x64xf32, #tpu.memory_space<vmem>>)
    %dma_start3A_405 = arith.constant 0 : i32
    %dma_start3A_406 = tpu.memref_slice %arg9[%add3A_50, %dma_start3A_405] : memref<204800x64xf32, #tpu.memory_space<hbm>> -> memref<400x64xf32, #tpu.memory_space<hbm>>
    %dma_start3A_407 = arith.constant 0 : i32
    %dma_start3A_408 = tpu.memref_slice %arg9[%add3A_50, %dma_start3A_407] : memref<204800x64xf32, #tpu.memory_space<hbm>> -> memref<400x64xf32, #tpu.memory_space<hbm>>
    tpu.enqueue_dma source(%arg17 : memref<400x64xf32, #tpu.memory_space<vmem>>) target(%dma_start3A_408 : memref<400x64xf32, #tpu.memory_space<hbm>>) target_semaphore(%arg24 : memref<!tpu.dma_semaphore, #tpu.memory_space<semaphore_mem>>)
    %dma_wait3A_409 = arith.constant 0 : i32
    %dma_wait3A_410 = tpu.memref_slice %arg9[%add3A_50, %dma_wait3A_409] : memref<204800x64xf32, #tpu.memory_space<hbm>> -> memref<400x64xf32, #tpu.memory_space<hbm>>
    %dma_wait3A_411 = arith.constant 0 : i32
    %dma_wait3A_412 = tpu.memref_slice %arg9[%add3A_50, %dma_wait3A_411] : memref<204800x64xf32, #tpu.memory_space<hbm>> -> memref<400x64xf32, #tpu.memory_space<hbm>>
    tpu.wait_dma2 semaphore(%arg24 : memref<!tpu.dma_semaphore, #tpu.memory_space<semaphore_mem>>) src(%arg17 : memref<400x64xf32, #tpu.memory_space<vmem>>) dst(%dma_wait3A_412 : memref<400x64xf32, #tpu.memory_space<hbm>>)
    %dma_start3A_413 = arith.constant 800 : i32
    %dma_start3A_414 = tpu.memref_slice %arg14[%dma_start3A_413] : memref<6400xi32, #tpu.memory_space<vmem>> -> memref<400xi32, #tpu.memory_space<vmem>>
    %dma_start3A_415 = arith.constant 0 : i32
    %dma_start3A_416 = arith.constant 0 : i32
    %dma_start3A_417 = tpu.memref_slice %arg3[%dma_start3A_415, %dma_start3A_416] : memref<513x64xf32, #tpu.memory_space<hbm>> -> memref<513x64xf32, #tpu.memory_space<hbm>>
    tpu.enqueue_indirect_dma source(%dma_start3A_417 : memref<513x64xf32, #tpu.memory_space<hbm>>) target(%arg17 : memref<400x64xf32, #tpu.memory_space<vmem>>) offsets(%dma_start3A_414 : memref<400xi32, #tpu.memory_space<vmem>>) semaphore(%arg21 : memref<!tpu.dma_semaphore, #tpu.memory_space<semaphore_mem>>)
    %dma_wait3A_418 = arith.constant 0 : i32
    %dma_wait3A_419 = tpu.memref_slice %arg14[%dma_wait3A_418] : memref<6400xi32, #tpu.memory_space<vmem>> -> memref<400xi32, #tpu.memory_space<vmem>>
    %dma_wait3A_420 = arith.constant 0 : i32
    %dma_wait3A_421 = arith.constant 0 : i32
    %dma_wait3A_422 = tpu.memref_slice %arg3[%dma_wait3A_420, %dma_wait3A_421] : memref<513x64xf32, #tpu.memory_space<hbm>> -> memref<513x64xf32, #tpu.memory_space<hbm>>
    tpu.wait_indirect_dma semaphore(%arg22 : memref<!tpu.dma_semaphore, #tpu.memory_space<semaphore_mem>>) src(%dma_wait3A_422 : memref<513x64xf32, #tpu.memory_space<hbm>>) dst(%arg18 : memref<400x64xf32, #tpu.memory_space<vmem>>)
    %dma_start3A_423 = arith.constant 0 : i32
    %dma_start3A_424 = tpu.memref_slice %arg10[%add3A_52, %dma_start3A_423] : memref<204800x64xf32, #tpu.memory_space<hbm>> -> memref<400x64xf32, #tpu.memory_space<hbm>>
    %dma_start3A_425 = arith.constant 0 : i32
    %dma_start3A_426 = tpu.memref_slice %arg10[%add3A_52, %dma_start3A_425] : memref<204800x64xf32, #tpu.memory_space<hbm>> -> memref<400x64xf32, #tpu.memory_space<hbm>>
    tpu.enqueue_dma source(%arg18 : memref<400x64xf32, #tpu.memory_space<vmem>>) target(%dma_start3A_426 : memref<400x64xf32, #tpu.memory_space<hbm>>) target_semaphore(%arg25 : memref<!tpu.dma_semaphore, #tpu.memory_space<semaphore_mem>>)
    %dma_wait3A_427 = arith.constant 0 : i32
    %dma_wait3A_428 = tpu.memref_slice %arg10[%add3A_52, %dma_wait3A_427] : memref<204800x64xf32, #tpu.memory_space<hbm>> -> memref<400x64xf32, #tpu.memory_space<hbm>>
    %dma_wait3A_429 = arith.constant 0 : i32
    %dma_wait3A_430 = tpu.memref_slice %arg10[%add3A_52, %dma_wait3A_429] : memref<204800x64xf32, #tpu.memory_space<hbm>> -> memref<400x64xf32, #tpu.memory_space<hbm>>
    tpu.wait_dma2 semaphore(%arg25 : memref<!tpu.dma_semaphore, #tpu.memory_space<semaphore_mem>>) src(%arg18 : memref<400x64xf32, #tpu.memory_space<vmem>>) dst(%dma_wait3A_430 : memref<400x64xf32, #tpu.memory_space<hbm>>)
    %dma_start3A_431 = arith.constant 1200 : i32
    %dma_start3A_432 = tpu.memref_slice %arg14[%dma_start3A_431] : memref<6400xi32, #tpu.memory_space<vmem>> -> memref<400xi32, #tpu.memory_space<vmem>>
    %dma_start3A_433 = arith.constant 0 : i32
    %dma_start3A_434 = arith.constant 0 : i32
    %dma_start3A_435 = tpu.memref_slice %arg3[%dma_start3A_433, %dma_start3A_434] : memref<513x64xf32, #tpu.memory_space<hbm>> -> memref<513x64xf32, #tpu.memory_space<hbm>>
    tpu.enqueue_indirect_dma source(%dma_start3A_435 : memref<513x64xf32, #tpu.memory_space<hbm>>) target(%arg18 : memref<400x64xf32, #tpu.memory_space<vmem>>) offsets(%dma_start3A_432 : memref<400xi32, #tpu.memory_space<vmem>>) semaphore(%arg22 : memref<!tpu.dma_semaphore, #tpu.memory_space<semaphore_mem>>)
    %dma_wait3A_436 = arith.constant 400 : i32
    %dma_wait3A_437 = tpu.memref_slice %arg14[%dma_wait3A_436] : memref<6400xi32, #tpu.memory_space<vmem>> -> memref<400xi32, #tpu.memory_space<vmem>>
    %dma_wait3A_438 = arith.constant 0 : i32
    %dma_wait3A_439 = arith.constant 0 : i32
    %dma_wait3A_440 = tpu.memref_slice %arg3[%dma_wait3A_438, %dma_wait3A_439] : memref<513x64xf32, #tpu.memory_space<hbm>> -> memref<513x64xf32, #tpu.memory_space<hbm>>
    tpu.wait_indirect_dma semaphore(%arg23 : memref<!tpu.dma_semaphore, #tpu.memory_space<semaphore_mem>>) src(%dma_wait3A_440 : memref<513x64xf32, #tpu.memory_space<hbm>>) dst(%arg19 : memref<400x64xf32, #tpu.memory_space<vmem>>)
    %dma_start3A_441 = arith.constant 0 : i32
    %dma_start3A_442 = tpu.memref_slice %arg10[%add3A_54, %dma_start3A_441] : memref<204800x64xf32, #tpu.memory_space<hbm>> -> memref<400x64xf32, #tpu.memory_space<hbm>>
    %dma_start3A_443 = arith.constant 0 : i32
    %dma_start3A_444 = tpu.memref_slice %arg10[%add3A_54, %dma_start3A_443] : memref<204800x64xf32, #tpu.memory_space<hbm>> -> memref<400x64xf32, #tpu.memory_space<hbm>>
    tpu.enqueue_dma source(%arg19 : memref<400x64xf32, #tpu.memory_space<vmem>>) target(%dma_start3A_444 : memref<400x64xf32, #tpu.memory_space<hbm>>) target_semaphore(%arg26 : memref<!tpu.dma_semaphore, #tpu.memory_space<semaphore_mem>>)
    %dma_wait3A_445 = arith.constant 0 : i32
    %dma_wait3A_446 = tpu.memref_slice %arg10[%add3A_54, %dma_wait3A_445] : memref<204800x64xf32, #tpu.memory_space<hbm>> -> memref<400x64xf32, #tpu.memory_space<hbm>>
    %dma_wait3A_447 = arith.constant 0 : i32
    %dma_wait3A_448 = tpu.memref_slice %arg10[%add3A_54, %dma_wait3A_447] : memref<204800x64xf32, #tpu.memory_space<hbm>> -> memref<400x64xf32, #tpu.memory_space<hbm>>
    tpu.wait_dma2 semaphore(%arg26 : memref<!tpu.dma_semaphore, #tpu.memory_space<semaphore_mem>>) src(%arg19 : memref<400x64xf32, #tpu.memory_space<vmem>>) dst(%dma_wait3A_448 : memref<400x64xf32, #tpu.memory_space<hbm>>)
    %dma_start3A_449 = arith.constant 1600 : i32
    %dma_start3A_450 = tpu.memref_slice %arg14[%dma_start3A_449] : memref<6400xi32, #tpu.memory_space<vmem>> -> memref<400xi32, #tpu.memory_space<vmem>>
    %dma_start3A_451 = arith.constant 0 : i32
    %dma_start3A_452 = arith.constant 0 : i32
    %dma_start3A_453 = tpu.memref_slice %arg3[%dma_start3A_451, %dma_start3A_452] : memref<513x64xf32, #tpu.memory_space<hbm>> -> memref<513x64xf32, #tpu.memory_space<hbm>>
    tpu.enqueue_indirect_dma source(%dma_start3A_453 : memref<513x64xf32, #tpu.memory_space<hbm>>) target(%arg19 : memref<400x64xf32, #tpu.memory_space<vmem>>) offsets(%dma_start3A_450 : memref<400xi32, #tpu.memory_space<vmem>>) semaphore(%arg23 : memref<!tpu.dma_semaphore, #tpu.memory_space<semaphore_mem>>)
    %dma_wait3A_454 = arith.constant 800 : i32
    %dma_wait3A_455 = tpu.memref_slice %arg14[%dma_wait3A_454] : memref<6400xi32, #tpu.memory_space<vmem>> -> memref<400xi32, #tpu.memory_space<vmem>>
    %dma_wait3A_456 = arith.constant 0 : i32
    %dma_wait3A_457 = arith.constant 0 : i32
    %dma_wait3A_458 = tpu.memref_slice %arg3[%dma_wait3A_456, %dma_wait3A_457] : memref<513x64xf32, #tpu.memory_space<hbm>> -> memref<513x64xf32, #tpu.memory_space<hbm>>
    tpu.wait_indirect_dma semaphore(%arg21 : memref<!tpu.dma_semaphore, #tpu.memory_space<semaphore_mem>>) src(%dma_wait3A_458 : memref<513x64xf32, #tpu.memory_space<hbm>>) dst(%arg17 : memref<400x64xf32, #tpu.memory_space<vmem>>)
    %dma_start3A_459 = arith.constant 0 : i32
    %dma_start3A_460 = tpu.memref_slice %arg10[%add3A_56, %dma_start3A_459] : memref<204800x64xf32, #tpu.memory_space<hbm>> -> memref<400x64xf32, #tpu.memory_space<hbm>>
    %dma_start3A_461 = arith.constant 0 : i32
    %dma_start3A_462 = tpu.memref_slice %arg10[%add3A_56, %dma_start3A_461] : memref<204800x64xf32, #tpu.memory_space<hbm>> -> memref<400x64xf32, #tpu.memory_space<hbm>>
    tpu.enqueue_dma source(%arg17 : memref<400x64xf32, #tpu.memory_space<vmem>>) target(%dma_start3A_462 : memref<400x64xf32, #tpu.memory_space<hbm>>) target_semaphore(%arg24 : memref<!tpu.dma_semaphore, #tpu.memory_space<semaphore_mem>>)
    %dma_wait3A_463 = arith.constant 0 : i32
    %dma_wait3A_464 = tpu.memref_slice %arg10[%add3A_56, %dma_wait3A_463] : memref<204800x64xf32, #tpu.memory_space<hbm>> -> memref<400x64xf32, #tpu.memory_space<hbm>>
    %dma_wait3A_465 = arith.constant 0 : i32
    %dma_wait3A_466 = tpu.memref_slice %arg10[%add3A_56, %dma_wait3A_465] : memref<204800x64xf32, #tpu.memory_space<hbm>> -> memref<400x64xf32, #tpu.memory_space<hbm>>
    tpu.wait_dma2 semaphore(%arg24 : memref<!tpu.dma_semaphore, #tpu.memory_space<semaphore_mem>>) src(%arg17 : memref<400x64xf32, #tpu.memory_space<vmem>>) dst(%dma_wait3A_466 : memref<400x64xf32, #tpu.memory_space<hbm>>)
    %dma_start3A_467 = arith.constant 2000 : i32
    %dma_start3A_468 = tpu.memref_slice %arg14[%dma_start3A_467] : memref<6400xi32, #tpu.memory_space<vmem>> -> memref<400xi32, #tpu.memory_space<vmem>>
    %dma_start3A_469 = arith.constant 0 : i32
    %dma_start3A_470 = arith.constant 0 : i32
    %dma_start3A_471 = tpu.memref_slice %arg3[%dma_start3A_469, %dma_start3A_470] : memref<513x64xf32, #tpu.memory_space<hbm>> -> memref<513x64xf32, #tpu.memory_space<hbm>>
    tpu.enqueue_indirect_dma source(%dma_start3A_471 : memref<513x64xf32, #tpu.memory_space<hbm>>) target(%arg17 : memref<400x64xf32, #tpu.memory_space<vmem>>) offsets(%dma_start3A_468 : memref<400xi32, #tpu.memory_space<vmem>>) semaphore(%arg21 : memref<!tpu.dma_semaphore, #tpu.memory_space<semaphore_mem>>)
    %dma_wait3A_472 = arith.constant 1200 : i32
    %dma_wait3A_473 = tpu.memref_slice %arg14[%dma_wait3A_472] : memref<6400xi32, #tpu.memory_space<vmem>> -> memref<400xi32, #tpu.memory_space<vmem>>
    %dma_wait3A_474 = arith.constant 0 : i32
    %dma_wait3A_475 = arith.constant 0 : i32
    %dma_wait3A_476 = tpu.memref_slice %arg3[%dma_wait3A_474, %dma_wait3A_475] : memref<513x64xf32, #tpu.memory_space<hbm>> -> memref<513x64xf32, #tpu.memory_space<hbm>>
    tpu.wait_indirect_dma semaphore(%arg22 : memref<!tpu.dma_semaphore, #tpu.memory_space<semaphore_mem>>) src(%dma_wait3A_476 : memref<513x64xf32, #tpu.memory_space<hbm>>) dst(%arg18 : memref<400x64xf32, #tpu.memory_space<vmem>>)
    %dma_start3A_477 = arith.constant 0 : i32
    %dma_start3A_478 = tpu.memref_slice %arg10[%add3A_58, %dma_start3A_477] : memref<204800x64xf32, #tpu.memory_space<hbm>> -> memref<400x64xf32, #tpu.memory_space<hbm>>
    %dma_start3A_479 = arith.constant 0 : i32
    %dma_start3A_480 = tpu.memref_slice %arg10[%add3A_58, %dma_start3A_479] : memref<204800x64xf32, #tpu.memory_space<hbm>> -> memref<400x64xf32, #tpu.memory_space<hbm>>
    tpu.enqueue_dma source(%arg18 : memref<400x64xf32, #tpu.memory_space<vmem>>) target(%dma_start3A_480 : memref<400x64xf32, #tpu.memory_space<hbm>>) target_semaphore(%arg25 : memref<!tpu.dma_semaphore, #tpu.memory_space<semaphore_mem>>)
    %dma_wait3A_481 = arith.constant 0 : i32
    %dma_wait3A_482 = tpu.memref_slice %arg10[%add3A_58, %dma_wait3A_481] : memref<204800x64xf32, #tpu.memory_space<hbm>> -> memref<400x64xf32, #tpu.memory_space<hbm>>
    %dma_wait3A_483 = arith.constant 0 : i32
    %dma_wait3A_484 = tpu.memref_slice %arg10[%add3A_58, %dma_wait3A_483] : memref<204800x64xf32, #tpu.memory_space<hbm>> -> memref<400x64xf32, #tpu.memory_space<hbm>>
    tpu.wait_dma2 semaphore(%arg25 : memref<!tpu.dma_semaphore, #tpu.memory_space<semaphore_mem>>) src(%arg18 : memref<400x64xf32, #tpu.memory_space<vmem>>) dst(%dma_wait3A_484 : memref<400x64xf32, #tpu.memory_space<hbm>>)
    %dma_start3A_485 = arith.constant 2400 : i32
    %dma_start3A_486 = tpu.memref_slice %arg14[%dma_start3A_485] : memref<6400xi32, #tpu.memory_space<vmem>> -> memref<400xi32, #tpu.memory_space<vmem>>
    %dma_start3A_487 = arith.constant 0 : i32
    %dma_start3A_488 = arith.constant 0 : i32
    %dma_start3A_489 = tpu.memref_slice %arg3[%dma_start3A_487, %dma_start3A_488] : memref<513x64xf32, #tpu.memory_space<hbm>> -> memref<513x64xf32, #tpu.memory_space<hbm>>
    tpu.enqueue_indirect_dma source(%dma_start3A_489 : memref<513x64xf32, #tpu.memory_space<hbm>>) target(%arg18 : memref<400x64xf32, #tpu.memory_space<vmem>>) offsets(%dma_start3A_486 : memref<400xi32, #tpu.memory_space<vmem>>) semaphore(%arg22 : memref<!tpu.dma_semaphore, #tpu.memory_space<semaphore_mem>>)
    %dma_wait3A_490 = arith.constant 1600 : i32
    %dma_wait3A_491 = tpu.memref_slice %arg14[%dma_wait3A_490] : memref<6400xi32, #tpu.memory_space<vmem>> -> memref<400xi32, #tpu.memory_space<vmem>>
    %dma_wait3A_492 = arith.constant 0 : i32
    %dma_wait3A_493 = arith.constant 0 : i32
    %dma_wait3A_494 = tpu.memref_slice %arg3[%dma_wait3A_492, %dma_wait3A_493] : memref<513x64xf32, #tpu.memory_space<hbm>> -> memref<513x64xf32, #tpu.memory_space<hbm>>
    tpu.wait_indirect_dma semaphore(%arg23 : memref<!tpu.dma_semaphore, #tpu.memory_space<semaphore_mem>>) src(%dma_wait3A_494 : memref<513x64xf32, #tpu.memory_space<hbm>>) dst(%arg19 : memref<400x64xf32, #tpu.memory_space<vmem>>)
    %dma_start3A_495 = arith.constant 0 : i32
    %dma_start3A_496 = tpu.memref_slice %arg10[%add3A_60, %dma_start3A_495] : memref<204800x64xf32, #tpu.memory_space<hbm>> -> memref<400x64xf32, #tpu.memory_space<hbm>>
    %dma_start3A_497 = arith.constant 0 : i32
    %dma_start3A_498 = tpu.memref_slice %arg10[%add3A_60, %dma_start3A_497] : memref<204800x64xf32, #tpu.memory_space<hbm>> -> memref<400x64xf32, #tpu.memory_space<hbm>>
    tpu.enqueue_dma source(%arg19 : memref<400x64xf32, #tpu.memory_space<vmem>>) target(%dma_start3A_498 : memref<400x64xf32, #tpu.memory_space<hbm>>) target_semaphore(%arg26 : memref<!tpu.dma_semaphore, #tpu.memory_space<semaphore_mem>>)
    %dma_wait3A_499 = arith.constant 0 : i32
    %dma_wait3A_500 = tpu.memref_slice %arg10[%add3A_60, %dma_wait3A_499] : memref<204800x64xf32, #tpu.memory_space<hbm>> -> memref<400x64xf32, #tpu.memory_space<hbm>>
    %dma_wait3A_501 = arith.constant 0 : i32
    %dma_wait3A_502 = tpu.memref_slice %arg10[%add3A_60, %dma_wait3A_501] : memref<204800x64xf32, #tpu.memory_space<hbm>> -> memref<400x64xf32, #tpu.memory_space<hbm>>
    tpu.wait_dma2 semaphore(%arg26 : memref<!tpu.dma_semaphore, #tpu.memory_space<semaphore_mem>>) src(%arg19 : memref<400x64xf32, #tpu.memory_space<vmem>>) dst(%dma_wait3A_502 : memref<400x64xf32, #tpu.memory_space<hbm>>)
    %dma_start3A_503 = arith.constant 2800 : i32
    %dma_start3A_504 = tpu.memref_slice %arg14[%dma_start3A_503] : memref<6400xi32, #tpu.memory_space<vmem>> -> memref<400xi32, #tpu.memory_space<vmem>>
    %dma_start3A_505 = arith.constant 0 : i32
    %dma_start3A_506 = arith.constant 0 : i32
    %dma_start3A_507 = tpu.memref_slice %arg3[%dma_start3A_505, %dma_start3A_506] : memref<513x64xf32, #tpu.memory_space<hbm>> -> memref<513x64xf32, #tpu.memory_space<hbm>>
    tpu.enqueue_indirect_dma source(%dma_start3A_507 : memref<513x64xf32, #tpu.memory_space<hbm>>) target(%arg19 : memref<400x64xf32, #tpu.memory_space<vmem>>) offsets(%dma_start3A_504 : memref<400xi32, #tpu.memory_space<vmem>>) semaphore(%arg23 : memref<!tpu.dma_semaphore, #tpu.memory_space<semaphore_mem>>)
    %dma_wait3A_508 = arith.constant 2000 : i32
    %dma_wait3A_509 = tpu.memref_slice %arg14[%dma_wait3A_508] : memref<6400xi32, #tpu.memory_space<vmem>> -> memref<400xi32, #tpu.memory_space<vmem>>
    %dma_wait3A_510 = arith.constant 0 : i32
    %dma_wait3A_511 = arith.constant 0 : i32
    %dma_wait3A_512 = tpu.memref_slice %arg3[%dma_wait3A_510, %dma_wait3A_511] : memref<513x64xf32, #tpu.memory_space<hbm>> -> memref<513x64xf32, #tpu.memory_space<hbm>>
    tpu.wait_indirect_dma semaphore(%arg21 : memref<!tpu.dma_semaphore, #tpu.memory_space<semaphore_mem>>) src(%dma_wait3A_512 : memref<513x64xf32, #tpu.memory_space<hbm>>) dst(%arg17 : memref<400x64xf32, #tpu.memory_space<vmem>>)
    %dma_start3A_513 = arith.constant 0 : i32
    %dma_start3A_514 = tpu.memref_slice %arg10[%add3A_62, %dma_start3A_513] : memref<204800x64xf32, #tpu.memory_space<hbm>> -> memref<400x64xf32, #tpu.memory_space<hbm>>
    %dma_start3A_515 = arith.constant 0 : i32
    %dma_start3A_516 = tpu.memref_slice %arg10[%add3A_62, %dma_start3A_515] : memref<204800x64xf32, #tpu.memory_space<hbm>> -> memref<400x64xf32, #tpu.memory_space<hbm>>
    tpu.enqueue_dma source(%arg17 : memref<400x64xf32, #tpu.memory_space<vmem>>) target(%dma_start3A_516 : memref<400x64xf32, #tpu.memory_space<hbm>>) target_semaphore(%arg24 : memref<!tpu.dma_semaphore, #tpu.memory_space<semaphore_mem>>)
    %dma_wait3A_517 = arith.constant 0 : i32
    %dma_wait3A_518 = tpu.memref_slice %arg10[%add3A_62, %dma_wait3A_517] : memref<204800x64xf32, #tpu.memory_space<hbm>> -> memref<400x64xf32, #tpu.memory_space<hbm>>
    %dma_wait3A_519 = arith.constant 0 : i32
    %dma_wait3A_520 = tpu.memref_slice %arg10[%add3A_62, %dma_wait3A_519] : memref<204800x64xf32, #tpu.memory_space<hbm>> -> memref<400x64xf32, #tpu.memory_space<hbm>>
    tpu.wait_dma2 semaphore(%arg24 : memref<!tpu.dma_semaphore, #tpu.memory_space<semaphore_mem>>) src(%arg17 : memref<400x64xf32, #tpu.memory_space<vmem>>) dst(%dma_wait3A_520 : memref<400x64xf32, #tpu.memory_space<hbm>>)
    %dma_start3A_521 = arith.constant 3200 : i32
    %dma_start3A_522 = tpu.memref_slice %arg14[%dma_start3A_521] : memref<6400xi32, #tpu.memory_space<vmem>> -> memref<400xi32, #tpu.memory_space<vmem>>
    %dma_start3A_523 = arith.constant 0 : i32
    %dma_start3A_524 = arith.constant 0 : i32
    %dma_start3A_525 = tpu.memref_slice %arg3[%dma_start3A_523, %dma_start3A_524] : memref<513x64xf32, #tpu.memory_space<hbm>> -> memref<513x64xf32, #tpu.memory_space<hbm>>
    tpu.enqueue_indirect_dma source(%dma_start3A_525 : memref<513x64xf32, #tpu.memory_space<hbm>>) target(%arg17 : memref<400x64xf32, #tpu.memory_space<vmem>>) offsets(%dma_start3A_522 : memref<400xi32, #tpu.memory_space<vmem>>) semaphore(%arg21 : memref<!tpu.dma_semaphore, #tpu.memory_space<semaphore_mem>>)
    %dma_wait3A_526 = arith.constant 2400 : i32
    %dma_wait3A_527 = tpu.memref_slice %arg14[%dma_wait3A_526] : memref<6400xi32, #tpu.memory_space<vmem>> -> memref<400xi32, #tpu.memory_space<vmem>>
    %dma_wait3A_528 = arith.constant 0 : i32
    %dma_wait3A_529 = arith.constant 0 : i32
    %dma_wait3A_530 = tpu.memref_slice %arg3[%dma_wait3A_528, %dma_wait3A_529] : memref<513x64xf32, #tpu.memory_space<hbm>> -> memref<513x64xf32, #tpu.memory_space<hbm>>
    tpu.wait_indirect_dma semaphore(%arg22 : memref<!tpu.dma_semaphore, #tpu.memory_space<semaphore_mem>>) src(%dma_wait3A_530 : memref<513x64xf32, #tpu.memory_space<hbm>>) dst(%arg18 : memref<400x64xf32, #tpu.memory_space<vmem>>)
    %dma_start3A_531 = arith.constant 0 : i32
    %dma_start3A_532 = tpu.memref_slice %arg10[%add3A_64, %dma_start3A_531] : memref<204800x64xf32, #tpu.memory_space<hbm>> -> memref<400x64xf32, #tpu.memory_space<hbm>>
    %dma_start3A_533 = arith.constant 0 : i32
    %dma_start3A_534 = tpu.memref_slice %arg10[%add3A_64, %dma_start3A_533] : memref<204800x64xf32, #tpu.memory_space<hbm>> -> memref<400x64xf32, #tpu.memory_space<hbm>>
    tpu.enqueue_dma source(%arg18 : memref<400x64xf32, #tpu.memory_space<vmem>>) target(%dma_start3A_534 : memref<400x64xf32, #tpu.memory_space<hbm>>) target_semaphore(%arg25 : memref<!tpu.dma_semaphore, #tpu.memory_space<semaphore_mem>>)
    %dma_wait3A_535 = arith.constant 0 : i32
    %dma_wait3A_536 = tpu.memref_slice %arg10[%add3A_64, %dma_wait3A_535] : memref<204800x64xf32, #tpu.memory_space<hbm>> -> memref<400x64xf32, #tpu.memory_space<hbm>>
    %dma_wait3A_537 = arith.constant 0 : i32
    %dma_wait3A_538 = tpu.memref_slice %arg10[%add3A_64, %dma_wait3A_537] : memref<204800x64xf32, #tpu.memory_space<hbm>> -> memref<400x64xf32, #tpu.memory_space<hbm>>
    tpu.wait_dma2 semaphore(%arg25 : memref<!tpu.dma_semaphore, #tpu.memory_space<semaphore_mem>>) src(%arg18 : memref<400x64xf32, #tpu.memory_space<vmem>>) dst(%dma_wait3A_538 : memref<400x64xf32, #tpu.memory_space<hbm>>)
    %dma_start3A_539 = arith.constant 3600 : i32
    %dma_start3A_540 = tpu.memref_slice %arg14[%dma_start3A_539] : memref<6400xi32, #tpu.memory_space<vmem>> -> memref<400xi32, #tpu.memory_space<vmem>>
    %dma_start3A_541 = arith.constant 0 : i32
    %dma_start3A_542 = arith.constant 0 : i32
    %dma_start3A_543 = tpu.memref_slice %arg3[%dma_start3A_541, %dma_start3A_542] : memref<513x64xf32, #tpu.memory_space<hbm>> -> memref<513x64xf32, #tpu.memory_space<hbm>>
    tpu.enqueue_indirect_dma source(%dma_start3A_543 : memref<513x64xf32, #tpu.memory_space<hbm>>) target(%arg18 : memref<400x64xf32, #tpu.memory_space<vmem>>) offsets(%dma_start3A_540 : memref<400xi32, #tpu.memory_space<vmem>>) semaphore(%arg22 : memref<!tpu.dma_semaphore, #tpu.memory_space<semaphore_mem>>)
    %dma_wait3A_544 = arith.constant 2800 : i32
    %dma_wait3A_545 = tpu.memref_slice %arg14[%dma_wait3A_544] : memref<6400xi32, #tpu.memory_space<vmem>> -> memref<400xi32, #tpu.memory_space<vmem>>
    %dma_wait3A_546 = arith.constant 0 : i32
    %dma_wait3A_547 = arith.constant 0 : i32
    %dma_wait3A_548 = tpu.memref_slice %arg3[%dma_wait3A_546, %dma_wait3A_547] : memref<513x64xf32, #tpu.memory_space<hbm>> -> memref<513x64xf32, #tpu.memory_space<hbm>>
    tpu.wait_indirect_dma semaphore(%arg23 : memref<!tpu.dma_semaphore, #tpu.memory_space<semaphore_mem>>) src(%dma_wait3A_548 : memref<513x64xf32, #tpu.memory_space<hbm>>) dst(%arg19 : memref<400x64xf32, #tpu.memory_space<vmem>>)
    %dma_start3A_549 = arith.constant 0 : i32
    %dma_start3A_550 = tpu.memref_slice %arg10[%add3A_66, %dma_start3A_549] : memref<204800x64xf32, #tpu.memory_space<hbm>> -> memref<400x64xf32, #tpu.memory_space<hbm>>
    %dma_start3A_551 = arith.constant 0 : i32
    %dma_start3A_552 = tpu.memref_slice %arg10[%add3A_66, %dma_start3A_551] : memref<204800x64xf32, #tpu.memory_space<hbm>> -> memref<400x64xf32, #tpu.memory_space<hbm>>
    tpu.enqueue_dma source(%arg19 : memref<400x64xf32, #tpu.memory_space<vmem>>) target(%dma_start3A_552 : memref<400x64xf32, #tpu.memory_space<hbm>>) target_semaphore(%arg26 : memref<!tpu.dma_semaphore, #tpu.memory_space<semaphore_mem>>)
    %dma_wait3A_553 = arith.constant 0 : i32
    %dma_wait3A_554 = tpu.memref_slice %arg10[%add3A_66, %dma_wait3A_553] : memref<204800x64xf32, #tpu.memory_space<hbm>> -> memref<400x64xf32, #tpu.memory_space<hbm>>
    %dma_wait3A_555 = arith.constant 0 : i32
    %dma_wait3A_556 = tpu.memref_slice %arg10[%add3A_66, %dma_wait3A_555] : memref<204800x64xf32, #tpu.memory_space<hbm>> -> memref<400x64xf32, #tpu.memory_space<hbm>>
    tpu.wait_dma2 semaphore(%arg26 : memref<!tpu.dma_semaphore, #tpu.memory_space<semaphore_mem>>) src(%arg19 : memref<400x64xf32, #tpu.memory_space<vmem>>) dst(%dma_wait3A_556 : memref<400x64xf32, #tpu.memory_space<hbm>>)
    %dma_start3A_557 = arith.constant 4000 : i32
    %dma_start3A_558 = tpu.memref_slice %arg14[%dma_start3A_557] : memref<6400xi32, #tpu.memory_space<vmem>> -> memref<400xi32, #tpu.memory_space<vmem>>
    %dma_start3A_559 = arith.constant 0 : i32
    %dma_start3A_560 = arith.constant 0 : i32
    %dma_start3A_561 = tpu.memref_slice %arg3[%dma_start3A_559, %dma_start3A_560] : memref<513x64xf32, #tpu.memory_space<hbm>> -> memref<513x64xf32, #tpu.memory_space<hbm>>
    tpu.enqueue_indirect_dma source(%dma_start3A_561 : memref<513x64xf32, #tpu.memory_space<hbm>>) target(%arg19 : memref<400x64xf32, #tpu.memory_space<vmem>>) offsets(%dma_start3A_558 : memref<400xi32, #tpu.memory_space<vmem>>) semaphore(%arg23 : memref<!tpu.dma_semaphore, #tpu.memory_space<semaphore_mem>>)
    %dma_wait3A_562 = arith.constant 3200 : i32
    %dma_wait3A_563 = tpu.memref_slice %arg14[%dma_wait3A_562] : memref<6400xi32, #tpu.memory_space<vmem>> -> memref<400xi32, #tpu.memory_space<vmem>>
    %dma_wait3A_564 = arith.constant 0 : i32
    %dma_wait3A_565 = arith.constant 0 : i32
    %dma_wait3A_566 = tpu.memref_slice %arg3[%dma_wait3A_564, %dma_wait3A_565] : memref<513x64xf32, #tpu.memory_space<hbm>> -> memref<513x64xf32, #tpu.memory_space<hbm>>
    tpu.wait_indirect_dma semaphore(%arg21 : memref<!tpu.dma_semaphore, #tpu.memory_space<semaphore_mem>>) src(%dma_wait3A_566 : memref<513x64xf32, #tpu.memory_space<hbm>>) dst(%arg17 : memref<400x64xf32, #tpu.memory_space<vmem>>)
    %dma_start3A_567 = arith.constant 0 : i32
    %dma_start3A_568 = tpu.memref_slice %arg10[%add3A_68, %dma_start3A_567] : memref<204800x64xf32, #tpu.memory_space<hbm>> -> memref<400x64xf32, #tpu.memory_space<hbm>>
    %dma_start3A_569 = arith.constant 0 : i32
    %dma_start3A_570 = tpu.memref_slice %arg10[%add3A_68, %dma_start3A_569] : memref<204800x64xf32, #tpu.memory_space<hbm>> -> memref<400x64xf32, #tpu.memory_space<hbm>>
    tpu.enqueue_dma source(%arg17 : memref<400x64xf32, #tpu.memory_space<vmem>>) target(%dma_start3A_570 : memref<400x64xf32, #tpu.memory_space<hbm>>) target_semaphore(%arg24 : memref<!tpu.dma_semaphore, #tpu.memory_space<semaphore_mem>>)
    %dma_wait3A_571 = arith.constant 0 : i32
    %dma_wait3A_572 = tpu.memref_slice %arg10[%add3A_68, %dma_wait3A_571] : memref<204800x64xf32, #tpu.memory_space<hbm>> -> memref<400x64xf32, #tpu.memory_space<hbm>>
    %dma_wait3A_573 = arith.constant 0 : i32
    %dma_wait3A_574 = tpu.memref_slice %arg10[%add3A_68, %dma_wait3A_573] : memref<204800x64xf32, #tpu.memory_space<hbm>> -> memref<400x64xf32, #tpu.memory_space<hbm>>
    tpu.wait_dma2 semaphore(%arg24 : memref<!tpu.dma_semaphore, #tpu.memory_space<semaphore_mem>>) src(%arg17 : memref<400x64xf32, #tpu.memory_space<vmem>>) dst(%dma_wait3A_574 : memref<400x64xf32, #tpu.memory_space<hbm>>)
    %dma_start3A_575 = arith.constant 4400 : i32
    %dma_start3A_576 = tpu.memref_slice %arg14[%dma_start3A_575] : memref<6400xi32, #tpu.memory_space<vmem>> -> memref<400xi32, #tpu.memory_space<vmem>>
    %dma_start3A_577 = arith.constant 0 : i32
    %dma_start3A_578 = arith.constant 0 : i32
    %dma_start3A_579 = tpu.memref_slice %arg3[%dma_start3A_577, %dma_start3A_578] : memref<513x64xf32, #tpu.memory_space<hbm>> -> memref<513x64xf32, #tpu.memory_space<hbm>>
    tpu.enqueue_indirect_dma source(%dma_start3A_579 : memref<513x64xf32, #tpu.memory_space<hbm>>) target(%arg17 : memref<400x64xf32, #tpu.memory_space<vmem>>) offsets(%dma_start3A_576 : memref<400xi32, #tpu.memory_space<vmem>>) semaphore(%arg21 : memref<!tpu.dma_semaphore, #tpu.memory_space<semaphore_mem>>)
    %dma_wait3A_580 = arith.constant 3600 : i32
    %dma_wait3A_581 = tpu.memref_slice %arg14[%dma_wait3A_580] : memref<6400xi32, #tpu.memory_space<vmem>> -> memref<400xi32, #tpu.memory_space<vmem>>
    %dma_wait3A_582 = arith.constant 0 : i32
    %dma_wait3A_583 = arith.constant 0 : i32
    %dma_wait3A_584 = tpu.memref_slice %arg3[%dma_wait3A_582, %dma_wait3A_583] : memref<513x64xf32, #tpu.memory_space<hbm>> -> memref<513x64xf32, #tpu.memory_space<hbm>>
    tpu.wait_indirect_dma semaphore(%arg22 : memref<!tpu.dma_semaphore, #tpu.memory_space<semaphore_mem>>) src(%dma_wait3A_584 : memref<513x64xf32, #tpu.memory_space<hbm>>) dst(%arg18 : memref<400x64xf32, #tpu.memory_space<vmem>>)
    %dma_start3A_585 = arith.constant 0 : i32
    %dma_start3A_586 = tpu.memref_slice %arg10[%add3A_70, %dma_start3A_585] : memref<204800x64xf32, #tpu.memory_space<hbm>> -> memref<400x64xf32, #tpu.memory_space<hbm>>
    %dma_start3A_587 = arith.constant 0 : i32
    %dma_start3A_588 = tpu.memref_slice %arg10[%add3A_70, %dma_start3A_587] : memref<204800x64xf32, #tpu.memory_space<hbm>> -> memref<400x64xf32, #tpu.memory_space<hbm>>
    tpu.enqueue_dma source(%arg18 : memref<400x64xf32, #tpu.memory_space<vmem>>) target(%dma_start3A_588 : memref<400x64xf32, #tpu.memory_space<hbm>>) target_semaphore(%arg25 : memref<!tpu.dma_semaphore, #tpu.memory_space<semaphore_mem>>)
    %dma_wait3A_589 = arith.constant 0 : i32
    %dma_wait3A_590 = tpu.memref_slice %arg10[%add3A_70, %dma_wait3A_589] : memref<204800x64xf32, #tpu.memory_space<hbm>> -> memref<400x64xf32, #tpu.memory_space<hbm>>
    %dma_wait3A_591 = arith.constant 0 : i32
    %dma_wait3A_592 = tpu.memref_slice %arg10[%add3A_70, %dma_wait3A_591] : memref<204800x64xf32, #tpu.memory_space<hbm>> -> memref<400x64xf32, #tpu.memory_space<hbm>>
    tpu.wait_dma2 semaphore(%arg25 : memref<!tpu.dma_semaphore, #tpu.memory_space<semaphore_mem>>) src(%arg18 : memref<400x64xf32, #tpu.memory_space<vmem>>) dst(%dma_wait3A_592 : memref<400x64xf32, #tpu.memory_space<hbm>>)
    %dma_start3A_593 = arith.constant 4800 : i32
    %dma_start3A_594 = tpu.memref_slice %arg14[%dma_start3A_593] : memref<6400xi32, #tpu.memory_space<vmem>> -> memref<400xi32, #tpu.memory_space<vmem>>
    %dma_start3A_595 = arith.constant 0 : i32
    %dma_start3A_596 = arith.constant 0 : i32
    %dma_start3A_597 = tpu.memref_slice %arg3[%dma_start3A_595, %dma_start3A_596] : memref<513x64xf32, #tpu.memory_space<hbm>> -> memref<513x64xf32, #tpu.memory_space<hbm>>
    tpu.enqueue_indirect_dma source(%dma_start3A_597 : memref<513x64xf32, #tpu.memory_space<hbm>>) target(%arg18 : memref<400x64xf32, #tpu.memory_space<vmem>>) offsets(%dma_start3A_594 : memref<400xi32, #tpu.memory_space<vmem>>) semaphore(%arg22 : memref<!tpu.dma_semaphore, #tpu.memory_space<semaphore_mem>>)
    %dma_wait3A_598 = arith.constant 4000 : i32
    %dma_wait3A_599 = tpu.memref_slice %arg14[%dma_wait3A_598] : memref<6400xi32, #tpu.memory_space<vmem>> -> memref<400xi32, #tpu.memory_space<vmem>>
    %dma_wait3A_600 = arith.constant 0 : i32
    %dma_wait3A_601 = arith.constant 0 : i32
    %dma_wait3A_602 = tpu.memref_slice %arg3[%dma_wait3A_600, %dma_wait3A_601] : memref<513x64xf32, #tpu.memory_space<hbm>> -> memref<513x64xf32, #tpu.memory_space<hbm>>
    tpu.wait_indirect_dma semaphore(%arg23 : memref<!tpu.dma_semaphore, #tpu.memory_space<semaphore_mem>>) src(%dma_wait3A_602 : memref<513x64xf32, #tpu.memory_space<hbm>>) dst(%arg19 : memref<400x64xf32, #tpu.memory_space<vmem>>)
    %dma_start3A_603 = arith.constant 0 : i32
    %dma_start3A_604 = tpu.memref_slice %arg10[%add3A_72, %dma_start3A_603] : memref<204800x64xf32, #tpu.memory_space<hbm>> -> memref<400x64xf32, #tpu.memory_space<hbm>>
    %dma_start3A_605 = arith.constant 0 : i32
    %dma_start3A_606 = tpu.memref_slice %arg10[%add3A_72, %dma_start3A_605] : memref<204800x64xf32, #tpu.memory_space<hbm>> -> memref<400x64xf32, #tpu.memory_space<hbm>>
    tpu.enqueue_dma source(%arg19 : memref<400x64xf32, #tpu.memory_space<vmem>>) target(%dma_start3A_606 : memref<400x64xf32, #tpu.memory_space<hbm>>) target_semaphore(%arg26 : memref<!tpu.dma_semaphore, #tpu.memory_space<semaphore_mem>>)
    %dma_wait3A_607 = arith.constant 0 : i32
    %dma_wait3A_608 = tpu.memref_slice %arg10[%add3A_72, %dma_wait3A_607] : memref<204800x64xf32, #tpu.memory_space<hbm>> -> memref<400x64xf32, #tpu.memory_space<hbm>>
    %dma_wait3A_609 = arith.constant 0 : i32
    %dma_wait3A_610 = tpu.memref_slice %arg10[%add3A_72, %dma_wait3A_609] : memref<204800x64xf32, #tpu.memory_space<hbm>> -> memref<400x64xf32, #tpu.memory_space<hbm>>
    tpu.wait_dma2 semaphore(%arg26 : memref<!tpu.dma_semaphore, #tpu.memory_space<semaphore_mem>>) src(%arg19 : memref<400x64xf32, #tpu.memory_space<vmem>>) dst(%dma_wait3A_610 : memref<400x64xf32, #tpu.memory_space<hbm>>)
    %dma_start3A_611 = arith.constant 5200 : i32
    %dma_start3A_612 = tpu.memref_slice %arg14[%dma_start3A_611] : memref<6400xi32, #tpu.memory_space<vmem>> -> memref<400xi32, #tpu.memory_space<vmem>>
    %dma_start3A_613 = arith.constant 0 : i32
    %dma_start3A_614 = arith.constant 0 : i32
    %dma_start3A_615 = tpu.memref_slice %arg3[%dma_start3A_613, %dma_start3A_614] : memref<513x64xf32, #tpu.memory_space<hbm>> -> memref<513x64xf32, #tpu.memory_space<hbm>>
    tpu.enqueue_indirect_dma source(%dma_start3A_615 : memref<513x64xf32, #tpu.memory_space<hbm>>) target(%arg19 : memref<400x64xf32, #tpu.memory_space<vmem>>) offsets(%dma_start3A_612 : memref<400xi32, #tpu.memory_space<vmem>>) semaphore(%arg23 : memref<!tpu.dma_semaphore, #tpu.memory_space<semaphore_mem>>)
    %dma_wait3A_616 = arith.constant 4400 : i32
    %dma_wait3A_617 = tpu.memref_slice %arg14[%dma_wait3A_616] : memref<6400xi32, #tpu.memory_space<vmem>> -> memref<400xi32, #tpu.memory_space<vmem>>
    %dma_wait3A_618 = arith.constant 0 : i32
    %dma_wait3A_619 = arith.constant 0 : i32
    %dma_wait3A_620 = tpu.memref_slice %arg3[%dma_wait3A_618, %dma_wait3A_619] : memref<513x64xf32, #tpu.memory_space<hbm>> -> memref<513x64xf32, #tpu.memory_space<hbm>>
    tpu.wait_indirect_dma semaphore(%arg21 : memref<!tpu.dma_semaphore, #tpu.memory_space<semaphore_mem>>) src(%dma_wait3A_620 : memref<513x64xf32, #tpu.memory_space<hbm>>) dst(%arg17 : memref<400x64xf32, #tpu.memory_space<vmem>>)
    %dma_start3A_621 = arith.constant 0 : i32
    %dma_start3A_622 = tpu.memref_slice %arg10[%add3A_74, %dma_start3A_621] : memref<204800x64xf32, #tpu.memory_space<hbm>> -> memref<400x64xf32, #tpu.memory_space<hbm>>
    %dma_start3A_623 = arith.constant 0 : i32
    %dma_start3A_624 = tpu.memref_slice %arg10[%add3A_74, %dma_start3A_623] : memref<204800x64xf32, #tpu.memory_space<hbm>> -> memref<400x64xf32, #tpu.memory_space<hbm>>
    tpu.enqueue_dma source(%arg17 : memref<400x64xf32, #tpu.memory_space<vmem>>) target(%dma_start3A_624 : memref<400x64xf32, #tpu.memory_space<hbm>>) target_semaphore(%arg24 : memref<!tpu.dma_semaphore, #tpu.memory_space<semaphore_mem>>)
    %dma_wait3A_625 = arith.constant 0 : i32
    %dma_wait3A_626 = tpu.memref_slice %arg10[%add3A_74, %dma_wait3A_625] : memref<204800x64xf32, #tpu.memory_space<hbm>> -> memref<400x64xf32, #tpu.memory_space<hbm>>
    %dma_wait3A_627 = arith.constant 0 : i32
    %dma_wait3A_628 = tpu.memref_slice %arg10[%add3A_74, %dma_wait3A_627] : memref<204800x64xf32, #tpu.memory_space<hbm>> -> memref<400x64xf32, #tpu.memory_space<hbm>>
    tpu.wait_dma2 semaphore(%arg24 : memref<!tpu.dma_semaphore, #tpu.memory_space<semaphore_mem>>) src(%arg17 : memref<400x64xf32, #tpu.memory_space<vmem>>) dst(%dma_wait3A_628 : memref<400x64xf32, #tpu.memory_space<hbm>>)
    %dma_start3A_629 = arith.constant 5600 : i32
    %dma_start3A_630 = tpu.memref_slice %arg14[%dma_start3A_629] : memref<6400xi32, #tpu.memory_space<vmem>> -> memref<400xi32, #tpu.memory_space<vmem>>
    %dma_start3A_631 = arith.constant 0 : i32
    %dma_start3A_632 = arith.constant 0 : i32
    %dma_start3A_633 = tpu.memref_slice %arg3[%dma_start3A_631, %dma_start3A_632] : memref<513x64xf32, #tpu.memory_space<hbm>> -> memref<513x64xf32, #tpu.memory_space<hbm>>
    tpu.enqueue_indirect_dma source(%dma_start3A_633 : memref<513x64xf32, #tpu.memory_space<hbm>>) target(%arg17 : memref<400x64xf32, #tpu.memory_space<vmem>>) offsets(%dma_start3A_630 : memref<400xi32, #tpu.memory_space<vmem>>) semaphore(%arg21 : memref<!tpu.dma_semaphore, #tpu.memory_space<semaphore_mem>>)
    %dma_wait3A_634 = arith.constant 4800 : i32
    %dma_wait3A_635 = tpu.memref_slice %arg14[%dma_wait3A_634] : memref<6400xi32, #tpu.memory_space<vmem>> -> memref<400xi32, #tpu.memory_space<vmem>>
    %dma_wait3A_636 = arith.constant 0 : i32
    %dma_wait3A_637 = arith.constant 0 : i32
    %dma_wait3A_638 = tpu.memref_slice %arg3[%dma_wait3A_636, %dma_wait3A_637] : memref<513x64xf32, #tpu.memory_space<hbm>> -> memref<513x64xf32, #tpu.memory_space<hbm>>
    tpu.wait_indirect_dma semaphore(%arg22 : memref<!tpu.dma_semaphore, #tpu.memory_space<semaphore_mem>>) src(%dma_wait3A_638 : memref<513x64xf32, #tpu.memory_space<hbm>>) dst(%arg18 : memref<400x64xf32, #tpu.memory_space<vmem>>)
    %dma_start3A_639 = arith.constant 0 : i32
    %dma_start3A_640 = tpu.memref_slice %arg10[%add3A_76, %dma_start3A_639] : memref<204800x64xf32, #tpu.memory_space<hbm>> -> memref<400x64xf32, #tpu.memory_space<hbm>>
    %dma_start3A_641 = arith.constant 0 : i32
    %dma_start3A_642 = tpu.memref_slice %arg10[%add3A_76, %dma_start3A_641] : memref<204800x64xf32, #tpu.memory_space<hbm>> -> memref<400x64xf32, #tpu.memory_space<hbm>>
    tpu.enqueue_dma source(%arg18 : memref<400x64xf32, #tpu.memory_space<vmem>>) target(%dma_start3A_642 : memref<400x64xf32, #tpu.memory_space<hbm>>) target_semaphore(%arg25 : memref<!tpu.dma_semaphore, #tpu.memory_space<semaphore_mem>>)
    %dma_wait3A_643 = arith.constant 0 : i32
    %dma_wait3A_644 = tpu.memref_slice %arg10[%add3A_76, %dma_wait3A_643] : memref<204800x64xf32, #tpu.memory_space<hbm>> -> memref<400x64xf32, #tpu.memory_space<hbm>>
    %dma_wait3A_645 = arith.constant 0 : i32
    %dma_wait3A_646 = tpu.memref_slice %arg10[%add3A_76, %dma_wait3A_645] : memref<204800x64xf32, #tpu.memory_space<hbm>> -> memref<400x64xf32, #tpu.memory_space<hbm>>
    tpu.wait_dma2 semaphore(%arg25 : memref<!tpu.dma_semaphore, #tpu.memory_space<semaphore_mem>>) src(%arg18 : memref<400x64xf32, #tpu.memory_space<vmem>>) dst(%dma_wait3A_646 : memref<400x64xf32, #tpu.memory_space<hbm>>)
    %dma_start3A_647 = arith.constant 6000 : i32
    %dma_start3A_648 = tpu.memref_slice %arg14[%dma_start3A_647] : memref<6400xi32, #tpu.memory_space<vmem>> -> memref<400xi32, #tpu.memory_space<vmem>>
    %dma_start3A_649 = arith.constant 0 : i32
    %dma_start3A_650 = arith.constant 0 : i32
    %dma_start3A_651 = tpu.memref_slice %arg3[%dma_start3A_649, %dma_start3A_650] : memref<513x64xf32, #tpu.memory_space<hbm>> -> memref<513x64xf32, #tpu.memory_space<hbm>>
    tpu.enqueue_indirect_dma source(%dma_start3A_651 : memref<513x64xf32, #tpu.memory_space<hbm>>) target(%arg18 : memref<400x64xf32, #tpu.memory_space<vmem>>) offsets(%dma_start3A_648 : memref<400xi32, #tpu.memory_space<vmem>>) semaphore(%arg22 : memref<!tpu.dma_semaphore, #tpu.memory_space<semaphore_mem>>)
    %dma_wait3A_652 = arith.constant 5200 : i32
    %dma_wait3A_653 = tpu.memref_slice %arg14[%dma_wait3A_652] : memref<6400xi32, #tpu.memory_space<vmem>> -> memref<400xi32, #tpu.memory_space<vmem>>
    %dma_wait3A_654 = arith.constant 0 : i32
    %dma_wait3A_655 = arith.constant 0 : i32
    %dma_wait3A_656 = tpu.memref_slice %arg3[%dma_wait3A_654, %dma_wait3A_655] : memref<513x64xf32, #tpu.memory_space<hbm>> -> memref<513x64xf32, #tpu.memory_space<hbm>>
    tpu.wait_indirect_dma semaphore(%arg23 : memref<!tpu.dma_semaphore, #tpu.memory_space<semaphore_mem>>) src(%dma_wait3A_656 : memref<513x64xf32, #tpu.memory_space<hbm>>) dst(%arg19 : memref<400x64xf32, #tpu.memory_space<vmem>>)
    %dma_start3A_657 = arith.constant 0 : i32
    %dma_start3A_658 = tpu.memref_slice %arg10[%add3A_78, %dma_start3A_657] : memref<204800x64xf32, #tpu.memory_space<hbm>> -> memref<400x64xf32, #tpu.memory_space<hbm>>
    %dma_start3A_659 = arith.constant 0 : i32
    %dma_start3A_660 = tpu.memref_slice %arg10[%add3A_78, %dma_start3A_659] : memref<204800x64xf32, #tpu.memory_space<hbm>> -> memref<400x64xf32, #tpu.memory_space<hbm>>
    tpu.enqueue_dma source(%arg19 : memref<400x64xf32, #tpu.memory_space<vmem>>) target(%dma_start3A_660 : memref<400x64xf32, #tpu.memory_space<hbm>>) target_semaphore(%arg26 : memref<!tpu.dma_semaphore, #tpu.memory_space<semaphore_mem>>)
    %dma_wait3A_661 = arith.constant 0 : i32
    %dma_wait3A_662 = tpu.memref_slice %arg10[%add3A_78, %dma_wait3A_661] : memref<204800x64xf32, #tpu.memory_space<hbm>> -> memref<400x64xf32, #tpu.memory_space<hbm>>
    %dma_wait3A_663 = arith.constant 0 : i32
    %dma_wait3A_664 = tpu.memref_slice %arg10[%add3A_78, %dma_wait3A_663] : memref<204800x64xf32, #tpu.memory_space<hbm>> -> memref<400x64xf32, #tpu.memory_space<hbm>>
    tpu.wait_dma2 semaphore(%arg26 : memref<!tpu.dma_semaphore, #tpu.memory_space<semaphore_mem>>) src(%arg19 : memref<400x64xf32, #tpu.memory_space<vmem>>) dst(%dma_wait3A_664 : memref<400x64xf32, #tpu.memory_space<hbm>>)
    %dma_start3A_665 = arith.constant 0 : i32
    %dma_start3A_666 = tpu.memref_slice %arg15[%dma_start3A_665] : memref<6400xi32, #tpu.memory_space<vmem>> -> memref<400xi32, #tpu.memory_space<vmem>>
    %dma_start3A_667 = arith.constant 0 : i32
    %dma_start3A_668 = arith.constant 0 : i32
    %dma_start3A_669 = tpu.memref_slice %arg4[%dma_start3A_667, %dma_start3A_668] : memref<51x64xf32, #tpu.memory_space<hbm>> -> memref<51x64xf32, #tpu.memory_space<hbm>>
    tpu.enqueue_indirect_dma source(%dma_start3A_669 : memref<51x64xf32, #tpu.memory_space<hbm>>) target(%arg19 : memref<400x64xf32, #tpu.memory_space<vmem>>) offsets(%dma_start3A_666 : memref<400xi32, #tpu.memory_space<vmem>>) semaphore(%arg23 : memref<!tpu.dma_semaphore, #tpu.memory_space<semaphore_mem>>)
    %dma_wait3A_670 = arith.constant 5600 : i32
    %dma_wait3A_671 = tpu.memref_slice %arg14[%dma_wait3A_670] : memref<6400xi32, #tpu.memory_space<vmem>> -> memref<400xi32, #tpu.memory_space<vmem>>
    %dma_wait3A_672 = arith.constant 0 : i32
    %dma_wait3A_673 = arith.constant 0 : i32
    %dma_wait3A_674 = tpu.memref_slice %arg3[%dma_wait3A_672, %dma_wait3A_673] : memref<513x64xf32, #tpu.memory_space<hbm>> -> memref<513x64xf32, #tpu.memory_space<hbm>>
    tpu.wait_indirect_dma semaphore(%arg21 : memref<!tpu.dma_semaphore, #tpu.memory_space<semaphore_mem>>) src(%dma_wait3A_674 : memref<513x64xf32, #tpu.memory_space<hbm>>) dst(%arg17 : memref<400x64xf32, #tpu.memory_space<vmem>>)
    %dma_start3A_675 = arith.constant 0 : i32
    %dma_start3A_676 = tpu.memref_slice %arg10[%add3A_80, %dma_start3A_675] : memref<204800x64xf32, #tpu.memory_space<hbm>> -> memref<400x64xf32, #tpu.memory_space<hbm>>
    %dma_start3A_677 = arith.constant 0 : i32
    %dma_start3A_678 = tpu.memref_slice %arg10[%add3A_80, %dma_start3A_677] : memref<204800x64xf32, #tpu.memory_space<hbm>> -> memref<400x64xf32, #tpu.memory_space<hbm>>
    tpu.enqueue_dma source(%arg17 : memref<400x64xf32, #tpu.memory_space<vmem>>) target(%dma_start3A_678 : memref<400x64xf32, #tpu.memory_space<hbm>>) target_semaphore(%arg24 : memref<!tpu.dma_semaphore, #tpu.memory_space<semaphore_mem>>)
    %dma_wait3A_679 = arith.constant 0 : i32
    %dma_wait3A_680 = tpu.memref_slice %arg10[%add3A_80, %dma_wait3A_679] : memref<204800x64xf32, #tpu.memory_space<hbm>> -> memref<400x64xf32, #tpu.memory_space<hbm>>
    %dma_wait3A_681 = arith.constant 0 : i32
    %dma_wait3A_682 = tpu.memref_slice %arg10[%add3A_80, %dma_wait3A_681] : memref<204800x64xf32, #tpu.memory_space<hbm>> -> memref<400x64xf32, #tpu.memory_space<hbm>>
    tpu.wait_dma2 semaphore(%arg24 : memref<!tpu.dma_semaphore, #tpu.memory_space<semaphore_mem>>) src(%arg17 : memref<400x64xf32, #tpu.memory_space<vmem>>) dst(%dma_wait3A_682 : memref<400x64xf32, #tpu.memory_space<hbm>>)
    %dma_start3A_683 = arith.constant 400 : i32
    %dma_start3A_684 = tpu.memref_slice %arg15[%dma_start3A_683] : memref<6400xi32, #tpu.memory_space<vmem>> -> memref<400xi32, #tpu.memory_space<vmem>>
    %dma_start3A_685 = arith.constant 0 : i32
    %dma_start3A_686 = arith.constant 0 : i32
    %dma_start3A_687 = tpu.memref_slice %arg4[%dma_start3A_685, %dma_start3A_686] : memref<51x64xf32, #tpu.memory_space<hbm>> -> memref<51x64xf32, #tpu.memory_space<hbm>>
    tpu.enqueue_indirect_dma source(%dma_start3A_687 : memref<51x64xf32, #tpu.memory_space<hbm>>) target(%arg17 : memref<400x64xf32, #tpu.memory_space<vmem>>) offsets(%dma_start3A_684 : memref<400xi32, #tpu.memory_space<vmem>>) semaphore(%arg21 : memref<!tpu.dma_semaphore, #tpu.memory_space<semaphore_mem>>)
    %dma_wait3A_688 = arith.constant 6000 : i32
    %dma_wait3A_689 = tpu.memref_slice %arg14[%dma_wait3A_688] : memref<6400xi32, #tpu.memory_space<vmem>> -> memref<400xi32, #tpu.memory_space<vmem>>
    %dma_wait3A_690 = arith.constant 0 : i32
    %dma_wait3A_691 = arith.constant 0 : i32
    %dma_wait3A_692 = tpu.memref_slice %arg3[%dma_wait3A_690, %dma_wait3A_691] : memref<513x64xf32, #tpu.memory_space<hbm>> -> memref<513x64xf32, #tpu.memory_space<hbm>>
    tpu.wait_indirect_dma semaphore(%arg22 : memref<!tpu.dma_semaphore, #tpu.memory_space<semaphore_mem>>) src(%dma_wait3A_692 : memref<513x64xf32, #tpu.memory_space<hbm>>) dst(%arg18 : memref<400x64xf32, #tpu.memory_space<vmem>>)
    %dma_start3A_693 = arith.constant 0 : i32
    %dma_start3A_694 = tpu.memref_slice %arg10[%add3A_82, %dma_start3A_693] : memref<204800x64xf32, #tpu.memory_space<hbm>> -> memref<400x64xf32, #tpu.memory_space<hbm>>
    %dma_start3A_695 = arith.constant 0 : i32
    %dma_start3A_696 = tpu.memref_slice %arg10[%add3A_82, %dma_start3A_695] : memref<204800x64xf32, #tpu.memory_space<hbm>> -> memref<400x64xf32, #tpu.memory_space<hbm>>
    tpu.enqueue_dma source(%arg18 : memref<400x64xf32, #tpu.memory_space<vmem>>) target(%dma_start3A_696 : memref<400x64xf32, #tpu.memory_space<hbm>>) target_semaphore(%arg25 : memref<!tpu.dma_semaphore, #tpu.memory_space<semaphore_mem>>)
    %dma_wait3A_697 = arith.constant 0 : i32
    %dma_wait3A_698 = tpu.memref_slice %arg10[%add3A_82, %dma_wait3A_697] : memref<204800x64xf32, #tpu.memory_space<hbm>> -> memref<400x64xf32, #tpu.memory_space<hbm>>
    %dma_wait3A_699 = arith.constant 0 : i32
    %dma_wait3A_700 = tpu.memref_slice %arg10[%add3A_82, %dma_wait3A_699] : memref<204800x64xf32, #tpu.memory_space<hbm>> -> memref<400x64xf32, #tpu.memory_space<hbm>>
    tpu.wait_dma2 semaphore(%arg25 : memref<!tpu.dma_semaphore, #tpu.memory_space<semaphore_mem>>) src(%arg18 : memref<400x64xf32, #tpu.memory_space<vmem>>) dst(%dma_wait3A_700 : memref<400x64xf32, #tpu.memory_space<hbm>>)
    %dma_start3A_701 = arith.constant 800 : i32
    %dma_start3A_702 = tpu.memref_slice %arg15[%dma_start3A_701] : memref<6400xi32, #tpu.memory_space<vmem>> -> memref<400xi32, #tpu.memory_space<vmem>>
    %dma_start3A_703 = arith.constant 0 : i32
    %dma_start3A_704 = arith.constant 0 : i32
    %dma_start3A_705 = tpu.memref_slice %arg4[%dma_start3A_703, %dma_start3A_704] : memref<51x64xf32, #tpu.memory_space<hbm>> -> memref<51x64xf32, #tpu.memory_space<hbm>>
    tpu.enqueue_indirect_dma source(%dma_start3A_705 : memref<51x64xf32, #tpu.memory_space<hbm>>) target(%arg18 : memref<400x64xf32, #tpu.memory_space<vmem>>) offsets(%dma_start3A_702 : memref<400xi32, #tpu.memory_space<vmem>>) semaphore(%arg22 : memref<!tpu.dma_semaphore, #tpu.memory_space<semaphore_mem>>)
    %dma_wait3A_706 = arith.constant 0 : i32
    %dma_wait3A_707 = tpu.memref_slice %arg15[%dma_wait3A_706] : memref<6400xi32, #tpu.memory_space<vmem>> -> memref<400xi32, #tpu.memory_space<vmem>>
    %dma_wait3A_708 = arith.constant 0 : i32
    %dma_wait3A_709 = arith.constant 0 : i32
    %dma_wait3A_710 = tpu.memref_slice %arg4[%dma_wait3A_708, %dma_wait3A_709] : memref<51x64xf32, #tpu.memory_space<hbm>> -> memref<51x64xf32, #tpu.memory_space<hbm>>
    tpu.wait_indirect_dma semaphore(%arg23 : memref<!tpu.dma_semaphore, #tpu.memory_space<semaphore_mem>>) src(%dma_wait3A_710 : memref<51x64xf32, #tpu.memory_space<hbm>>) dst(%arg19 : memref<400x64xf32, #tpu.memory_space<vmem>>)
    %dma_start3A_711 = arith.constant 0 : i32
    %dma_start3A_712 = tpu.memref_slice %arg11[%add3A_84, %dma_start3A_711] : memref<204800x64xf32, #tpu.memory_space<hbm>> -> memref<400x64xf32, #tpu.memory_space<hbm>>
    %dma_start3A_713 = arith.constant 0 : i32
    %dma_start3A_714 = tpu.memref_slice %arg11[%add3A_84, %dma_start3A_713] : memref<204800x64xf32, #tpu.memory_space<hbm>> -> memref<400x64xf32, #tpu.memory_space<hbm>>
    tpu.enqueue_dma source(%arg19 : memref<400x64xf32, #tpu.memory_space<vmem>>) target(%dma_start3A_714 : memref<400x64xf32, #tpu.memory_space<hbm>>) target_semaphore(%arg26 : memref<!tpu.dma_semaphore, #tpu.memory_space<semaphore_mem>>)
    %dma_wait3A_715 = arith.constant 0 : i32
    %dma_wait3A_716 = tpu.memref_slice %arg11[%add3A_84, %dma_wait3A_715] : memref<204800x64xf32, #tpu.memory_space<hbm>> -> memref<400x64xf32, #tpu.memory_space<hbm>>
    %dma_wait3A_717 = arith.constant 0 : i32
    %dma_wait3A_718 = tpu.memref_slice %arg11[%add3A_84, %dma_wait3A_717] : memref<204800x64xf32, #tpu.memory_space<hbm>> -> memref<400x64xf32, #tpu.memory_space<hbm>>
    tpu.wait_dma2 semaphore(%arg26 : memref<!tpu.dma_semaphore, #tpu.memory_space<semaphore_mem>>) src(%arg19 : memref<400x64xf32, #tpu.memory_space<vmem>>) dst(%dma_wait3A_718 : memref<400x64xf32, #tpu.memory_space<hbm>>)
    %dma_start3A_719 = arith.constant 1200 : i32
    %dma_start3A_720 = tpu.memref_slice %arg15[%dma_start3A_719] : memref<6400xi32, #tpu.memory_space<vmem>> -> memref<400xi32, #tpu.memory_space<vmem>>
    %dma_start3A_721 = arith.constant 0 : i32
    %dma_start3A_722 = arith.constant 0 : i32
    %dma_start3A_723 = tpu.memref_slice %arg4[%dma_start3A_721, %dma_start3A_722] : memref<51x64xf32, #tpu.memory_space<hbm>> -> memref<51x64xf32, #tpu.memory_space<hbm>>
    tpu.enqueue_indirect_dma source(%dma_start3A_723 : memref<51x64xf32, #tpu.memory_space<hbm>>) target(%arg19 : memref<400x64xf32, #tpu.memory_space<vmem>>) offsets(%dma_start3A_720 : memref<400xi32, #tpu.memory_space<vmem>>) semaphore(%arg23 : memref<!tpu.dma_semaphore, #tpu.memory_space<semaphore_mem>>)
    %dma_wait3A_724 = arith.constant 400 : i32
    %dma_wait3A_725 = tpu.memref_slice %arg15[%dma_wait3A_724] : memref<6400xi32, #tpu.memory_space<vmem>> -> memref<400xi32, #tpu.memory_space<vmem>>
    %dma_wait3A_726 = arith.constant 0 : i32
    %dma_wait3A_727 = arith.constant 0 : i32
    %dma_wait3A_728 = tpu.memref_slice %arg4[%dma_wait3A_726, %dma_wait3A_727] : memref<51x64xf32, #tpu.memory_space<hbm>> -> memref<51x64xf32, #tpu.memory_space<hbm>>
    tpu.wait_indirect_dma semaphore(%arg21 : memref<!tpu.dma_semaphore, #tpu.memory_space<semaphore_mem>>) src(%dma_wait3A_728 : memref<51x64xf32, #tpu.memory_space<hbm>>) dst(%arg17 : memref<400x64xf32, #tpu.memory_space<vmem>>)
    %dma_start3A_729 = arith.constant 0 : i32
    %dma_start3A_730 = tpu.memref_slice %arg11[%add3A_86, %dma_start3A_729] : memref<204800x64xf32, #tpu.memory_space<hbm>> -> memref<400x64xf32, #tpu.memory_space<hbm>>
    %dma_start3A_731 = arith.constant 0 : i32
    %dma_start3A_732 = tpu.memref_slice %arg11[%add3A_86, %dma_start3A_731] : memref<204800x64xf32, #tpu.memory_space<hbm>> -> memref<400x64xf32, #tpu.memory_space<hbm>>
    tpu.enqueue_dma source(%arg17 : memref<400x64xf32, #tpu.memory_space<vmem>>) target(%dma_start3A_732 : memref<400x64xf32, #tpu.memory_space<hbm>>) target_semaphore(%arg24 : memref<!tpu.dma_semaphore, #tpu.memory_space<semaphore_mem>>)
    %dma_wait3A_733 = arith.constant 0 : i32
    %dma_wait3A_734 = tpu.memref_slice %arg11[%add3A_86, %dma_wait3A_733] : memref<204800x64xf32, #tpu.memory_space<hbm>> -> memref<400x64xf32, #tpu.memory_space<hbm>>
    %dma_wait3A_735 = arith.constant 0 : i32
    %dma_wait3A_736 = tpu.memref_slice %arg11[%add3A_86, %dma_wait3A_735] : memref<204800x64xf32, #tpu.memory_space<hbm>> -> memref<400x64xf32, #tpu.memory_space<hbm>>
    tpu.wait_dma2 semaphore(%arg24 : memref<!tpu.dma_semaphore, #tpu.memory_space<semaphore_mem>>) src(%arg17 : memref<400x64xf32, #tpu.memory_space<vmem>>) dst(%dma_wait3A_736 : memref<400x64xf32, #tpu.memory_space<hbm>>)
    %dma_start3A_737 = arith.constant 1600 : i32
    %dma_start3A_738 = tpu.memref_slice %arg15[%dma_start3A_737] : memref<6400xi32, #tpu.memory_space<vmem>> -> memref<400xi32, #tpu.memory_space<vmem>>
    %dma_start3A_739 = arith.constant 0 : i32
    %dma_start3A_740 = arith.constant 0 : i32
    %dma_start3A_741 = tpu.memref_slice %arg4[%dma_start3A_739, %dma_start3A_740] : memref<51x64xf32, #tpu.memory_space<hbm>> -> memref<51x64xf32, #tpu.memory_space<hbm>>
    tpu.enqueue_indirect_dma source(%dma_start3A_741 : memref<51x64xf32, #tpu.memory_space<hbm>>) target(%arg17 : memref<400x64xf32, #tpu.memory_space<vmem>>) offsets(%dma_start3A_738 : memref<400xi32, #tpu.memory_space<vmem>>) semaphore(%arg21 : memref<!tpu.dma_semaphore, #tpu.memory_space<semaphore_mem>>)
    %dma_wait3A_742 = arith.constant 800 : i32
    %dma_wait3A_743 = tpu.memref_slice %arg15[%dma_wait3A_742] : memref<6400xi32, #tpu.memory_space<vmem>> -> memref<400xi32, #tpu.memory_space<vmem>>
    %dma_wait3A_744 = arith.constant 0 : i32
    %dma_wait3A_745 = arith.constant 0 : i32
    %dma_wait3A_746 = tpu.memref_slice %arg4[%dma_wait3A_744, %dma_wait3A_745] : memref<51x64xf32, #tpu.memory_space<hbm>> -> memref<51x64xf32, #tpu.memory_space<hbm>>
    tpu.wait_indirect_dma semaphore(%arg22 : memref<!tpu.dma_semaphore, #tpu.memory_space<semaphore_mem>>) src(%dma_wait3A_746 : memref<51x64xf32, #tpu.memory_space<hbm>>) dst(%arg18 : memref<400x64xf32, #tpu.memory_space<vmem>>)
    %dma_start3A_747 = arith.constant 0 : i32
    %dma_start3A_748 = tpu.memref_slice %arg11[%add3A_88, %dma_start3A_747] : memref<204800x64xf32, #tpu.memory_space<hbm>> -> memref<400x64xf32, #tpu.memory_space<hbm>>
    %dma_start3A_749 = arith.constant 0 : i32
    %dma_start3A_750 = tpu.memref_slice %arg11[%add3A_88, %dma_start3A_749] : memref<204800x64xf32, #tpu.memory_space<hbm>> -> memref<400x64xf32, #tpu.memory_space<hbm>>
    tpu.enqueue_dma source(%arg18 : memref<400x64xf32, #tpu.memory_space<vmem>>) target(%dma_start3A_750 : memref<400x64xf32, #tpu.memory_space<hbm>>) target_semaphore(%arg25 : memref<!tpu.dma_semaphore, #tpu.memory_space<semaphore_mem>>)
    %dma_wait3A_751 = arith.constant 0 : i32
    %dma_wait3A_752 = tpu.memref_slice %arg11[%add3A_88, %dma_wait3A_751] : memref<204800x64xf32, #tpu.memory_space<hbm>> -> memref<400x64xf32, #tpu.memory_space<hbm>>
    %dma_wait3A_753 = arith.constant 0 : i32
    %dma_wait3A_754 = tpu.memref_slice %arg11[%add3A_88, %dma_wait3A_753] : memref<204800x64xf32, #tpu.memory_space<hbm>> -> memref<400x64xf32, #tpu.memory_space<hbm>>
    tpu.wait_dma2 semaphore(%arg25 : memref<!tpu.dma_semaphore, #tpu.memory_space<semaphore_mem>>) src(%arg18 : memref<400x64xf32, #tpu.memory_space<vmem>>) dst(%dma_wait3A_754 : memref<400x64xf32, #tpu.memory_space<hbm>>)
    %dma_start3A_755 = arith.constant 2000 : i32
    %dma_start3A_756 = tpu.memref_slice %arg15[%dma_start3A_755] : memref<6400xi32, #tpu.memory_space<vmem>> -> memref<400xi32, #tpu.memory_space<vmem>>
    %dma_start3A_757 = arith.constant 0 : i32
    %dma_start3A_758 = arith.constant 0 : i32
    %dma_start3A_759 = tpu.memref_slice %arg4[%dma_start3A_757, %dma_start3A_758] : memref<51x64xf32, #tpu.memory_space<hbm>> -> memref<51x64xf32, #tpu.memory_space<hbm>>
    tpu.enqueue_indirect_dma source(%dma_start3A_759 : memref<51x64xf32, #tpu.memory_space<hbm>>) target(%arg18 : memref<400x64xf32, #tpu.memory_space<vmem>>) offsets(%dma_start3A_756 : memref<400xi32, #tpu.memory_space<vmem>>) semaphore(%arg22 : memref<!tpu.dma_semaphore, #tpu.memory_space<semaphore_mem>>)
    %dma_wait3A_760 = arith.constant 1200 : i32
    %dma_wait3A_761 = tpu.memref_slice %arg15[%dma_wait3A_760] : memref<6400xi32, #tpu.memory_space<vmem>> -> memref<400xi32, #tpu.memory_space<vmem>>
    %dma_wait3A_762 = arith.constant 0 : i32
    %dma_wait3A_763 = arith.constant 0 : i32
    %dma_wait3A_764 = tpu.memref_slice %arg4[%dma_wait3A_762, %dma_wait3A_763] : memref<51x64xf32, #tpu.memory_space<hbm>> -> memref<51x64xf32, #tpu.memory_space<hbm>>
    tpu.wait_indirect_dma semaphore(%arg23 : memref<!tpu.dma_semaphore, #tpu.memory_space<semaphore_mem>>) src(%dma_wait3A_764 : memref<51x64xf32, #tpu.memory_space<hbm>>) dst(%arg19 : memref<400x64xf32, #tpu.memory_space<vmem>>)
    %dma_start3A_765 = arith.constant 0 : i32
    %dma_start3A_766 = tpu.memref_slice %arg11[%add3A_90, %dma_start3A_765] : memref<204800x64xf32, #tpu.memory_space<hbm>> -> memref<400x64xf32, #tpu.memory_space<hbm>>
    %dma_start3A_767 = arith.constant 0 : i32
    %dma_start3A_768 = tpu.memref_slice %arg11[%add3A_90, %dma_start3A_767] : memref<204800x64xf32, #tpu.memory_space<hbm>> -> memref<400x64xf32, #tpu.memory_space<hbm>>
    tpu.enqueue_dma source(%arg19 : memref<400x64xf32, #tpu.memory_space<vmem>>) target(%dma_start3A_768 : memref<400x64xf32, #tpu.memory_space<hbm>>) target_semaphore(%arg26 : memref<!tpu.dma_semaphore, #tpu.memory_space<semaphore_mem>>)
    %dma_wait3A_769 = arith.constant 0 : i32
    %dma_wait3A_770 = tpu.memref_slice %arg11[%add3A_90, %dma_wait3A_769] : memref<204800x64xf32, #tpu.memory_space<hbm>> -> memref<400x64xf32, #tpu.memory_space<hbm>>
    %dma_wait3A_771 = arith.constant 0 : i32
    %dma_wait3A_772 = tpu.memref_slice %arg11[%add3A_90, %dma_wait3A_771] : memref<204800x64xf32, #tpu.memory_space<hbm>> -> memref<400x64xf32, #tpu.memory_space<hbm>>
    tpu.wait_dma2 semaphore(%arg26 : memref<!tpu.dma_semaphore, #tpu.memory_space<semaphore_mem>>) src(%arg19 : memref<400x64xf32, #tpu.memory_space<vmem>>) dst(%dma_wait3A_772 : memref<400x64xf32, #tpu.memory_space<hbm>>)
    %dma_start3A_773 = arith.constant 2400 : i32
    %dma_start3A_774 = tpu.memref_slice %arg15[%dma_start3A_773] : memref<6400xi32, #tpu.memory_space<vmem>> -> memref<400xi32, #tpu.memory_space<vmem>>
    %dma_start3A_775 = arith.constant 0 : i32
    %dma_start3A_776 = arith.constant 0 : i32
    %dma_start3A_777 = tpu.memref_slice %arg4[%dma_start3A_775, %dma_start3A_776] : memref<51x64xf32, #tpu.memory_space<hbm>> -> memref<51x64xf32, #tpu.memory_space<hbm>>
    tpu.enqueue_indirect_dma source(%dma_start3A_777 : memref<51x64xf32, #tpu.memory_space<hbm>>) target(%arg19 : memref<400x64xf32, #tpu.memory_space<vmem>>) offsets(%dma_start3A_774 : memref<400xi32, #tpu.memory_space<vmem>>) semaphore(%arg23 : memref<!tpu.dma_semaphore, #tpu.memory_space<semaphore_mem>>)
    %dma_wait3A_778 = arith.constant 1600 : i32
    %dma_wait3A_779 = tpu.memref_slice %arg15[%dma_wait3A_778] : memref<6400xi32, #tpu.memory_space<vmem>> -> memref<400xi32, #tpu.memory_space<vmem>>
    %dma_wait3A_780 = arith.constant 0 : i32
    %dma_wait3A_781 = arith.constant 0 : i32
    %dma_wait3A_782 = tpu.memref_slice %arg4[%dma_wait3A_780, %dma_wait3A_781] : memref<51x64xf32, #tpu.memory_space<hbm>> -> memref<51x64xf32, #tpu.memory_space<hbm>>
    tpu.wait_indirect_dma semaphore(%arg21 : memref<!tpu.dma_semaphore, #tpu.memory_space<semaphore_mem>>) src(%dma_wait3A_782 : memref<51x64xf32, #tpu.memory_space<hbm>>) dst(%arg17 : memref<400x64xf32, #tpu.memory_space<vmem>>)
    %dma_start3A_783 = arith.constant 0 : i32
    %dma_start3A_784 = tpu.memref_slice %arg11[%add3A_92, %dma_start3A_783] : memref<204800x64xf32, #tpu.memory_space<hbm>> -> memref<400x64xf32, #tpu.memory_space<hbm>>
    %dma_start3A_785 = arith.constant 0 : i32
    %dma_start3A_786 = tpu.memref_slice %arg11[%add3A_92, %dma_start3A_785] : memref<204800x64xf32, #tpu.memory_space<hbm>> -> memref<400x64xf32, #tpu.memory_space<hbm>>
    tpu.enqueue_dma source(%arg17 : memref<400x64xf32, #tpu.memory_space<vmem>>) target(%dma_start3A_786 : memref<400x64xf32, #tpu.memory_space<hbm>>) target_semaphore(%arg24 : memref<!tpu.dma_semaphore, #tpu.memory_space<semaphore_mem>>)
    %dma_wait3A_787 = arith.constant 0 : i32
    %dma_wait3A_788 = tpu.memref_slice %arg11[%add3A_92, %dma_wait3A_787] : memref<204800x64xf32, #tpu.memory_space<hbm>> -> memref<400x64xf32, #tpu.memory_space<hbm>>
    %dma_wait3A_789 = arith.constant 0 : i32
    %dma_wait3A_790 = tpu.memref_slice %arg11[%add3A_92, %dma_wait3A_789] : memref<204800x64xf32, #tpu.memory_space<hbm>> -> memref<400x64xf32, #tpu.memory_space<hbm>>
    tpu.wait_dma2 semaphore(%arg24 : memref<!tpu.dma_semaphore, #tpu.memory_space<semaphore_mem>>) src(%arg17 : memref<400x64xf32, #tpu.memory_space<vmem>>) dst(%dma_wait3A_790 : memref<400x64xf32, #tpu.memory_space<hbm>>)
    %dma_start3A_791 = arith.constant 2800 : i32
    %dma_start3A_792 = tpu.memref_slice %arg15[%dma_start3A_791] : memref<6400xi32, #tpu.memory_space<vmem>> -> memref<400xi32, #tpu.memory_space<vmem>>
    %dma_start3A_793 = arith.constant 0 : i32
    %dma_start3A_794 = arith.constant 0 : i32
    %dma_start3A_795 = tpu.memref_slice %arg4[%dma_start3A_793, %dma_start3A_794] : memref<51x64xf32, #tpu.memory_space<hbm>> -> memref<51x64xf32, #tpu.memory_space<hbm>>
    tpu.enqueue_indirect_dma source(%dma_start3A_795 : memref<51x64xf32, #tpu.memory_space<hbm>>) target(%arg17 : memref<400x64xf32, #tpu.memory_space<vmem>>) offsets(%dma_start3A_792 : memref<400xi32, #tpu.memory_space<vmem>>) semaphore(%arg21 : memref<!tpu.dma_semaphore, #tpu.memory_space<semaphore_mem>>)
    %dma_wait3A_796 = arith.constant 2000 : i32
    %dma_wait3A_797 = tpu.memref_slice %arg15[%dma_wait3A_796] : memref<6400xi32, #tpu.memory_space<vmem>> -> memref<400xi32, #tpu.memory_space<vmem>>
    %dma_wait3A_798 = arith.constant 0 : i32
    %dma_wait3A_799 = arith.constant 0 : i32
    %dma_wait3A_800 = tpu.memref_slice %arg4[%dma_wait3A_798, %dma_wait3A_799] : memref<51x64xf32, #tpu.memory_space<hbm>> -> memref<51x64xf32, #tpu.memory_space<hbm>>
    tpu.wait_indirect_dma semaphore(%arg22 : memref<!tpu.dma_semaphore, #tpu.memory_space<semaphore_mem>>) src(%dma_wait3A_800 : memref<51x64xf32, #tpu.memory_space<hbm>>) dst(%arg18 : memref<400x64xf32, #tpu.memory_space<vmem>>)
    %dma_start3A_801 = arith.constant 0 : i32
    %dma_start3A_802 = tpu.memref_slice %arg11[%add3A_94, %dma_start3A_801] : memref<204800x64xf32, #tpu.memory_space<hbm>> -> memref<400x64xf32, #tpu.memory_space<hbm>>
    %dma_start3A_803 = arith.constant 0 : i32
    %dma_start3A_804 = tpu.memref_slice %arg11[%add3A_94, %dma_start3A_803] : memref<204800x64xf32, #tpu.memory_space<hbm>> -> memref<400x64xf32, #tpu.memory_space<hbm>>
    tpu.enqueue_dma source(%arg18 : memref<400x64xf32, #tpu.memory_space<vmem>>) target(%dma_start3A_804 : memref<400x64xf32, #tpu.memory_space<hbm>>) target_semaphore(%arg25 : memref<!tpu.dma_semaphore, #tpu.memory_space<semaphore_mem>>)
    %dma_wait3A_805 = arith.constant 0 : i32
    %dma_wait3A_806 = tpu.memref_slice %arg11[%add3A_94, %dma_wait3A_805] : memref<204800x64xf32, #tpu.memory_space<hbm>> -> memref<400x64xf32, #tpu.memory_space<hbm>>
    %dma_wait3A_807 = arith.constant 0 : i32
    %dma_wait3A_808 = tpu.memref_slice %arg11[%add3A_94, %dma_wait3A_807] : memref<204800x64xf32, #tpu.memory_space<hbm>> -> memref<400x64xf32, #tpu.memory_space<hbm>>
    tpu.wait_dma2 semaphore(%arg25 : memref<!tpu.dma_semaphore, #tpu.memory_space<semaphore_mem>>) src(%arg18 : memref<400x64xf32, #tpu.memory_space<vmem>>) dst(%dma_wait3A_808 : memref<400x64xf32, #tpu.memory_space<hbm>>)
    %dma_start3A_809 = arith.constant 3200 : i32
    %dma_start3A_810 = tpu.memref_slice %arg15[%dma_start3A_809] : memref<6400xi32, #tpu.memory_space<vmem>> -> memref<400xi32, #tpu.memory_space<vmem>>
    %dma_start3A_811 = arith.constant 0 : i32
    %dma_start3A_812 = arith.constant 0 : i32
    %dma_start3A_813 = tpu.memref_slice %arg4[%dma_start3A_811, %dma_start3A_812] : memref<51x64xf32, #tpu.memory_space<hbm>> -> memref<51x64xf32, #tpu.memory_space<hbm>>
    tpu.enqueue_indirect_dma source(%dma_start3A_813 : memref<51x64xf32, #tpu.memory_space<hbm>>) target(%arg18 : memref<400x64xf32, #tpu.memory_space<vmem>>) offsets(%dma_start3A_810 : memref<400xi32, #tpu.memory_space<vmem>>) semaphore(%arg22 : memref<!tpu.dma_semaphore, #tpu.memory_space<semaphore_mem>>)
    %dma_wait3A_814 = arith.constant 2400 : i32
    %dma_wait3A_815 = tpu.memref_slice %arg15[%dma_wait3A_814] : memref<6400xi32, #tpu.memory_space<vmem>> -> memref<400xi32, #tpu.memory_space<vmem>>
    %dma_wait3A_816 = arith.constant 0 : i32
    %dma_wait3A_817 = arith.constant 0 : i32
    %dma_wait3A_818 = tpu.memref_slice %arg4[%dma_wait3A_816, %dma_wait3A_817] : memref<51x64xf32, #tpu.memory_space<hbm>> -> memref<51x64xf32, #tpu.memory_space<hbm>>
    tpu.wait_indirect_dma semaphore(%arg23 : memref<!tpu.dma_semaphore, #tpu.memory_space<semaphore_mem>>) src(%dma_wait3A_818 : memref<51x64xf32, #tpu.memory_space<hbm>>) dst(%arg19 : memref<400x64xf32, #tpu.memory_space<vmem>>)
    %dma_start3A_819 = arith.constant 0 : i32
    %dma_start3A_820 = tpu.memref_slice %arg11[%add3A_96, %dma_start3A_819] : memref<204800x64xf32, #tpu.memory_space<hbm>> -> memref<400x64xf32, #tpu.memory_space<hbm>>
    %dma_start3A_821 = arith.constant 0 : i32
    %dma_start3A_822 = tpu.memref_slice %arg11[%add3A_96, %dma_start3A_821] : memref<204800x64xf32, #tpu.memory_space<hbm>> -> memref<400x64xf32, #tpu.memory_space<hbm>>
    tpu.enqueue_dma source(%arg19 : memref<400x64xf32, #tpu.memory_space<vmem>>) target(%dma_start3A_822 : memref<400x64xf32, #tpu.memory_space<hbm>>) target_semaphore(%arg26 : memref<!tpu.dma_semaphore, #tpu.memory_space<semaphore_mem>>)
    %dma_wait3A_823 = arith.constant 0 : i32
    %dma_wait3A_824 = tpu.memref_slice %arg11[%add3A_96, %dma_wait3A_823] : memref<204800x64xf32, #tpu.memory_space<hbm>> -> memref<400x64xf32, #tpu.memory_space<hbm>>
    %dma_wait3A_825 = arith.constant 0 : i32
    %dma_wait3A_826 = tpu.memref_slice %arg11[%add3A_96, %dma_wait3A_825] : memref<204800x64xf32, #tpu.memory_space<hbm>> -> memref<400x64xf32, #tpu.memory_space<hbm>>
    tpu.wait_dma2 semaphore(%arg26 : memref<!tpu.dma_semaphore, #tpu.memory_space<semaphore_mem>>) src(%arg19 : memref<400x64xf32, #tpu.memory_space<vmem>>) dst(%dma_wait3A_826 : memref<400x64xf32, #tpu.memory_space<hbm>>)
    %dma_start3A_827 = arith.constant 3600 : i32
    %dma_start3A_828 = tpu.memref_slice %arg15[%dma_start3A_827] : memref<6400xi32, #tpu.memory_space<vmem>> -> memref<400xi32, #tpu.memory_space<vmem>>
    %dma_start3A_829 = arith.constant 0 : i32
    %dma_start3A_830 = arith.constant 0 : i32
    %dma_start3A_831 = tpu.memref_slice %arg4[%dma_start3A_829, %dma_start3A_830] : memref<51x64xf32, #tpu.memory_space<hbm>> -> memref<51x64xf32, #tpu.memory_space<hbm>>
    tpu.enqueue_indirect_dma source(%dma_start3A_831 : memref<51x64xf32, #tpu.memory_space<hbm>>) target(%arg19 : memref<400x64xf32, #tpu.memory_space<vmem>>) offsets(%dma_start3A_828 : memref<400xi32, #tpu.memory_space<vmem>>) semaphore(%arg23 : memref<!tpu.dma_semaphore, #tpu.memory_space<semaphore_mem>>)
    %dma_wait3A_832 = arith.constant 2800 : i32
    %dma_wait3A_833 = tpu.memref_slice %arg15[%dma_wait3A_832] : memref<6400xi32, #tpu.memory_space<vmem>> -> memref<400xi32, #tpu.memory_space<vmem>>
    %dma_wait3A_834 = arith.constant 0 : i32
    %dma_wait3A_835 = arith.constant 0 : i32
    %dma_wait3A_836 = tpu.memref_slice %arg4[%dma_wait3A_834, %dma_wait3A_835] : memref<51x64xf32, #tpu.memory_space<hbm>> -> memref<51x64xf32, #tpu.memory_space<hbm>>
    tpu.wait_indirect_dma semaphore(%arg21 : memref<!tpu.dma_semaphore, #tpu.memory_space<semaphore_mem>>) src(%dma_wait3A_836 : memref<51x64xf32, #tpu.memory_space<hbm>>) dst(%arg17 : memref<400x64xf32, #tpu.memory_space<vmem>>)
    %dma_start3A_837 = arith.constant 0 : i32
    %dma_start3A_838 = tpu.memref_slice %arg11[%add3A_98, %dma_start3A_837] : memref<204800x64xf32, #tpu.memory_space<hbm>> -> memref<400x64xf32, #tpu.memory_space<hbm>>
    %dma_start3A_839 = arith.constant 0 : i32
    %dma_start3A_840 = tpu.memref_slice %arg11[%add3A_98, %dma_start3A_839] : memref<204800x64xf32, #tpu.memory_space<hbm>> -> memref<400x64xf32, #tpu.memory_space<hbm>>
    tpu.enqueue_dma source(%arg17 : memref<400x64xf32, #tpu.memory_space<vmem>>) target(%dma_start3A_840 : memref<400x64xf32, #tpu.memory_space<hbm>>) target_semaphore(%arg24 : memref<!tpu.dma_semaphore, #tpu.memory_space<semaphore_mem>>)
    %dma_wait3A_841 = arith.constant 0 : i32
    %dma_wait3A_842 = tpu.memref_slice %arg11[%add3A_98, %dma_wait3A_841] : memref<204800x64xf32, #tpu.memory_space<hbm>> -> memref<400x64xf32, #tpu.memory_space<hbm>>
    %dma_wait3A_843 = arith.constant 0 : i32
    %dma_wait3A_844 = tpu.memref_slice %arg11[%add3A_98, %dma_wait3A_843] : memref<204800x64xf32, #tpu.memory_space<hbm>> -> memref<400x64xf32, #tpu.memory_space<hbm>>
    tpu.wait_dma2 semaphore(%arg24 : memref<!tpu.dma_semaphore, #tpu.memory_space<semaphore_mem>>) src(%arg17 : memref<400x64xf32, #tpu.memory_space<vmem>>) dst(%dma_wait3A_844 : memref<400x64xf32, #tpu.memory_space<hbm>>)
    %dma_start3A_845 = arith.constant 4000 : i32
    %dma_start3A_846 = tpu.memref_slice %arg15[%dma_start3A_845] : memref<6400xi32, #tpu.memory_space<vmem>> -> memref<400xi32, #tpu.memory_space<vmem>>
    %dma_start3A_847 = arith.constant 0 : i32
    %dma_start3A_848 = arith.constant 0 : i32
    %dma_start3A_849 = tpu.memref_slice %arg4[%dma_start3A_847, %dma_start3A_848] : memref<51x64xf32, #tpu.memory_space<hbm>> -> memref<51x64xf32, #tpu.memory_space<hbm>>
    tpu.enqueue_indirect_dma source(%dma_start3A_849 : memref<51x64xf32, #tpu.memory_space<hbm>>) target(%arg17 : memref<400x64xf32, #tpu.memory_space<vmem>>) offsets(%dma_start3A_846 : memref<400xi32, #tpu.memory_space<vmem>>) semaphore(%arg21 : memref<!tpu.dma_semaphore, #tpu.memory_space<semaphore_mem>>)
    %dma_wait3A_850 = arith.constant 3200 : i32
    %dma_wait3A_851 = tpu.memref_slice %arg15[%dma_wait3A_850] : memref<6400xi32, #tpu.memory_space<vmem>> -> memref<400xi32, #tpu.memory_space<vmem>>
    %dma_wait3A_852 = arith.constant 0 : i32
    %dma_wait3A_853 = arith.constant 0 : i32
    %dma_wait3A_854 = tpu.memref_slice %arg4[%dma_wait3A_852, %dma_wait3A_853] : memref<51x64xf32, #tpu.memory_space<hbm>> -> memref<51x64xf32, #tpu.memory_space<hbm>>
    tpu.wait_indirect_dma semaphore(%arg22 : memref<!tpu.dma_semaphore, #tpu.memory_space<semaphore_mem>>) src(%dma_wait3A_854 : memref<51x64xf32, #tpu.memory_space<hbm>>) dst(%arg18 : memref<400x64xf32, #tpu.memory_space<vmem>>)
    %dma_start3A_855 = arith.constant 0 : i32
    %dma_start3A_856 = tpu.memref_slice %arg11[%add3A_100, %dma_start3A_855] : memref<204800x64xf32, #tpu.memory_space<hbm>> -> memref<400x64xf32, #tpu.memory_space<hbm>>
    %dma_start3A_857 = arith.constant 0 : i32
    %dma_start3A_858 = tpu.memref_slice %arg11[%add3A_100, %dma_start3A_857] : memref<204800x64xf32, #tpu.memory_space<hbm>> -> memref<400x64xf32, #tpu.memory_space<hbm>>
    tpu.enqueue_dma source(%arg18 : memref<400x64xf32, #tpu.memory_space<vmem>>) target(%dma_start3A_858 : memref<400x64xf32, #tpu.memory_space<hbm>>) target_semaphore(%arg25 : memref<!tpu.dma_semaphore, #tpu.memory_space<semaphore_mem>>)
    %dma_wait3A_859 = arith.constant 0 : i32
    %dma_wait3A_860 = tpu.memref_slice %arg11[%add3A_100, %dma_wait3A_859] : memref<204800x64xf32, #tpu.memory_space<hbm>> -> memref<400x64xf32, #tpu.memory_space<hbm>>
    %dma_wait3A_861 = arith.constant 0 : i32
    %dma_wait3A_862 = tpu.memref_slice %arg11[%add3A_100, %dma_wait3A_861] : memref<204800x64xf32, #tpu.memory_space<hbm>> -> memref<400x64xf32, #tpu.memory_space<hbm>>
    tpu.wait_dma2 semaphore(%arg25 : memref<!tpu.dma_semaphore, #tpu.memory_space<semaphore_mem>>) src(%arg18 : memref<400x64xf32, #tpu.memory_space<vmem>>) dst(%dma_wait3A_862 : memref<400x64xf32, #tpu.memory_space<hbm>>)
    %dma_start3A_863 = arith.constant 4400 : i32
    %dma_start3A_864 = tpu.memref_slice %arg15[%dma_start3A_863] : memref<6400xi32, #tpu.memory_space<vmem>> -> memref<400xi32, #tpu.memory_space<vmem>>
    %dma_start3A_865 = arith.constant 0 : i32
    %dma_start3A_866 = arith.constant 0 : i32
    %dma_start3A_867 = tpu.memref_slice %arg4[%dma_start3A_865, %dma_start3A_866] : memref<51x64xf32, #tpu.memory_space<hbm>> -> memref<51x64xf32, #tpu.memory_space<hbm>>
    tpu.enqueue_indirect_dma source(%dma_start3A_867 : memref<51x64xf32, #tpu.memory_space<hbm>>) target(%arg18 : memref<400x64xf32, #tpu.memory_space<vmem>>) offsets(%dma_start3A_864 : memref<400xi32, #tpu.memory_space<vmem>>) semaphore(%arg22 : memref<!tpu.dma_semaphore, #tpu.memory_space<semaphore_mem>>)
    %dma_wait3A_868 = arith.constant 3600 : i32
    %dma_wait3A_869 = tpu.memref_slice %arg15[%dma_wait3A_868] : memref<6400xi32, #tpu.memory_space<vmem>> -> memref<400xi32, #tpu.memory_space<vmem>>
    %dma_wait3A_870 = arith.constant 0 : i32
    %dma_wait3A_871 = arith.constant 0 : i32
    %dma_wait3A_872 = tpu.memref_slice %arg4[%dma_wait3A_870, %dma_wait3A_871] : memref<51x64xf32, #tpu.memory_space<hbm>> -> memref<51x64xf32, #tpu.memory_space<hbm>>
    tpu.wait_indirect_dma semaphore(%arg23 : memref<!tpu.dma_semaphore, #tpu.memory_space<semaphore_mem>>) src(%dma_wait3A_872 : memref<51x64xf32, #tpu.memory_space<hbm>>) dst(%arg19 : memref<400x64xf32, #tpu.memory_space<vmem>>)
    %dma_start3A_873 = arith.constant 0 : i32
    %dma_start3A_874 = tpu.memref_slice %arg11[%add3A_102, %dma_start3A_873] : memref<204800x64xf32, #tpu.memory_space<hbm>> -> memref<400x64xf32, #tpu.memory_space<hbm>>
    %dma_start3A_875 = arith.constant 0 : i32
    %dma_start3A_876 = tpu.memref_slice %arg11[%add3A_102, %dma_start3A_875] : memref<204800x64xf32, #tpu.memory_space<hbm>> -> memref<400x64xf32, #tpu.memory_space<hbm>>
    tpu.enqueue_dma source(%arg19 : memref<400x64xf32, #tpu.memory_space<vmem>>) target(%dma_start3A_876 : memref<400x64xf32, #tpu.memory_space<hbm>>) target_semaphore(%arg26 : memref<!tpu.dma_semaphore, #tpu.memory_space<semaphore_mem>>)
    %dma_wait3A_877 = arith.constant 0 : i32
    %dma_wait3A_878 = tpu.memref_slice %arg11[%add3A_102, %dma_wait3A_877] : memref<204800x64xf32, #tpu.memory_space<hbm>> -> memref<400x64xf32, #tpu.memory_space<hbm>>
    %dma_wait3A_879 = arith.constant 0 : i32
    %dma_wait3A_880 = tpu.memref_slice %arg11[%add3A_102, %dma_wait3A_879] : memref<204800x64xf32, #tpu.memory_space<hbm>> -> memref<400x64xf32, #tpu.memory_space<hbm>>
    tpu.wait_dma2 semaphore(%arg26 : memref<!tpu.dma_semaphore, #tpu.memory_space<semaphore_mem>>) src(%arg19 : memref<400x64xf32, #tpu.memory_space<vmem>>) dst(%dma_wait3A_880 : memref<400x64xf32, #tpu.memory_space<hbm>>)
    %dma_start3A_881 = arith.constant 4800 : i32
    %dma_start3A_882 = tpu.memref_slice %arg15[%dma_start3A_881] : memref<6400xi32, #tpu.memory_space<vmem>> -> memref<400xi32, #tpu.memory_space<vmem>>
    %dma_start3A_883 = arith.constant 0 : i32
    %dma_start3A_884 = arith.constant 0 : i32
    %dma_start3A_885 = tpu.memref_slice %arg4[%dma_start3A_883, %dma_start3A_884] : memref<51x64xf32, #tpu.memory_space<hbm>> -> memref<51x64xf32, #tpu.memory_space<hbm>>
    tpu.enqueue_indirect_dma source(%dma_start3A_885 : memref<51x64xf32, #tpu.memory_space<hbm>>) target(%arg19 : memref<400x64xf32, #tpu.memory_space<vmem>>) offsets(%dma_start3A_882 : memref<400xi32, #tpu.memory_space<vmem>>) semaphore(%arg23 : memref<!tpu.dma_semaphore, #tpu.memory_space<semaphore_mem>>)
    %dma_wait3A_886 = arith.constant 4000 : i32
    %dma_wait3A_887 = tpu.memref_slice %arg15[%dma_wait3A_886] : memref<6400xi32, #tpu.memory_space<vmem>> -> memref<400xi32, #tpu.memory_space<vmem>>
    %dma_wait3A_888 = arith.constant 0 : i32
    %dma_wait3A_889 = arith.constant 0 : i32
    %dma_wait3A_890 = tpu.memref_slice %arg4[%dma_wait3A_888, %dma_wait3A_889] : memref<51x64xf32, #tpu.memory_space<hbm>> -> memref<51x64xf32, #tpu.memory_space<hbm>>
    tpu.wait_indirect_dma semaphore(%arg21 : memref<!tpu.dma_semaphore, #tpu.memory_space<semaphore_mem>>) src(%dma_wait3A_890 : memref<51x64xf32, #tpu.memory_space<hbm>>) dst(%arg17 : memref<400x64xf32, #tpu.memory_space<vmem>>)
    %dma_start3A_891 = arith.constant 0 : i32
    %dma_start3A_892 = tpu.memref_slice %arg11[%add3A_104, %dma_start3A_891] : memref<204800x64xf32, #tpu.memory_space<hbm>> -> memref<400x64xf32, #tpu.memory_space<hbm>>
    %dma_start3A_893 = arith.constant 0 : i32
    %dma_start3A_894 = tpu.memref_slice %arg11[%add3A_104, %dma_start3A_893] : memref<204800x64xf32, #tpu.memory_space<hbm>> -> memref<400x64xf32, #tpu.memory_space<hbm>>
    tpu.enqueue_dma source(%arg17 : memref<400x64xf32, #tpu.memory_space<vmem>>) target(%dma_start3A_894 : memref<400x64xf32, #tpu.memory_space<hbm>>) target_semaphore(%arg24 : memref<!tpu.dma_semaphore, #tpu.memory_space<semaphore_mem>>)
    %dma_wait3A_895 = arith.constant 0 : i32
    %dma_wait3A_896 = tpu.memref_slice %arg11[%add3A_104, %dma_wait3A_895] : memref<204800x64xf32, #tpu.memory_space<hbm>> -> memref<400x64xf32, #tpu.memory_space<hbm>>
    %dma_wait3A_897 = arith.constant 0 : i32
    %dma_wait3A_898 = tpu.memref_slice %arg11[%add3A_104, %dma_wait3A_897] : memref<204800x64xf32, #tpu.memory_space<hbm>> -> memref<400x64xf32, #tpu.memory_space<hbm>>
    tpu.wait_dma2 semaphore(%arg24 : memref<!tpu.dma_semaphore, #tpu.memory_space<semaphore_mem>>) src(%arg17 : memref<400x64xf32, #tpu.memory_space<vmem>>) dst(%dma_wait3A_898 : memref<400x64xf32, #tpu.memory_space<hbm>>)
    %dma_start3A_899 = arith.constant 5200 : i32
    %dma_start3A_900 = tpu.memref_slice %arg15[%dma_start3A_899] : memref<6400xi32, #tpu.memory_space<vmem>> -> memref<400xi32, #tpu.memory_space<vmem>>
    %dma_start3A_901 = arith.constant 0 : i32
    %dma_start3A_902 = arith.constant 0 : i32
    %dma_start3A_903 = tpu.memref_slice %arg4[%dma_start3A_901, %dma_start3A_902] : memref<51x64xf32, #tpu.memory_space<hbm>> -> memref<51x64xf32, #tpu.memory_space<hbm>>
    tpu.enqueue_indirect_dma source(%dma_start3A_903 : memref<51x64xf32, #tpu.memory_space<hbm>>) target(%arg17 : memref<400x64xf32, #tpu.memory_space<vmem>>) offsets(%dma_start3A_900 : memref<400xi32, #tpu.memory_space<vmem>>) semaphore(%arg21 : memref<!tpu.dma_semaphore, #tpu.memory_space<semaphore_mem>>)
    %dma_wait3A_904 = arith.constant 4400 : i32
    %dma_wait3A_905 = tpu.memref_slice %arg15[%dma_wait3A_904] : memref<6400xi32, #tpu.memory_space<vmem>> -> memref<400xi32, #tpu.memory_space<vmem>>
    %dma_wait3A_906 = arith.constant 0 : i32
    %dma_wait3A_907 = arith.constant 0 : i32
    %dma_wait3A_908 = tpu.memref_slice %arg4[%dma_wait3A_906, %dma_wait3A_907] : memref<51x64xf32, #tpu.memory_space<hbm>> -> memref<51x64xf32, #tpu.memory_space<hbm>>
    tpu.wait_indirect_dma semaphore(%arg22 : memref<!tpu.dma_semaphore, #tpu.memory_space<semaphore_mem>>) src(%dma_wait3A_908 : memref<51x64xf32, #tpu.memory_space<hbm>>) dst(%arg18 : memref<400x64xf32, #tpu.memory_space<vmem>>)
    %dma_start3A_909 = arith.constant 0 : i32
    %dma_start3A_910 = tpu.memref_slice %arg11[%add3A_106, %dma_start3A_909] : memref<204800x64xf32, #tpu.memory_space<hbm>> -> memref<400x64xf32, #tpu.memory_space<hbm>>
    %dma_start3A_911 = arith.constant 0 : i32
    %dma_start3A_912 = tpu.memref_slice %arg11[%add3A_106, %dma_start3A_911] : memref<204800x64xf32, #tpu.memory_space<hbm>> -> memref<400x64xf32, #tpu.memory_space<hbm>>
    tpu.enqueue_dma source(%arg18 : memref<400x64xf32, #tpu.memory_space<vmem>>) target(%dma_start3A_912 : memref<400x64xf32, #tpu.memory_space<hbm>>) target_semaphore(%arg25 : memref<!tpu.dma_semaphore, #tpu.memory_space<semaphore_mem>>)
    %dma_wait3A_913 = arith.constant 0 : i32
    %dma_wait3A_914 = tpu.memref_slice %arg11[%add3A_106, %dma_wait3A_913] : memref<204800x64xf32, #tpu.memory_space<hbm>> -> memref<400x64xf32, #tpu.memory_space<hbm>>
    %dma_wait3A_915 = arith.constant 0 : i32
    %dma_wait3A_916 = tpu.memref_slice %arg11[%add3A_106, %dma_wait3A_915] : memref<204800x64xf32, #tpu.memory_space<hbm>> -> memref<400x64xf32, #tpu.memory_space<hbm>>
    tpu.wait_dma2 semaphore(%arg25 : memref<!tpu.dma_semaphore, #tpu.memory_space<semaphore_mem>>) src(%arg18 : memref<400x64xf32, #tpu.memory_space<vmem>>) dst(%dma_wait3A_916 : memref<400x64xf32, #tpu.memory_space<hbm>>)
    %dma_start3A_917 = arith.constant 5600 : i32
    %dma_start3A_918 = tpu.memref_slice %arg15[%dma_start3A_917] : memref<6400xi32, #tpu.memory_space<vmem>> -> memref<400xi32, #tpu.memory_space<vmem>>
    %dma_start3A_919 = arith.constant 0 : i32
    %dma_start3A_920 = arith.constant 0 : i32
    %dma_start3A_921 = tpu.memref_slice %arg4[%dma_start3A_919, %dma_start3A_920] : memref<51x64xf32, #tpu.memory_space<hbm>> -> memref<51x64xf32, #tpu.memory_space<hbm>>
    tpu.enqueue_indirect_dma source(%dma_start3A_921 : memref<51x64xf32, #tpu.memory_space<hbm>>) target(%arg18 : memref<400x64xf32, #tpu.memory_space<vmem>>) offsets(%dma_start3A_918 : memref<400xi32, #tpu.memory_space<vmem>>) semaphore(%arg22 : memref<!tpu.dma_semaphore, #tpu.memory_space<semaphore_mem>>)
    %dma_wait3A_922 = arith.constant 4800 : i32
    %dma_wait3A_923 = tpu.memref_slice %arg15[%dma_wait3A_922] : memref<6400xi32, #tpu.memory_space<vmem>> -> memref<400xi32, #tpu.memory_space<vmem>>
    %dma_wait3A_924 = arith.constant 0 : i32
    %dma_wait3A_925 = arith.constant 0 : i32
    %dma_wait3A_926 = tpu.memref_slice %arg4[%dma_wait3A_924, %dma_wait3A_925] : memref<51x64xf32, #tpu.memory_space<hbm>> -> memref<51x64xf32, #tpu.memory_space<hbm>>
    tpu.wait_indirect_dma semaphore(%arg23 : memref<!tpu.dma_semaphore, #tpu.memory_space<semaphore_mem>>) src(%dma_wait3A_926 : memref<51x64xf32, #tpu.memory_space<hbm>>) dst(%arg19 : memref<400x64xf32, #tpu.memory_space<vmem>>)
    %dma_start3A_927 = arith.constant 0 : i32
    %dma_start3A_928 = tpu.memref_slice %arg11[%add3A_108, %dma_start3A_927] : memref<204800x64xf32, #tpu.memory_space<hbm>> -> memref<400x64xf32, #tpu.memory_space<hbm>>
    %dma_start3A_929 = arith.constant 0 : i32
    %dma_start3A_930 = tpu.memref_slice %arg11[%add3A_108, %dma_start3A_929] : memref<204800x64xf32, #tpu.memory_space<hbm>> -> memref<400x64xf32, #tpu.memory_space<hbm>>
    tpu.enqueue_dma source(%arg19 : memref<400x64xf32, #tpu.memory_space<vmem>>) target(%dma_start3A_930 : memref<400x64xf32, #tpu.memory_space<hbm>>) target_semaphore(%arg26 : memref<!tpu.dma_semaphore, #tpu.memory_space<semaphore_mem>>)
    %dma_wait3A_931 = arith.constant 0 : i32
    %dma_wait3A_932 = tpu.memref_slice %arg11[%add3A_108, %dma_wait3A_931] : memref<204800x64xf32, #tpu.memory_space<hbm>> -> memref<400x64xf32, #tpu.memory_space<hbm>>
    %dma_wait3A_933 = arith.constant 0 : i32
    %dma_wait3A_934 = tpu.memref_slice %arg11[%add3A_108, %dma_wait3A_933] : memref<204800x64xf32, #tpu.memory_space<hbm>> -> memref<400x64xf32, #tpu.memory_space<hbm>>
    tpu.wait_dma2 semaphore(%arg26 : memref<!tpu.dma_semaphore, #tpu.memory_space<semaphore_mem>>) src(%arg19 : memref<400x64xf32, #tpu.memory_space<vmem>>) dst(%dma_wait3A_934 : memref<400x64xf32, #tpu.memory_space<hbm>>)
    %dma_start3A_935 = arith.constant 6000 : i32
    %dma_start3A_936 = tpu.memref_slice %arg15[%dma_start3A_935] : memref<6400xi32, #tpu.memory_space<vmem>> -> memref<400xi32, #tpu.memory_space<vmem>>
    %dma_start3A_937 = arith.constant 0 : i32
    %dma_start3A_938 = arith.constant 0 : i32
    %dma_start3A_939 = tpu.memref_slice %arg4[%dma_start3A_937, %dma_start3A_938] : memref<51x64xf32, #tpu.memory_space<hbm>> -> memref<51x64xf32, #tpu.memory_space<hbm>>
    tpu.enqueue_indirect_dma source(%dma_start3A_939 : memref<51x64xf32, #tpu.memory_space<hbm>>) target(%arg19 : memref<400x64xf32, #tpu.memory_space<vmem>>) offsets(%dma_start3A_936 : memref<400xi32, #tpu.memory_space<vmem>>) semaphore(%arg23 : memref<!tpu.dma_semaphore, #tpu.memory_space<semaphore_mem>>)
    %dma_wait3A_940 = arith.constant 5200 : i32
    %dma_wait3A_941 = tpu.memref_slice %arg15[%dma_wait3A_940] : memref<6400xi32, #tpu.memory_space<vmem>> -> memref<400xi32, #tpu.memory_space<vmem>>
    %dma_wait3A_942 = arith.constant 0 : i32
    %dma_wait3A_943 = arith.constant 0 : i32
    %dma_wait3A_944 = tpu.memref_slice %arg4[%dma_wait3A_942, %dma_wait3A_943] : memref<51x64xf32, #tpu.memory_space<hbm>> -> memref<51x64xf32, #tpu.memory_space<hbm>>
    tpu.wait_indirect_dma semaphore(%arg21 : memref<!tpu.dma_semaphore, #tpu.memory_space<semaphore_mem>>) src(%dma_wait3A_944 : memref<51x64xf32, #tpu.memory_space<hbm>>) dst(%arg17 : memref<400x64xf32, #tpu.memory_space<vmem>>)
    %dma_start3A_945 = arith.constant 0 : i32
    %dma_start3A_946 = tpu.memref_slice %arg11[%add3A_110, %dma_start3A_945] : memref<204800x64xf32, #tpu.memory_space<hbm>> -> memref<400x64xf32, #tpu.memory_space<hbm>>
    %dma_start3A_947 = arith.constant 0 : i32
    %dma_start3A_948 = tpu.memref_slice %arg11[%add3A_110, %dma_start3A_947] : memref<204800x64xf32, #tpu.memory_space<hbm>> -> memref<400x64xf32, #tpu.memory_space<hbm>>
    tpu.enqueue_dma source(%arg17 : memref<400x64xf32, #tpu.memory_space<vmem>>) target(%dma_start3A_948 : memref<400x64xf32, #tpu.memory_space<hbm>>) target_semaphore(%arg24 : memref<!tpu.dma_semaphore, #tpu.memory_space<semaphore_mem>>)
    %dma_wait3A_949 = arith.constant 0 : i32
    %dma_wait3A_950 = tpu.memref_slice %arg11[%add3A_110, %dma_wait3A_949] : memref<204800x64xf32, #tpu.memory_space<hbm>> -> memref<400x64xf32, #tpu.memory_space<hbm>>
    %dma_wait3A_951 = arith.constant 0 : i32
    %dma_wait3A_952 = tpu.memref_slice %arg11[%add3A_110, %dma_wait3A_951] : memref<204800x64xf32, #tpu.memory_space<hbm>> -> memref<400x64xf32, #tpu.memory_space<hbm>>
    tpu.wait_dma2 semaphore(%arg24 : memref<!tpu.dma_semaphore, #tpu.memory_space<semaphore_mem>>) src(%arg17 : memref<400x64xf32, #tpu.memory_space<vmem>>) dst(%dma_wait3A_952 : memref<400x64xf32, #tpu.memory_space<hbm>>)
    %dma_start3A_953 = arith.constant 0 : i32
    %dma_start3A_954 = arith.constant 0 : i32
    %dma_start3A_955 = tpu.memref_slice %arg17[%dma_start3A_953, %dma_start3A_954] : memref<400x64xf32, #tpu.memory_space<vmem>> -> memref<128x64xf32, #tpu.memory_space<vmem>>
    %dma_start3A_956 = arith.constant 0 : i32
    %dma_start3A_957 = arith.constant 0 : i32
    %dma_start3A_958 = tpu.memref_slice %arg2[%dma_start3A_956, %dma_start3A_957] : memref<100001x64xf32, #tpu.memory_space<hbm>> -> memref<100001x64xf32, #tpu.memory_space<hbm>>
    tpu.enqueue_indirect_dma source(%dma_start3A_958 : memref<100001x64xf32, #tpu.memory_space<hbm>>) target(%dma_start3A_955 : memref<128x64xf32, #tpu.memory_space<vmem>>) offsets(%arg16 : memref<128xi32, #tpu.memory_space<vmem>>) semaphore(%arg21 : memref<!tpu.dma_semaphore, #tpu.memory_space<semaphore_mem>>)
    %dma_wait3A_959 = arith.constant 5600 : i32
    %dma_wait3A_960 = tpu.memref_slice %arg15[%dma_wait3A_959] : memref<6400xi32, #tpu.memory_space<vmem>> -> memref<400xi32, #tpu.memory_space<vmem>>
    %dma_wait3A_961 = arith.constant 0 : i32
    %dma_wait3A_962 = arith.constant 0 : i32
    %dma_wait3A_963 = tpu.memref_slice %arg4[%dma_wait3A_961, %dma_wait3A_962] : memref<51x64xf32, #tpu.memory_space<hbm>> -> memref<51x64xf32, #tpu.memory_space<hbm>>
    tpu.wait_indirect_dma semaphore(%arg22 : memref<!tpu.dma_semaphore, #tpu.memory_space<semaphore_mem>>) src(%dma_wait3A_963 : memref<51x64xf32, #tpu.memory_space<hbm>>) dst(%arg18 : memref<400x64xf32, #tpu.memory_space<vmem>>)
    %dma_start3A_964 = arith.constant 0 : i32
    %dma_start3A_965 = tpu.memref_slice %arg11[%add3A_112, %dma_start3A_964] : memref<204800x64xf32, #tpu.memory_space<hbm>> -> memref<400x64xf32, #tpu.memory_space<hbm>>
    %dma_start3A_966 = arith.constant 0 : i32
    %dma_start3A_967 = tpu.memref_slice %arg11[%add3A_112, %dma_start3A_966] : memref<204800x64xf32, #tpu.memory_space<hbm>> -> memref<400x64xf32, #tpu.memory_space<hbm>>
    tpu.enqueue_dma source(%arg18 : memref<400x64xf32, #tpu.memory_space<vmem>>) target(%dma_start3A_967 : memref<400x64xf32, #tpu.memory_space<hbm>>) target_semaphore(%arg25 : memref<!tpu.dma_semaphore, #tpu.memory_space<semaphore_mem>>)
    %dma_wait3A_968 = arith.constant 6000 : i32
    %dma_wait3A_969 = tpu.memref_slice %arg15[%dma_wait3A_968] : memref<6400xi32, #tpu.memory_space<vmem>> -> memref<400xi32, #tpu.memory_space<vmem>>
    %dma_wait3A_970 = arith.constant 0 : i32
    %dma_wait3A_971 = arith.constant 0 : i32
    %dma_wait3A_972 = tpu.memref_slice %arg4[%dma_wait3A_970, %dma_wait3A_971] : memref<51x64xf32, #tpu.memory_space<hbm>> -> memref<51x64xf32, #tpu.memory_space<hbm>>
    tpu.wait_indirect_dma semaphore(%arg23 : memref<!tpu.dma_semaphore, #tpu.memory_space<semaphore_mem>>) src(%dma_wait3A_972 : memref<51x64xf32, #tpu.memory_space<hbm>>) dst(%arg19 : memref<400x64xf32, #tpu.memory_space<vmem>>)
    %dma_start3A_973 = arith.constant 0 : i32
    %dma_start3A_974 = tpu.memref_slice %arg11[%add3A_114, %dma_start3A_973] : memref<204800x64xf32, #tpu.memory_space<hbm>> -> memref<400x64xf32, #tpu.memory_space<hbm>>
    %dma_start3A_975 = arith.constant 0 : i32
    %dma_start3A_976 = tpu.memref_slice %arg11[%add3A_114, %dma_start3A_975] : memref<204800x64xf32, #tpu.memory_space<hbm>> -> memref<400x64xf32, #tpu.memory_space<hbm>>
    tpu.enqueue_dma source(%arg19 : memref<400x64xf32, #tpu.memory_space<vmem>>) target(%dma_start3A_976 : memref<400x64xf32, #tpu.memory_space<hbm>>) target_semaphore(%arg26 : memref<!tpu.dma_semaphore, #tpu.memory_space<semaphore_mem>>)
    %dma_wait3A_977 = arith.constant 0 : i32
    %dma_wait3A_978 = arith.constant 0 : i32
    %dma_wait3A_979 = tpu.memref_slice %arg17[%dma_wait3A_977, %dma_wait3A_978] : memref<400x64xf32, #tpu.memory_space<vmem>> -> memref<128x64xf32, #tpu.memory_space<vmem>>
    %dma_wait3A_980 = arith.constant 0 : i32
    %dma_wait3A_981 = arith.constant 0 : i32
    %dma_wait3A_982 = tpu.memref_slice %arg2[%dma_wait3A_980, %dma_wait3A_981] : memref<100001x64xf32, #tpu.memory_space<hbm>> -> memref<100001x64xf32, #tpu.memory_space<hbm>>
    tpu.wait_indirect_dma semaphore(%arg21 : memref<!tpu.dma_semaphore, #tpu.memory_space<semaphore_mem>>) src(%dma_wait3A_982 : memref<100001x64xf32, #tpu.memory_space<hbm>>) dst(%dma_wait3A_979 : memref<128x64xf32, #tpu.memory_space<vmem>>)
    %dma_start3A_983 = arith.constant 0 : i32
    %dma_start3A_984 = arith.constant 0 : i32
    %dma_start3A_985 = tpu.memref_slice %arg17[%dma_start3A_983, %dma_start3A_984] : memref<400x64xf32, #tpu.memory_space<vmem>> -> memref<128x64xf32, #tpu.memory_space<vmem>>
    %dma_start3A_986 = arith.constant 0 : i32
    %dma_start3A_987 = tpu.memref_slice %arg12[%mul3A_4, %dma_start3A_986] : memref<4096x64xf32, #tpu.memory_space<hbm>> -> memref<128x64xf32, #tpu.memory_space<hbm>>
    %dma_start3A_988 = arith.constant 0 : i32
    %dma_start3A_989 = tpu.memref_slice %arg12[%mul3A_4, %dma_start3A_988] : memref<4096x64xf32, #tpu.memory_space<hbm>> -> memref<128x64xf32, #tpu.memory_space<hbm>>
    %dma_start3A_990 = arith.constant 0 : i32
    %dma_start3A_991 = arith.constant 0 : i32
    %dma_start3A_992 = tpu.memref_slice %arg17[%dma_start3A_990, %dma_start3A_991] : memref<400x64xf32, #tpu.memory_space<vmem>> -> memref<128x64xf32, #tpu.memory_space<vmem>>
    tpu.enqueue_dma source(%dma_start3A_992 : memref<128x64xf32, #tpu.memory_space<vmem>>) target(%dma_start3A_989 : memref<128x64xf32, #tpu.memory_space<hbm>>) target_semaphore(%arg24 : memref<!tpu.dma_semaphore, #tpu.memory_space<semaphore_mem>>)
    %dma_wait3A_993 = arith.constant 0 : i32
    %dma_wait3A_994 = arith.constant 0 : i32
    %dma_wait3A_995 = tpu.memref_slice %arg17[%dma_wait3A_993, %dma_wait3A_994] : memref<400x64xf32, #tpu.memory_space<vmem>> -> memref<128x64xf32, #tpu.memory_space<vmem>>
    %dma_wait3A_996 = arith.constant 0 : i32
    %dma_wait3A_997 = tpu.memref_slice %arg12[%mul3A_4, %dma_wait3A_996] : memref<4096x64xf32, #tpu.memory_space<hbm>> -> memref<128x64xf32, #tpu.memory_space<hbm>>
    %dma_wait3A_998 = arith.constant 0 : i32
    %dma_wait3A_999 = tpu.memref_slice %arg12[%mul3A_4, %dma_wait3A_998] : memref<4096x64xf32, #tpu.memory_space<hbm>> -> memref<128x64xf32, #tpu.memory_space<hbm>>
    %dma_wait3A_1000 = arith.constant 0 : i32
    %dma_wait3A_1001 = arith.constant 0 : i32
    %dma_wait3A_1002 = tpu.memref_slice %arg17[%dma_wait3A_1000, %dma_wait3A_1001] : memref<400x64xf32, #tpu.memory_space<vmem>> -> memref<128x64xf32, #tpu.memory_space<vmem>>
    tpu.wait_dma2 semaphore(%arg24 : memref<!tpu.dma_semaphore, #tpu.memory_space<semaphore_mem>>) src(%dma_wait3A_1002 : memref<128x64xf32, #tpu.memory_space<vmem>>) dst(%dma_wait3A_999 : memref<128x64xf32, #tpu.memory_space<hbm>>)
    %dma_wait3A_1003 = arith.constant 0 : i32
    %dma_wait3A_1004 = tpu.memref_slice %arg11[%add3A_112, %dma_wait3A_1003] : memref<204800x64xf32, #tpu.memory_space<hbm>> -> memref<400x64xf32, #tpu.memory_space<hbm>>
    %dma_wait3A_1005 = arith.constant 0 : i32
    %dma_wait3A_1006 = tpu.memref_slice %arg11[%add3A_112, %dma_wait3A_1005] : memref<204800x64xf32, #tpu.memory_space<hbm>> -> memref<400x64xf32, #tpu.memory_space<hbm>>
    tpu.wait_dma2 semaphore(%arg25 : memref<!tpu.dma_semaphore, #tpu.memory_space<semaphore_mem>>) src(%arg18 : memref<400x64xf32, #tpu.memory_space<vmem>>) dst(%dma_wait3A_1006 : memref<400x64xf32, #tpu.memory_space<hbm>>)
    %dma_wait3A_1007 = arith.constant 0 : i32
    %dma_wait3A_1008 = tpu.memref_slice %arg11[%add3A_114, %dma_wait3A_1007] : memref<204800x64xf32, #tpu.memory_space<hbm>> -> memref<400x64xf32, #tpu.memory_space<hbm>>
    %dma_wait3A_1009 = arith.constant 0 : i32
    %dma_wait3A_1010 = tpu.memref_slice %arg11[%add3A_114, %dma_wait3A_1009] : memref<204800x64xf32, #tpu.memory_space<hbm>> -> memref<400x64xf32, #tpu.memory_space<hbm>>
    tpu.wait_dma2 semaphore(%arg26 : memref<!tpu.dma_semaphore, #tpu.memory_space<semaphore_mem>>) src(%arg19 : memref<400x64xf32, #tpu.memory_space<vmem>>) dst(%dma_wait3A_1010 : memref<400x64xf32, #tpu.memory_space<hbm>>)
    return
  }
}

</mosaic_0001>

<sc_bundles>
// kernel: _run.3.cloned.1.call-start
scs
__scs_entry_jumppad:
0x0: {  	(pc) =	sbr.rel $0x88, $3  }
0x1: {  	(tag) =	ssettag $0x0;
	lr =	simm.s32 $0x1  }
0x2: {  	[smem:$0x3F9A] =	sst lr;
	_ =	strace $0xD0000000  }
0x3: {  	_ = 	snop  }
0x4: {  	_ = 	snop  }
0x5: {  	_ = 	snop  }
0x6: {  	_ = 	snop  }
0x7: {  	_ = 	snop  }
__scs_overlays_trampoline_lowered:
0x8: {  	[smem:$0x3FA9] =	sst s0  }
0x9: {  	[smem:$0x3FAA] =	sst s1  }
0xa: {  	[smem:$0x3FAB] =	sst s2  }
0xb: {  	[smem:$0x3FAC] =	sst s3  }
0xc: {  	[smem:$0x3FAD] =	sst s4  }
0xd: {  	[smem:$0x3FAE] =	sst s5  }
0xe: {  	[smem:$0x3FAF] =	sst s6  }
0xf: {  	[smem:$0x3FB0] =	sst s7  }
0x10: {  	[smem:$0x3FB1] =	sst s8  }
0x11: {  	[smem:$0x3FB2] =	sst s9;
	s0 =	simm.s32 @!p0 $0x0  }
0x12: {  	s1 =	sld [smem:$0x3F98];
	s0 =	simm.s32 @p0 $0x1  }
0x13: {  	[smem:$0x3FB3] =	sst s0;
	s0 =	simm.s32 @!p1 $0x0  }
0x14: {  	s2 =	sld [smem:$0x3F97];
	s0 =	simm.s32 @p1 $0x1  }
0x15: {  	[smem:$0x3FB4] =	sst s0;
	s0 =	simm.s32 @!p2 $0x0  }
0x16: {  	s3 =	sld [smem:$0x3FDB];
	s0 =	simm.s32 @p2 $0x1  }
0x17: {  	s4 =	simm.s32 $0x1BF5;
	[smem:$0x3FB6] =	sst s0  }
0x18: {  	s0 =	sld [smem:$0x3F99];
	_ =	swait.ge [sflag:s4], $0x0  }
0x19: {  	s7 =	sld [smem:$0x3F9A]  }
0x1a: {  	s8 =	sadd.s32 $0xFFFFE003, lr  }
0x1b: {  	s9 =	sadd.s32 $0xFFFFFEF7, lr;
	s5 =	simm.s32 $0xFFFFFFFF;
	p2 =	slt.u32 s8, $0xFFFFF086  }
0x1c: {  	p1 =	slt.u32 s9, $0xF7A;
	s5 =	simm.s32 @!p2 $0x0  }
0x1d: {  	s5 =	simm.s32 @p1 $0x1;
	p0 =	seq.s32 s7, s2  }
0x1e: {  	s7 =	smul.u32 @!p0 $0xF7A, s2;
	p2 =	seq.s32 @!p0 s5, $0x0  }
0x1f: {  	s9 =	smul.u32 $0xF7A, s1;
	s8 =	simm.s32 @!p0 $0x1BF5;
	p2 =	por !p2, p0  }
0x20: {  	[sflag:s8] =	ssyncset.s32 @!p0 $0xFFFFF086;
	s6 =	sadd.s32 @!p0 s3, s7;
	s7 =	simm.s32 @!p0 $0x108  }
0x21: {  	s3 =	sadd.s32 s3, s9;
	s6 =	sadd.s32 @!p0 $0x88, s6;
	s7 =	simm.s32 @p2 $0x1082  }
0x22: {  	[simem:s7], [sflag:s8] =	dma.local @!p0 [hbm:s6], $0xF7A  }
0x23: {  	s9 =	sor.u32 $0xD0000000, s2;
	s6 =	simm.s32 $0x108;
	_ =	swait.ge @!p0 [sflag:s8], $0x0  }
0x24: {  	s3 =	sadd.s32 $0x88, s3;
	s6 =	simm.s32 @!p1 $0x1082;
	[sflag:s4] =	ssyncset.s32 $0xFFFFF086  }
0x25: {  	[simem:s6], [sflag:s4] =	dma.local [hbm:s3], $0xF7A  }
0x26: {  	[smem:$0x3F9A] =	sst s1;
	(tag) =	ssettag s2;
	_ =	strace s9  }
0x27: {  	s1 =	sld [smem:$0x3FAA]  }
0x28: {  	s2 =	sld [smem:$0x3FAB]  }
0x29: {  	s4 =	sld [smem:$0x3FAD]  }
0x2a: {  	p0 =	seq.s32 s5, $0x0;
	s5 =	sld [smem:$0x3FAE]  }
0x2b: {  	s6 =	sld [smem:$0x3FAF]  }
0x2c: {  	s7 =	sld [smem:$0x3FB0]  }
0x2d: {  	s3 =	simm.s32 $0x108;
	s8 =	sld [smem:$0x3FB1]  }
0x2e: {  	s3 =	simm.s32 @!p0 $0x1082;
	s9 =	sld [smem:$0x3FB2]  }
0x2f: {  	lr =	sadd.s32 s0, s3;
	s0 =	sld [smem:$0x3FA9]  }
0x30: {  	s3 =	sld [smem:$0x3FAC]  }
0x31: {  	[smem:$0x3FB5] =	sst s10  }
0x32: {  	s10 =	sld [smem:$0x3FB3];
	_ =	sdelay $0x3  }
0x33: {  	p0 =	seq.s32 s10, $0x1;
	s10 =	sld [smem:$0x3FB5];
	_ =	sdelay $0x3  }
0x34: {  	[smem:$0x3FB5] =	sst s10  }
0x35: {  	s10 =	sld [smem:$0x3FB4];
	_ =	sdelay $0x3  }
0x36: {  	p1 =	seq.s32 s10, $0x1;
	s10 =	sld [smem:$0x3FB5];
	_ =	sdelay $0x3  }
0x37: {  	[smem:$0x3FB5] =	sst s10  }
0x38: {  	s10 =	sld [smem:$0x3FB6]  }
0x39: {  	_ = 	snop;
	(pc) =	sbr.ind lr, $3  }
0x3a: {  	_ = 	snop  }
0x3b: {  	_ = 	snop  }
0x3c: {  	p2 =	seq.s32 s10, $0x1;
	s10 =	sld [smem:$0x3FB5]  }
0x3d: {  	_ =	shalt  }
0x3e: {  	_ =	shalt  }
0x3f: {  	_ =	shalt  }
0x40: {  	_ =	shalt  }
0x41: {  	_ =	shalt  }
0x42: {  	_ =	shalt  }
0x43: {  	_ =	shalt  }
0x44: {  	_ =	shalt  }
0x45: {  	_ =	shalt  }
0x46: {  	_ =	shalt  }
0x47: {  	_ =	shalt  }
0x48: {  	_ =	shalt  }
0x49: {  	_ =	shalt  }
0x4a: {  	_ =	shalt  }
0x4b: {  	_ =	shalt  }
0x4c: {  	_ =	shalt  }
0x4d: {  	_ =	shalt  }
0x4e: {  	_ =	shalt  }
0x4f: {  	_ =	shalt  }
0x50: {  	_ =	shalt  }
0x51: {  	_ =	shalt  }
0x52: {  	_ =	shalt  }
0x53: {  	_ =	shalt  }
0x54: {  	_ =	shalt  }
0x55: {  	_ =	shalt  }
0x56: {  	_ =	shalt  }
0x57: {  	_ =	shalt  }
0x58: {  	_ =	shalt  }
0x59: {  	_ =	shalt  }
0x5a: {  	_ =	shalt  }
0x5b: {  	_ =	shalt  }
0x5c: {  	_ =	shalt  }
0x5d: {  	_ =	shalt  }
0x5e: {  	_ =	shalt  }
0x5f: {  	_ =	shalt  }
0x60: {  	_ =	shalt  }
0x61: {  	_ =	shalt  }
0x62: {  	_ =	shalt  }
0x63: {  	_ =	shalt  }
0x64: {  	_ =	shalt  }
0x65: {  	_ =	shalt  }
0x66: {  	_ =	shalt  }
0x67: {  	_ =	shalt  }
0x68: {  	_ =	shalt  }
0x69: {  	_ =	shalt  }
0x6a: {  	_ =	shalt  }
0x6b: {  	_ =	shalt  }
0x6c: {  	_ =	shalt  }
0x6d: {  	_ =	shalt  }
0x6e: {  	_ =	shalt  }
0x6f: {  	_ =	shalt  }
0x70: {  	_ =	shalt  }
0x71: {  	_ =	shalt  }
0x72: {  	_ =	shalt  }
0x73: {  	_ =	shalt  }
0x74: {  	_ =	shalt  }
0x75: {  	_ =	shalt  }
0x76: {  	_ =	shalt  }
0x77: {  	_ =	shalt  }
0x78: {  	_ =	shalt  }
0x79: {  	_ =	shalt  }
0x7a: {  	_ =	shalt  }
0x7b: {  	_ =	shalt  }
0x7c: {  	_ =	shalt  }
0x7d: {  	_ =	shalt  }
0x7e: {  	_ =	shalt  }
0x7f: {  	_ =	shalt  }
0x80: {  	_ =	shalt  }
0x81: {  	_ =	shalt  }
0x82: {  	_ =	shalt  }
0x83: {  	_ =	shalt  }
0x84: {  	_ =	shalt  }
0x85: {  	_ =	shalt  }
0x86: {  	_ =	shalt  }
0x87: {  	_ =	shalt  }
.Lfunc_end0:
.L_simem_size_0:
called_computation.3_lowered:
.L_overlay_start_0:
0x88: {  	s2 =	sld [smem:$0x3FD9]  }
0x89: {  	s3 =	sld [smem:$0x3FFE];
	_ =	sdelay $0x1  }
0x8a: {  	s1 =	srdreg.scid  }
0x8b: {  	s0 =	sand.u32 $0x1, s1  }
0x8c: {  	s14 =	sshll.u32 s0, $0xA;
	s2 =	sadd.s32 s3, s2  }
0x8d: {  	s2 =	sadd.s32 s2, s14  }
0x8e: {  	[smem:$0x3FC1] =	sst s2  }
0x8f: {  	_ = 	snop  }
0x90: {  	s2 =	sld [smem:$0x3FC9]  }
0x91: {  	s15 =	sld [smem:$0x3FD0]  }
0x92: {  	s4 =	sld [smem:$0x3FC8]  }
0x93: {  	s5 =	sld [smem:$0x3FC7]  }
0x94: {  	s7 =	simm.s32 $0xC;
	s8 =	simm.s32 $0x10;
	s6 =	sld [smem:$0x3FC6]  }
0x95: {  	[smem:s8], [sflag:s7] =	dma.local [hbm:s15], $0x1  }
0x96: {  	_ =	swait.eq [sflag:s7], $0x1  }
0x97: {  	s16 =	sld [smem:$0x10]  }
0x98: {  	s17 =	sld [smem:$0x11];
	[sflag:s7] =	ssyncset.done $0x0  }
0x99: {  	s9 =	sld [smem:$0x12];
	[sflag:s7] =	ssyncadd.s32 $0xFFFFFFFF  }
0x9a: {  	s18 =	sld [smem:$0x13];
	(tm) =	ssettm $0x1  }
0x9b: {  	s10 =	sld [smem:$0x3FFB];
	_ =	sdelay $0x3  }
0x9c: {  	_ =	strace s10  }
0x9d: {  	s10 =	sld [smem:$0x3FFC];
	_ =	sdelay $0x3  }
0x9e: {  	_ =	strace s10  }
0x9f: {  	s10 =	sld [smem:$0x3FFD];
	_ =	sdelay $0x3  }
0xa0: {  	_ =	strace s10  }
0xa1: {  	_ =	strace $0x8FFFFFFF  }
0xa2: {  	s19 =	sld [smem:$0x3FDB];
	_ =	sdelay $0x1  }
0xa3: {  	s11 =	simm.s32 $_scs_section_size  }
0xa4: {  	s12 =	simm.s32 $_size__tile_overlayer_lowered;
	s13 =	simm.s32 $_tile_overlayer_lowered  }
0xa5: {  	s22 =	simm.s32 $0x1BFF;
	s21 =	sshll.u32 s13, $0x1;
	s10 =	sadd.s32 s11, s19  }
0xa6: {  	s20 =	sshll.u32 s12, $0x1;
	s14 =	simm.s32 $0x0;
	s12 =	sadd.s32 s21, s10  }
0xa7: {  	[timem:s14], [sflag:s22] =	dma.local [hbm:s12], s20  }
0xa8: {  	_ =	swait.ge [sflag:s22], s20  }
0xa9: {  	s11 =	ssub.s32 $0x0, s20;
	[sflag:s22] =	ssyncset.done $0x0  }
0xaa: {  	[sflag:s22] =	ssyncadd.s32 s11;
	_ =	sdelay $0x1  }
0xab: {  	s23 =	simm.s32 $0x1B8B  }
0xac: {  	_ =	swait.ge [sflag:s23], $0x1  }
0xad: {  	[sflag:s23] =	ssyncset.done $0x0  }
0xae: {  	s25 =	simm.s32 $0x1B8E;
	s24 =	sld [smem:$0x3FFE];
	[sflag:s23] =	ssyncadd.s32 $0xFFFFFFFF  }
0xaf: {  	s26 =	simm.s32 $execute0_lowered;
	[smem:$0x3FD2] =	sst s25  }
0xb0: {  	s12 =	sshll.u32 s26, $0x1;
	_ =	strace $0x80000046;
	[dreg:$0x1] =	wrdreg $0xFFFFFFFF  }
0xb1: {  	s28 =	simm.s32 $_size_execute0_lowered;
	s10 =	sadd.s32 s10, s12;
	[dreg:$0x0] =	wrdreg $0x0  }
0xb2: {  	s12 =	sshll.u32 s28, $0x1;
	[dreg:$0x2] =	wrdreg s10  }
0xb3: {  	[dreg:$0x3] =	wrdreg s12  }
0xb4: {  	[dreg:$0x4] =	wrdreg $0xC0  }
0xb5: {  	_ =	task [dreg:s14], $0x5FFFF  }
0xb6: {  	[dreg:$0x1] =	wrdreg $0xFFFFFFFF  }
0xb7: {  	[dreg:$0x0] =	wrdreg $0x60  }
0xb8: {  	[dreg:$0x2] =	wrdreg s24  }
0xb9: {  	[dreg:$0x3] =	wrdreg s2  }
0xba: {  	[dreg:$0x4] =	wrdreg s4  }
0xbb: {  	[dreg:$0x5] =	wrdreg s5  }
0xbc: {  	[dreg:$0x6] =	wrdreg s6  }
0xbd: {  	[dreg:$0x7] =	wrdreg s16  }
0xbe: {  	[dreg:$0x8] =	wrdreg s17  }
0xbf: {  	[dreg:$0x9] =	wrdreg s9  }
0xc0: {  	[dreg:$0xa] =	wrdreg s18  }
0xc1: {  	[dreg:$0xb] =	wrdreg $0x9  }
0xc2: {  	_ =	task.clear_ibuf [dreg:s14], $0xCFFFF;
	_ =	strace $0x90000046  }
0xc3: {  	s29 =	simm.s32 $0x9;
	_ =	strace $0x80000048  }
0xc4: {  	_ =	swait.ge [sflag:s29], $0x1  }
0xc5: {  	[sflag:s29] =	ssyncadd.s32 $0xFFFFFFFF  }
0xc6: {  	_ =	strace $0x90000048  }
0xc7: {  	_ =	sfence  }
0xc8: {  	s30 =	sld [smem:$0x0];
	_ =	sdelay $0x2  }
0xc9: {  	s31 =	sshll.u32 s1, $0xD;
	s1 =	sshrl.u32 s1, $0x2  }
0xca: {  	s3 =	sand.u32 $0x4000, s31;
	s1 =	sadd.s32 s1, s30  }
0xcb: {  	s0 =	sor.u32 s3, s0;
	s1 =	sshll.u32 s1, $0x11  }
0xcc: {  	s0 =	sor.u32 s1, s0  }
0xcd: {  	s0 =	sadd.s32 $0x8F2B, s0  }
0xce: {  	[sflag:s0] =	ssyncadd.remote.s32 $0x1  }
0xcf: {  	_ =	sfence.sel $0xFFFF  }
0xd0: {  	[dreg:$0x0] =	wrdreg $0xFFFFFFFF;
	(pc) =	sbr.abs _section_cstart, $3  }
0xd1: {  	[dreg:$0x1] =	wrdreg $0xFFFFFFFF  }
0xd2: {  	_ =	task.clear_ibuf [dreg:s14], $0x2FFFF;
	_ =	strace $0x9FFFFFFF  }
0xd3: {  	(tm) =	ssettm $0x7FFFFFFF  }
tec
execute0_lowered:
.L_overlay_start_1:
0x0: {  	(tag) =	ssettag $0x1  }
0x1: {  	s1 =	rddreg [dreg:$0x0]  }
0x2: {  	s0 =	rddreg [dreg:$0x1]  }
0x3: {  	s8 =	rddreg [dreg:$0x2]  }
0x4: {  	s9 =	rddreg [dreg:$0x3]  }
0x5: {  	s10 =	rddreg [dreg:$0x4]  }
0x6: {  	s18 =	rddreg [dreg:$0x5]  }
0x7: {  	s2 =	srdreg.scid;
	s4 =	stileid.u32  }
0x8: {  	s7 =	rddreg [dreg:$0x6];
	s5 =	sand.u32 $0x1, s2;
	s17 =	sshll.u32 s4, $0x1  }
0x9: {  	s3 =	rddreg [dreg:$0x7];
	s2 =	simm.s32 $0x0;
	s6 =	sor.u32 s5, s17  }
0xa: {  	[smem:$0x7FF] =	sst s2;
	s11 =	smul.u32 $0x320, s6;
	s21 =	sshll.u32 s6, $0x4  }
0xb: {  	s4 =	rddreg [dreg:$0x8];
	_ =	strace $0x80000047;
	s22 =	sadd.s32 s10, s21  }
0xc: {  	s20 =	smul.u32 $0x64000, s6;
	s0 =	sadd.s32 s0, s11;
	[dreg:$0xd] =	wrdreg s22  }
0xd: {  	s19 =	sadd.s32 s8, s11;
	s8 =	smul.u32 $0xC800, s6;
	[dreg:$0xa] =	wrdreg s0  }
0xe: {  	s9 =	sadd.s32 s9, s11;
	[dreg:$0xb] =	wrdreg s19;
	s0 =	sshrl.u32 s20, $0x3  }
0xf: {  	[dreg:$0xc] =	wrdreg s9;
	s23 =	sadd.s32 s18, s8;
	s9 =	sadd.s32 $0xC80, s0  }
0x10: {  	s10 =	sadd.s32 $0x1900, s0;
	[dreg:$0xe] =	wrdreg s23;
	s24 =	sadd.s32 s18, s9  }
0x11: {  	s11 =	sadd.s32 $0x2580, s0;
	s12 =	sadd.s32 s18, s10;
	[dreg:$0xf] =	wrdreg s24  }
0x12: {  	s13 =	sadd.s32 s18, s11;
	[dreg:$0x10] =	wrdreg s12;
	s12 =	sadd.s32 $0x3200, s0  }
0x13: {  	[dreg:$0x11] =	wrdreg s13;
	s13 =	sadd.s32 $0x3E80, s0;
	s14 =	sadd.s32 s18, s12  }
0x14: {  	s15 =	sadd.s32 s18, s13;
	[dreg:$0x12] =	wrdreg s14;
	s14 =	sadd.s32 $0x4B00, s0  }
0x15: {  	[dreg:$0x13] =	wrdreg s15;
	s15 =	sadd.s32 $0x5780, s0;
	s16 =	sadd.s32 s18, s14  }
0x16: {  	s17 =	sadd.s32 s18, s15;
	[dreg:$0x14] =	wrdreg s16;
	s16 =	sadd.s32 $0x6400, s0  }
0x17: {  	[dreg:$0x15] =	wrdreg s17;
	s17 =	sadd.s32 $0x7080, s0;
	s19 =	sadd.s32 s18, s16  }
0x18: {  	s20 =	sadd.s32 s18, s17;
	[dreg:$0x16] =	wrdreg s19;
	s19 =	sadd.s32 $0x7D00, s0  }
0x19: {  	[dreg:$0x17] =	wrdreg s20;
	s20 =	sadd.s32 $0x8980, s0;
	s21 =	sadd.s32 s18, s19  }
0x1a: {  	s22 =	sadd.s32 s18, s20;
	[dreg:$0x18] =	wrdreg s21;
	s21 =	sadd.s32 $0x9600, s0  }
0x1b: {  	[dreg:$0x19] =	wrdreg s22;
	s22 =	sadd.s32 $0xA280, s0;
	s23 =	sadd.s32 s18, s21  }
0x1c: {  	s24 =	sadd.s32 s18, s22;
	[dreg:$0x1a] =	wrdreg s23  }
0x1d: {  	s23 =	sadd.s32 $0xAF00, s0;
	[dreg:$0x1b] =	wrdreg s24  }
0x1e: {  	s24 =	sadd.s32 $0xBB80, s0;
	s0 =	rddreg [dreg:$0xa];
	s25 =	sadd.s32 s18, s23  }
0x1f: {  	s26 =	sadd.s32 s18, s24;
	[dreg:$0x1c] =	wrdreg s25  }
0x20: {  	s18 =	sadd.s32 s7, s8;
	[dreg:$0x1d] =	wrdreg s26  }
0x21: {  	s8 =	sadd.s32 s3, s8;
	[dreg:$0x1e] =	wrdreg s18  }
0x22: {  	s25 =	sadd.s32 s7, s9;
	[smem:$0x7CB] =	sst s8  }
0x23: {  	s26 =	sadd.s32 s7, s10;
	[dreg:$0x1f] =	wrdreg s25  }
0x24: {  	s18 =	sadd.s32 s7, s11;
	[smem:$0x7BD] =	sst s26  }
0x25: {  	s9 =	sadd.s32 s3, s9;
	[smem:$0x7BE] =	sst s18  }
0x26: {  	s10 =	sadd.s32 s3, s10;
	[smem:$0x7CC] =	sst s9  }
0x27: {  	s11 =	sadd.s32 s3, s11;
	[smem:$0x7CD] =	sst s10  }
0x28: {  	s8 =	sadd.s32 s3, s20;
	[smem:$0x7CE] =	sst s11  }
0x29: {  	s25 =	sadd.s32 s7, s12;
	[smem:$0x7D6] =	sst s8  }
0x2a: {  	s26 =	sadd.s32 s7, s13;
	[smem:$0x7BF] =	sst s25  }
0x2b: {  	s18 =	sadd.s32 s7, s14;
	[smem:$0x7C0] =	sst s26  }
0x2c: {  	s12 =	sadd.s32 s3, s12;
	[smem:$0x7C1] =	sst s18  }
0x2d: {  	s13 =	sadd.s32 s3, s13;
	[smem:$0x7CF] =	sst s12  }
0x2e: {  	s14 =	sadd.s32 s3, s14;
	[smem:$0x7D0] =	sst s13  }
0x2f: {  	s9 =	sadd.s32 s3, s21;
	[smem:$0x7D1] =	sst s14  }
0x30: {  	s10 =	sadd.s32 s3, s22;
	[smem:$0x7D7] =	sst s9  }
0x31: {  	s11 =	sadd.s32 s3, s23;
	[smem:$0x7D8] =	sst s10  }
0x32: {  	s8 =	simm.s32 $0x1DB0;
	[smem:$0x7D9] =	sst s11  }
0x33: {  	s25 =	sadd.s32 s7, s15;
	[smem:$0x7EC] =	sst s8  }
0x34: {  	s26 =	sadd.s32 s7, s16;
	[smem:$0x7C2] =	sst s25  }
0x35: {  	s18 =	sadd.s32 s7, s17;
	[smem:$0x7C3] =	sst s26  }
0x36: {  	s12 =	sadd.s32 s3, s24;
	[smem:$0x7C4] =	sst s18  }
0x37: {  	s13 =	sshll.u32 s6, $0xA;
	s6 =	simm.s32 $0x1A90;
	[smem:$0x7DA] =	sst s12  }
0x38: {  	s9 =	simm.s32 $0x1F40;
	[smem:$0x7EA] =	sst s6  }
0x39: {  	s11 =	simm.s32 $0x20D0;
	[smem:$0x7ED] =	sst s9  }
0x3a: {  	s25 =	sadd.s32 s7, s19;
	[smem:$0x7EE] =	sst s11  }
0x3b: {  	s26 =	sadd.s32 s7, s20;
	[smem:$0x7C5] =	sst s25  }
0x3c: {  	s18 =	sadd.s32 s7, s21;
	[smem:$0x7C6] =	sst s26  }
0x3d: {  	s14 =	sadd.s32 s4, s13;
	[smem:$0x7C7] =	sst s18  }
0x3e: {  	s20 =	simm.s32 $0xAF0;
	[smem:$0x7DB] =	sst s14  }
0x3f: {  	s21 =	simm.s32 $0xC80;
	[smem:$0x7E1] =	sst s20  }
0x40: {  	s4 =	simm.s32 $0x1770;
	[smem:$0x7E2] =	sst s21  }
0x41: {  	s12 =	simm.s32 $0x2260;
	[smem:$0x7E9] =	sst s4  }
0x42: {  	s13 =	simm.s32 $0x23F0;
	[smem:$0x7EF] =	sst s12  }
0x43: {  	s25 =	sadd.s32 s7, s22;
	[smem:$0x7F0] =	sst s13  }
0x44: {  	s26 =	sadd.s32 s7, s23;
	[smem:$0x7C8] =	sst s25  }
0x45: {  	s7 =	sadd.s32 s7, s24;
	[smem:$0x7C9] =	sst s26  }
0x46: {  	s18 =	sadd.s32 s3, s15;
	[smem:$0x7CA] =	sst s7  }
0x47: {  	s30 =	simm.s32 $0x1900;
	s15 =	simm.s32 $0x320;
	[smem:$0x7D2] =	sst s18  }
0x48: {  	s29 =	simm.s32 $0x3200;
	s22 =	simm.s32 $0xE10;
	[smem:$0x7DC] =	sst s15  }
0x49: {  	s31 =	simm.s32 $0x1;
	s23 =	simm.s32 $0xFA0;
	[smem:$0x7E3] =	sst s22  }
0x4a: {  	p0 =	por $0x0, $0x0;
	s24 =	simm.s32 $0x1130;
	[smem:$0x7E4] =	sst s23  }
0x4b: {  	s28 =	sadd.s32 $0xC5000, s1;
	s14 =	simm.s32 $0x2580;
	[smem:$0x7E5] =	sst s24  }
0x4c: {  	s10 =	ssub.s32 $0x2, s5;
	s20 =	simm.s32 $0x2EE0;
	[smem:$0x7F1] =	sst s14  }
0x4d: {  	s8 =	simm.s32 $0x2;
	s21 =	simm.s32 $0x3070;
	[smem:$0x7F7] =	sst s20  }
0x4e: {  	s5 =	sshrl.u32 s10, $0x1;
	s25 =	sadd.s32 s3, s16;
	[smem:$0x7F8] =	sst s21  }
0x4f: {  	s6 =	simm.s32 $0x4B00;
	s26 =	sadd.s32 s3, s17;
	[smem:$0x7D3] =	sst s25  }
0x50: {  	s11 =	simm.s32 $0xAF80;
	s7 =	sadd.s32 s3, s19;
	[smem:$0x7D4] =	sst s26  }
0x51: {  	s9 =	simm.s32 $0x11380;
	s16 =	simm.s32 $0x4B0;
	[smem:$0x7D5] =	sst s7  }
0x52: {  	s4 =	sadd.s32 $0xC6200, s1;
	s17 =	simm.s32 $0x640;
	[smem:$0x7DD] =	sst s16  }
0x53: {  	s13 =	simm.s32 $0x190;
	s18 =	simm.s32 $0x7D0;
	[smem:$0x7DE] =	sst s17  }
0x54: {  	s12 =	simm.s32 $0x7;
	s19 =	simm.s32 $0x960;
	[smem:$0x7DF] =	sst s18  }
0x55: {  	s3 =	simm.s32 $0x15E0;
	s15 =	simm.s32 $0x2710;
	[smem:$0x7E0] =	sst s19  }
0x56: {  	s22 =	simm.s32 $0x3390;
	s23 =	simm.s32 $0x3520;
	[smem:$0x7E8] =	sst s3  }
0x57: {  	s24 =	simm.s32 $0x36B0;
	s14 =	simm.s32 $0x3;
	[smem:$0x7F2] =	sst s15  }
0x58: {  	s21 =	simm.s32 $0x4330;
	s20 =	simm.s32 $0x44C0;
	[smem:$0x7F9] =	sst s22  }
0x59: {  	s25 =	simm.s32 $0x12C0;
	s26 =	simm.s32 $0x1450;
	[smem:$0x7FA] =	sst s23  }
0x5a: {  	s3 =	sadd.s32 $0x1A00, s1;
	s7 =	simm.s32 $0x1C20;
	[smem:$0x7FB] =	sst s24  }
0x5b: {  	s1 =	ssub.s32 s10, s5;
	s16 =	simm.s32 $0x28A0;
	[smem:$0x7E6] =	sst s25  }
0x5c: {  	s17 =	simm.s32 $0x2A30;
	s18 =	simm.s32 $0x2BC0;
	[smem:$0x7E7] =	sst s26  }
0x5d: {  	s19 =	simm.s32 $0x2D50;
	s5 =	simm.s32 $0x4B80;
	[smem:$0x7EB] =	sst s7  }
0x5e: {  	s10 =	simm.s32 $0x6;
	s15 =	simm.s32 $0x4;
	[smem:$0x7F3] =	sst s16  }
0x5f: {  	s24 =	simm.s32 $0x3E80;
	s1 =	smax.u32 s1, $0x1;
	[smem:$0x7F4] =	sst s17  }
0x60: {  	s23 =	simm.s32 $0x4010;
	[smem:$0x7F5] =	sst s18;
	p1 =	sne.s32 s1, $0x1  }
.Ltmp0:
0x61: {  	s22 =	simm.s32 $0x41A0;
	[smem:$0x7F6] =	sst s19;
	(pc) =	sbr.rel @!p1 .LBB2_3-.Ltmp0, $4  }
0x62: {  	s7 =	simm.s32 $0x5;
	s25 =	simm.s32 $0x3840;
	s26 =	simm.s32 $0x39D0  }
0x63: {  	s19 =	simm.s32 $0x4650;
	s18 =	simm.s32 $0x47E0;
	[smem:$0x7FC] =	sst s25  }
0x64: {  	s17 =	simm.s32 $0x4970;
	s16 =	simm.s32 $0x80;
	[smem:$0x7FD] =	sst s26  }
0x65: {  	s26 =	simm.s32 $0x3B60;
	s25 =	simm.s32 $0x3CF0;
	s1 =	sadd.s32 $0xFFFFFFFF, s1  }
0x66: {  	[smem:$0x7BC] =	sst s1  }
0x67: {  	[tilespmem:s2], [sflag:$0x1] =	stream.linear.gather [hbm4b:s0+s2], $0x1900, $0x38;
	[tilespmem:$0x17780] =	vst v63  }
0x68: {  	s1 =	rddreg [dreg:$0xb]  }
0x69: {  	[tilespmem:s30], [sflag:$0x1] =	stream.linear.gather [hbm4b:s1+s2], $0x1900, $0x38;
	[tilespmem:$0x17780] =	vst v63  }
0x6a: {  	s0 =	rddreg [dreg:$0xc]  }
0x6b: {  	[tilespmem:s29], [sflag:$0x1] =	stream.linear.gather [hbm4b:s0+s2], $0x1900, $0x38;
	[tilespmem:$0x17780] =	vst v63  }
0x6c: {  	s1 =	rddreg [dreg:$0xd]  }
0x6d: {  	[tilespmem:s6], [sflag:$0x1] =	stream.linear.gather [hbm4b:s1+s2], $0x80, $0x38;
	[tilespmem:$0x17780] =	vst v63  }
0x6e: {  	_ =	swait.ge [sflag:s31], $0x1900  }
0x6f: {  	[sflag:s31] =	ssyncset.done $0x0  }
0x70: {  	[sflag:s31] =	ssyncadd.s32 $0xFFFFE700  }
0x71: {  	_ =	swait.ge [sflag:s31], $0x1900  }
0x72: {  	[sflag:s31] =	ssyncset.done $0x0  }
0x73: {  	[sflag:s31] =	ssyncadd.s32 $0xFFFFE700  }
0x74: {  	_ =	swait.ge [sflag:s31], $0x1900  }
0x75: {  	[sflag:s31] =	ssyncset.done $0x0  }
0x76: {  	[sflag:s31] =	ssyncadd.s32 $0xFFFFE700  }
0x77: {  	_ =	swait.ge [sflag:s31], $0x80  }
0x78: {  	[sflag:s31] =	ssyncset.done $0x0  }
0x79: {  	[sflag:s31] =	ssyncadd.s32 $0xFFFFFF80  }
0x7a: {  	[tilespmem:s5], [sflag:$0x2] =	stream.indirect.gather [hbm4b:s3+s13], $0x40, s2, s13, $0xb8;
	[tilespmem:$0x17780] =	vst v63  }
0x7b: {  	s1 =	sld [smem:$0x7DC]  }
0x7c: {  	[tilespmem:s11], [sflag:$0x3] =	stream.indirect.gather [hbm4b:s3+s13], $0x40, s13, s13, $0xb8;
	[tilespmem:$0x17780] =	vst v63  }
0x7d: {  	_ = 	snop  }
0x7e: {  	[tilespmem:s9], [sflag:$0x4] =	stream.indirect.gather [hbm4b:s3+s13], $0x40, s1, s13, $0xb8;
	[tilespmem:$0x17780] =	vst v63  }
0x7f: {  	_ =	swait.ge [sflag:s8], $0x6400  }
0x80: {  	[sflag:s8] =	ssyncset.done $0x0  }
0x81: {  	s1 =	rddreg [dreg:$0xe];
	[sflag:s8] =	ssyncadd.s32 $0xFFFF9C00  }
0x82: {  	[hbm4b:s1+s2] =	stream.linear.scatter [tilespmem:s5], [sflag:$0x5], $0x6400, $0x38;
	[tilespmem:$0x17780] =	vst v63  }
0x83: {  	_ =	swait.ge [sflag:s7], $0x6400  }
0x84: {  	s1 =	sld [smem:$0x7DD]  }
0x85: {  	[sflag:s7] =	ssyncset.done $0x0  }
0x86: {  	[sflag:s7] =	ssyncadd.s32 $0xFFFF9C00  }
0x87: {  	[tilespmem:s5], [sflag:$0x2] =	stream.indirect.gather [hbm4b:s3+s13], $0x40, s1, s13, $0xb8;
	[tilespmem:$0x17780] =	vst v63  }
0x88: {  	_ =	swait.ge [sflag:s14], $0x6400  }
0x89: {  	[sflag:s14] =	ssyncset.done $0x0  }
0x8a: {  	s1 =	rddreg [dreg:$0xf];
	[sflag:s14] =	ssyncadd.s32 $0xFFFF9C00  }
0x8b: {  	[hbm4b:s1+s2] =	stream.linear.scatter [tilespmem:s11], [sflag:$0x6], $0x6400, $0x38;
	[tilespmem:$0x17780] =	vst v63  }
0x8c: {  	_ =	swait.ge [sflag:s10], $0x6400  }
0x8d: {  	s1 =	sld [smem:$0x7DE]  }
0x8e: {  	[sflag:s10] =	ssyncset.done $0x0  }
0x8f: {  	[sflag:s10] =	ssyncadd.s32 $0xFFFF9C00  }
0x90: {  	[tilespmem:s11], [sflag:$0x3] =	stream.indirect.gather [hbm4b:s3+s13], $0x40, s1, s13, $0xb8;
	[tilespmem:$0x17780] =	vst v63  }
0x91: {  	_ =	swait.ge [sflag:s15], $0x6400  }
0x92: {  	[sflag:s15] =	ssyncset.done $0x0  }
0x93: {  	s1 =	rddreg [dreg:$0x10];
	[sflag:s15] =	ssyncadd.s32 $0xFFFF9C00  }
0x94: {  	[hbm4b:s1+s2] =	stream.linear.scatter [tilespmem:s9], [sflag:$0x7], $0x6400, $0x38;
	[tilespmem:$0x17780] =	vst v63  }
0x95: {  	_ =	swait.ge [sflag:s12], $0x6400  }
0x96: {  	s1 =	sld [smem:$0x7DF]  }
0x97: {  	[sflag:s12] =	ssyncset.done $0x0  }
0x98: {  	[sflag:s12] =	ssyncadd.s32 $0xFFFF9C00  }
0x99: {  	[tilespmem:s9], [sflag:$0x4] =	stream.indirect.gather [hbm4b:s3+s13], $0x40, s1, s13, $0xb8;
	[tilespmem:$0x17780] =	vst v63  }
0x9a: {  	_ =	swait.ge [sflag:s8], $0x6400  }
0x9b: {  	[sflag:s8] =	ssyncset.done $0x0  }
0x9c: {  	s1 =	rddreg [dreg:$0x11];
	[sflag:s8] =	ssyncadd.s32 $0xFFFF9C00  }
0x9d: {  	[hbm4b:s1+s2] =	stream.linear.scatter [tilespmem:s5], [sflag:$0x5], $0x6400, $0x38;
	[tilespmem:$0x17780] =	vst v63  }
0x9e: {  	_ =	swait.ge [sflag:s7], $0x6400  }
0x9f: {  	s1 =	sld [smem:$0x7E0]  }
0xa0: {  	[sflag:s7] =	ssyncset.done $0x0  }
0xa1: {  	[sflag:s7] =	ssyncadd.s32 $0xFFFF9C00  }
0xa2: {  	[tilespmem:s5], [sflag:$0x2] =	stream.indirect.gather [hbm4b:s3+s13], $0x40, s1, s13, $0xb8;
	[tilespmem:$0x17780] =	vst v63  }
0xa3: {  	_ =	swait.ge [sflag:s14], $0x6400  }
0xa4: {  	[sflag:s14] =	ssyncset.done $0x0  }
0xa5: {  	s1 =	rddreg [dreg:$0x12];
	[sflag:s14] =	ssyncadd.s32 $0xFFFF9C00  }
0xa6: {  	[hbm4b:s1+s2] =	stream.linear.scatter [tilespmem:s11], [sflag:$0x6], $0x6400, $0x38;
	[tilespmem:$0x17780] =	vst v63  }
0xa7: {  	_ =	swait.ge [sflag:s10], $0x6400  }
0xa8: {  	s1 =	sld [smem:$0x7E1]  }
0xa9: {  	[sflag:s10] =	ssyncset.done $0x0  }
0xaa: {  	[sflag:s10] =	ssyncadd.s32 $0xFFFF9C00  }
0xab: {  	[tilespmem:s11], [sflag:$0x3] =	stream.indirect.gather [hbm4b:s3+s13], $0x40, s1, s13, $0xb8;
	[tilespmem:$0x17780] =	vst v63  }
0xac: {  	_ =	swait.ge [sflag:s15], $0x6400  }
0xad: {  	[sflag:s15] =	ssyncset.done $0x0  }
0xae: {  	s1 =	rddreg [dreg:$0x13];
	[sflag:s15] =	ssyncadd.s32 $0xFFFF9C00  }
0xaf: {  	[hbm4b:s1+s2] =	stream.linear.scatter [tilespmem:s9], [sflag:$0x7], $0x6400, $0x38;
	[tilespmem:$0x17780] =	vst v63  }
0xb0: {  	_ =	swait.ge [sflag:s12], $0x6400  }
0xb1: {  	s1 =	sld [smem:$0x7E2]  }
0xb2: {  	[sflag:s12] =	ssyncset.done $0x0  }
0xb3: {  	[sflag:s12] =	ssyncadd.s32 $0xFFFF9C00  }
0xb4: {  	[tilespmem:s9], [sflag:$0x4] =	stream.indirect.gather [hbm4b:s3+s13], $0x40, s1, s13, $0xb8;
	[tilespmem:$0x17780] =	vst v63  }
0xb5: {  	_ =	swait.ge [sflag:s8], $0x6400  }
0xb6: {  	[sflag:s8] =	ssyncset.done $0x0  }
0xb7: {  	s1 =	rddreg [dreg:$0x14];
	[sflag:s8] =	ssyncadd.s32 $0xFFFF9C00  }
0xb8: {  	[hbm4b:s1+s2] =	stream.linear.scatter [tilespmem:s5], [sflag:$0x5], $0x6400, $0x38;
	[tilespmem:$0x17780] =	vst v63  }
0xb9: {  	_ =	swait.ge [sflag:s7], $0x6400  }
0xba: {  	s1 =	sld [smem:$0x7E3]  }
0xbb: {  	[sflag:s7] =	ssyncset.done $0x0  }
0xbc: {  	[sflag:s7] =	ssyncadd.s32 $0xFFFF9C00  }
0xbd: {  	[tilespmem:s5], [sflag:$0x2] =	stream.indirect.gather [hbm4b:s3+s13], $0x40, s1, s13, $0xb8;
	[tilespmem:$0x17780] =	vst v63  }
0xbe: {  	_ =	swait.ge [sflag:s14], $0x6400  }
0xbf: {  	[sflag:s14] =	ssyncset.done $0x0  }
0xc0: {  	s1 =	rddreg [dreg:$0x15];
	[sflag:s14] =	ssyncadd.s32 $0xFFFF9C00  }
0xc1: {  	[hbm4b:s1+s2] =	stream.linear.scatter [tilespmem:s11], [sflag:$0x6], $0x6400, $0x38;
	[tilespmem:$0x17780] =	vst v63  }
0xc2: {  	_ =	swait.ge [sflag:s10], $0x6400  }
0xc3: {  	s1 =	sld [smem:$0x7E4]  }
0xc4: {  	[sflag:s10] =	ssyncset.done $0x0  }
0xc5: {  	[sflag:s10] =	ssyncadd.s32 $0xFFFF9C00  }
0xc6: {  	[tilespmem:s11], [sflag:$0x3] =	stream.indirect.gather [hbm4b:s3+s13], $0x40, s1, s13, $0xb8;
	[tilespmem:$0x17780] =	vst v63  }
0xc7: {  	_ =	swait.ge [sflag:s15], $0x6400  }
0xc8: {  	[sflag:s15] =	ssyncset.done $0x0  }
0xc9: {  	s1 =	rddreg [dreg:$0x16];
	[sflag:s15] =	ssyncadd.s32 $0xFFFF9C00  }
0xca: {  	[hbm4b:s1+s2] =	stream.linear.scatter [tilespmem:s9], [sflag:$0x7], $0x6400, $0x38;
	[tilespmem:$0x17780] =	vst v63  }
0xcb: {  	_ =	swait.ge [sflag:s12], $0x6400  }
0xcc: {  	s1 =	sld [smem:$0x7E5]  }
0xcd: {  	[sflag:s12] =	ssyncset.done $0x0  }
0xce: {  	[sflag:s12] =	ssyncadd.s32 $0xFFFF9C00  }
0xcf: {  	[tilespmem:s9], [sflag:$0x4] =	stream.indirect.gather [hbm4b:s3+s13], $0x40, s1, s13, $0xb8;
	[tilespmem:$0x17780] =	vst v63  }
0xd0: {  	_ =	swait.ge [sflag:s8], $0x6400  }
0xd1: {  	[sflag:s8] =	ssyncset.done $0x0  }
0xd2: {  	s1 =	rddreg [dreg:$0x17];
	[sflag:s8] =	ssyncadd.s32 $0xFFFF9C00  }
0xd3: {  	[hbm4b:s1+s2] =	stream.linear.scatter [tilespmem:s5], [sflag:$0x5], $0x6400, $0x38;
	[tilespmem:$0x17780] =	vst v63  }
0xd4: {  	_ =	swait.ge [sflag:s7], $0x6400  }
0xd5: {  	s1 =	sld [smem:$0x7E6]  }
0xd6: {  	[sflag:s7] =	ssyncset.done $0x0  }
0xd7: {  	[sflag:s7] =	ssyncadd.s32 $0xFFFF9C00  }
0xd8: {  	[tilespmem:s5], [sflag:$0x2] =	stream.indirect.gather [hbm4b:s3+s13], $0x40, s1, s13, $0xb8;
	[tilespmem:$0x17780] =	vst v63  }
0xd9: {  	_ =	swait.ge [sflag:s14], $0x6400  }
0xda: {  	[sflag:s14] =	ssyncset.done $0x0  }
0xdb: {  	s1 =	rddreg [dreg:$0x18];
	[sflag:s14] =	ssyncadd.s32 $0xFFFF9C00  }
0xdc: {  	[hbm4b:s1+s2] =	stream.linear.scatter [tilespmem:s11], [sflag:$0x6], $0x6400, $0x38;
	[tilespmem:$0x17780] =	vst v63  }
0xdd: {  	_ =	swait.ge [sflag:s10], $0x6400  }
0xde: {  	s1 =	sld [smem:$0x7E7]  }
0xdf: {  	[sflag:s10] =	ssyncset.done $0x0  }
0xe0: {  	[sflag:s10] =	ssyncadd.s32 $0xFFFF9C00  }
0xe1: {  	[tilespmem:s11], [sflag:$0x3] =	stream.indirect.gather [hbm4b:s3+s13], $0x40, s1, s13, $0xb8;
	[tilespmem:$0x17780] =	vst v63  }
0xe2: {  	_ =	swait.ge [sflag:s15], $0x6400  }
0xe3: {  	[sflag:s15] =	ssyncset.done $0x0  }
0xe4: {  	s1 =	rddreg [dreg:$0x19];
	[sflag:s15] =	ssyncadd.s32 $0xFFFF9C00  }
0xe5: {  	[hbm4b:s1+s2] =	stream.linear.scatter [tilespmem:s9], [sflag:$0x7], $0x6400, $0x38;
	[tilespmem:$0x17780] =	vst v63  }
0xe6: {  	_ =	swait.ge [sflag:s12], $0x6400  }
0xe7: {  	s1 =	sld [smem:$0x7E8]  }
0xe8: {  	[sflag:s12] =	ssyncset.done $0x0  }
0xe9: {  	[sflag:s12] =	ssyncadd.s32 $0xFFFF9C00  }
0xea: {  	[tilespmem:s9], [sflag:$0x4] =	stream.indirect.gather [hbm4b:s3+s13], $0x40, s1, s13, $0xb8;
	[tilespmem:$0x17780] =	vst v63  }
0xeb: {  	_ =	swait.ge [sflag:s8], $0x6400  }
0xec: {  	[sflag:s8] =	ssyncset.done $0x0  }
0xed: {  	s1 =	rddreg [dreg:$0x1a];
	[sflag:s8] =	ssyncadd.s32 $0xFFFF9C00  }
0xee: {  	[hbm4b:s1+s2] =	stream.linear.scatter [tilespmem:s5], [sflag:$0x5], $0x6400, $0x38;
	[tilespmem:$0x17780] =	vst v63  }
0xef: {  	_ =	swait.ge [sflag:s7], $0x6400  }
0xf0: {  	s1 =	sld [smem:$0x7E9]  }
0xf1: {  	[sflag:s7] =	ssyncset.done $0x0  }
0xf2: {  	[sflag:s7] =	ssyncadd.s32 $0xFFFF9C00  }
0xf3: {  	[tilespmem:s5], [sflag:$0x2] =	stream.indirect.gather [hbm4b:s3+s13], $0x40, s1, s13, $0xb8;
	[tilespmem:$0x17780] =	vst v63  }
0xf4: {  	_ =	swait.ge [sflag:s14], $0x6400  }
0xf5: {  	[sflag:s14] =	ssyncset.done $0x0  }
0xf6: {  	s1 =	rddreg [dreg:$0x1b];
	[sflag:s14] =	ssyncadd.s32 $0xFFFF9C00  }
0xf7: {  	[hbm4b:s1+s2] =	stream.linear.scatter [tilespmem:s11], [sflag:$0x6], $0x6400, $0x38;
	[tilespmem:$0x17780] =	vst v63  }
0xf8: {  	_ =	swait.ge [sflag:s10], $0x6400  }
0xf9: {  	[sflag:s10] =	ssyncset.done $0x0  }
0xfa: {  	[sflag:s10] =	ssyncadd.s32 $0xFFFF9C00  }
0xfb: {  	[tilespmem:s11], [sflag:$0x3] =	stream.indirect.gather [hbm4b:s28+s13], $0x40, s30, s13, $0xb8;
	[tilespmem:$0x17780] =	vst v63  }
0xfc: {  	_ =	swait.ge [sflag:s15], $0x6400  }
0xfd: {  	[sflag:s15] =	ssyncset.done $0x0  }
0xfe: {  	s1 =	rddreg [dreg:$0x1c];
	[sflag:s15] =	ssyncadd.s32 $0xFFFF9C00  }
0xff: {  	[hbm4b:s1+s2] =	stream.linear.scatter [tilespmem:s9], [sflag:$0x7], $0x6400, $0x38;
	[tilespmem:$0x17780] =	vst v63  }
0x100: {  	_ =	swait.ge [sflag:s12], $0x6400  }
0x101: {  	s1 =	sld [smem:$0x7EA]  }
0x102: {  	[sflag:s12] =	ssyncset.done $0x0  }
0x103: {  	[sflag:s12] =	ssyncadd.s32 $0xFFFF9C00  }
0x104: {  	[tilespmem:s9], [sflag:$0x4] =	stream.indirect.gather [hbm4b:s28+s13], $0x40, s1, s13, $0xb8;
	[tilespmem:$0x17780] =	vst v63  }
0x105: {  	_ =	swait.ge [sflag:s8], $0x6400  }
0x106: {  	[sflag:s8] =	ssyncset.done $0x0  }
0x107: {  	s1 =	rddreg [dreg:$0x1d];
	[sflag:s8] =	ssyncadd.s32 $0xFFFF9C00  }
0x108: {  	[hbm4b:s1+s2] =	stream.linear.scatter [tilespmem:s5], [sflag:$0x5], $0x6400, $0x38;
	[tilespmem:$0x17780] =	vst v63  }
0x109: {  	_ =	swait.ge [sflag:s7], $0x6400  }
0x10a: {  	s1 =	sld [smem:$0x7EB]  }
0x10b: {  	[sflag:s7] =	ssyncset.done $0x0  }
0x10c: {  	[sflag:s7] =	ssyncadd.s32 $0xFFFF9C00  }
0x10d: {  	[tilespmem:s5], [sflag:$0x2] =	stream.indirect.gather [hbm4b:s28+s13], $0x40, s1, s13, $0xb8;
	[tilespmem:$0x17780] =	vst v63  }
0x10e: {  	_ =	swait.ge [sflag:s14], $0x6400  }
0x10f: {  	[sflag:s14] =	ssyncset.done $0x0  }
0x110: {  	s1 =	rddreg [dreg:$0x1e];
	[sflag:s14] =	ssyncadd.s32 $0xFFFF9C00  }
0x111: {  	[hbm4b:s1+s2] =	stream.linear.scatter [tilespmem:s11], [sflag:$0x6], $0x6400, $0x38;
	[tilespmem:$0x17780] =	vst v63  }
0x112: {  	_ =	swait.ge [sflag:s10], $0x6400  }
0x113: {  	s1 =	sld [smem:$0x7EC]  }
0x114: {  	[sflag:s10] =	ssyncset.done $0x0  }
0x115: {  	[sflag:s10] =	ssyncadd.s32 $0xFFFF9C00  }
0x116: {  	[tilespmem:s11], [sflag:$0x3] =	stream.indirect.gather [hbm4b:s28+s13], $0x40, s1, s13, $0xb8;
	[tilespmem:$0x17780] =	vst v63  }
0x117: {  	_ =	swait.ge [sflag:s15], $0x6400  }
0x118: {  	[sflag:s15] =	ssyncset.done $0x0  }
0x119: {  	s1 =	rddreg [dreg:$0x1f];
	[sflag:s15] =	ssyncadd.s32 $0xFFFF9C00  }
0x11a: {  	[hbm4b:s1+s2] =	stream.linear.scatter [tilespmem:s9], [sflag:$0x7], $0x6400, $0x38;
	[tilespmem:$0x17780] =	vst v63  }
0x11b: {  	_ =	swait.ge [sflag:s12], $0x6400  }
0x11c: {  	s1 =	sld [smem:$0x7ED]  }
0x11d: {  	[sflag:s12] =	ssyncset.done $0x0  }
0x11e: {  	[sflag:s12] =	ssyncadd.s32 $0xFFFF9C00  }
0x11f: {  	[tilespmem:s9], [sflag:$0x4] =	stream.indirect.gather [hbm4b:s28+s13], $0x40, s1, s13, $0xb8;
	[tilespmem:$0x17780] =	vst v63  }
0x120: {  	_ =	swait.ge [sflag:s8], $0x6400  }
0x121: {  	s1 =	sld [smem:$0x7BD]  }
0x122: {  	[sflag:s8] =	ssyncset.done $0x0  }
0x123: {  	[sflag:s8] =	ssyncadd.s32 $0xFFFF9C00  }
0x124: {  	[hbm4b:s1+s2] =	stream.linear.scatter [tilespmem:s5], [sflag:$0x5], $0x6400, $0x38;
	[tilespmem:$0x17780] =	vst v63  }
0x125: {  	_ =	swait.ge [sflag:s7], $0x6400  }
0x126: {  	s1 =	sld [smem:$0x7EE]  }
0x127: {  	[sflag:s7] =	ssyncset.done $0x0  }
0x128: {  	[sflag:s7] =	ssyncadd.s32 $0xFFFF9C00  }
0x129: {  	[tilespmem:s5], [sflag:$0x2] =	stream.indirect.gather [hbm4b:s28+s13], $0x40, s1, s13, $0xb8;
	[tilespmem:$0x17780] =	vst v63  }
0x12a: {  	_ =	swait.ge [sflag:s14], $0x6400  }
0x12b: {  	s1 =	sld [smem:$0x7BE]  }
0x12c: {  	[sflag:s14] =	ssyncset.done $0x0  }
0x12d: {  	[sflag:s14] =	ssyncadd.s32 $0xFFFF9C00  }
0x12e: {  	[hbm4b:s1+s2] =	stream.linear.scatter [tilespmem:s11], [sflag:$0x6], $0x6400, $0x38;
	[tilespmem:$0x17780] =	vst v63  }
0x12f: {  	_ =	swait.ge [sflag:s10], $0x6400  }
0x130: {  	s1 =	sld [smem:$0x7EF]  }
0x131: {  	[sflag:s10] =	ssyncset.done $0x0  }
0x132: {  	[sflag:s10] =	ssyncadd.s32 $0xFFFF9C00  }
0x133: {  	[tilespmem:s11], [sflag:$0x3] =	stream.indirect.gather [hbm4b:s28+s13], $0x40, s1, s13, $0xb8;
	[tilespmem:$0x17780] =	vst v63  }
0x134: {  	_ =	swait.ge [sflag:s15], $0x6400  }
0x135: {  	s1 =	sld [smem:$0x7BF]  }
0x136: {  	[sflag:s15] =	ssyncset.done $0x0  }
0x137: {  	[sflag:s15] =	ssyncadd.s32 $0xFFFF9C00  }
0x138: {  	[hbm4b:s1+s2] =	stream.linear.scatter [tilespmem:s9], [sflag:$0x7], $0x6400, $0x38;
	[tilespmem:$0x17780] =	vst v63  }
0x139: {  	_ =	swait.ge [sflag:s12], $0x6400  }
0x13a: {  	s1 =	sld [smem:$0x7F0]  }
0x13b: {  	[sflag:s12] =	ssyncset.done $0x0  }
0x13c: {  	[sflag:s12] =	ssyncadd.s32 $0xFFFF9C00  }
0x13d: {  	[tilespmem:s9], [sflag:$0x4] =	stream.indirect.gather [hbm4b:s28+s13], $0x40, s1, s13, $0xb8;
	[tilespmem:$0x17780] =	vst v63  }
0x13e: {  	_ =	swait.ge [sflag:s8], $0x6400  }
0x13f: {  	s1 =	sld [smem:$0x7C0]  }
0x140: {  	[sflag:s8] =	ssyncset.done $0x0  }
0x141: {  	[sflag:s8] =	ssyncadd.s32 $0xFFFF9C00  }
0x142: {  	[hbm4b:s1+s2] =	stream.linear.scatter [tilespmem:s5], [sflag:$0x5], $0x6400, $0x38;
	[tilespmem:$0x17780] =	vst v63  }
0x143: {  	_ =	swait.ge [sflag:s7], $0x6400  }
0x144: {  	s1 =	sld [smem:$0x7F1]  }
0x145: {  	[sflag:s7] =	ssyncset.done $0x0  }
0x146: {  	[sflag:s7] =	ssyncadd.s32 $0xFFFF9C00  }
0x147: {  	[tilespmem:s5], [sflag:$0x2] =	stream.indirect.gather [hbm4b:s28+s13], $0x40, s1, s13, $0xb8;
	[tilespmem:$0x17780] =	vst v63  }
0x148: {  	_ =	swait.ge [sflag:s14], $0x6400  }
0x149: {  	s1 =	sld [smem:$0x7C1]  }
0x14a: {  	[sflag:s14] =	ssyncset.done $0x0  }
0x14b: {  	[sflag:s14] =	ssyncadd.s32 $0xFFFF9C00  }
0x14c: {  	[hbm4b:s1+s2] =	stream.linear.scatter [tilespmem:s11], [sflag:$0x6], $0x6400, $0x38;
	[tilespmem:$0x17780] =	vst v63  }
0x14d: {  	_ =	swait.ge [sflag:s10], $0x6400  }
0x14e: {  	s1 =	sld [smem:$0x7F2]  }
0x14f: {  	[sflag:s10] =	ssyncset.done $0x0  }
0x150: {  	[sflag:s10] =	ssyncadd.s32 $0xFFFF9C00  }
0x151: {  	[tilespmem:s11], [sflag:$0x3] =	stream.indirect.gather [hbm4b:s28+s13], $0x40, s1, s13, $0xb8;
	[tilespmem:$0x17780] =	vst v63  }
0x152: {  	_ =	swait.ge [sflag:s15], $0x6400  }
0x153: {  	s1 =	sld [smem:$0x7C2]  }
0x154: {  	[sflag:s15] =	ssyncset.done $0x0  }
0x155: {  	[sflag:s15] =	ssyncadd.s32 $0xFFFF9C00  }
0x156: {  	[hbm4b:s1+s2] =	stream.linear.scatter [tilespmem:s9], [sflag:$0x7], $0x6400, $0x38;
	[tilespmem:$0x17780] =	vst v63  }
0x157: {  	_ =	swait.ge [sflag:s12], $0x6400  }
0x158: {  	s1 =	sld [smem:$0x7F3]  }
0x159: {  	[sflag:s12] =	ssyncset.done $0x0  }
0x15a: {  	[sflag:s12] =	ssyncadd.s32 $0xFFFF9C00  }
0x15b: {  	[tilespmem:s9], [sflag:$0x4] =	stream.indirect.gather [hbm4b:s28+s13], $0x40, s1, s13, $0xb8;
	[tilespmem:$0x17780] =	vst v63  }
0x15c: {  	_ =	swait.ge [sflag:s8], $0x6400  }
0x15d: {  	s1 =	sld [smem:$0x7C3]  }
0x15e: {  	[sflag:s8] =	ssyncset.done $0x0  }
0x15f: {  	[sflag:s8] =	ssyncadd.s32 $0xFFFF9C00  }
0x160: {  	[hbm4b:s1+s2] =	stream.linear.scatter [tilespmem:s5], [sflag:$0x5], $0x6400, $0x38;
	[tilespmem:$0x17780] =	vst v63  }
0x161: {  	_ =	swait.ge [sflag:s7], $0x6400  }
0x162: {  	s1 =	sld [smem:$0x7F4]  }
0x163: {  	[sflag:s7] =	ssyncset.done $0x0  }
0x164: {  	[sflag:s7] =	ssyncadd.s32 $0xFFFF9C00  }
0x165: {  	[tilespmem:s5], [sflag:$0x2] =	stream.indirect.gather [hbm4b:s28+s13], $0x40, s1, s13, $0xb8;
	[tilespmem:$0x17780] =	vst v63  }
0x166: {  	_ =	swait.ge [sflag:s14], $0x6400  }
0x167: {  	s1 =	sld [smem:$0x7C4]  }
0x168: {  	[sflag:s14] =	ssyncset.done $0x0  }
0x169: {  	[sflag:s14] =	ssyncadd.s32 $0xFFFF9C00  }
0x16a: {  	[hbm4b:s1+s2] =	stream.linear.scatter [tilespmem:s11], [sflag:$0x6], $0x6400, $0x38;
	[tilespmem:$0x17780] =	vst v63  }
0x16b: {  	_ =	swait.ge [sflag:s10], $0x6400  }
0x16c: {  	s1 =	sld [smem:$0x7F5]  }
0x16d: {  	[sflag:s10] =	ssyncset.done $0x0  }
0x16e: {  	[sflag:s10] =	ssyncadd.s32 $0xFFFF9C00  }
0x16f: {  	[tilespmem:s11], [sflag:$0x3] =	stream.indirect.gather [hbm4b:s28+s13], $0x40, s1, s13, $0xb8;
	[tilespmem:$0x17780] =	vst v63  }
0x170: {  	_ =	swait.ge [sflag:s15], $0x6400  }
0x171: {  	s1 =	sld [smem:$0x7C5]  }
0x172: {  	[sflag:s15] =	ssyncset.done $0x0  }
0x173: {  	[sflag:s15] =	ssyncadd.s32 $0xFFFF9C00  }
0x174: {  	[hbm4b:s1+s2] =	stream.linear.scatter [tilespmem:s9], [sflag:$0x7], $0x6400, $0x38;
	[tilespmem:$0x17780] =	vst v63  }
0x175: {  	_ =	swait.ge [sflag:s12], $0x6400  }
0x176: {  	s1 =	sld [smem:$0x7F6]  }
0x177: {  	[sflag:s12] =	ssyncset.done $0x0  }
0x178: {  	[sflag:s12] =	ssyncadd.s32 $0xFFFF9C00  }
0x179: {  	[tilespmem:s9], [sflag:$0x4] =	stream.indirect.gather [hbm4b:s28+s13], $0x40, s1, s13, $0xb8;
	[tilespmem:$0x17780] =	vst v63  }
0x17a: {  	_ =	swait.ge [sflag:s8], $0x6400  }
0x17b: {  	s1 =	sld [smem:$0x7C6]  }
0x17c: {  	[sflag:s8] =	ssyncset.done $0x0  }
0x17d: {  	[sflag:s8] =	ssyncadd.s32 $0xFFFF9C00  }
0x17e: {  	[hbm4b:s1+s2] =	stream.linear.scatter [tilespmem:s5], [sflag:$0x5], $0x6400, $0x38;
	[tilespmem:$0x17780] =	vst v63  }
0x17f: {  	_ =	swait.ge [sflag:s7], $0x6400  }
0x180: {  	s1 =	sld [smem:$0x7F7]  }
0x181: {  	[sflag:s7] =	ssyncset.done $0x0  }
0x182: {  	[sflag:s7] =	ssyncadd.s32 $0xFFFF9C00  }
0x183: {  	[tilespmem:s5], [sflag:$0x2] =	stream.indirect.gather [hbm4b:s28+s13], $0x40, s1, s13, $0xb8;
	[tilespmem:$0x17780] =	vst v63  }
0x184: {  	_ =	swait.ge [sflag:s14], $0x6400  }
0x185: {  	s1 =	sld [smem:$0x7C7]  }
0x186: {  	[sflag:s14] =	ssyncset.done $0x0  }
0x187: {  	[sflag:s14] =	ssyncadd.s32 $0xFFFF9C00  }
0x188: {  	[hbm4b:s1+s2] =	stream.linear.scatter [tilespmem:s11], [sflag:$0x6], $0x6400, $0x38;
	[tilespmem:$0x17780] =	vst v63  }
0x189: {  	_ =	swait.ge [sflag:s10], $0x6400  }
0x18a: {  	s1 =	sld [smem:$0x7F8]  }
0x18b: {  	[sflag:s10] =	ssyncset.done $0x0  }
0x18c: {  	[sflag:s10] =	ssyncadd.s32 $0xFFFF9C00  }
0x18d: {  	[tilespmem:s11], [sflag:$0x3] =	stream.indirect.gather [hbm4b:s28+s13], $0x40, s1, s13, $0xb8;
	[tilespmem:$0x17780] =	vst v63  }
0x18e: {  	_ =	swait.ge [sflag:s15], $0x6400  }
0x18f: {  	s1 =	sld [smem:$0x7C8]  }
0x190: {  	[sflag:s15] =	ssyncset.done $0x0  }
0x191: {  	[sflag:s15] =	ssyncadd.s32 $0xFFFF9C00  }
0x192: {  	[hbm4b:s1+s2] =	stream.linear.scatter [tilespmem:s9], [sflag:$0x7], $0x6400, $0x38;
	[tilespmem:$0x17780] =	vst v63  }
0x193: {  	_ =	swait.ge [sflag:s12], $0x6400  }
0x194: {  	[sflag:s12] =	ssyncset.done $0x0  }
0x195: {  	[sflag:s12] =	ssyncadd.s32 $0xFFFF9C00  }
0x196: {  	[tilespmem:s9], [sflag:$0x4] =	stream.indirect.gather [hbm4b:s4+s13], $0x40, s29, s13, $0xb8;
	[tilespmem:$0x17780] =	vst v63  }
0x197: {  	_ =	swait.ge [sflag:s8], $0x6400  }
0x198: {  	s1 =	sld [smem:$0x7C9]  }
0x199: {  	[sflag:s8] =	ssyncset.done $0x0  }
0x19a: {  	[sflag:s8] =	ssyncadd.s32 $0xFFFF9C00  }
0x19b: {  	[hbm4b:s1+s2] =	stream.linear.scatter [tilespmem:s5], [sflag:$0x5], $0x6400, $0x38;
	[tilespmem:$0x17780] =	vst v63  }
0x19c: {  	_ =	swait.ge [sflag:s7], $0x6400  }
0x19d: {  	s1 =	sld [smem:$0x7F9]  }
0x19e: {  	[sflag:s7] =	ssyncset.done $0x0  }
0x19f: {  	[sflag:s7] =	ssyncadd.s32 $0xFFFF9C00  }
0x1a0: {  	[tilespmem:s5], [sflag:$0x2] =	stream.indirect.gather [hbm4b:s4+s13], $0x40, s1, s13, $0xb8;
	[tilespmem:$0x17780] =	vst v63  }
0x1a1: {  	_ =	swait.ge [sflag:s14], $0x6400  }
0x1a2: {  	s1 =	sld [smem:$0x7CA]  }
0x1a3: {  	[sflag:s14] =	ssyncset.done $0x0  }
0x1a4: {  	[sflag:s14] =	ssyncadd.s32 $0xFFFF9C00  }
0x1a5: {  	[hbm4b:s1+s2] =	stream.linear.scatter [tilespmem:s11], [sflag:$0x6], $0x6400, $0x38;
	[tilespmem:$0x17780] =	vst v63  }
0x1a6: {  	_ =	swait.ge [sflag:s10], $0x6400  }
0x1a7: {  	s1 =	sld [smem:$0x7FA]  }
0x1a8: {  	[sflag:s10] =	ssyncset.done $0x0  }
0x1a9: {  	[sflag:s10] =	ssyncadd.s32 $0xFFFF9C00  }
0x1aa: {  	[tilespmem:s11], [sflag:$0x3] =	stream.indirect.gather [hbm4b:s4+s13], $0x40, s1, s13, $0xb8;
	[tilespmem:$0x17780] =	vst v63  }
0x1ab: {  	_ =	swait.ge [sflag:s15], $0x6400  }
0x1ac: {  	s1 =	sld [smem:$0x7CB]  }
0x1ad: {  	[sflag:s15] =	ssyncset.done $0x0  }
0x1ae: {  	[sflag:s15] =	ssyncadd.s32 $0xFFFF9C00  }
0x1af: {  	[hbm4b:s1+s2] =	stream.linear.scatter [tilespmem:s9], [sflag:$0x7], $0x6400, $0x38;
	[tilespmem:$0x17780] =	vst v63  }
0x1b0: {  	_ =	swait.ge [sflag:s12], $0x6400  }
0x1b1: {  	s1 =	sld [smem:$0x7FB]  }
0x1b2: {  	[sflag:s12] =	ssyncset.done $0x0  }
0x1b3: {  	[sflag:s12] =	ssyncadd.s32 $0xFFFF9C00  }
0x1b4: {  	[tilespmem:s9], [sflag:$0x4] =	stream.indirect.gather [hbm4b:s4+s13], $0x40, s1, s13, $0xb8;
	[tilespmem:$0x17780] =	vst v63  }
0x1b5: {  	_ =	swait.ge [sflag:s8], $0x6400  }
0x1b6: {  	s1 =	sld [smem:$0x7CC]  }
0x1b7: {  	[sflag:s8] =	ssyncset.done $0x0  }
0x1b8: {  	[sflag:s8] =	ssyncadd.s32 $0xFFFF9C00  }
0x1b9: {  	[hbm4b:s1+s2] =	stream.linear.scatter [tilespmem:s5], [sflag:$0x5], $0x6400, $0x38;
	[tilespmem:$0x17780] =	vst v63  }
0x1ba: {  	_ =	swait.ge [sflag:s7], $0x6400  }
0x1bb: {  	s1 =	sld [smem:$0x7FC]  }
0x1bc: {  	[sflag:s7] =	ssyncset.done $0x0  }
0x1bd: {  	[sflag:s7] =	ssyncadd.s32 $0xFFFF9C00  }
0x1be: {  	[tilespmem:s5], [sflag:$0x2] =	stream.indirect.gather [hbm4b:s4+s13], $0x40, s1, s13, $0xb8;
	[tilespmem:$0x17780] =	vst v63  }
0x1bf: {  	_ =	swait.ge [sflag:s14], $0x6400  }
0x1c0: {  	s1 =	sld [smem:$0x7CD]  }
0x1c1: {  	[sflag:s14] =	ssyncset.done $0x0  }
0x1c2: {  	[sflag:s14] =	ssyncadd.s32 $0xFFFF9C00  }
0x1c3: {  	[hbm4b:s1+s2] =	stream.linear.scatter [tilespmem:s11], [sflag:$0x6], $0x6400, $0x38;
	[tilespmem:$0x17780] =	vst v63  }
0x1c4: {  	_ =	swait.ge [sflag:s10], $0x6400  }
0x1c5: {  	s1 =	sld [smem:$0x7FD]  }
0x1c6: {  	[sflag:s10] =	ssyncset.done $0x0  }
0x1c7: {  	[sflag:s10] =	ssyncadd.s32 $0xFFFF9C00  }
0x1c8: {  	[tilespmem:s11], [sflag:$0x3] =	stream.indirect.gather [hbm4b:s4+s13], $0x40, s1, s13, $0xb8;
	[tilespmem:$0x17780] =	vst v63  }
0x1c9: {  	_ =	swait.ge [sflag:s15], $0x6400  }
0x1ca: {  	s1 =	sld [smem:$0x7CE]  }
0x1cb: {  	[sflag:s15] =	ssyncset.done $0x0  }
0x1cc: {  	[sflag:s15] =	ssyncadd.s32 $0xFFFF9C00  }
0x1cd: {  	[hbm4b:s1+s2] =	stream.linear.scatter [tilespmem:s9], [sflag:$0x7], $0x6400, $0x38;
	[tilespmem:$0x17780] =	vst v63  }
0x1ce: {  	_ =	swait.ge [sflag:s12], $0x6400  }
0x1cf: {  	[sflag:s12] =	ssyncset.done $0x0  }
0x1d0: {  	[sflag:s12] =	ssyncadd.s32 $0xFFFF9C00  }
0x1d1: {  	[tilespmem:s9], [sflag:$0x4] =	stream.indirect.gather [hbm4b:s4+s13], $0x40, s26, s13, $0xb8;
	[tilespmem:$0x17780] =	vst v63  }
0x1d2: {  	_ =	swait.ge [sflag:s8], $0x6400  }
0x1d3: {  	s1 =	sld [smem:$0x7CF]  }
0x1d4: {  	[sflag:s8] =	ssyncset.done $0x0  }
0x1d5: {  	[sflag:s8] =	ssyncadd.s32 $0xFFFF9C00  }
0x1d6: {  	[hbm4b:s1+s2] =	stream.linear.scatter [tilespmem:s5], [sflag:$0x5], $0x6400, $0x38;
	[tilespmem:$0x17780] =	vst v63  }
0x1d7: {  	_ =	swait.ge [sflag:s7], $0x6400  }
0x1d8: {  	[sflag:s7] =	ssyncset.done $0x0  }
0x1d9: {  	[sflag:s7] =	ssyncadd.s32 $0xFFFF9C00  }
0x1da: {  	[tilespmem:s5], [sflag:$0x2] =	stream.indirect.gather [hbm4b:s4+s13], $0x40, s25, s13, $0xb8;
	[tilespmem:$0x17780] =	vst v63  }
0x1db: {  	_ =	swait.ge [sflag:s14], $0x6400  }
0x1dc: {  	s1 =	sld [smem:$0x7D0]  }
0x1dd: {  	[sflag:s14] =	ssyncset.done $0x0  }
0x1de: {  	[sflag:s14] =	ssyncadd.s32 $0xFFFF9C00  }
0x1df: {  	[hbm4b:s1+s2] =	stream.linear.scatter [tilespmem:s11], [sflag:$0x6], $0x6400, $0x38;
	[tilespmem:$0x17780] =	vst v63  }
0x1e0: {  	_ =	swait.ge [sflag:s10], $0x6400  }
0x1e1: {  	[sflag:s10] =	ssyncset.done $0x0  }
0x1e2: {  	[sflag:s10] =	ssyncadd.s32 $0xFFFF9C00  }
0x1e3: {  	[tilespmem:s11], [sflag:$0x3] =	stream.indirect.gather [hbm4b:s4+s13], $0x40, s24, s13, $0xb8;
	[tilespmem:$0x17780] =	vst v63  }
0x1e4: {  	_ =	swait.ge [sflag:s15], $0x6400  }
0x1e5: {  	s1 =	sld [smem:$0x7D1]  }
0x1e6: {  	[sflag:s15] =	ssyncset.done $0x0  }
0x1e7: {  	[sflag:s15] =	ssyncadd.s32 $0xFFFF9C00  }
0x1e8: {  	[hbm4b:s1+s2] =	stream.linear.scatter [tilespmem:s9], [sflag:$0x7], $0x6400, $0x38;
	[tilespmem:$0x17780] =	vst v63  }
0x1e9: {  	_ =	swait.ge [sflag:s12], $0x6400  }
0x1ea: {  	[sflag:s12] =	ssyncset.done $0x0  }
0x1eb: {  	[sflag:s12] =	ssyncadd.s32 $0xFFFF9C00  }
0x1ec: {  	[tilespmem:s9], [sflag:$0x4] =	stream.indirect.gather [hbm4b:s4+s13], $0x40, s23, s13, $0xb8;
	[tilespmem:$0x17780] =	vst v63  }
0x1ed: {  	_ =	swait.ge [sflag:s8], $0x6400  }
0x1ee: {  	s1 =	sld [smem:$0x7D2]  }
0x1ef: {  	[sflag:s8] =	ssyncset.done $0x0  }
0x1f0: {  	[sflag:s8] =	ssyncadd.s32 $0xFFFF9C00  }
0x1f1: {  	[hbm4b:s1+s2] =	stream.linear.scatter [tilespmem:s5], [sflag:$0x5], $0x6400, $0x38;
	[tilespmem:$0x17780] =	vst v63  }
0x1f2: {  	_ =	swait.ge [sflag:s7], $0x6400  }
0x1f3: {  	[sflag:s7] =	ssyncset.done $0x0  }
0x1f4: {  	[sflag:s7] =	ssyncadd.s32 $0xFFFF9C00  }
0x1f5: {  	[tilespmem:s5], [sflag:$0x2] =	stream.indirect.gather [hbm4b:s4+s13], $0x40, s22, s13, $0xb8;
	[tilespmem:$0x17780] =	vst v63  }
0x1f6: {  	_ =	swait.ge [sflag:s14], $0x6400  }
0x1f7: {  	s1 =	sld [smem:$0x7D3]  }
0x1f8: {  	[sflag:s14] =	ssyncset.done $0x0  }
0x1f9: {  	[sflag:s14] =	ssyncadd.s32 $0xFFFF9C00  }
0x1fa: {  	[hbm4b:s1+s2] =	stream.linear.scatter [tilespmem:s11], [sflag:$0x6], $0x6400, $0x38;
	[tilespmem:$0x17780] =	vst v63  }
0x1fb: {  	_ =	swait.ge [sflag:s10], $0x6400  }
0x1fc: {  	[sflag:s10] =	ssyncset.done $0x0  }
0x1fd: {  	[sflag:s10] =	ssyncadd.s32 $0xFFFF9C00  }
0x1fe: {  	[tilespmem:s11], [sflag:$0x3] =	stream.indirect.gather [hbm4b:s4+s13], $0x40, s21, s13, $0xb8;
	[tilespmem:$0x17780] =	vst v63  }
0x1ff: {  	_ =	swait.ge [sflag:s15], $0x6400  }
0x200: {  	s1 =	sld [smem:$0x7D4]  }
0x201: {  	[sflag:s15] =	ssyncset.done $0x0  }
0x202: {  	[sflag:s15] =	ssyncadd.s32 $0xFFFF9C00  }
0x203: {  	[hbm4b:s1+s2] =	stream.linear.scatter [tilespmem:s9], [sflag:$0x7], $0x6400, $0x38;
	[tilespmem:$0x17780] =	vst v63  }
0x204: {  	_ =	swait.ge [sflag:s12], $0x6400  }
0x205: {  	[sflag:s12] =	ssyncset.done $0x0  }
0x206: {  	[sflag:s12] =	ssyncadd.s32 $0xFFFF9C00  }
0x207: {  	[tilespmem:s9], [sflag:$0x4] =	stream.indirect.gather [hbm4b:s4+s13], $0x40, s20, s13, $0xb8;
	[tilespmem:$0x17780] =	vst v63  }
0x208: {  	_ =	swait.ge [sflag:s8], $0x6400  }
0x209: {  	s1 =	sld [smem:$0x7D5]  }
0x20a: {  	[sflag:s8] =	ssyncset.done $0x0  }
0x20b: {  	[sflag:s8] =	ssyncadd.s32 $0xFFFF9C00  }
0x20c: {  	[hbm4b:s1+s2] =	stream.linear.scatter [tilespmem:s5], [sflag:$0x5], $0x6400, $0x38;
	[tilespmem:$0x17780] =	vst v63  }
0x20d: {  	_ =	swait.ge [sflag:s7], $0x6400  }
0x20e: {  	[sflag:s7] =	ssyncset.done $0x0  }
0x20f: {  	[sflag:s7] =	ssyncadd.s32 $0xFFFF9C00  }
0x210: {  	[tilespmem:s5], [sflag:$0x2] =	stream.indirect.gather [hbm4b:s4+s13], $0x40, s19, s13, $0xb8;
	[tilespmem:$0x17780] =	vst v63  }
0x211: {  	_ =	swait.ge [sflag:s14], $0x6400  }
0x212: {  	s1 =	sld [smem:$0x7D6]  }
0x213: {  	[sflag:s14] =	ssyncset.done $0x0  }
0x214: {  	[sflag:s14] =	ssyncadd.s32 $0xFFFF9C00  }
0x215: {  	[hbm4b:s1+s2] =	stream.linear.scatter [tilespmem:s11], [sflag:$0x6], $0x6400, $0x38;
	[tilespmem:$0x17780] =	vst v63  }
0x216: {  	_ =	swait.ge [sflag:s10], $0x6400  }
0x217: {  	[sflag:s10] =	ssyncset.done $0x0  }
0x218: {  	[sflag:s10] =	ssyncadd.s32 $0xFFFF9C00  }
0x219: {  	[tilespmem:s11], [sflag:$0x3] =	stream.indirect.gather [hbm4b:s4+s13], $0x40, s18, s13, $0xb8;
	[tilespmem:$0x17780] =	vst v63  }
0x21a: {  	_ =	swait.ge [sflag:s15], $0x6400  }
0x21b: {  	s1 =	sld [smem:$0x7D7]  }
0x21c: {  	[sflag:s15] =	ssyncset.done $0x0  }
0x21d: {  	[sflag:s15] =	ssyncadd.s32 $0xFFFF9C00  }
0x21e: {  	[hbm4b:s1+s2] =	stream.linear.scatter [tilespmem:s9], [sflag:$0x7], $0x6400, $0x38;
	[tilespmem:$0x17780] =	vst v63  }
0x21f: {  	_ =	swait.ge [sflag:s12], $0x6400  }
0x220: {  	[sflag:s12] =	ssyncset.done $0x0  }
0x221: {  	[sflag:s12] =	ssyncadd.s32 $0xFFFF9C00  }
0x222: {  	[tilespmem:s9], [sflag:$0x4] =	stream.indirect.gather [hbm4b:s4+s13], $0x40, s17, s13, $0xb8;
	[tilespmem:$0x17780] =	vst v63  }
0x223: {  	_ =	swait.ge [sflag:s8], $0x6400  }
0x224: {  	s1 =	sld [smem:$0x7D8]  }
0x225: {  	[sflag:s8] =	ssyncset.done $0x0  }
0x226: {  	[sflag:s8] =	ssyncadd.s32 $0xFFFF9C00  }
0x227: {  	[hbm4b:s1+s2] =	stream.linear.scatter [tilespmem:s5], [sflag:$0x5], $0x6400, $0x38;
	[tilespmem:$0x17780] =	vst v63  }
0x228: {  	_ =	swait.ge [sflag:s7], $0x6400  }
0x229: {  	[sflag:s7] =	ssyncset.done $0x0  }
0x22a: {  	[sflag:s7] =	ssyncadd.s32 $0xFFFF9C00  }
0x22b: {  	[tilespmem:s5], [sflag:$0x2] =	stream.indirect.gather [hbm4b:s3+s16], $0x40, s6, s16, $0xb8;
	[tilespmem:$0x17780] =	vst v63  }
0x22c: {  	_ =	swait.ge [sflag:s14], $0x6400  }
0x22d: {  	s1 =	sld [smem:$0x7D9]  }
0x22e: {  	[sflag:s14] =	ssyncset.done $0x0  }
0x22f: {  	[sflag:s14] =	ssyncadd.s32 $0xFFFF9C00  }
0x230: {  	[hbm4b:s1+s2] =	stream.linear.scatter [tilespmem:s11], [sflag:$0x6], $0x6400, $0x38;
	[tilespmem:$0x17780] =	vst v63  }
0x231: {  	_ =	swait.ge [sflag:s15], $0x6400  }
0x232: {  	s1 =	sld [smem:$0x7DA]  }
0x233: {  	[sflag:s15] =	ssyncset.done $0x0  }
0x234: {  	[sflag:s15] =	ssyncadd.s32 $0xFFFF9C00  }
0x235: {  	[hbm4b:s1+s2] =	stream.linear.scatter [tilespmem:s9], [sflag:$0x7], $0x6400, $0x38;
	[tilespmem:$0x17780] =	vst v63  }
0x236: {  	_ =	swait.ge [sflag:s8], $0x2000  }
0x237: {  	s1 =	sld [smem:$0x7DB]  }
0x238: {  	[sflag:s8] =	ssyncset.done $0x0  }
0x239: {  	[sflag:s8] =	ssyncadd.s32 $0xFFFFE000  }
0x23a: {  	[hbm4b:s1+s2] =	stream.linear.scatter [tilespmem:s5], [sflag:$0x5], $0x2000, $0x38;
	[tilespmem:$0x17780] =	vst v63  }
0x23b: {  	_ =	swait.ge [sflag:s7], $0x2000  }
0x23c: {  	[sflag:s7] =	ssyncset.done $0x0  }
0x23d: {  	[sflag:s7] =	ssyncadd.s32 $0xFFFFE000  }
0x23e: {  	_ =	swait.ge [sflag:s10], $0x6400  }
0x23f: {  	s1 =	sld [smem:$0x7BC];
	_ =	sdelay $0x2  }
0x240: {  	p1 =	sne.s32 s1, $0x1  }
.Ltmp1:
0x241: {  	_ = 	snop;
	(pc) =	sbr.rel @!p1 .LBB2_3-.Ltmp1, $4  }
0x242: {  	[sflag:s10] =	ssyncset.done $0x0  }
0x243: {  	[sflag:s10] =	ssyncadd.s32 $0xFFFF9C00  }
0x244: {  	p0 =	por $0x1, $0x1;
	_ =	swait.ge [sflag:s12], $0x6400  }
0x245: {  	s1 =	sadd.s32 $0xFFFFFFFF, s1;
	s0 =	rddreg [dreg:$0xa];
	[sflag:s12] =	ssyncset.done $0x0  }
.LBB2_2:
0x246: {  	[sflag:s12] =	ssyncadd.s32 $0xFFFF9C00  }
0x247: {  	[tilespmem:s2], [sflag:$0x1] =	stream.linear.gather [hbm4b:s0+s2], $0x1900, $0x38;
	[tilespmem:$0x17780] =	vst v63  }
0x248: {  	s16 =	rddreg [dreg:$0xb]  }
0x249: {  	[tilespmem:s30], [sflag:$0x1] =	stream.linear.gather [hbm4b:s16+s2], $0x1900, $0x38;
	[tilespmem:$0x17780] =	vst v63  }
0x24a: {  	s0 =	rddreg [dreg:$0xc]  }
0x24b: {  	[tilespmem:s29], [sflag:$0x1] =	stream.linear.gather [hbm4b:s0+s2], $0x1900, $0x38;
	[tilespmem:$0x17780] =	vst v63  }
0x24c: {  	s16 =	rddreg [dreg:$0xd]  }
0x24d: {  	[tilespmem:s6], [sflag:$0x1] =	stream.linear.gather [hbm4b:s16+s2], $0x80, $0x38;
	[tilespmem:$0x17780] =	vst v63  }
0x24e: {  	_ =	swait.ge [sflag:s31], $0x1900  }
0x24f: {  	[sflag:s31] =	ssyncset.done $0x0  }
0x250: {  	[sflag:s31] =	ssyncadd.s32 $0xFFFFE700  }
0x251: {  	_ =	swait.ge [sflag:s31], $0x1900  }
0x252: {  	[sflag:s31] =	ssyncset.done $0x0  }
0x253: {  	[sflag:s31] =	ssyncadd.s32 $0xFFFFE700  }
0x254: {  	_ =	swait.ge [sflag:s31], $0x1900  }
0x255: {  	[sflag:s31] =	ssyncset.done $0x0  }
0x256: {  	[sflag:s31] =	ssyncadd.s32 $0xFFFFE700  }
0x257: {  	_ =	swait.ge [sflag:s31], $0x80  }
0x258: {  	[sflag:s31] =	ssyncset.done $0x0  }
0x259: {  	[sflag:s31] =	ssyncadd.s32 $0xFFFFFF80  }
0x25a: {  	[tilespmem:s5], [sflag:$0x2] =	stream.indirect.gather [hbm4b:s3+s13], $0x40, s2, s13, $0xb8;
	[tilespmem:$0x17780] =	vst v63  }
0x25b: {  	s0 =	sld [smem:$0x7DC]  }
0x25c: {  	[tilespmem:s11], [sflag:$0x3] =	stream.indirect.gather [hbm4b:s3+s13], $0x40, s13, s13, $0xb8;
	[tilespmem:$0x17780] =	vst v63  }
0x25d: {  	_ = 	snop  }
0x25e: {  	[tilespmem:s9], [sflag:$0x4] =	stream.indirect.gather [hbm4b:s3+s13], $0x40, s0, s13, $0xb8;
	[tilespmem:$0x17780] =	vst v63  }
0x25f: {  	_ =	swait.ge [sflag:s8], $0x6400  }
0x260: {  	[sflag:s8] =	ssyncset.done $0x0  }
0x261: {  	s0 =	rddreg [dreg:$0xe];
	[sflag:s8] =	ssyncadd.s32 $0xFFFF9C00  }
0x262: {  	[hbm4b:s0+s2] =	stream.linear.scatter [tilespmem:s5], [sflag:$0x5], $0x6400, $0x38;
	[tilespmem:$0x17780] =	vst v63  }
0x263: {  	_ =	swait.ge [sflag:s7], $0x6400  }
0x264: {  	s0 =	sld [smem:$0x7DD]  }
0x265: {  	[sflag:s7] =	ssyncset.done $0x0  }
0x266: {  	[sflag:s7] =	ssyncadd.s32 $0xFFFF9C00  }
0x267: {  	[tilespmem:s5], [sflag:$0x2] =	stream.indirect.gather [hbm4b:s3+s13], $0x40, s0, s13, $0xb8;
	[tilespmem:$0x17780] =	vst v63  }
0x268: {  	_ =	swait.ge [sflag:s14], $0x6400  }
0x269: {  	[sflag:s14] =	ssyncset.done $0x0  }
0x26a: {  	s0 =	rddreg [dreg:$0xf];
	[sflag:s14] =	ssyncadd.s32 $0xFFFF9C00  }
0x26b: {  	[hbm4b:s0+s2] =	stream.linear.scatter [tilespmem:s11], [sflag:$0x6], $0x6400, $0x38;
	[tilespmem:$0x17780] =	vst v63  }
0x26c: {  	_ =	swait.ge [sflag:s10], $0x6400  }
0x26d: {  	s0 =	sld [smem:$0x7DE]  }
0x26e: {  	[sflag:s10] =	ssyncset.done $0x0  }
0x26f: {  	[sflag:s10] =	ssyncadd.s32 $0xFFFF9C00  }
0x270: {  	[tilespmem:s11], [sflag:$0x3] =	stream.indirect.gather [hbm4b:s3+s13], $0x40, s0, s13, $0xb8;
	[tilespmem:$0x17780] =	vst v63  }
0x271: {  	_ =	swait.ge [sflag:s15], $0x6400  }
0x272: {  	[sflag:s15] =	ssyncset.done $0x0  }
0x273: {  	s0 =	rddreg [dreg:$0x10];
	[sflag:s15] =	ssyncadd.s32 $0xFFFF9C00  }
0x274: {  	[hbm4b:s0+s2] =	stream.linear.scatter [tilespmem:s9], [sflag:$0x7], $0x6400, $0x38;
	[tilespmem:$0x17780] =	vst v63  }
0x275: {  	_ =	swait.ge [sflag:s12], $0x6400  }
0x276: {  	s0 =	sld [smem:$0x7DF]  }
0x277: {  	[sflag:s12] =	ssyncset.done $0x0  }
0x278: {  	[sflag:s12] =	ssyncadd.s32 $0xFFFF9C00  }
0x279: {  	[tilespmem:s9], [sflag:$0x4] =	stream.indirect.gather [hbm4b:s3+s13], $0x40, s0, s13, $0xb8;
	[tilespmem:$0x17780] =	vst v63  }
0x27a: {  	_ =	swait.ge [sflag:s8], $0x6400  }
0x27b: {  	[sflag:s8] =	ssyncset.done $0x0  }
0x27c: {  	s0 =	rddreg [dreg:$0x11];
	[sflag:s8] =	ssyncadd.s32 $0xFFFF9C00  }
0x27d: {  	[hbm4b:s0+s2] =	stream.linear.scatter [tilespmem:s5], [sflag:$0x5], $0x6400, $0x38;
	[tilespmem:$0x17780] =	vst v63  }
0x27e: {  	_ =	swait.ge [sflag:s7], $0x6400  }
0x27f: {  	s0 =	sld [smem:$0x7E0]  }
0x280: {  	[sflag:s7] =	ssyncset.done $0x0  }
0x281: {  	[sflag:s7] =	ssyncadd.s32 $0xFFFF9C00  }
0x282: {  	[tilespmem:s5], [sflag:$0x2] =	stream.indirect.gather [hbm4b:s3+s13], $0x40, s0, s13, $0xb8;
	[tilespmem:$0x17780] =	vst v63  }
0x283: {  	_ =	swait.ge [sflag:s14], $0x6400  }
0x284: {  	[sflag:s14] =	ssyncset.done $0x0  }
0x285: {  	s0 =	rddreg [dreg:$0x12];
	[sflag:s14] =	ssyncadd.s32 $0xFFFF9C00  }
0x286: {  	[hbm4b:s0+s2] =	stream.linear.scatter [tilespmem:s11], [sflag:$0x6], $0x6400, $0x38;
	[tilespmem:$0x17780] =	vst v63  }
0x287: {  	_ =	swait.ge [sflag:s10], $0x6400  }
0x288: {  	s0 =	sld [smem:$0x7E1]  }
0x289: {  	[sflag:s10] =	ssyncset.done $0x0  }
0x28a: {  	[sflag:s10] =	ssyncadd.s32 $0xFFFF9C00  }
0x28b: {  	[tilespmem:s11], [sflag:$0x3] =	stream.indirect.gather [hbm4b:s3+s13], $0x40, s0, s13, $0xb8;
	[tilespmem:$0x17780] =	vst v63  }
0x28c: {  	_ =	swait.ge [sflag:s15], $0x6400  }
0x28d: {  	[sflag:s15] =	ssyncset.done $0x0  }
0x28e: {  	s0 =	rddreg [dreg:$0x13];
	[sflag:s15] =	ssyncadd.s32 $0xFFFF9C00  }
0x28f: {  	[hbm4b:s0+s2] =	stream.linear.scatter [tilespmem:s9], [sflag:$0x7], $0x6400, $0x38;
	[tilespmem:$0x17780] =	vst v63  }
0x290: {  	_ =	swait.ge [sflag:s12], $0x6400  }
0x291: {  	s0 =	sld [smem:$0x7E2]  }
0x292: {  	[sflag:s12] =	ssyncset.done $0x0  }
0x293: {  	[sflag:s12] =	ssyncadd.s32 $0xFFFF9C00  }
0x294: {  	[tilespmem:s9], [sflag:$0x4] =	stream.indirect.gather [hbm4b:s3+s13], $0x40, s0, s13, $0xb8;
	[tilespmem:$0x17780] =	vst v63  }
0x295: {  	_ =	swait.ge [sflag:s8], $0x6400  }
0x296: {  	[sflag:s8] =	ssyncset.done $0x0  }
0x297: {  	s0 =	rddreg [dreg:$0x14];
	[sflag:s8] =	ssyncadd.s32 $0xFFFF9C00  }
0x298: {  	[hbm4b:s0+s2] =	stream.linear.scatter [tilespmem:s5], [sflag:$0x5], $0x6400, $0x38;
	[tilespmem:$0x17780] =	vst v63  }
0x299: {  	_ =	swait.ge [sflag:s7], $0x6400  }
0x29a: {  	s0 =	sld [smem:$0x7E3]  }
0x29b: {  	[sflag:s7] =	ssyncset.done $0x0  }
0x29c: {  	[sflag:s7] =	ssyncadd.s32 $0xFFFF9C00  }
0x29d: {  	[tilespmem:s5], [sflag:$0x2] =	stream.indirect.gather [hbm4b:s3+s13], $0x40, s0, s13, $0xb8;
	[tilespmem:$0x17780] =	vst v63  }
0x29e: {  	_ =	swait.ge [sflag:s14], $0x6400  }
0x29f: {  	[sflag:s14] =	ssyncset.done $0x0  }
0x2a0: {  	s0 =	rddreg [dreg:$0x15];
	[sflag:s14] =	ssyncadd.s32 $0xFFFF9C00  }
0x2a1: {  	[hbm4b:s0+s2] =	stream.linear.scatter [tilespmem:s11], [sflag:$0x6], $0x6400, $0x38;
	[tilespmem:$0x17780] =	vst v63  }
0x2a2: {  	_ =	swait.ge [sflag:s10], $0x6400  }
0x2a3: {  	s0 =	sld [smem:$0x7E4]  }
0x2a4: {  	[sflag:s10] =	ssyncset.done $0x0  }
0x2a5: {  	[sflag:s10] =	ssyncadd.s32 $0xFFFF9C00  }
0x2a6: {  	[tilespmem:s11], [sflag:$0x3] =	stream.indirect.gather [hbm4b:s3+s13], $0x40, s0, s13, $0xb8;
	[tilespmem:$0x17780] =	vst v63  }
0x2a7: {  	_ =	swait.ge [sflag:s15], $0x6400  }
0x2a8: {  	[sflag:s15] =	ssyncset.done $0x0  }
0x2a9: {  	s0 =	rddreg [dreg:$0x16];
	[sflag:s15] =	ssyncadd.s32 $0xFFFF9C00  }
0x2aa: {  	[hbm4b:s0+s2] =	stream.linear.scatter [tilespmem:s9], [sflag:$0x7], $0x6400, $0x38;
	[tilespmem:$0x17780] =	vst v63  }
0x2ab: {  	_ =	swait.ge [sflag:s12], $0x6400  }
0x2ac: {  	s0 =	sld [smem:$0x7E5]  }
0x2ad: {  	[sflag:s12] =	ssyncset.done $0x0  }
0x2ae: {  	[sflag:s12] =	ssyncadd.s32 $0xFFFF9C00  }
0x2af: {  	[tilespmem:s9], [sflag:$0x4] =	stream.indirect.gather [hbm4b:s3+s13], $0x40, s0, s13, $0xb8;
	[tilespmem:$0x17780] =	vst v63  }
0x2b0: {  	_ =	swait.ge [sflag:s8], $0x6400  }
0x2b1: {  	[sflag:s8] =	ssyncset.done $0x0  }
0x2b2: {  	s0 =	rddreg [dreg:$0x17];
	[sflag:s8] =	ssyncadd.s32 $0xFFFF9C00  }
0x2b3: {  	[hbm4b:s0+s2] =	stream.linear.scatter [tilespmem:s5], [sflag:$0x5], $0x6400, $0x38;
	[tilespmem:$0x17780] =	vst v63  }
0x2b4: {  	_ =	swait.ge [sflag:s7], $0x6400  }
0x2b5: {  	s0 =	sld [smem:$0x7E6]  }
0x2b6: {  	[sflag:s7] =	ssyncset.done $0x0  }
0x2b7: {  	[sflag:s7] =	ssyncadd.s32 $0xFFFF9C00  }
0x2b8: {  	[tilespmem:s5], [sflag:$0x2] =	stream.indirect.gather [hbm4b:s3+s13], $0x40, s0, s13, $0xb8;
	[tilespmem:$0x17780] =	vst v63  }
0x2b9: {  	_ =	swait.ge [sflag:s14], $0x6400  }
0x2ba: {  	[sflag:s14] =	ssyncset.done $0x0  }
0x2bb: {  	s0 =	rddreg [dreg:$0x18];
	[sflag:s14] =	ssyncadd.s32 $0xFFFF9C00  }
0x2bc: {  	[hbm4b:s0+s2] =	stream.linear.scatter [tilespmem:s11], [sflag:$0x6], $0x6400, $0x38;
	[tilespmem:$0x17780] =	vst v63  }
0x2bd: {  	_ =	swait.ge [sflag:s10], $0x6400  }
0x2be: {  	s0 =	sld [smem:$0x7E7]  }
0x2bf: {  	[sflag:s10] =	ssyncset.done $0x0  }
0x2c0: {  	[sflag:s10] =	ssyncadd.s32 $0xFFFF9C00  }
0x2c1: {  	[tilespmem:s11], [sflag:$0x3] =	stream.indirect.gather [hbm4b:s3+s13], $0x40, s0, s13, $0xb8;
	[tilespmem:$0x17780] =	vst v63  }
0x2c2: {  	_ =	swait.ge [sflag:s15], $0x6400  }
0x2c3: {  	[sflag:s15] =	ssyncset.done $0x0  }
0x2c4: {  	s0 =	rddreg [dreg:$0x19];
	[sflag:s15] =	ssyncadd.s32 $0xFFFF9C00  }
0x2c5: {  	[hbm4b:s0+s2] =	stream.linear.scatter [tilespmem:s9], [sflag:$0x7], $0x6400, $0x38;
	[tilespmem:$0x17780] =	vst v63  }
0x2c6: {  	_ =	swait.ge [sflag:s12], $0x6400  }
0x2c7: {  	s0 =	sld [smem:$0x7E8]  }
0x2c8: {  	[sflag:s12] =	ssyncset.done $0x0  }
0x2c9: {  	[sflag:s12] =	ssyncadd.s32 $0xFFFF9C00  }
0x2ca: {  	[tilespmem:s9], [sflag:$0x4] =	stream.indirect.gather [hbm4b:s3+s13], $0x40, s0, s13, $0xb8;
	[tilespmem:$0x17780] =	vst v63  }
0x2cb: {  	_ =	swait.ge [sflag:s8], $0x6400  }
0x2cc: {  	[sflag:s8] =	ssyncset.done $0x0  }
0x2cd: {  	s0 =	rddreg [dreg:$0x1a];
	[sflag:s8] =	ssyncadd.s32 $0xFFFF9C00  }
0x2ce: {  	[hbm4b:s0+s2] =	stream.linear.scatter [tilespmem:s5], [sflag:$0x5], $0x6400, $0x38;
	[tilespmem:$0x17780] =	vst v63  }
0x2cf: {  	_ =	swait.ge [sflag:s7], $0x6400  }
0x2d0: {  	s0 =	sld [smem:$0x7E9]  }
0x2d1: {  	[sflag:s7] =	ssyncset.done $0x0  }
0x2d2: {  	[sflag:s7] =	ssyncadd.s32 $0xFFFF9C00  }
0x2d3: {  	[tilespmem:s5], [sflag:$0x2] =	stream.indirect.gather [hbm4b:s3+s13], $0x40, s0, s13, $0xb8;
	[tilespmem:$0x17780] =	vst v63  }
0x2d4: {  	_ =	swait.ge [sflag:s14], $0x6400  }
0x2d5: {  	[sflag:s14] =	ssyncset.done $0x0  }
0x2d6: {  	s0 =	rddreg [dreg:$0x1b];
	[sflag:s14] =	ssyncadd.s32 $0xFFFF9C00  }
0x2d7: {  	[hbm4b:s0+s2] =	stream.linear.scatter [tilespmem:s11], [sflag:$0x6], $0x6400, $0x38;
	[tilespmem:$0x17780] =	vst v63  }
0x2d8: {  	_ =	swait.ge [sflag:s10], $0x6400  }
0x2d9: {  	[sflag:s10] =	ssyncset.done $0x0  }
0x2da: {  	[sflag:s10] =	ssyncadd.s32 $0xFFFF9C00  }
0x2db: {  	[tilespmem:s11], [sflag:$0x3] =	stream.indirect.gather [hbm4b:s28+s13], $0x40, s30, s13, $0xb8;
	[tilespmem:$0x17780] =	vst v63  }
0x2dc: {  	_ =	swait.ge [sflag:s15], $0x6400  }
0x2dd: {  	[sflag:s15] =	ssyncset.done $0x0  }
0x2de: {  	s0 =	rddreg [dreg:$0x1c];
	[sflag:s15] =	ssyncadd.s32 $0xFFFF9C00  }
0x2df: {  	[hbm4b:s0+s2] =	stream.linear.scatter [tilespmem:s9], [sflag:$0x7], $0x6400, $0x38;
	[tilespmem:$0x17780] =	vst v63  }
0x2e0: {  	_ =	swait.ge [sflag:s12], $0x6400  }
0x2e1: {  	s0 =	sld [smem:$0x7EA]  }
0x2e2: {  	[sflag:s12] =	ssyncset.done $0x0  }
0x2e3: {  	[sflag:s12] =	ssyncadd.s32 $0xFFFF9C00  }
0x2e4: {  	[tilespmem:s9], [sflag:$0x4] =	stream.indirect.gather [hbm4b:s28+s13], $0x40, s0, s13, $0xb8;
	[tilespmem:$0x17780] =	vst v63  }
0x2e5: {  	_ =	swait.ge [sflag:s8], $0x6400  }
0x2e6: {  	[sflag:s8] =	ssyncset.done $0x0  }
0x2e7: {  	s0 =	rddreg [dreg:$0x1d];
	[sflag:s8] =	ssyncadd.s32 $0xFFFF9C00  }
0x2e8: {  	[hbm4b:s0+s2] =	stream.linear.scatter [tilespmem:s5], [sflag:$0x5], $0x6400, $0x38;
	[tilespmem:$0x17780] =	vst v63  }
0x2e9: {  	_ =	swait.ge [sflag:s7], $0x6400  }
0x2ea: {  	s0 =	sld [smem:$0x7EB]  }
0x2eb: {  	[sflag:s7] =	ssyncset.done $0x0  }
0x2ec: {  	[sflag:s7] =	ssyncadd.s32 $0xFFFF9C00  }
0x2ed: {  	[tilespmem:s5], [sflag:$0x2] =	stream.indirect.gather [hbm4b:s28+s13], $0x40, s0, s13, $0xb8;
	[tilespmem:$0x17780] =	vst v63  }
0x2ee: {  	_ =	swait.ge [sflag:s14], $0x6400  }
0x2ef: {  	[sflag:s14] =	ssyncset.done $0x0  }
0x2f0: {  	s0 =	rddreg [dreg:$0x1e];
	[sflag:s14] =	ssyncadd.s32 $0xFFFF9C00  }
0x2f1: {  	[hbm4b:s0+s2] =	stream.linear.scatter [tilespmem:s11], [sflag:$0x6], $0x6400, $0x38;
	[tilespmem:$0x17780] =	vst v63  }
0x2f2: {  	_ =	swait.ge [sflag:s10], $0x6400  }
0x2f3: {  	s0 =	sld [smem:$0x7EC]  }
0x2f4: {  	[sflag:s10] =	ssyncset.done $0x0  }
0x2f5: {  	[sflag:s10] =	ssyncadd.s32 $0xFFFF9C00  }
0x2f6: {  	[tilespmem:s11], [sflag:$0x3] =	stream.indirect.gather [hbm4b:s28+s13], $0x40, s0, s13, $0xb8;
	[tilespmem:$0x17780] =	vst v63  }
0x2f7: {  	_ =	swait.ge [sflag:s15], $0x6400  }
0x2f8: {  	[sflag:s15] =	ssyncset.done $0x0  }
0x2f9: {  	s0 =	rddreg [dreg:$0x1f];
	[sflag:s15] =	ssyncadd.s32 $0xFFFF9C00  }
0x2fa: {  	[hbm4b:s0+s2] =	stream.linear.scatter [tilespmem:s9], [sflag:$0x7], $0x6400, $0x38;
	[tilespmem:$0x17780] =	vst v63  }
0x2fb: {  	_ =	swait.ge [sflag:s12], $0x6400  }
0x2fc: {  	s0 =	sld [smem:$0x7ED]  }
0x2fd: {  	[sflag:s12] =	ssyncset.done $0x0  }
0x2fe: {  	[sflag:s12] =	ssyncadd.s32 $0xFFFF9C00  }
0x2ff: {  	[tilespmem:s9], [sflag:$0x4] =	stream.indirect.gather [hbm4b:s28+s13], $0x40, s0, s13, $0xb8;
	[tilespmem:$0x17780] =	vst v63  }
0x300: {  	_ =	swait.ge [sflag:s8], $0x6400  }
0x301: {  	s0 =	sld [smem:$0x7BD]  }
0x302: {  	[sflag:s8] =	ssyncset.done $0x0  }
0x303: {  	[sflag:s8] =	ssyncadd.s32 $0xFFFF9C00  }
0x304: {  	[hbm4b:s0+s2] =	stream.linear.scatter [tilespmem:s5], [sflag:$0x5], $0x6400, $0x38;
	[tilespmem:$0x17780] =	vst v63  }
0x305: {  	_ =	swait.ge [sflag:s7], $0x6400  }
0x306: {  	s0 =	sld [smem:$0x7EE]  }
0x307: {  	[sflag:s7] =	ssyncset.done $0x0  }
0x308: {  	[sflag:s7] =	ssyncadd.s32 $0xFFFF9C00  }
0x309: {  	[tilespmem:s5], [sflag:$0x2] =	stream.indirect.gather [hbm4b:s28+s13], $0x40, s0, s13, $0xb8;
	[tilespmem:$0x17780] =	vst v63  }
0x30a: {  	_ =	swait.ge [sflag:s14], $0x6400  }
0x30b: {  	s0 =	sld [smem:$0x7BE]  }
0x30c: {  	[sflag:s14] =	ssyncset.done $0x0  }
0x30d: {  	[sflag:s14] =	ssyncadd.s32 $0xFFFF9C00  }
0x30e: {  	[hbm4b:s0+s2] =	stream.linear.scatter [tilespmem:s11], [sflag:$0x6], $0x6400, $0x38;
	[tilespmem:$0x17780] =	vst v63  }
0x30f: {  	_ =	swait.ge [sflag:s10], $0x6400  }
0x310: {  	s0 =	sld [smem:$0x7EF]  }
0x311: {  	[sflag:s10] =	ssyncset.done $0x0  }
0x312: {  	[sflag:s10] =	ssyncadd.s32 $0xFFFF9C00  }
0x313: {  	[tilespmem:s11], [sflag:$0x3] =	stream.indirect.gather [hbm4b:s28+s13], $0x40, s0, s13, $0xb8;
	[tilespmem:$0x17780] =	vst v63  }
0x314: {  	_ =	swait.ge [sflag:s15], $0x6400  }
0x315: {  	s0 =	sld [smem:$0x7BF]  }
0x316: {  	[sflag:s15] =	ssyncset.done $0x0  }
0x317: {  	[sflag:s15] =	ssyncadd.s32 $0xFFFF9C00  }
0x318: {  	[hbm4b:s0+s2] =	stream.linear.scatter [tilespmem:s9], [sflag:$0x7], $0x6400, $0x38;
	[tilespmem:$0x17780] =	vst v63  }
0x319: {  	_ =	swait.ge [sflag:s12], $0x6400  }
0x31a: {  	s0 =	sld [smem:$0x7F0]  }
0x31b: {  	[sflag:s12] =	ssyncset.done $0x0  }
0x31c: {  	[sflag:s12] =	ssyncadd.s32 $0xFFFF9C00  }
0x31d: {  	[tilespmem:s9], [sflag:$0x4] =	stream.indirect.gather [hbm4b:s28+s13], $0x40, s0, s13, $0xb8;
	[tilespmem:$0x17780] =	vst v63  }
0x31e: {  	_ =	swait.ge [sflag:s8], $0x6400  }
0x31f: {  	s0 =	sld [smem:$0x7C0]  }
0x320: {  	[sflag:s8] =	ssyncset.done $0x0  }
0x321: {  	[sflag:s8] =	ssyncadd.s32 $0xFFFF9C00  }
0x322: {  	[hbm4b:s0+s2] =	stream.linear.scatter [tilespmem:s5], [sflag:$0x5], $0x6400, $0x38;
	[tilespmem:$0x17780] =	vst v63  }
0x323: {  	_ =	swait.ge [sflag:s7], $0x6400  }
0x324: {  	s0 =	sld [smem:$0x7F1]  }
0x325: {  	[sflag:s7] =	ssyncset.done $0x0  }
0x326: {  	[sflag:s7] =	ssyncadd.s32 $0xFFFF9C00  }
0x327: {  	[tilespmem:s5], [sflag:$0x2] =	stream.indirect.gather [hbm4b:s28+s13], $0x40, s0, s13, $0xb8;
	[tilespmem:$0x17780] =	vst v63  }
0x328: {  	_ =	swait.ge [sflag:s14], $0x6400  }
0x329: {  	s0 =	sld [smem:$0x7C1]  }
0x32a: {  	[sflag:s14] =	ssyncset.done $0x0  }
0x32b: {  	[sflag:s14] =	ssyncadd.s32 $0xFFFF9C00  }
0x32c: {  	[hbm4b:s0+s2] =	stream.linear.scatter [tilespmem:s11], [sflag:$0x6], $0x6400, $0x38;
	[tilespmem:$0x17780] =	vst v63  }
0x32d: {  	_ =	swait.ge [sflag:s10], $0x6400  }
0x32e: {  	s0 =	sld [smem:$0x7F2]  }
0x32f: {  	[sflag:s10] =	ssyncset.done $0x0  }
0x330: {  	[sflag:s10] =	ssyncadd.s32 $0xFFFF9C00  }
0x331: {  	[tilespmem:s11], [sflag:$0x3] =	stream.indirect.gather [hbm4b:s28+s13], $0x40, s0, s13, $0xb8;
	[tilespmem:$0x17780] =	vst v63  }
0x332: {  	_ =	swait.ge [sflag:s15], $0x6400  }
0x333: {  	s0 =	sld [smem:$0x7C2]  }
0x334: {  	[sflag:s15] =	ssyncset.done $0x0  }
0x335: {  	[sflag:s15] =	ssyncadd.s32 $0xFFFF9C00  }
0x336: {  	[hbm4b:s0+s2] =	stream.linear.scatter [tilespmem:s9], [sflag:$0x7], $0x6400, $0x38;
	[tilespmem:$0x17780] =	vst v63  }
0x337: {  	_ =	swait.ge [sflag:s12], $0x6400  }
0x338: {  	s0 =	sld [smem:$0x7F3]  }
0x339: {  	[sflag:s12] =	ssyncset.done $0x0  }
0x33a: {  	[sflag:s12] =	ssyncadd.s32 $0xFFFF9C00  }
0x33b: {  	[tilespmem:s9], [sflag:$0x4] =	stream.indirect.gather [hbm4b:s28+s13], $0x40, s0, s13, $0xb8;
	[tilespmem:$0x17780] =	vst v63  }
0x33c: {  	_ =	swait.ge [sflag:s8], $0x6400  }
0x33d: {  	s0 =	sld [smem:$0x7C3]  }
0x33e: {  	[sflag:s8] =	ssyncset.done $0x0  }
0x33f: {  	[sflag:s8] =	ssyncadd.s32 $0xFFFF9C00  }
0x340: {  	[hbm4b:s0+s2] =	stream.linear.scatter [tilespmem:s5], [sflag:$0x5], $0x6400, $0x38;
	[tilespmem:$0x17780] =	vst v63  }
0x341: {  	_ =	swait.ge [sflag:s7], $0x6400  }
0x342: {  	s0 =	sld [smem:$0x7F4]  }
0x343: {  	[sflag:s7] =	ssyncset.done $0x0  }
0x344: {  	[sflag:s7] =	ssyncadd.s32 $0xFFFF9C00  }
0x345: {  	[tilespmem:s5], [sflag:$0x2] =	stream.indirect.gather [hbm4b:s28+s13], $0x40, s0, s13, $0xb8;
	[tilespmem:$0x17780] =	vst v63  }
0x346: {  	_ =	swait.ge [sflag:s14], $0x6400  }
0x347: {  	s0 =	sld [smem:$0x7C4]  }
0x348: {  	[sflag:s14] =	ssyncset.done $0x0  }
0x349: {  	[sflag:s14] =	ssyncadd.s32 $0xFFFF9C00  }
0x34a: {  	[hbm4b:s0+s2] =	stream.linear.scatter [tilespmem:s11], [sflag:$0x6], $0x6400, $0x38;
	[tilespmem:$0x17780] =	vst v63  }
0x34b: {  	_ =	swait.ge [sflag:s10], $0x6400  }
0x34c: {  	s0 =	sld [smem:$0x7F5]  }
0x34d: {  	[sflag:s10] =	ssyncset.done $0x0  }
0x34e: {  	[sflag:s10] =	ssyncadd.s32 $0xFFFF9C00  }
0x34f: {  	[tilespmem:s11], [sflag:$0x3] =	stream.indirect.gather [hbm4b:s28+s13], $0x40, s0, s13, $0xb8;
	[tilespmem:$0x17780] =	vst v63  }
0x350: {  	_ =	swait.ge [sflag:s15], $0x6400  }
0x351: {  	s0 =	sld [smem:$0x7C5]  }
0x352: {  	[sflag:s15] =	ssyncset.done $0x0  }
0x353: {  	[sflag:s15] =	ssyncadd.s32 $0xFFFF9C00  }
0x354: {  	[hbm4b:s0+s2] =	stream.linear.scatter [tilespmem:s9], [sflag:$0x7], $0x6400, $0x38;
	[tilespmem:$0x17780] =	vst v63  }
0x355: {  	_ =	swait.ge [sflag:s12], $0x6400  }
0x356: {  	s0 =	sld [smem:$0x7F6]  }
0x357: {  	[sflag:s12] =	ssyncset.done $0x0  }
0x358: {  	[sflag:s12] =	ssyncadd.s32 $0xFFFF9C00  }
0x359: {  	[tilespmem:s9], [sflag:$0x4] =	stream.indirect.gather [hbm4b:s28+s13], $0x40, s0, s13, $0xb8;
	[tilespmem:$0x17780] =	vst v63  }
0x35a: {  	_ =	swait.ge [sflag:s8], $0x6400  }
0x35b: {  	s0 =	sld [smem:$0x7C6]  }
0x35c: {  	[sflag:s8] =	ssyncset.done $0x0  }
0x35d: {  	[sflag:s8] =	ssyncadd.s32 $0xFFFF9C00  }
0x35e: {  	[hbm4b:s0+s2] =	stream.linear.scatter [tilespmem:s5], [sflag:$0x5], $0x6400, $0x38;
	[tilespmem:$0x17780] =	vst v63  }
0x35f: {  	_ =	swait.ge [sflag:s7], $0x6400  }
0x360: {  	s0 =	sld [smem:$0x7F7]  }
0x361: {  	[sflag:s7] =	ssyncset.done $0x0  }
0x362: {  	[sflag:s7] =	ssyncadd.s32 $0xFFFF9C00  }
0x363: {  	[tilespmem:s5], [sflag:$0x2] =	stream.indirect.gather [hbm4b:s28+s13], $0x40, s0, s13, $0xb8;
	[tilespmem:$0x17780] =	vst v63  }
0x364: {  	_ =	swait.ge [sflag:s14], $0x6400  }
0x365: {  	s0 =	sld [smem:$0x7C7]  }
0x366: {  	[sflag:s14] =	ssyncset.done $0x0  }
0x367: {  	[sflag:s14] =	ssyncadd.s32 $0xFFFF9C00  }
0x368: {  	[hbm4b:s0+s2] =	stream.linear.scatter [tilespmem:s11], [sflag:$0x6], $0x6400, $0x38;
	[tilespmem:$0x17780] =	vst v63  }
0x369: {  	_ =	swait.ge [sflag:s10], $0x6400  }
0x36a: {  	s0 =	sld [smem:$0x7F8]  }
0x36b: {  	[sflag:s10] =	ssyncset.done $0x0  }
0x36c: {  	[sflag:s10] =	ssyncadd.s32 $0xFFFF9C00  }
0x36d: {  	[tilespmem:s11], [sflag:$0x3] =	stream.indirect.gather [hbm4b:s28+s13], $0x40, s0, s13, $0xb8;
	[tilespmem:$0x17780] =	vst v63  }
0x36e: {  	_ =	swait.ge [sflag:s15], $0x6400  }
0x36f: {  	s0 =	sld [smem:$0x7C8]  }
0x370: {  	[sflag:s15] =	ssyncset.done $0x0  }
0x371: {  	[sflag:s15] =	ssyncadd.s32 $0xFFFF9C00  }
0x372: {  	[hbm4b:s0+s2] =	stream.linear.scatter [tilespmem:s9], [sflag:$0x7], $0x6400, $0x38;
	[tilespmem:$0x17780] =	vst v63  }
0x373: {  	_ =	swait.ge [sflag:s12], $0x6400  }
0x374: {  	[sflag:s12] =	ssyncset.done $0x0  }
0x375: {  	[sflag:s12] =	ssyncadd.s32 $0xFFFF9C00  }
0x376: {  	[tilespmem:s9], [sflag:$0x4] =	stream.indirect.gather [hbm4b:s4+s13], $0x40, s29, s13, $0xb8;
	[tilespmem:$0x17780] =	vst v63  }
0x377: {  	_ =	swait.ge [sflag:s8], $0x6400  }
0x378: {  	s0 =	sld [smem:$0x7C9]  }
0x379: {  	[sflag:s8] =	ssyncset.done $0x0  }
0x37a: {  	[sflag:s8] =	ssyncadd.s32 $0xFFFF9C00  }
0x37b: {  	[hbm4b:s0+s2] =	stream.linear.scatter [tilespmem:s5], [sflag:$0x5], $0x6400, $0x38;
	[tilespmem:$0x17780] =	vst v63  }
0x37c: {  	_ =	swait.ge [sflag:s7], $0x6400  }
0x37d: {  	s0 =	sld [smem:$0x7F9]  }
0x37e: {  	[sflag:s7] =	ssyncset.done $0x0  }
0x37f: {  	[sflag:s7] =	ssyncadd.s32 $0xFFFF9C00  }
0x380: {  	[tilespmem:s5], [sflag:$0x2] =	stream.indirect.gather [hbm4b:s4+s13], $0x40, s0, s13, $0xb8;
	[tilespmem:$0x17780] =	vst v63  }
0x381: {  	_ =	swait.ge [sflag:s14], $0x6400  }
0x382: {  	s0 =	sld [smem:$0x7CA]  }
0x383: {  	[sflag:s14] =	ssyncset.done $0x0  }
0x384: {  	[sflag:s14] =	ssyncadd.s32 $0xFFFF9C00  }
0x385: {  	[hbm4b:s0+s2] =	stream.linear.scatter [tilespmem:s11], [sflag:$0x6], $0x6400, $0x38;
	[tilespmem:$0x17780] =	vst v63  }
0x386: {  	_ =	swait.ge [sflag:s10], $0x6400  }
0x387: {  	s0 =	sld [smem:$0x7FA]  }
0x388: {  	[sflag:s10] =	ssyncset.done $0x0  }
0x389: {  	[sflag:s10] =	ssyncadd.s32 $0xFFFF9C00  }
0x38a: {  	[tilespmem:s11], [sflag:$0x3] =	stream.indirect.gather [hbm4b:s4+s13], $0x40, s0, s13, $0xb8;
	[tilespmem:$0x17780] =	vst v63  }
0x38b: {  	_ =	swait.ge [sflag:s15], $0x6400  }
0x38c: {  	s0 =	sld [smem:$0x7CB]  }
0x38d: {  	[sflag:s15] =	ssyncset.done $0x0  }
0x38e: {  	[sflag:s15] =	ssyncadd.s32 $0xFFFF9C00  }
0x38f: {  	[hbm4b:s0+s2] =	stream.linear.scatter [tilespmem:s9], [sflag:$0x7], $0x6400, $0x38;
	[tilespmem:$0x17780] =	vst v63  }
0x390: {  	_ =	swait.ge [sflag:s12], $0x6400  }
0x391: {  	s0 =	sld [smem:$0x7FB]  }
0x392: {  	[sflag:s12] =	ssyncset.done $0x0  }
0x393: {  	[sflag:s12] =	ssyncadd.s32 $0xFFFF9C00  }
0x394: {  	[tilespmem:s9], [sflag:$0x4] =	stream.indirect.gather [hbm4b:s4+s13], $0x40, s0, s13, $0xb8;
	[tilespmem:$0x17780] =	vst v63  }
0x395: {  	_ =	swait.ge [sflag:s8], $0x6400  }
0x396: {  	s0 =	sld [smem:$0x7CC]  }
0x397: {  	[sflag:s8] =	ssyncset.done $0x0  }
0x398: {  	[sflag:s8] =	ssyncadd.s32 $0xFFFF9C00  }
0x399: {  	[hbm4b:s0+s2] =	stream.linear.scatter [tilespmem:s5], [sflag:$0x5], $0x6400, $0x38;
	[tilespmem:$0x17780] =	vst v63  }
0x39a: {  	_ =	swait.ge [sflag:s7], $0x6400  }
0x39b: {  	s0 =	sld [smem:$0x7FC]  }
0x39c: {  	[sflag:s7] =	ssyncset.done $0x0  }
0x39d: {  	[sflag:s7] =	ssyncadd.s32 $0xFFFF9C00  }
0x39e: {  	[tilespmem:s5], [sflag:$0x2] =	stream.indirect.gather [hbm4b:s4+s13], $0x40, s0, s13, $0xb8;
	[tilespmem:$0x17780] =	vst v63  }
0x39f: {  	_ =	swait.ge [sflag:s14], $0x6400  }
0x3a0: {  	s0 =	sld [smem:$0x7CD]  }
0x3a1: {  	[sflag:s14] =	ssyncset.done $0x0  }
0x3a2: {  	[sflag:s14] =	ssyncadd.s32 $0xFFFF9C00  }
0x3a3: {  	[hbm4b:s0+s2] =	stream.linear.scatter [tilespmem:s11], [sflag:$0x6], $0x6400, $0x38;
	[tilespmem:$0x17780] =	vst v63  }
0x3a4: {  	_ =	swait.ge [sflag:s10], $0x6400  }
0x3a5: {  	s0 =	sld [smem:$0x7FD]  }
0x3a6: {  	[sflag:s10] =	ssyncset.done $0x0  }
0x3a7: {  	[sflag:s10] =	ssyncadd.s32 $0xFFFF9C00  }
0x3a8: {  	[tilespmem:s11], [sflag:$0x3] =	stream.indirect.gather [hbm4b:s4+s13], $0x40, s0, s13, $0xb8;
	[tilespmem:$0x17780] =	vst v63  }
0x3a9: {  	_ =	swait.ge [sflag:s15], $0x6400  }
0x3aa: {  	s0 =	sld [smem:$0x7CE]  }
0x3ab: {  	[sflag:s15] =	ssyncset.done $0x0  }
0x3ac: {  	[sflag:s15] =	ssyncadd.s32 $0xFFFF9C00  }
0x3ad: {  	[hbm4b:s0+s2] =	stream.linear.scatter [tilespmem:s9], [sflag:$0x7], $0x6400, $0x38;
	[tilespmem:$0x17780] =	vst v63  }
0x3ae: {  	_ =	swait.ge [sflag:s12], $0x6400  }
0x3af: {  	[sflag:s12] =	ssyncset.done $0x0  }
0x3b0: {  	[sflag:s12] =	ssyncadd.s32 $0xFFFF9C00  }
0x3b1: {  	[tilespmem:s9], [sflag:$0x4] =	stream.indirect.gather [hbm4b:s4+s13], $0x40, s26, s13, $0xb8;
	[tilespmem:$0x17780] =	vst v63  }
0x3b2: {  	_ =	swait.ge [sflag:s8], $0x6400  }
0x3b3: {  	s0 =	sld [smem:$0x7CF]  }
0x3b4: {  	[sflag:s8] =	ssyncset.done $0x0  }
0x3b5: {  	[sflag:s8] =	ssyncadd.s32 $0xFFFF9C00  }
0x3b6: {  	[hbm4b:s0+s2] =	stream.linear.scatter [tilespmem:s5], [sflag:$0x5], $0x6400, $0x38;
	[tilespmem:$0x17780] =	vst v63  }
0x3b7: {  	_ =	swait.ge [sflag:s7], $0x6400  }
0x3b8: {  	[sflag:s7] =	ssyncset.done $0x0  }
0x3b9: {  	[sflag:s7] =	ssyncadd.s32 $0xFFFF9C00  }
0x3ba: {  	[tilespmem:s5], [sflag:$0x2] =	stream.indirect.gather [hbm4b:s4+s13], $0x40, s25, s13, $0xb8;
	[tilespmem:$0x17780] =	vst v63  }
0x3bb: {  	_ =	swait.ge [sflag:s14], $0x6400  }
0x3bc: {  	s0 =	sld [smem:$0x7D0]  }
0x3bd: {  	[sflag:s14] =	ssyncset.done $0x0  }
0x3be: {  	[sflag:s14] =	ssyncadd.s32 $0xFFFF9C00  }
0x3bf: {  	[hbm4b:s0+s2] =	stream.linear.scatter [tilespmem:s11], [sflag:$0x6], $0x6400, $0x38;
	[tilespmem:$0x17780] =	vst v63  }
0x3c0: {  	_ =	swait.ge [sflag:s10], $0x6400  }
0x3c1: {  	[sflag:s10] =	ssyncset.done $0x0  }
0x3c2: {  	[sflag:s10] =	ssyncadd.s32 $0xFFFF9C00  }
0x3c3: {  	[tilespmem:s11], [sflag:$0x3] =	stream.indirect.gather [hbm4b:s4+s13], $0x40, s24, s13, $0xb8;
	[tilespmem:$0x17780] =	vst v63  }
0x3c4: {  	_ =	swait.ge [sflag:s15], $0x6400  }
0x3c5: {  	s0 =	sld [smem:$0x7D1]  }
0x3c6: {  	[sflag:s15] =	ssyncset.done $0x0  }
0x3c7: {  	[sflag:s15] =	ssyncadd.s32 $0xFFFF9C00  }
0x3c8: {  	[hbm4b:s0+s2] =	stream.linear.scatter [tilespmem:s9], [sflag:$0x7], $0x6400, $0x38;
	[tilespmem:$0x17780] =	vst v63  }
0x3c9: {  	_ =	swait.ge [sflag:s12], $0x6400  }
0x3ca: {  	[sflag:s12] =	ssyncset.done $0x0  }
0x3cb: {  	[sflag:s12] =	ssyncadd.s32 $0xFFFF9C00  }
0x3cc: {  	[tilespmem:s9], [sflag:$0x4] =	stream.indirect.gather [hbm4b:s4+s13], $0x40, s23, s13, $0xb8;
	[tilespmem:$0x17780] =	vst v63  }
0x3cd: {  	_ =	swait.ge [sflag:s8], $0x6400  }
0x3ce: {  	s0 =	sld [smem:$0x7D2]  }
0x3cf: {  	[sflag:s8] =	ssyncset.done $0x0  }
0x3d0: {  	[sflag:s8] =	ssyncadd.s32 $0xFFFF9C00  }
0x3d1: {  	[hbm4b:s0+s2] =	stream.linear.scatter [tilespmem:s5], [sflag:$0x5], $0x6400, $0x38;
	[tilespmem:$0x17780] =	vst v63  }
0x3d2: {  	_ =	swait.ge [sflag:s7], $0x6400  }
0x3d3: {  	[sflag:s7] =	ssyncset.done $0x0  }
0x3d4: {  	[sflag:s7] =	ssyncadd.s32 $0xFFFF9C00  }
0x3d5: {  	[tilespmem:s5], [sflag:$0x2] =	stream.indirect.gather [hbm4b:s4+s13], $0x40, s22, s13, $0xb8;
	[tilespmem:$0x17780] =	vst v63  }
0x3d6: {  	_ =	swait.ge [sflag:s14], $0x6400  }
0x3d7: {  	s0 =	sld [smem:$0x7D3]  }
0x3d8: {  	[sflag:s14] =	ssyncset.done $0x0  }
0x3d9: {  	[sflag:s14] =	ssyncadd.s32 $0xFFFF9C00  }
0x3da: {  	[hbm4b:s0+s2] =	stream.linear.scatter [tilespmem:s11], [sflag:$0x6], $0x6400, $0x38;
	[tilespmem:$0x17780] =	vst v63  }
0x3db: {  	_ =	swait.ge [sflag:s10], $0x6400  }
0x3dc: {  	[sflag:s10] =	ssyncset.done $0x0  }
0x3dd: {  	[sflag:s10] =	ssyncadd.s32 $0xFFFF9C00  }
0x3de: {  	[tilespmem:s11], [sflag:$0x3] =	stream.indirect.gather [hbm4b:s4+s13], $0x40, s21, s13, $0xb8;
	[tilespmem:$0x17780] =	vst v63  }
0x3df: {  	_ =	swait.ge [sflag:s15], $0x6400  }
0x3e0: {  	s0 =	sld [smem:$0x7D4]  }
0x3e1: {  	[sflag:s15] =	ssyncset.done $0x0  }
0x3e2: {  	[sflag:s15] =	ssyncadd.s32 $0xFFFF9C00  }
0x3e3: {  	[hbm4b:s0+s2] =	stream.linear.scatter [tilespmem:s9], [sflag:$0x7], $0x6400, $0x38;
	[tilespmem:$0x17780] =	vst v63  }
0x3e4: {  	_ =	swait.ge [sflag:s12], $0x6400  }
0x3e5: {  	[sflag:s12] =	ssyncset.done $0x0  }
0x3e6: {  	[sflag:s12] =	ssyncadd.s32 $0xFFFF9C00  }
0x3e7: {  	[tilespmem:s9], [sflag:$0x4] =	stream.indirect.gather [hbm4b:s4+s13], $0x40, s20, s13, $0xb8;
	[tilespmem:$0x17780] =	vst v63  }
0x3e8: {  	_ =	swait.ge [sflag:s8], $0x6400  }
0x3e9: {  	s0 =	sld [smem:$0x7D5]  }
0x3ea: {  	[sflag:s8] =	ssyncset.done $0x0  }
0x3eb: {  	[sflag:s8] =	ssyncadd.s32 $0xFFFF9C00  }
0x3ec: {  	[hbm4b:s0+s2] =	stream.linear.scatter [tilespmem:s5], [sflag:$0x5], $0x6400, $0x38;
	[tilespmem:$0x17780] =	vst v63  }
0x3ed: {  	_ =	swait.ge [sflag:s7], $0x6400  }
0x3ee: {  	[sflag:s7] =	ssyncset.done $0x0  }
0x3ef: {  	[sflag:s7] =	ssyncadd.s32 $0xFFFF9C00  }
0x3f0: {  	[tilespmem:s5], [sflag:$0x2] =	stream.indirect.gather [hbm4b:s4+s13], $0x40, s19, s13, $0xb8;
	[tilespmem:$0x17780] =	vst v63  }
0x3f1: {  	_ =	swait.ge [sflag:s14], $0x6400  }
0x3f2: {  	s0 =	sld [smem:$0x7D6]  }
0x3f3: {  	[sflag:s14] =	ssyncset.done $0x0  }
0x3f4: {  	[sflag:s14] =	ssyncadd.s32 $0xFFFF9C00  }
0x3f5: {  	[hbm4b:s0+s2] =	stream.linear.scatter [tilespmem:s11], [sflag:$0x6], $0x6400, $0x38;
	[tilespmem:$0x17780] =	vst v63  }
0x3f6: {  	_ =	swait.ge [sflag:s10], $0x6400  }
0x3f7: {  	[sflag:s10] =	ssyncset.done $0x0  }
0x3f8: {  	[sflag:s10] =	ssyncadd.s32 $0xFFFF9C00  }
0x3f9: {  	[tilespmem:s11], [sflag:$0x3] =	stream.indirect.gather [hbm4b:s4+s13], $0x40, s18, s13, $0xb8;
	[tilespmem:$0x17780] =	vst v63  }
0x3fa: {  	_ =	swait.ge [sflag:s15], $0x6400  }
0x3fb: {  	s0 =	sld [smem:$0x7D7]  }
0x3fc: {  	[sflag:s15] =	ssyncset.done $0x0  }
0x3fd: {  	[sflag:s15] =	ssyncadd.s32 $0xFFFF9C00  }
0x3fe: {  	[hbm4b:s0+s2] =	stream.linear.scatter [tilespmem:s9], [sflag:$0x7], $0x6400, $0x38;
	[tilespmem:$0x17780] =	vst v63  }
0x3ff: {  	_ =	swait.ge [sflag:s12], $0x6400  }
0x400: {  	[sflag:s12] =	ssyncset.done $0x0  }
0x401: {  	[sflag:s12] =	ssyncadd.s32 $0xFFFF9C00  }
0x402: {  	[tilespmem:s9], [sflag:$0x4] =	stream.indirect.gather [hbm4b:s4+s13], $0x40, s17, s13, $0xb8;
	[tilespmem:$0x17780] =	vst v63  }
0x403: {  	_ =	swait.ge [sflag:s8], $0x6400  }
0x404: {  	s0 =	sld [smem:$0x7D8]  }
0x405: {  	[sflag:s8] =	ssyncset.done $0x0  }
0x406: {  	[sflag:s8] =	ssyncadd.s32 $0xFFFF9C00  }
0x407: {  	[hbm4b:s0+s2] =	stream.linear.scatter [tilespmem:s5], [sflag:$0x5], $0x6400, $0x38;
	[tilespmem:$0x17780] =	vst v63  }
0x408: {  	_ =	swait.ge [sflag:s7], $0x6400  }
0x409: {  	[sflag:s7] =	ssyncset.done $0x0  }
0x40a: {  	s16 =	simm.s32 $0x80;
	[sflag:s7] =	ssyncadd.s32 $0xFFFF9C00  }
0x40b: {  	[tilespmem:s5], [sflag:$0x2] =	stream.indirect.gather [hbm4b:s3+s16], $0x40, s6, s16, $0xb8;
	[tilespmem:$0x17780] =	vst v63  }
0x40c: {  	_ =	swait.ge [sflag:s14], $0x6400  }
0x40d: {  	s0 =	sld [smem:$0x7D9]  }
0x40e: {  	[sflag:s14] =	ssyncset.done $0x0  }
0x40f: {  	[sflag:s14] =	ssyncadd.s32 $0xFFFF9C00  }
0x410: {  	[hbm4b:s0+s2] =	stream.linear.scatter [tilespmem:s11], [sflag:$0x6], $0x6400, $0x38;
	[tilespmem:$0x17780] =	vst v63  }
0x411: {  	_ =	swait.ge [sflag:s15], $0x6400  }
0x412: {  	s0 =	sld [smem:$0x7DA]  }
0x413: {  	[sflag:s15] =	ssyncset.done $0x0  }
0x414: {  	[sflag:s15] =	ssyncadd.s32 $0xFFFF9C00  }
0x415: {  	[hbm4b:s0+s2] =	stream.linear.scatter [tilespmem:s9], [sflag:$0x7], $0x6400, $0x38;
	[tilespmem:$0x17780] =	vst v63  }
0x416: {  	_ =	swait.ge [sflag:s8], $0x2000  }
0x417: {  	s0 =	sld [smem:$0x7DB]  }
0x418: {  	[sflag:s8] =	ssyncset.done $0x0  }
0x419: {  	[sflag:s8] =	ssyncadd.s32 $0xFFFFE000  }
0x41a: {  	[hbm4b:s0+s2] =	stream.linear.scatter [tilespmem:s5], [sflag:$0x5], $0x2000, $0x38;
	[tilespmem:$0x17780] =	vst v63  }
0x41b: {  	_ =	swait.ge [sflag:s7], $0x2000  }
0x41c: {  	[sflag:s7] =	ssyncset.done $0x0  }
0x41d: {  	p1 =	sne.s32 s1, $0x1;
	[sflag:s7] =	ssyncadd.s32 $0xFFFFE000  }
.Ltmp2:
0x41e: {  	_ =	swait.ge [sflag:s10], $0x6400;
	(pc) =	sbr.rel @p1 .LBB2_2-.Ltmp2, $4  }
0x41f: {  	[sflag:s10] =	ssyncset.done $0x0  }
0x420: {  	[sflag:s10] =	ssyncadd.s32 $0xFFFF9C00  }
0x421: {  	_ =	swait.ge [sflag:s12], $0x6400  }
0x422: {  	s1 =	sadd.s32 $0xFFFFFFFF, s1;
	s0 =	rddreg [dreg:$0xa];
	[sflag:s12] =	ssyncset.done $0x0  }
.LBB2_3:
0x423: {  	[sflag:s12] =	ssyncadd.s32 @p0 $0xFFFF9C00  }
0x424: {  	[tilespmem:s2], [sflag:$0x1] =	stream.linear.gather [hbm4b:s0+s2], $0x1900, $0x38;
	[tilespmem:$0x17780] =	vst v63  }
0x425: {  	s1 =	rddreg [dreg:$0xb]  }
0x426: {  	[tilespmem:s30], [sflag:$0x1] =	stream.linear.gather [hbm4b:s1+s2], $0x1900, $0x38;
	[tilespmem:$0x17780] =	vst v63  }
0x427: {  	s0 =	rddreg [dreg:$0xc]  }
0x428: {  	[tilespmem:s29], [sflag:$0x1] =	stream.linear.gather [hbm4b:s0+s2], $0x1900, $0x38;
	[tilespmem:$0x17780] =	vst v63  }
0x429: {  	s1 =	rddreg [dreg:$0xd]  }
0x42a: {  	[tilespmem:s6], [sflag:$0x1] =	stream.linear.gather [hbm4b:s1+s2], $0x80, $0x38;
	[tilespmem:$0x17780] =	vst v63  }
0x42b: {  	_ =	swait.ge [sflag:s31], $0x1900  }
0x42c: {  	[sflag:s31] =	ssyncset.done $0x0  }
0x42d: {  	[sflag:s31] =	ssyncadd.s32 $0xFFFFE700  }
0x42e: {  	_ =	swait.ge [sflag:s31], $0x1900  }
0x42f: {  	[sflag:s31] =	ssyncset.done $0x0  }
0x430: {  	[sflag:s31] =	ssyncadd.s32 $0xFFFFE700  }
0x431: {  	_ =	swait.ge [sflag:s31], $0x1900  }
0x432: {  	[sflag:s31] =	ssyncset.done $0x0  }
0x433: {  	[sflag:s31] =	ssyncadd.s32 $0xFFFFE700  }
0x434: {  	_ =	swait.ge [sflag:s31], $0x80  }
0x435: {  	[sflag:s31] =	ssyncset.done $0x0  }
0x436: {  	[sflag:s31] =	ssyncadd.s32 $0xFFFFFF80  }
0x437: {  	[tilespmem:s5], [sflag:$0x2] =	stream.indirect.gather [hbm4b:s3+s13], $0x40, s2, s13, $0xb8;
	[tilespmem:$0x17780] =	vst v63  }
0x438: {  	s31 =	sld [smem:$0x7DC]  }
0x439: {  	[tilespmem:s11], [sflag:$0x3] =	stream.indirect.gather [hbm4b:s3+s13], $0x40, s13, s13, $0xb8;
	[tilespmem:$0x17780] =	vst v63  }
0x43a: {  	_ = 	snop  }
0x43b: {  	[tilespmem:s9], [sflag:$0x4] =	stream.indirect.gather [hbm4b:s3+s13], $0x40, s31, s13, $0xb8;
	[tilespmem:$0x17780] =	vst v63  }
0x43c: {  	_ =	swait.ge [sflag:s8], $0x6400  }
0x43d: {  	[sflag:s8] =	ssyncset.done $0x0  }
0x43e: {  	s1 =	rddreg [dreg:$0xe];
	[sflag:s8] =	ssyncadd.s32 $0xFFFF9C00  }
0x43f: {  	[hbm4b:s1+s2] =	stream.linear.scatter [tilespmem:s5], [sflag:$0x5], $0x6400, $0x38;
	[tilespmem:$0x17780] =	vst v63  }
0x440: {  	_ =	swait.ge [sflag:s7], $0x6400  }
0x441: {  	s31 =	sld [smem:$0x7DD]  }
0x442: {  	[sflag:s7] =	ssyncset.done $0x0  }
0x443: {  	[sflag:s7] =	ssyncadd.s32 $0xFFFF9C00  }
0x444: {  	[tilespmem:s5], [sflag:$0x2] =	stream.indirect.gather [hbm4b:s3+s13], $0x40, s31, s13, $0xb8;
	[tilespmem:$0x17780] =	vst v63  }
0x445: {  	_ =	swait.ge [sflag:s14], $0x6400  }
0x446: {  	[sflag:s14] =	ssyncset.done $0x0  }
0x447: {  	s1 =	rddreg [dreg:$0xf];
	[sflag:s14] =	ssyncadd.s32 $0xFFFF9C00  }
0x448: {  	[hbm4b:s1+s2] =	stream.linear.scatter [tilespmem:s11], [sflag:$0x6], $0x6400, $0x38;
	[tilespmem:$0x17780] =	vst v63  }
0x449: {  	_ =	swait.ge [sflag:s10], $0x6400  }
0x44a: {  	s31 =	sld [smem:$0x7DE]  }
0x44b: {  	[sflag:s10] =	ssyncset.done $0x0  }
0x44c: {  	[sflag:s10] =	ssyncadd.s32 $0xFFFF9C00  }
0x44d: {  	[tilespmem:s11], [sflag:$0x3] =	stream.indirect.gather [hbm4b:s3+s13], $0x40, s31, s13, $0xb8;
	[tilespmem:$0x17780] =	vst v63  }
0x44e: {  	_ =	swait.ge [sflag:s15], $0x6400  }
0x44f: {  	[sflag:s15] =	ssyncset.done $0x0  }
0x450: {  	s1 =	rddreg [dreg:$0x10];
	[sflag:s15] =	ssyncadd.s32 $0xFFFF9C00  }
0x451: {  	[hbm4b:s1+s2] =	stream.linear.scatter [tilespmem:s9], [sflag:$0x7], $0x6400, $0x38;
	[tilespmem:$0x17780] =	vst v63  }
0x452: {  	_ =	swait.ge [sflag:s12], $0x6400  }
0x453: {  	s31 =	sld [smem:$0x7DF]  }
0x454: {  	[sflag:s12] =	ssyncset.done $0x0  }
0x455: {  	[sflag:s12] =	ssyncadd.s32 $0xFFFF9C00  }
0x456: {  	[tilespmem:s9], [sflag:$0x4] =	stream.indirect.gather [hbm4b:s3+s13], $0x40, s31, s13, $0xb8;
	[tilespmem:$0x17780] =	vst v63  }
0x457: {  	_ =	swait.ge [sflag:s8], $0x6400  }
0x458: {  	[sflag:s8] =	ssyncset.done $0x0  }
0x459: {  	s1 =	rddreg [dreg:$0x11];
	[sflag:s8] =	ssyncadd.s32 $0xFFFF9C00  }
0x45a: {  	[hbm4b:s1+s2] =	stream.linear.scatter [tilespmem:s5], [sflag:$0x5], $0x6400, $0x38;
	[tilespmem:$0x17780] =	vst v63  }
0x45b: {  	_ =	swait.ge [sflag:s7], $0x6400  }
0x45c: {  	s31 =	sld [smem:$0x7E0]  }
0x45d: {  	[sflag:s7] =	ssyncset.done $0x0  }
0x45e: {  	[sflag:s7] =	ssyncadd.s32 $0xFFFF9C00  }
0x45f: {  	[tilespmem:s5], [sflag:$0x2] =	stream.indirect.gather [hbm4b:s3+s13], $0x40, s31, s13, $0xb8;
	[tilespmem:$0x17780] =	vst v63  }
0x460: {  	_ =	swait.ge [sflag:s14], $0x6400  }
0x461: {  	[sflag:s14] =	ssyncset.done $0x0  }
0x462: {  	s1 =	rddreg [dreg:$0x12];
	[sflag:s14] =	ssyncadd.s32 $0xFFFF9C00  }
0x463: {  	[hbm4b:s1+s2] =	stream.linear.scatter [tilespmem:s11], [sflag:$0x6], $0x6400, $0x38;
	[tilespmem:$0x17780] =	vst v63  }
0x464: {  	_ =	swait.ge [sflag:s10], $0x6400  }
0x465: {  	s31 =	sld [smem:$0x7E1]  }
0x466: {  	[sflag:s10] =	ssyncset.done $0x0  }
0x467: {  	[sflag:s10] =	ssyncadd.s32 $0xFFFF9C00  }
0x468: {  	[tilespmem:s11], [sflag:$0x3] =	stream.indirect.gather [hbm4b:s3+s13], $0x40, s31, s13, $0xb8;
	[tilespmem:$0x17780] =	vst v63  }
0x469: {  	_ =	swait.ge [sflag:s15], $0x6400  }
0x46a: {  	[sflag:s15] =	ssyncset.done $0x0  }
0x46b: {  	s1 =	rddreg [dreg:$0x13];
	[sflag:s15] =	ssyncadd.s32 $0xFFFF9C00  }
0x46c: {  	[hbm4b:s1+s2] =	stream.linear.scatter [tilespmem:s9], [sflag:$0x7], $0x6400, $0x38;
	[tilespmem:$0x17780] =	vst v63  }
0x46d: {  	_ =	swait.ge [sflag:s12], $0x6400  }
0x46e: {  	s31 =	sld [smem:$0x7E2]  }
0x46f: {  	[sflag:s12] =	ssyncset.done $0x0  }
0x470: {  	[sflag:s12] =	ssyncadd.s32 $0xFFFF9C00  }
0x471: {  	[tilespmem:s9], [sflag:$0x4] =	stream.indirect.gather [hbm4b:s3+s13], $0x40, s31, s13, $0xb8;
	[tilespmem:$0x17780] =	vst v63  }
0x472: {  	_ =	swait.ge [sflag:s8], $0x6400  }
0x473: {  	[sflag:s8] =	ssyncset.done $0x0  }
0x474: {  	s1 =	rddreg [dreg:$0x14];
	[sflag:s8] =	ssyncadd.s32 $0xFFFF9C00  }
0x475: {  	[hbm4b:s1+s2] =	stream.linear.scatter [tilespmem:s5], [sflag:$0x5], $0x6400, $0x38;
	[tilespmem:$0x17780] =	vst v63  }
0x476: {  	_ =	swait.ge [sflag:s7], $0x6400  }
0x477: {  	s31 =	sld [smem:$0x7E3]  }
0x478: {  	[sflag:s7] =	ssyncset.done $0x0  }
0x479: {  	[sflag:s7] =	ssyncadd.s32 $0xFFFF9C00  }
0x47a: {  	[tilespmem:s5], [sflag:$0x2] =	stream.indirect.gather [hbm4b:s3+s13], $0x40, s31, s13, $0xb8;
	[tilespmem:$0x17780] =	vst v63  }
0x47b: {  	_ =	swait.ge [sflag:s14], $0x6400  }
0x47c: {  	[sflag:s14] =	ssyncset.done $0x0  }
0x47d: {  	s1 =	rddreg [dreg:$0x15];
	[sflag:s14] =	ssyncadd.s32 $0xFFFF9C00  }
0x47e: {  	[hbm4b:s1+s2] =	stream.linear.scatter [tilespmem:s11], [sflag:$0x6], $0x6400, $0x38;
	[tilespmem:$0x17780] =	vst v63  }
0x47f: {  	_ =	swait.ge [sflag:s10], $0x6400  }
0x480: {  	s31 =	sld [smem:$0x7E4]  }
0x481: {  	[sflag:s10] =	ssyncset.done $0x0  }
0x482: {  	[sflag:s10] =	ssyncadd.s32 $0xFFFF9C00  }
0x483: {  	[tilespmem:s11], [sflag:$0x3] =	stream.indirect.gather [hbm4b:s3+s13], $0x40, s31, s13, $0xb8;
	[tilespmem:$0x17780] =	vst v63  }
0x484: {  	_ =	swait.ge [sflag:s15], $0x6400  }
0x485: {  	[sflag:s15] =	ssyncset.done $0x0  }
0x486: {  	s1 =	rddreg [dreg:$0x16];
	[sflag:s15] =	ssyncadd.s32 $0xFFFF9C00  }
0x487: {  	[hbm4b:s1+s2] =	stream.linear.scatter [tilespmem:s9], [sflag:$0x7], $0x6400, $0x38;
	[tilespmem:$0x17780] =	vst v63  }
0x488: {  	_ =	swait.ge [sflag:s12], $0x6400  }
0x489: {  	s31 =	sld [smem:$0x7E5]  }
0x48a: {  	[sflag:s12] =	ssyncset.done $0x0  }
0x48b: {  	[sflag:s12] =	ssyncadd.s32 $0xFFFF9C00  }
0x48c: {  	[tilespmem:s9], [sflag:$0x4] =	stream.indirect.gather [hbm4b:s3+s13], $0x40, s31, s13, $0xb8;
	[tilespmem:$0x17780] =	vst v63  }
0x48d: {  	_ =	swait.ge [sflag:s8], $0x6400  }
0x48e: {  	[sflag:s8] =	ssyncset.done $0x0  }
0x48f: {  	s1 =	rddreg [dreg:$0x17];
	[sflag:s8] =	ssyncadd.s32 $0xFFFF9C00  }
0x490: {  	[hbm4b:s1+s2] =	stream.linear.scatter [tilespmem:s5], [sflag:$0x5], $0x6400, $0x38;
	[tilespmem:$0x17780] =	vst v63  }
0x491: {  	_ =	swait.ge [sflag:s7], $0x6400  }
0x492: {  	s31 =	sld [smem:$0x7E6]  }
0x493: {  	[sflag:s7] =	ssyncset.done $0x0  }
0x494: {  	[sflag:s7] =	ssyncadd.s32 $0xFFFF9C00  }
0x495: {  	[tilespmem:s5], [sflag:$0x2] =	stream.indirect.gather [hbm4b:s3+s13], $0x40, s31, s13, $0xb8;
	[tilespmem:$0x17780] =	vst v63  }
0x496: {  	_ =	swait.ge [sflag:s14], $0x6400  }
0x497: {  	[sflag:s14] =	ssyncset.done $0x0  }
0x498: {  	s1 =	rddreg [dreg:$0x18];
	[sflag:s14] =	ssyncadd.s32 $0xFFFF9C00  }
0x499: {  	[hbm4b:s1+s2] =	stream.linear.scatter [tilespmem:s11], [sflag:$0x6], $0x6400, $0x38;
	[tilespmem:$0x17780] =	vst v63  }
0x49a: {  	_ =	swait.ge [sflag:s10], $0x6400  }
0x49b: {  	s31 =	sld [smem:$0x7E7]  }
0x49c: {  	[sflag:s10] =	ssyncset.done $0x0  }
0x49d: {  	[sflag:s10] =	ssyncadd.s32 $0xFFFF9C00  }
0x49e: {  	[tilespmem:s11], [sflag:$0x3] =	stream.indirect.gather [hbm4b:s3+s13], $0x40, s31, s13, $0xb8;
	[tilespmem:$0x17780] =	vst v63  }
0x49f: {  	_ =	swait.ge [sflag:s15], $0x6400  }
0x4a0: {  	[sflag:s15] =	ssyncset.done $0x0  }
0x4a1: {  	s1 =	rddreg [dreg:$0x19];
	[sflag:s15] =	ssyncadd.s32 $0xFFFF9C00  }
0x4a2: {  	[hbm4b:s1+s2] =	stream.linear.scatter [tilespmem:s9], [sflag:$0x7], $0x6400, $0x38;
	[tilespmem:$0x17780] =	vst v63  }
0x4a3: {  	_ =	swait.ge [sflag:s12], $0x6400  }
0x4a4: {  	s31 =	sld [smem:$0x7E8]  }
0x4a5: {  	[sflag:s12] =	ssyncset.done $0x0  }
0x4a6: {  	[sflag:s12] =	ssyncadd.s32 $0xFFFF9C00  }
0x4a7: {  	[tilespmem:s9], [sflag:$0x4] =	stream.indirect.gather [hbm4b:s3+s13], $0x40, s31, s13, $0xb8;
	[tilespmem:$0x17780] =	vst v63  }
0x4a8: {  	_ =	swait.ge [sflag:s8], $0x6400  }
0x4a9: {  	[sflag:s8] =	ssyncset.done $0x0  }
0x4aa: {  	s1 =	rddreg [dreg:$0x1a];
	[sflag:s8] =	ssyncadd.s32 $0xFFFF9C00  }
0x4ab: {  	[hbm4b:s1+s2] =	stream.linear.scatter [tilespmem:s5], [sflag:$0x5], $0x6400, $0x38;
	[tilespmem:$0x17780] =	vst v63  }
0x4ac: {  	_ =	swait.ge [sflag:s7], $0x6400  }
0x4ad: {  	s31 =	sld [smem:$0x7E9]  }
0x4ae: {  	[sflag:s7] =	ssyncset.done $0x0  }
0x4af: {  	[sflag:s7] =	ssyncadd.s32 $0xFFFF9C00  }
0x4b0: {  	[tilespmem:s5], [sflag:$0x2] =	stream.indirect.gather [hbm4b:s3+s13], $0x40, s31, s13, $0xb8;
	[tilespmem:$0x17780] =	vst v63  }
0x4b1: {  	_ =	swait.ge [sflag:s14], $0x6400  }
0x4b2: {  	[sflag:s14] =	ssyncset.done $0x0  }
0x4b3: {  	s1 =	rddreg [dreg:$0x1b];
	[sflag:s14] =	ssyncadd.s32 $0xFFFF9C00  }
0x4b4: {  	[hbm4b:s1+s2] =	stream.linear.scatter [tilespmem:s11], [sflag:$0x6], $0x6400, $0x38;
	[tilespmem:$0x17780] =	vst v63  }
0x4b5: {  	_ =	swait.ge [sflag:s10], $0x6400  }
0x4b6: {  	[sflag:s10] =	ssyncset.done $0x0  }
0x4b7: {  	[sflag:s10] =	ssyncadd.s32 $0xFFFF9C00  }
0x4b8: {  	[tilespmem:s11], [sflag:$0x3] =	stream.indirect.gather [hbm4b:s28+s13], $0x40, s30, s13, $0xb8;
	[tilespmem:$0x17780] =	vst v63  }
0x4b9: {  	_ =	swait.ge [sflag:s15], $0x6400  }
0x4ba: {  	[sflag:s15] =	ssyncset.done $0x0  }
0x4bb: {  	s31 =	rddreg [dreg:$0x1c];
	[sflag:s15] =	ssyncadd.s32 $0xFFFF9C00  }
0x4bc: {  	[hbm4b:s31+s2] =	stream.linear.scatter [tilespmem:s9], [sflag:$0x7], $0x6400, $0x38;
	[tilespmem:$0x17780] =	vst v63  }
0x4bd: {  	_ =	swait.ge [sflag:s12], $0x6400  }
0x4be: {  	s1 =	sld [smem:$0x7EA]  }
0x4bf: {  	[sflag:s12] =	ssyncset.done $0x0  }
0x4c0: {  	[sflag:s12] =	ssyncadd.s32 $0xFFFF9C00  }
0x4c1: {  	[tilespmem:s9], [sflag:$0x4] =	stream.indirect.gather [hbm4b:s28+s13], $0x40, s1, s13, $0xb8;
	[tilespmem:$0x17780] =	vst v63  }
0x4c2: {  	_ =	swait.ge [sflag:s8], $0x6400  }
0x4c3: {  	[sflag:s8] =	ssyncset.done $0x0  }
0x4c4: {  	s30 =	rddreg [dreg:$0x1d];
	[sflag:s8] =	ssyncadd.s32 $0xFFFF9C00  }
0x4c5: {  	[hbm4b:s30+s2] =	stream.linear.scatter [tilespmem:s5], [sflag:$0x5], $0x6400, $0x38;
	[tilespmem:$0x17780] =	vst v63  }
0x4c6: {  	_ =	swait.ge [sflag:s7], $0x6400  }
0x4c7: {  	s31 =	sld [smem:$0x7EB]  }
0x4c8: {  	[sflag:s7] =	ssyncset.done $0x0  }
0x4c9: {  	[sflag:s7] =	ssyncadd.s32 $0xFFFF9C00  }
0x4ca: {  	[tilespmem:s5], [sflag:$0x2] =	stream.indirect.gather [hbm4b:s28+s13], $0x40, s31, s13, $0xb8;
	[tilespmem:$0x17780] =	vst v63  }
0x4cb: {  	_ =	swait.ge [sflag:s14], $0x6400  }
0x4cc: {  	[sflag:s14] =	ssyncset.done $0x0  }
0x4cd: {  	s1 =	rddreg [dreg:$0x1e];
	[sflag:s14] =	ssyncadd.s32 $0xFFFF9C00  }
0x4ce: {  	[hbm4b:s1+s2] =	stream.linear.scatter [tilespmem:s11], [sflag:$0x6], $0x6400, $0x38;
	[tilespmem:$0x17780] =	vst v63  }
0x4cf: {  	_ =	swait.ge [sflag:s10], $0x6400  }
0x4d0: {  	s30 =	sld [smem:$0x7EC]  }
0x4d1: {  	[sflag:s10] =	ssyncset.done $0x0  }
0x4d2: {  	[sflag:s10] =	ssyncadd.s32 $0xFFFF9C00  }
0x4d3: {  	[tilespmem:s11], [sflag:$0x3] =	stream.indirect.gather [hbm4b:s28+s13], $0x40, s30, s13, $0xb8;
	[tilespmem:$0x17780] =	vst v63  }
0x4d4: {  	_ =	swait.ge [sflag:s15], $0x6400  }
0x4d5: {  	[sflag:s15] =	ssyncset.done $0x0  }
0x4d6: {  	s31 =	rddreg [dreg:$0x1f];
	[sflag:s15] =	ssyncadd.s32 $0xFFFF9C00  }
0x4d7: {  	[hbm4b:s31+s2] =	stream.linear.scatter [tilespmem:s9], [sflag:$0x7], $0x6400, $0x38;
	[tilespmem:$0x17780] =	vst v63  }
0x4d8: {  	_ =	swait.ge [sflag:s12], $0x6400  }
0x4d9: {  	s1 =	sld [smem:$0x7ED]  }
0x4da: {  	[sflag:s12] =	ssyncset.done $0x0  }
0x4db: {  	[sflag:s12] =	ssyncadd.s32 $0xFFFF9C00  }
0x4dc: {  	[tilespmem:s9], [sflag:$0x4] =	stream.indirect.gather [hbm4b:s28+s13], $0x40, s1, s13, $0xb8;
	[tilespmem:$0x17780] =	vst v63  }
0x4dd: {  	_ =	swait.ge [sflag:s8], $0x6400  }
0x4de: {  	s30 =	sld [smem:$0x7BD]  }
0x4df: {  	[sflag:s8] =	ssyncset.done $0x0  }
0x4e0: {  	[sflag:s8] =	ssyncadd.s32 $0xFFFF9C00  }
0x4e1: {  	[hbm4b:s30+s2] =	stream.linear.scatter [tilespmem:s5], [sflag:$0x5], $0x6400, $0x38;
	[tilespmem:$0x17780] =	vst v63  }
0x4e2: {  	_ =	swait.ge [sflag:s7], $0x6400  }
0x4e3: {  	s31 =	sld [smem:$0x7EE]  }
0x4e4: {  	[sflag:s7] =	ssyncset.done $0x0  }
0x4e5: {  	[sflag:s7] =	ssyncadd.s32 $0xFFFF9C00  }
0x4e6: {  	[tilespmem:s5], [sflag:$0x2] =	stream.indirect.gather [hbm4b:s28+s13], $0x40, s31, s13, $0xb8;
	[tilespmem:$0x17780] =	vst v63  }
0x4e7: {  	_ =	swait.ge [sflag:s14], $0x6400  }
0x4e8: {  	s1 =	sld [smem:$0x7BE]  }
0x4e9: {  	[sflag:s14] =	ssyncset.done $0x0  }
0x4ea: {  	[sflag:s14] =	ssyncadd.s32 $0xFFFF9C00  }
0x4eb: {  	[hbm4b:s1+s2] =	stream.linear.scatter [tilespmem:s11], [sflag:$0x6], $0x6400, $0x38;
	[tilespmem:$0x17780] =	vst v63  }
0x4ec: {  	_ =	swait.ge [sflag:s10], $0x6400  }
0x4ed: {  	s30 =	sld [smem:$0x7EF]  }
0x4ee: {  	[sflag:s10] =	ssyncset.done $0x0  }
0x4ef: {  	[sflag:s10] =	ssyncadd.s32 $0xFFFF9C00  }
0x4f0: {  	[tilespmem:s11], [sflag:$0x3] =	stream.indirect.gather [hbm4b:s28+s13], $0x40, s30, s13, $0xb8;
	[tilespmem:$0x17780] =	vst v63  }
0x4f1: {  	_ =	swait.ge [sflag:s15], $0x6400  }
0x4f2: {  	s31 =	sld [smem:$0x7BF]  }
0x4f3: {  	[sflag:s15] =	ssyncset.done $0x0  }
0x4f4: {  	[sflag:s15] =	ssyncadd.s32 $0xFFFF9C00  }
0x4f5: {  	[hbm4b:s31+s2] =	stream.linear.scatter [tilespmem:s9], [sflag:$0x7], $0x6400, $0x38;
	[tilespmem:$0x17780] =	vst v63  }
0x4f6: {  	_ =	swait.ge [sflag:s12], $0x6400  }
0x4f7: {  	s1 =	sld [smem:$0x7F0]  }
0x4f8: {  	[sflag:s12] =	ssyncset.done $0x0  }
0x4f9: {  	[sflag:s12] =	ssyncadd.s32 $0xFFFF9C00  }
0x4fa: {  	[tilespmem:s9], [sflag:$0x4] =	stream.indirect.gather [hbm4b:s28+s13], $0x40, s1, s13, $0xb8;
	[tilespmem:$0x17780] =	vst v63  }
0x4fb: {  	_ =	swait.ge [sflag:s8], $0x6400  }
0x4fc: {  	s30 =	sld [smem:$0x7C0]  }
0x4fd: {  	[sflag:s8] =	ssyncset.done $0x0  }
0x4fe: {  	[sflag:s8] =	ssyncadd.s32 $0xFFFF9C00  }
0x4ff: {  	[hbm4b:s30+s2] =	stream.linear.scatter [tilespmem:s5], [sflag:$0x5], $0x6400, $0x38;
	[tilespmem:$0x17780] =	vst v63  }
0x500: {  	_ =	swait.ge [sflag:s7], $0x6400  }
0x501: {  	s31 =	sld [smem:$0x7F1]  }
0x502: {  	[sflag:s7] =	ssyncset.done $0x0  }
0x503: {  	[sflag:s7] =	ssyncadd.s32 $0xFFFF9C00  }
0x504: {  	[tilespmem:s5], [sflag:$0x2] =	stream.indirect.gather [hbm4b:s28+s13], $0x40, s31, s13, $0xb8;
	[tilespmem:$0x17780] =	vst v63  }
0x505: {  	_ =	swait.ge [sflag:s14], $0x6400  }
0x506: {  	s1 =	sld [smem:$0x7C1]  }
0x507: {  	[sflag:s14] =	ssyncset.done $0x0  }
0x508: {  	[sflag:s14] =	ssyncadd.s32 $0xFFFF9C00  }
0x509: {  	[hbm4b:s1+s2] =	stream.linear.scatter [tilespmem:s11], [sflag:$0x6], $0x6400, $0x38;
	[tilespmem:$0x17780] =	vst v63  }
0x50a: {  	_ =	swait.ge [sflag:s10], $0x6400  }
0x50b: {  	s30 =	sld [smem:$0x7F2]  }
0x50c: {  	[sflag:s10] =	ssyncset.done $0x0  }
0x50d: {  	[sflag:s10] =	ssyncadd.s32 $0xFFFF9C00  }
0x50e: {  	[tilespmem:s11], [sflag:$0x3] =	stream.indirect.gather [hbm4b:s28+s13], $0x40, s30, s13, $0xb8;
	[tilespmem:$0x17780] =	vst v63  }
0x50f: {  	_ =	swait.ge [sflag:s15], $0x6400  }
0x510: {  	s31 =	sld [smem:$0x7C2]  }
0x511: {  	[sflag:s15] =	ssyncset.done $0x0  }
0x512: {  	[sflag:s15] =	ssyncadd.s32 $0xFFFF9C00  }
0x513: {  	[hbm4b:s31+s2] =	stream.linear.scatter [tilespmem:s9], [sflag:$0x7], $0x6400, $0x38;
	[tilespmem:$0x17780] =	vst v63  }
0x514: {  	_ =	swait.ge [sflag:s12], $0x6400  }
0x515: {  	s1 =	sld [smem:$0x7F3]  }
0x516: {  	[sflag:s12] =	ssyncset.done $0x0  }
0x517: {  	[sflag:s12] =	ssyncadd.s32 $0xFFFF9C00  }
0x518: {  	[tilespmem:s9], [sflag:$0x4] =	stream.indirect.gather [hbm4b:s28+s13], $0x40, s1, s13, $0xb8;
	[tilespmem:$0x17780] =	vst v63  }
0x519: {  	_ =	swait.ge [sflag:s8], $0x6400  }
0x51a: {  	s30 =	sld [smem:$0x7C3]  }
0x51b: {  	[sflag:s8] =	ssyncset.done $0x0  }
0x51c: {  	[sflag:s8] =	ssyncadd.s32 $0xFFFF9C00  }
0x51d: {  	[hbm4b:s30+s2] =	stream.linear.scatter [tilespmem:s5], [sflag:$0x5], $0x6400, $0x38;
	[tilespmem:$0x17780] =	vst v63  }
0x51e: {  	_ =	swait.ge [sflag:s7], $0x6400  }
0x51f: {  	s31 =	sld [smem:$0x7F4]  }
0x520: {  	[sflag:s7] =	ssyncset.done $0x0  }
0x521: {  	[sflag:s7] =	ssyncadd.s32 $0xFFFF9C00  }
0x522: {  	[tilespmem:s5], [sflag:$0x2] =	stream.indirect.gather [hbm4b:s28+s13], $0x40, s31, s13, $0xb8;
	[tilespmem:$0x17780] =	vst v63  }
0x523: {  	_ =	swait.ge [sflag:s14], $0x6400  }
0x524: {  	s1 =	sld [smem:$0x7C4]  }
0x525: {  	[sflag:s14] =	ssyncset.done $0x0  }
0x526: {  	[sflag:s14] =	ssyncadd.s32 $0xFFFF9C00  }
0x527: {  	[hbm4b:s1+s2] =	stream.linear.scatter [tilespmem:s11], [sflag:$0x6], $0x6400, $0x38;
	[tilespmem:$0x17780] =	vst v63  }
0x528: {  	_ =	swait.ge [sflag:s10], $0x6400  }
0x529: {  	s30 =	sld [smem:$0x7F5]  }
0x52a: {  	[sflag:s10] =	ssyncset.done $0x0  }
0x52b: {  	[sflag:s10] =	ssyncadd.s32 $0xFFFF9C00  }
0x52c: {  	[tilespmem:s11], [sflag:$0x3] =	stream.indirect.gather [hbm4b:s28+s13], $0x40, s30, s13, $0xb8;
	[tilespmem:$0x17780] =	vst v63  }
0x52d: {  	_ =	swait.ge [sflag:s15], $0x6400  }
0x52e: {  	s31 =	sld [smem:$0x7C5]  }
0x52f: {  	[sflag:s15] =	ssyncset.done $0x0  }
0x530: {  	[sflag:s15] =	ssyncadd.s32 $0xFFFF9C00  }
0x531: {  	[hbm4b:s31+s2] =	stream.linear.scatter [tilespmem:s9], [sflag:$0x7], $0x6400, $0x38;
	[tilespmem:$0x17780] =	vst v63  }
0x532: {  	_ =	swait.ge [sflag:s12], $0x6400  }
0x533: {  	s1 =	sld [smem:$0x7F6]  }
0x534: {  	[sflag:s12] =	ssyncset.done $0x0  }
0x535: {  	[sflag:s12] =	ssyncadd.s32 $0xFFFF9C00  }
0x536: {  	[tilespmem:s9], [sflag:$0x4] =	stream.indirect.gather [hbm4b:s28+s13], $0x40, s1, s13, $0xb8;
	[tilespmem:$0x17780] =	vst v63  }
0x537: {  	_ =	swait.ge [sflag:s8], $0x6400  }
0x538: {  	s30 =	sld [smem:$0x7C6]  }
0x539: {  	[sflag:s8] =	ssyncset.done $0x0  }
0x53a: {  	[sflag:s8] =	ssyncadd.s32 $0xFFFF9C00  }
0x53b: {  	[hbm4b:s30+s2] =	stream.linear.scatter [tilespmem:s5], [sflag:$0x5], $0x6400, $0x38;
	[tilespmem:$0x17780] =	vst v63  }
0x53c: {  	_ =	swait.ge [sflag:s7], $0x6400  }
0x53d: {  	s31 =	sld [smem:$0x7F7]  }
0x53e: {  	[sflag:s7] =	ssyncset.done $0x0  }
0x53f: {  	[sflag:s7] =	ssyncadd.s32 $0xFFFF9C00  }
0x540: {  	[tilespmem:s5], [sflag:$0x2] =	stream.indirect.gather [hbm4b:s28+s13], $0x40, s31, s13, $0xb8;
	[tilespmem:$0x17780] =	vst v63  }
0x541: {  	_ =	swait.ge [sflag:s14], $0x6400  }
0x542: {  	s1 =	sld [smem:$0x7C7]  }
0x543: {  	[sflag:s14] =	ssyncset.done $0x0  }
0x544: {  	[sflag:s14] =	ssyncadd.s32 $0xFFFF9C00  }
0x545: {  	[hbm4b:s1+s2] =	stream.linear.scatter [tilespmem:s11], [sflag:$0x6], $0x6400, $0x38;
	[tilespmem:$0x17780] =	vst v63  }
0x546: {  	_ =	swait.ge [sflag:s10], $0x6400  }
0x547: {  	s30 =	sld [smem:$0x7F8]  }
0x548: {  	[sflag:s10] =	ssyncset.done $0x0  }
0x549: {  	[sflag:s10] =	ssyncadd.s32 $0xFFFF9C00  }
0x54a: {  	[tilespmem:s11], [sflag:$0x3] =	stream.indirect.gather [hbm4b:s28+s13], $0x40, s30, s13, $0xb8;
	[tilespmem:$0x17780] =	vst v63  }
0x54b: {  	_ =	swait.ge [sflag:s15], $0x6400  }
0x54c: {  	s31 =	sld [smem:$0x7C8]  }
0x54d: {  	[sflag:s15] =	ssyncset.done $0x0  }
0x54e: {  	[sflag:s15] =	ssyncadd.s32 $0xFFFF9C00  }
0x54f: {  	[hbm4b:s31+s2] =	stream.linear.scatter [tilespmem:s9], [sflag:$0x7], $0x6400, $0x38;
	[tilespmem:$0x17780] =	vst v63  }
0x550: {  	_ =	swait.ge [sflag:s12], $0x6400  }
0x551: {  	[sflag:s12] =	ssyncset.done $0x0  }
0x552: {  	[sflag:s12] =	ssyncadd.s32 $0xFFFF9C00  }
0x553: {  	[tilespmem:s9], [sflag:$0x4] =	stream.indirect.gather [hbm4b:s4+s13], $0x40, s29, s13, $0xb8;
	[tilespmem:$0x17780] =	vst v63  }
0x554: {  	_ =	swait.ge [sflag:s8], $0x6400  }
0x555: {  	s1 =	sld [smem:$0x7C9]  }
0x556: {  	[sflag:s8] =	ssyncset.done $0x0  }
0x557: {  	[sflag:s8] =	ssyncadd.s32 $0xFFFF9C00  }
0x558: {  	[hbm4b:s1+s2] =	stream.linear.scatter [tilespmem:s5], [sflag:$0x5], $0x6400, $0x38;
	[tilespmem:$0x17780] =	vst v63  }
0x559: {  	_ =	swait.ge [sflag:s7], $0x6400  }
0x55a: {  	s28 =	sld [smem:$0x7F9]  }
0x55b: {  	[sflag:s7] =	ssyncset.done $0x0  }
0x55c: {  	[sflag:s7] =	ssyncadd.s32 $0xFFFF9C00  }
0x55d: {  	[tilespmem:s5], [sflag:$0x2] =	stream.indirect.gather [hbm4b:s4+s13], $0x40, s28, s13, $0xb8;
	[tilespmem:$0x17780] =	vst v63  }
0x55e: {  	_ =	swait.ge [sflag:s14], $0x6400  }
0x55f: {  	s29 =	sld [smem:$0x7CA]  }
0x560: {  	[sflag:s14] =	ssyncset.done $0x0  }
0x561: {  	[sflag:s14] =	ssyncadd.s32 $0xFFFF9C00  }
0x562: {  	[hbm4b:s29+s2] =	stream.linear.scatter [tilespmem:s11], [sflag:$0x6], $0x6400, $0x38;
	[tilespmem:$0x17780] =	vst v63  }
0x563: {  	_ =	swait.ge [sflag:s10], $0x6400  }
0x564: {  	s30 =	sld [smem:$0x7FA]  }
0x565: {  	[sflag:s10] =	ssyncset.done $0x0  }
0x566: {  	[sflag:s10] =	ssyncadd.s32 $0xFFFF9C00  }
0x567: {  	[tilespmem:s11], [sflag:$0x3] =	stream.indirect.gather [hbm4b:s4+s13], $0x40, s30, s13, $0xb8;
	[tilespmem:$0x17780] =	vst v63  }
0x568: {  	_ =	swait.ge [sflag:s15], $0x6400  }
0x569: {  	s31 =	sld [smem:$0x7CB]  }
0x56a: {  	[sflag:s15] =	ssyncset.done $0x0  }
0x56b: {  	[sflag:s15] =	ssyncadd.s32 $0xFFFF9C00  }
0x56c: {  	[hbm4b:s31+s2] =	stream.linear.scatter [tilespmem:s9], [sflag:$0x7], $0x6400, $0x38;
	[tilespmem:$0x17780] =	vst v63  }
0x56d: {  	_ =	swait.ge [sflag:s12], $0x6400  }
0x56e: {  	s1 =	sld [smem:$0x7FB]  }
0x56f: {  	[sflag:s12] =	ssyncset.done $0x0  }
0x570: {  	[sflag:s12] =	ssyncadd.s32 $0xFFFF9C00  }
0x571: {  	[tilespmem:s9], [sflag:$0x4] =	stream.indirect.gather [hbm4b:s4+s13], $0x40, s1, s13, $0xb8;
	[tilespmem:$0x17780] =	vst v63  }
0x572: {  	_ =	swait.ge [sflag:s8], $0x6400  }
0x573: {  	s28 =	sld [smem:$0x7CC]  }
0x574: {  	[sflag:s8] =	ssyncset.done $0x0  }
0x575: {  	[sflag:s8] =	ssyncadd.s32 $0xFFFF9C00  }
0x576: {  	[hbm4b:s28+s2] =	stream.linear.scatter [tilespmem:s5], [sflag:$0x5], $0x6400, $0x38;
	[tilespmem:$0x17780] =	vst v63  }
0x577: {  	_ =	swait.ge [sflag:s7], $0x6400  }
0x578: {  	s29 =	sld [smem:$0x7FC]  }
0x579: {  	[sflag:s7] =	ssyncset.done $0x0  }
0x57a: {  	[sflag:s7] =	ssyncadd.s32 $0xFFFF9C00  }
0x57b: {  	[tilespmem:s5], [sflag:$0x2] =	stream.indirect.gather [hbm4b:s4+s13], $0x40, s29, s13, $0xb8;
	[tilespmem:$0x17780] =	vst v63  }
0x57c: {  	_ =	swait.ge [sflag:s14], $0x6400  }
0x57d: {  	s30 =	sld [smem:$0x7CD]  }
0x57e: {  	[sflag:s14] =	ssyncset.done $0x0  }
0x57f: {  	[sflag:s14] =	ssyncadd.s32 $0xFFFF9C00  }
0x580: {  	[hbm4b:s30+s2] =	stream.linear.scatter [tilespmem:s11], [sflag:$0x6], $0x6400, $0x38;
	[tilespmem:$0x17780] =	vst v63  }
0x581: {  	_ =	swait.ge [sflag:s10], $0x6400  }
0x582: {  	s31 =	sld [smem:$0x7FD]  }
0x583: {  	[sflag:s10] =	ssyncset.done $0x0  }
0x584: {  	[sflag:s10] =	ssyncadd.s32 $0xFFFF9C00  }
0x585: {  	[tilespmem:s11], [sflag:$0x3] =	stream.indirect.gather [hbm4b:s4+s13], $0x40, s31, s13, $0xb8;
	[tilespmem:$0x17780] =	vst v63  }
0x586: {  	_ =	swait.ge [sflag:s15], $0x6400  }
0x587: {  	s1 =	sld [smem:$0x7CE]  }
0x588: {  	[sflag:s15] =	ssyncset.done $0x0  }
0x589: {  	[sflag:s15] =	ssyncadd.s32 $0xFFFF9C00  }
0x58a: {  	[hbm4b:s1+s2] =	stream.linear.scatter [tilespmem:s9], [sflag:$0x7], $0x6400, $0x38;
	[tilespmem:$0x17780] =	vst v63  }
0x58b: {  	_ =	swait.ge [sflag:s12], $0x6400  }
0x58c: {  	[sflag:s12] =	ssyncset.done $0x0  }
0x58d: {  	[sflag:s12] =	ssyncadd.s32 $0xFFFF9C00  }
0x58e: {  	[tilespmem:s9], [sflag:$0x4] =	stream.indirect.gather [hbm4b:s4+s13], $0x40, s26, s13, $0xb8;
	[tilespmem:$0x17780] =	vst v63  }
0x58f: {  	_ =	swait.ge [sflag:s8], $0x6400  }
0x590: {  	s28 =	sld [smem:$0x7CF]  }
0x591: {  	[sflag:s8] =	ssyncset.done $0x0  }
0x592: {  	[sflag:s8] =	ssyncadd.s32 $0xFFFF9C00  }
0x593: {  	[hbm4b:s28+s2] =	stream.linear.scatter [tilespmem:s5], [sflag:$0x5], $0x6400, $0x38;
	[tilespmem:$0x17780] =	vst v63  }
0x594: {  	_ =	swait.ge [sflag:s7], $0x6400  }
0x595: {  	[sflag:s7] =	ssyncset.done $0x0  }
0x596: {  	[sflag:s7] =	ssyncadd.s32 $0xFFFF9C00  }
0x597: {  	[tilespmem:s5], [sflag:$0x2] =	stream.indirect.gather [hbm4b:s4+s13], $0x40, s25, s13, $0xb8;
	[tilespmem:$0x17780] =	vst v63  }
0x598: {  	_ =	swait.ge [sflag:s14], $0x6400  }
0x599: {  	s29 =	sld [smem:$0x7D0]  }
0x59a: {  	[sflag:s14] =	ssyncset.done $0x0  }
0x59b: {  	[sflag:s14] =	ssyncadd.s32 $0xFFFF9C00  }
0x59c: {  	[hbm4b:s29+s2] =	stream.linear.scatter [tilespmem:s11], [sflag:$0x6], $0x6400, $0x38;
	[tilespmem:$0x17780] =	vst v63  }
0x59d: {  	_ =	swait.ge [sflag:s10], $0x6400  }
0x59e: {  	[sflag:s10] =	ssyncset.done $0x0  }
0x59f: {  	[sflag:s10] =	ssyncadd.s32 $0xFFFF9C00  }
0x5a0: {  	[tilespmem:s11], [sflag:$0x3] =	stream.indirect.gather [hbm4b:s4+s13], $0x40, s24, s13, $0xb8;
	[tilespmem:$0x17780] =	vst v63  }
0x5a1: {  	_ =	swait.ge [sflag:s15], $0x6400  }
0x5a2: {  	s30 =	sld [smem:$0x7D1]  }
0x5a3: {  	[sflag:s15] =	ssyncset.done $0x0  }
0x5a4: {  	[sflag:s15] =	ssyncadd.s32 $0xFFFF9C00  }
0x5a5: {  	[hbm4b:s30+s2] =	stream.linear.scatter [tilespmem:s9], [sflag:$0x7], $0x6400, $0x38;
	[tilespmem:$0x17780] =	vst v63  }
0x5a6: {  	_ =	swait.ge [sflag:s12], $0x6400  }
0x5a7: {  	[sflag:s12] =	ssyncset.done $0x0  }
0x5a8: {  	[sflag:s12] =	ssyncadd.s32 $0xFFFF9C00  }
0x5a9: {  	[tilespmem:s9], [sflag:$0x4] =	stream.indirect.gather [hbm4b:s4+s13], $0x40, s23, s13, $0xb8;
	[tilespmem:$0x17780] =	vst v63  }
0x5aa: {  	_ =	swait.ge [sflag:s8], $0x6400  }
0x5ab: {  	s31 =	sld [smem:$0x7D2]  }
0x5ac: {  	[sflag:s8] =	ssyncset.done $0x0  }
0x5ad: {  	[sflag:s8] =	ssyncadd.s32 $0xFFFF9C00  }
0x5ae: {  	[hbm4b:s31+s2] =	stream.linear.scatter [tilespmem:s5], [sflag:$0x5], $0x6400, $0x38;
	[tilespmem:$0x17780] =	vst v63  }
0x5af: {  	_ =	swait.ge [sflag:s7], $0x6400  }
0x5b0: {  	[sflag:s7] =	ssyncset.done $0x0  }
0x5b1: {  	[sflag:s7] =	ssyncadd.s32 $0xFFFF9C00  }
0x5b2: {  	[tilespmem:s5], [sflag:$0x2] =	stream.indirect.gather [hbm4b:s4+s13], $0x40, s22, s13, $0xb8;
	[tilespmem:$0x17780] =	vst v63  }
0x5b3: {  	_ =	swait.ge [sflag:s14], $0x6400  }
0x5b4: {  	s1 =	sld [smem:$0x7D3]  }
0x5b5: {  	[sflag:s14] =	ssyncset.done $0x0  }
0x5b6: {  	[sflag:s14] =	ssyncadd.s32 $0xFFFF9C00  }
0x5b7: {  	[hbm4b:s1+s2] =	stream.linear.scatter [tilespmem:s11], [sflag:$0x6], $0x6400, $0x38;
	[tilespmem:$0x17780] =	vst v63  }
0x5b8: {  	_ =	swait.ge [sflag:s10], $0x6400  }
0x5b9: {  	[sflag:s10] =	ssyncset.done $0x0  }
0x5ba: {  	[sflag:s10] =	ssyncadd.s32 $0xFFFF9C00  }
0x5bb: {  	[tilespmem:s11], [sflag:$0x3] =	stream.indirect.gather [hbm4b:s4+s13], $0x40, s21, s13, $0xb8;
	[tilespmem:$0x17780] =	vst v63  }
0x5bc: {  	_ =	swait.ge [sflag:s15], $0x6400  }
0x5bd: {  	s22 =	sld [smem:$0x7D4]  }
0x5be: {  	[sflag:s15] =	ssyncset.done $0x0  }
0x5bf: {  	[sflag:s15] =	ssyncadd.s32 $0xFFFF9C00  }
0x5c0: {  	[hbm4b:s22+s2] =	stream.linear.scatter [tilespmem:s9], [sflag:$0x7], $0x6400, $0x38;
	[tilespmem:$0x17780] =	vst v63  }
0x5c1: {  	_ =	swait.ge [sflag:s12], $0x6400  }
0x5c2: {  	[sflag:s12] =	ssyncset.done $0x0  }
0x5c3: {  	[sflag:s12] =	ssyncadd.s32 $0xFFFF9C00  }
0x5c4: {  	[tilespmem:s9], [sflag:$0x4] =	stream.indirect.gather [hbm4b:s4+s13], $0x40, s20, s13, $0xb8;
	[tilespmem:$0x17780] =	vst v63  }
0x5c5: {  	_ =	swait.ge [sflag:s8], $0x6400  }
0x5c6: {  	s23 =	sld [smem:$0x7D5]  }
0x5c7: {  	[sflag:s8] =	ssyncset.done $0x0  }
0x5c8: {  	[sflag:s8] =	ssyncadd.s32 $0xFFFF9C00  }
0x5c9: {  	[hbm4b:s23+s2] =	stream.linear.scatter [tilespmem:s5], [sflag:$0x5], $0x6400, $0x38;
	[tilespmem:$0x17780] =	vst v63  }
0x5ca: {  	_ =	swait.ge [sflag:s7], $0x6400  }
0x5cb: {  	[sflag:s7] =	ssyncset.done $0x0  }
0x5cc: {  	[sflag:s7] =	ssyncadd.s32 $0xFFFF9C00  }
0x5cd: {  	[tilespmem:s5], [sflag:$0x2] =	stream.indirect.gather [hbm4b:s4+s13], $0x40, s19, s13, $0xb8;
	[tilespmem:$0x17780] =	vst v63  }
0x5ce: {  	_ =	swait.ge [sflag:s14], $0x6400  }
0x5cf: {  	s24 =	sld [smem:$0x7D6]  }
0x5d0: {  	[sflag:s14] =	ssyncset.done $0x0  }
0x5d1: {  	[sflag:s14] =	ssyncadd.s32 $0xFFFF9C00  }
0x5d2: {  	[hbm4b:s24+s2] =	stream.linear.scatter [tilespmem:s11], [sflag:$0x6], $0x6400, $0x38;
	[tilespmem:$0x17780] =	vst v63  }
0x5d3: {  	_ =	swait.ge [sflag:s10], $0x6400  }
0x5d4: {  	[sflag:s10] =	ssyncset.done $0x0  }
0x5d5: {  	[sflag:s10] =	ssyncadd.s32 $0xFFFF9C00  }
0x5d6: {  	[tilespmem:s11], [sflag:$0x3] =	stream.indirect.gather [hbm4b:s4+s13], $0x40, s18, s13, $0xb8;
	[tilespmem:$0x17780] =	vst v63  }
0x5d7: {  	_ =	swait.ge [sflag:s15], $0x6400  }
0x5d8: {  	s25 =	sld [smem:$0x7D7]  }
0x5d9: {  	[sflag:s15] =	ssyncset.done $0x0  }
0x5da: {  	[sflag:s15] =	ssyncadd.s32 $0xFFFF9C00  }
0x5db: {  	[hbm4b:s25+s2] =	stream.linear.scatter [tilespmem:s9], [sflag:$0x7], $0x6400, $0x38;
	[tilespmem:$0x17780] =	vst v63  }
0x5dc: {  	_ =	swait.ge [sflag:s12], $0x6400  }
0x5dd: {  	[sflag:s12] =	ssyncset.done $0x0  }
0x5de: {  	[sflag:s12] =	ssyncadd.s32 $0xFFFF9C00  }
0x5df: {  	[tilespmem:s9], [sflag:$0x4] =	stream.indirect.gather [hbm4b:s4+s13], $0x40, s17, s13, $0xb8;
	[tilespmem:$0x17780] =	vst v63  }
0x5e0: {  	_ =	swait.ge [sflag:s8], $0x6400  }
0x5e1: {  	s26 =	sld [smem:$0x7D8]  }
0x5e2: {  	[sflag:s8] =	ssyncset.done $0x0  }
0x5e3: {  	[sflag:s8] =	ssyncadd.s32 $0xFFFF9C00  }
0x5e4: {  	[hbm4b:s26+s2] =	stream.linear.scatter [tilespmem:s5], [sflag:$0x5], $0x6400, $0x38;
	[tilespmem:$0x17780] =	vst v63  }
0x5e5: {  	_ =	swait.ge [sflag:s7], $0x6400  }
0x5e6: {  	[sflag:s7] =	ssyncset.done $0x0  }
0x5e7: {  	[sflag:s7] =	ssyncadd.s32 $0xFFFF9C00  }
0x5e8: {  	[tilespmem:s5], [sflag:$0x2] =	stream.indirect.gather [hbm4b:s3+s16], $0x40, s6, s16, $0xb8;
	[tilespmem:$0x17780] =	vst v63  }
0x5e9: {  	_ =	swait.ge [sflag:s14], $0x6400  }
0x5ea: {  	s28 =	sld [smem:$0x7D9]  }
0x5eb: {  	[sflag:s14] =	ssyncset.done $0x0  }
0x5ec: {  	[sflag:s14] =	ssyncadd.s32 $0xFFFF9C00  }
0x5ed: {  	[hbm4b:s28+s2] =	stream.linear.scatter [tilespmem:s11], [sflag:$0x6], $0x6400, $0x38;
	[tilespmem:$0x17780] =	vst v63  }
0x5ee: {  	_ =	swait.ge [sflag:s15], $0x6400  }
0x5ef: {  	s29 =	sld [smem:$0x7DA]  }
0x5f0: {  	[sflag:s15] =	ssyncset.done $0x0  }
0x5f1: {  	[sflag:s15] =	ssyncadd.s32 $0xFFFF9C00  }
0x5f2: {  	[hbm4b:s29+s2] =	stream.linear.scatter [tilespmem:s9], [sflag:$0x7], $0x6400, $0x38;
	[tilespmem:$0x17780] =	vst v63  }
0x5f3: {  	_ =	swait.ge [sflag:s8], $0x2000  }
0x5f4: {  	s30 =	sld [smem:$0x7DB]  }
0x5f5: {  	[sflag:s8] =	ssyncset.done $0x0  }
0x5f6: {  	[sflag:s8] =	ssyncadd.s32 $0xFFFFE000  }
0x5f7: {  	[hbm4b:s30+s2] =	stream.linear.scatter [tilespmem:s5], [sflag:$0x5], $0x2000, $0x38;
	[tilespmem:$0x17780] =	vst v63  }
0x5f8: {  	_ =	swait.ge [sflag:s7], $0x2000  }
0x5f9: {  	[sflag:s7] =	ssyncset.done $0x0  }
0x5fa: {  	[sflag:s7] =	ssyncadd.s32 $0xFFFFE000  }
0x5fb: {  	_ =	swait.ge [sflag:s10], $0x6400  }
0x5fc: {  	[sflag:s10] =	ssyncset.done $0x0  }
0x5fd: {  	[sflag:s10] =	ssyncadd.s32 $0xFFFF9C00  }
0x5fe: {  	_ =	swait.ge [sflag:s12], $0x6400  }
0x5ff: {  	[sflag:s12] =	ssyncset.done $0x0  }
0x600: {  	[sflag:s12] =	ssyncadd.s32 $0xFFFF9C00  }
0x601: {  	_ =	sfence.sel $0x180000  }
0x602: {  	[bflag:$0x0] =	sbarrier.arrive $0xFFFF  }
0x603: {  	_ =	strace $0x90000047  }
0x604: {  	s31 =	stileid.u32;
	[bflag:$0x2] =	sbarrier.arrive $0xFFFF  }
0x605: {  	p0 =	sne.s32 s31, $0x0;
	s0 =	rddreg [dreg:$0x9]  }
0x606: {  	s0 =	sadd.s32 @!p0 $0x100000, s0  }
0x607: {  	[sflag:s0] =	ssyncadd.tile.s32 @!p0 $0x1;
	_ =	shalt  }
.Lfunc_end2:
_tile_overlayer_lowered:
.L_overlay_start_2:
0x608: {  	(tag) =	ssettag $0x2  }
0x609: {  	s0 =	rddreg [dreg:$0x0];
	s2 =	stileid.u32  }
0x60a: {  	s1 =	rddreg [dreg:$0x1];
	p0 =	sne.s32 s2, $0x0  }
0x60b: {  	s3 =	rddreg [dreg:$0x2];
	[bflag:$0x3] =	sbarrier.arrive $0xFFFF;
	s2 =	simm.s32 @!p0 $0x1C08  }
0x60c: {  	[timem:s3], [sflag:s2] =	dma.local @!p0 [hbm:s0], s1  }
0x60d: {  	s0 =	simm.s32 @!p0 $0x8  }
0x60e: {  	_ =	swait.ge @!p0 [sflag:s0], s1  }
0x60f: {  	s1 =	ssub.s32 @!p0 $0x0, s1;
	[sflag:s0] =	ssyncset.done @!p0 $0x0  }
0x610: {  	[sflag:s0] =	ssyncadd.s32 @!p0 s1  }
0x611: {  	[bflag:$0x3] =	sbarrier.arrive $0xFFFF  }
0x612: {  	_ =	shalt  }

// kernel: sparse-core-data-format-call.1.cloned.1.call-start
scs
called_computation.1_lowered:
.L_overlay_start_0:
0x0: {  	s2 =	sld [smem:$0x3FD9]  }
0x1: {  	s3 =	sld [smem:$0x3FFE];
	_ =	sdelay $0x1  }
0x2: {  	s1 =	srdreg.scid  }
0x3: {  	s0 =	sand.u32 $0x1, s1  }
0x4: {  	s15 =	sshll.u32 s0, $0xA;
	s2 =	sadd.s32 s3, s2  }
0x5: {  	s2 =	sadd.s32 s2, s15  }
0x6: {  	[smem:$0x3FC1] =	sst s2  }
0x7: {  	_ = 	snop  }
0x8: {  	s2 =	sld [smem:$0x3FD0];
	_ =	sdelay $0x2  }
0x9: {  	s16 =	simm.s32 $0xC;
	s4 =	simm.s32 $0x10  }
0xa: {  	[smem:s4], [sflag:s16] =	dma.local [hbm:s2], $0x1  }
0xb: {  	_ =	swait.eq [sflag:s16], $0x1  }
0xc: {  	[sflag:s16] =	ssyncset.done $0x0  }
0xd: {  	[sflag:s16] =	ssyncadd.s32 $0xFFFFFFFF  }
0xe: {  	s17 =	sld [smem:$0x11];
	(tm) =	ssettm $0x1  }
0xf: {  	s18 =	sld [smem:$0x3FFB];
	_ =	sdelay $0x3  }
0x10: {  	_ =	strace s18  }
0x11: {  	s3 =	sld [smem:$0x3FFC];
	_ =	sdelay $0x3  }
0x12: {  	_ =	strace s3  }
0x13: {  	s3 =	sld [smem:$0x3FFD];
	_ =	sdelay $0x3  }
0x14: {  	_ =	strace s3  }
0x15: {  	_ =	strace $0x8FFFFFFF  }
0x16: {  	s19 =	sld [smem:$0x3FDB];
	_ =	sdelay $0x1  }
0x17: {  	s20 =	simm.s32 $_scs_section_size  }
0x18: {  	s5 =	simm.s32 $_size__tile_overlayer_lowered;
	s6 =	simm.s32 $_tile_overlayer_lowered  }
0x19: {  	s23 =	simm.s32 $0x1BFF;
	s22 =	sshll.u32 s6, $0x1;
	s3 =	sadd.s32 s20, s19  }
0x1a: {  	s7 =	simm.s32 $0x0;
	s21 =	sshll.u32 s5, $0x1;
	s5 =	sadd.s32 s22, s3  }
0x1b: {  	[timem:s7], [sflag:s23] =	dma.local [hbm:s5], s21  }
0x1c: {  	_ =	swait.ge [sflag:s23], s21  }
0x1d: {  	s4 =	ssub.s32 $0x0, s21;
	[sflag:s23] =	ssyncset.done $0x0  }
0x1e: {  	[sflag:s23] =	ssyncadd.s32 s4;
	_ =	sdelay $0x1  }
0x1f: {  	s24 =	simm.s32 $0x1B8B  }
0x20: {  	_ =	swait.ge [sflag:s24], $0x1  }
0x21: {  	[sflag:s24] =	ssyncset.done $0x0  }
0x22: {  	s26 =	simm.s32 $0x1B8E;
	s25 =	sld [smem:$0x3FFE];
	[sflag:s24] =	ssyncadd.s32 $0xFFFFFFFF  }
0x23: {  	s27 =	simm.s32 $execute0_lowered;
	[smem:$0x3FD2] =	sst s26  }
0x24: {  	s5 =	sshll.u32 s27, $0x1;
	_ =	strace $0x80000049;
	[dreg:$0x1] =	wrdreg $0xFFFFFFFF  }
0x25: {  	s28 =	simm.s32 $_size_execute0_lowered;
	s3 =	sadd.s32 s3, s5;
	[dreg:$0x0] =	wrdreg $0x0  }
0x26: {  	s5 =	sshll.u32 s28, $0x1;
	[dreg:$0x2] =	wrdreg s3  }
0x27: {  	[dreg:$0x3] =	wrdreg s5  }
0x28: {  	[dreg:$0x4] =	wrdreg $0xC0  }
0x29: {  	_ =	task [dreg:s7], $0x5FFFF  }
0x2a: {  	[dreg:$0x1] =	wrdreg $0xFFFFFFFF  }
0x2b: {  	[dreg:$0x0] =	wrdreg $0x60  }
0x2c: {  	[dreg:$0x2] =	wrdreg s25  }
0x2d: {  	[dreg:$0x3] =	wrdreg s17  }
0x2e: {  	[dreg:$0x4] =	wrdreg $0xA  }
0x2f: {  	_ =	task.clear_ibuf [dreg:s7], $0x5FFFF;
	_ =	strace $0x90000049  }
0x30: {  	s29 =	simm.s32 $0xA;
	_ =	strace $0x8000004B  }
0x31: {  	_ =	swait.ge [sflag:s29], $0x1  }
0x32: {  	[sflag:s29] =	ssyncadd.s32 $0xFFFFFFFF  }
0x33: {  	_ =	strace $0x9000004B  }
0x34: {  	_ =	sfence  }
0x35: {  	s30 =	sld [smem:$0x0];
	_ =	sdelay $0x2  }
0x36: {  	s31 =	sshll.u32 s1, $0xD;
	s1 =	sshrl.u32 s1, $0x2  }
0x37: {  	s3 =	sand.u32 $0x4000, s31;
	s1 =	sadd.s32 s1, s30  }
0x38: {  	s0 =	sor.u32 s3, s0;
	s1 =	sshll.u32 s1, $0x11  }
0x39: {  	s0 =	sor.u32 s1, s0  }
0x3a: {  	s0 =	sadd.s32 $0x8F2B, s0  }
0x3b: {  	[sflag:s0] =	ssyncadd.remote.s32 $0x1  }
0x3c: {  	_ =	sfence.sel $0xFFFF  }
0x3d: {  	[dreg:$0x0] =	wrdreg $0xFFFFFFFF;
	(pc) =	sbr.abs _section_cstart, $3  }
0x3e: {  	[dreg:$0x1] =	wrdreg $0xFFFFFFFF  }
0x3f: {  	_ =	task.clear_ibuf [dreg:s7], $0x2FFFF;
	_ =	strace $0x9FFFFFFF  }
0x40: {  	(tm) =	ssettm $0x7FFFFFFF  }
0x41: {  	_ =	shalt  }
tec
execute0_lowered:
.L_overlay_start_1:
0x0: {  	(tag) =	ssettag $0x1  }
0x1: {  	s0 =	srdreg.scid  }
0x2: {  	s1 =	sshll.u32 s0, $0x4  }
0x3: {  	s4 =	rddreg [dreg:$0x0];
	s0 =	stileid.u32;
	s1 =	sand.u32 $0x10, s1  }
0x4: {  	s2 =	rddreg [dreg:$0x1];
	s7 =	simm.s32 $0x1;
	s1 =	sor.u32 s0, s1  }
0x5: {  	s8 =	simm.s32 $0x2;
	s11 =	simm.s32 $0x0;
	s3 =	sshll.u32 s1, $0x7  }
0x6: {  	s10 =	simm.s32 $0x0;
	s4 =	sadd.s32 $0x1A00, s4;
	s6 =	ssub.s32 $0x32000, s3  }
.Ltmp0:
0x7: {  	s1 =	rddreg [dreg:$0x2];
	s5 =	sand.u32 $0xF80, s6;
	(pc) =	sbr.rel .LBB1_1-.Ltmp0, $4  }
0x8: {  	_ =	strace $0x8000004A;
	s9 =	smov.u32 s3;
	p0 =	sne.s32 s5, $0x0  }
0x9: {  	s6 =	sshrl.u32 s6, $0xC;
	s5 =	simm.s32 $0x1;
	s7 =	simm.s32 @!p0 $0x0  }
0xa: {  	[sflag:s5] =	ssyncpa.u1 $0x0;
	p0 =	por $0x0, $0x0;
	s6 =	sadd.s32 s7, s6  }
0xb: {  	[sflag:s8] =	ssyncpa.u1 $0x0;
	s8 =	simm.s32 $0x190000;
	s7 =	sadd.s32 $0x1, s6  }
.LBB1_4:
0xc: {  	s14 =	sshll.u32 s11, $0x3  }
0xd: {  	s30 =	sand.u32 $0x7F, s11;
	s15 =	sand.u32 $0xFFFFFC00, s14  }
0xe: {  	s11 =	sor.u32 s30, s15  }
0xf: {  	s15 =	smulhi.u32 $0x51EB851F, s11  }
0x10: {  	s14 =	smulhi.u32 $0x51EB851F, s14  }
0x11: {  	s15 =	sshrl.u32 s15, $0x10  }
0x12: {  	s14 =	sshrl.u32 s14, $0x10;
	s15 =	smul.u32 $0x32000, s15  }
0x13: {  	s14 =	sand.u32 $0x3F, s14  }
0x14: {  	s14 =	smul.u32 $0x6400, s14;
	s11 =	ssub.s32 s11, s15  }
0x15: {  	[tilespmem:s13+$0x810 ss:$0x81] =	vst.msk $0xffff, v2;
	s15 =	sand.u32 $0x7, s11  }
0x16: {  	[tilespmem:s13+$0x1020 ss:$0x81] =	vst.msk $0xffff, v0;
	s14 =	sadd.s32 s2, s14;
	s11 =	sshrl.u32 s11, $0x3;
	s15 =	sshll.u32 s15, $0x12  }
0x17: {  	[tilespmem:s13+$0x0 ss:$0x81] =	vst.msk $0xffff, v1;
	s11 =	sadd.s32 s11, s14;
	s31 =	sor.u32 $0x400, s15  }
0x18: {  	[hbm4b:s11+s31] =	stream.strided.scatter [tilespmem:s12], [sflag:$0x2], $0x2000, s8, s31, $0x20;
	[tilespmem:$0x8080] =	vst v63  }
.LBB1_5:
0x19: {  	s13 =	sadd.s32 $0x1000, s9  }
0x1a: {  	p2 =	sgt.s32 s13, $0x31FFF  }
0x1b: {  	s13 =	smov.u32 @p2 s3;
	p2 =	sne.s32 s10, s7  }
.Ltmp1:
0x1c: {  	p1 =	slt.u32 s10, $0x2;
	(pc) =	sbr.rel @!p2 .LBB1_6-.Ltmp1, $4  }
0x1d: {  	s12 =	simm.s32 @!p1 $0x2  }
0x1e: {  	s14 =	sadd.s32 $0x1, s10;
	_ =	swait.ge @!p1 [sflag:s12], $0x2000  }
0x1f: {  	s11 =	smov.u32 s9;
	p0 =	por !p0, !p0;
	[sflag:s12] =	ssyncset.done @!p1 $0x0  }
0x20: {  	s10 =	smov.u32 s14;
	s9 =	smov.u32 s13;
	[sflag:s12] =	ssyncadd.s32 @!p1 $0xFFFFE000  }
.LBB1_1:
0x21: {  	p1 =	sge.u32 s10, s6  }
0x22: {  	s12 =	sand.u32 @!p1 $0x1FFFFFF, s9  }
0x23: {  	s13 =	smulhi.u32 @!p1 $0x147AE15, s12;
	_ =	sdelay $0x1  }
0x24: {  	s13 =	sshrl.u32 @!p1 s13, $0xA  }
0x25: {  	s13 =	smul.u32 @!p1 $0x32000, s13;
	_ =	sdelay $0x1  }
0x26: {  	s31 =	sadd.s32 $0xFFFFFFFF, s10;
	s14 =	sxor.u32 @!p1 $0xFFFFFFFF, s10;
	s12 =	ssub.s32 @!p1 s12, s13  }
0x27: {  	s15 =	simm.s32 @!p1 $0x80;
	s14 =	sshll.u32 @!p1 s14, $0xD;
	s12 =	sshll.u32 @!p1 s12, $0x4  }
0x28: {  	s13 =	sand.u32 @!p1 $0x2000, s14;
	s14 =	simm.s32 @!p1 $0x40;
	s12 =	sadd.s32 @!p1 s4, s12  }
0x29: {  	[tilespmem:s13], [sflag:$0x1] =	stream.strided.gather @!p1 [hbm4b:s12+s14], $0x2000, s15, s14, $0x38;
	[tilespmem:$0x8080] =	vst v63  }
0x2a: {  	p1 =	sge.u32 s31, s6  }
.Ltmp2:
0x2b: {  	_ = 	snop;
	(pc) =	sbr.rel @p1 .LBB1_5-.Ltmp2, $1  }
0x2c: {  	_ =	sdelay $0x3  }
0x2d: {  	s12 =	simm.s32 $0x1  }
0x2e: {  	_ =	swait.ge [sflag:s5], $0x2000;
	s12 =	simm.s32 @!p0 $0x0  }
0x2f: {  	[sflag:s5] =	ssyncset.done $0x0;
	s13 =	sshll.u32 s12, $0xD  }
0x30: {  	[sflag:s5] =	ssyncadd.s32 $0xFFFFE000;
	s16 =	sor.u32 $0x20, s13  }
0x31: {  	s12 =	smul.u32 $0x8100, s12;
	v3 =	vld [tilespmem:s16+$0x10]  }
0x32: {  	s30 =	sand.u32 $0x1, s10;
	v2 =	vld [tilespmem:s16+$0xFFFFFFF0]  }
0x33: {  	s13 =	smul.u32 $0x8100, s30;
	s12 =	sshrl.u32 s12, $0x2;
	v0 =	vld [tilespmem:s16+$0x0]  }
0x34: {  	v1 =	vld [tilespmem:s16+$0xFFFFFFE0];
	s14 =	sor.u32 $0x4000, s12  }
0x35: {  	s31 =	sshrl.u32 s13, $0x2;
	s13 =	sadd.s32 $0x0, s14  }
0x36: {  	s15 =	simm.s32 $0x4;
	s16 =	sadd.s32 $0x40, s16;
	s12 =	sor.u32 $0x4000, s31;
	[tilespmem:s13+$0x1830 ss:$0x81] =	vst.msk $0xffff, v3  }
.LBB1_3:
0x37: {  	v3 =	vld [tilespmem:s16+$0x10];
	p1 =	sne.s32 s15, $0x1FC;
	[tilespmem:s13+$0x810 ss:$0x81] =	vst.msk $0xffff, v2;
	s17 =	smov.u32 s15;
	s15 =	sadd.s32 $0x4, s15  }
.Ltmp3:
0x38: {  	v2 =	vld [tilespmem:s16+$0xFFFFFFF0];
	[tilespmem:s13+$0x1020 ss:$0x81] =	vst.msk $0xffff, v0;
	(pc) =	sbr.rel @p1 .LBB1_3-.Ltmp3, $4  }
0x39: {  	v0 =	vld [tilespmem:s16+$0x0];
	[tilespmem:s13+$0x0 ss:$0x81] =	vst.msk $0xffff, v1  }
0x3a: {  	s13 =	sshra.s32 s17, $0x2;
	v1 =	vld [tilespmem:s16+$0xFFFFFFE0]  }
0x3b: {  	s13 =	sadd.s32 s13, s14  }
0x3c: {  	s16 =	sadd.s32 $0x40, s16;
	[tilespmem:s13+$0x1830 ss:$0x81] =	vst.msk $0xffff, v3  }
.Ltmp4:
0x3d: {  	_ = 	snop;
	(pc) =	sbr.rel .LBB1_4-.Ltmp4, $1  }
0x3e: {  	_ =	sdelay $0x3  }
.LBB1_6:
0x3f: {  	_ =	sfence.sel $0x180000  }
0x40: {  	s2 =	simm.s32 $0x1;
	[bflag:$0x0] =	sbarrier.arrive $0xFFFF  }
0x41: {  	s31 =	simm.s32 $0x2;
	[sflag:s2] =	ssyncpa.u1 $0x1  }
0x42: {  	[sflag:s31] =	ssyncpa.u1 $0x1  }
0x43: {  	p0 =	sne.s32 s0, $0x0;
	_ =	strace $0x9000004A  }
0x44: {  	s0 =	sadd.s32 @!p0 $0x100000, s1;
	[bflag:$0x2] =	sbarrier.arrive $0xFFFF  }
0x45: {  	[sflag:s0] =	ssyncadd.tile.s32 @!p0 $0x1;
	_ =	shalt  }
.Lfunc_end1:
_tile_overlayer_lowered:
.L_overlay_start_2:
0x46: {  	(tag) =	ssettag $0x2  }
0x47: {  	s0 =	rddreg [dreg:$0x0];
	s2 =	stileid.u32  }
0x48: {  	s1 =	rddreg [dreg:$0x1];
	p0 =	sne.s32 s2, $0x0  }
0x49: {  	s3 =	rddreg [dreg:$0x2];
	[bflag:$0x3] =	sbarrier.arrive $0xFFFF;
	s2 =	simm.s32 @!p0 $0x1C01  }
0x4a: {  	[timem:s3], [sflag:s2] =	dma.local @!p0 [hbm:s0], s1  }
0x4b: {  	s0 =	simm.s32 @!p0 $0x1  }
0x4c: {  	_ =	swait.ge @!p0 [sflag:s0], s1  }
0x4d: {  	s1 =	ssub.s32 @!p0 $0x0, s1;
	[sflag:s0] =	ssyncset.done @!p0 $0x0  }
0x4e: {  	[sflag:s0] =	ssyncadd.s32 @!p0 s1  }
0x4f: {  	[bflag:$0x3] =	sbarrier.arrive $0xFFFF  }
0x50: {  	_ =	shalt  }

// kernel: sparse-core-data-format-call.2.cloned.1.call-start
scs
called_computation.2_lowered:
.L_overlay_start_0:
0x0: {  	s2 =	sld [smem:$0x3FD9]  }
0x1: {  	s3 =	sld [smem:$0x3FFE];
	_ =	sdelay $0x1  }
0x2: {  	s1 =	srdreg.scid  }
0x3: {  	s0 =	sand.u32 $0x1, s1  }
0x4: {  	s16 =	sshll.u32 s0, $0xA;
	s2 =	sadd.s32 s3, s2  }
0x5: {  	s2 =	sadd.s32 s2, s16  }
0x6: {  	[smem:$0x3FC1] =	sst s2  }
0x7: {  	_ = 	snop  }
0x8: {  	s2 =	sld [smem:$0x3FD0];
	_ =	sdelay $0x2  }
0x9: {  	s17 =	simm.s32 $0xC;
	s4 =	simm.s32 $0x10  }
0xa: {  	[smem:s4], [sflag:s17] =	dma.local [hbm:s2], $0x1  }
0xb: {  	_ =	swait.eq [sflag:s17], $0x1  }
0xc: {  	[sflag:s17] =	ssyncset.done $0x0  }
0xd: {  	[sflag:s17] =	ssyncadd.s32 $0xFFFFFFFF  }
0xe: {  	s18 =	sld [smem:$0x10];
	(tm) =	ssettm $0x1  }
0xf: {  	s19 =	sld [smem:$0x3FFB];
	_ =	sdelay $0x3  }
0x10: {  	_ =	strace s19  }
0x11: {  	s2 =	sld [smem:$0x3FFC];
	_ =	sdelay $0x3  }
0x12: {  	_ =	strace s2  }
0x13: {  	s2 =	sld [smem:$0x3FFD];
	_ =	sdelay $0x3  }
0x14: {  	_ =	strace s2  }
0x15: {  	_ =	strace $0x8FFFFFFF  }
0x16: {  	s20 =	sld [smem:$0x3FDB];
	_ =	sdelay $0x1  }
0x17: {  	s21 =	simm.s32 $_scs_section_size  }
0x18: {  	s5 =	simm.s32 $_size__tile_overlayer_lowered;
	s6 =	simm.s32 $_tile_overlayer_lowered  }
0x19: {  	s7 =	simm.s32 $0x1BFF;
	s22 =	sshll.u32 s6, $0x1;
	s4 =	sadd.s32 s21, s20  }
0x1a: {  	s23 =	simm.s32 $0x0;
	s5 =	sshll.u32 s5, $0x1;
	s6 =	sadd.s32 s22, s4  }
0x1b: {  	[timem:s23], [sflag:s7] =	dma.local [hbm:s6], s5  }
0x1c: {  	_ =	swait.ge [sflag:s7], s5  }
0x1d: {  	s5 =	ssub.s32 $0x0, s5;
	[sflag:s7] =	ssyncset.done $0x0  }
0x1e: {  	[sflag:s7] =	ssyncadd.s32 s5;
	_ =	sdelay $0x1  }
0x1f: {  	s24 =	simm.s32 $0x1B8B  }
0x20: {  	_ =	swait.ge [sflag:s24], $0x1  }
0x21: {  	[sflag:s24] =	ssyncset.done $0x0  }
0x22: {  	[sflag:s24] =	ssyncadd.s32 $0xFFFFFFFF  }
0x23: {  	s5 =	sld [smem:$0x0]  }
0x24: {  	s6 =	sand.u32 $0xFFFFFFFE, s1  }
0x25: {  	p0 =	sne.s32 s1, s6  }
0x26: {  	s6 =	sshll.u32 @p0 s6, $0xE  }
0x27: {  	s6 =	sadd.s32 @p0 $0x11B8D, s6;
	s7 =	sshll.u32 @p0 s5, $0x11  }
0x28: {  	s6 =	sor.u32 @p0 s7, s6  }
0x29: {  	[sflag:s6] =	ssyncadd.remote.s32 @p0 $0x1;
	_ =	sdelay $0x1  }
0x2a: {  	s6 =	simm.s32 @p0 $0x1B8D  }
0x2b: {  	_ =	swait.eq @p0 [sflag:s6], $0x1  }
0x2c: {  	[sflag:s6] =	ssyncadd.s32 @p0 $0xFFFFFFFF  }
0x2d: {  	s7 =	sshll.u32 @!p0 s1, $0xE  }
0x2e: {  	s7 =	sor.u32 @!p0 $0x4000, s7;
	s6 =	simm.s32 @!p0 $0x1B8D  }
0x2f: {  	s5 =	sshll.u32 @!p0 s5, $0x11;
	s7 =	sadd.s32 @!p0 $0x11B8D, s7;
	_ =	swait.eq @!p0 [sflag:s6], $0x1  }
0x30: {  	s5 =	sor.u32 @!p0 s5, s7;
	[sflag:s6] =	ssyncadd.s32 @!p0 $0xFFFFFFFF  }
0x31: {  	s26 =	simm.s32 $0x1B8E;
	s25 =	sld [smem:$0x3FFE];
	[sflag:s5] =	ssyncadd.remote.s32 @!p0 $0x1  }
0x32: {  	s27 =	simm.s32 $execute0_lowered;
	[smem:$0x3FD2] =	sst s26  }
0x33: {  	s6 =	sshll.u32 s27, $0x1;
	_ =	strace $0x8000004C;
	[dreg:$0x1] =	wrdreg $0xFFFFFFFF  }
0x34: {  	s28 =	simm.s32 $_size_execute0_lowered;
	s4 =	sadd.s32 s4, s6;
	[dreg:$0x0] =	wrdreg $0x0  }
0x35: {  	s6 =	sshll.u32 s28, $0x1;
	[dreg:$0x2] =	wrdreg s4  }
0x36: {  	[dreg:$0x3] =	wrdreg s6  }
0x37: {  	[dreg:$0x4] =	wrdreg $0xC0  }
0x38: {  	_ =	task [dreg:s23], $0x5FFFF  }
0x39: {  	[dreg:$0x1] =	wrdreg $0xFFFFFFFF  }
0x3a: {  	[dreg:$0x0] =	wrdreg $0x60  }
0x3b: {  	[dreg:$0x2] =	wrdreg s25  }
0x3c: {  	[dreg:$0x3] =	wrdreg s18  }
0x3d: {  	[dreg:$0x4] =	wrdreg $0xB  }
0x3e: {  	_ =	task.clear_ibuf [dreg:s23], $0x5FFFF;
	_ =	strace $0x9000004C  }
0x3f: {  	s29 =	simm.s32 $0xB;
	_ =	strace $0x8000004E  }
0x40: {  	_ =	swait.ge [sflag:s29], $0x1  }
0x41: {  	[sflag:s29] =	ssyncadd.s32 $0xFFFFFFFF  }
0x42: {  	_ =	strace $0x9000004E  }
0x43: {  	_ =	sfence  }
0x44: {  	s30 =	sld [smem:$0x0];
	_ =	sdelay $0x2  }
0x45: {  	s31 =	sshll.u32 s1, $0xD;
	s1 =	sshrl.u32 s1, $0x2  }
0x46: {  	s4 =	sand.u32 $0x4000, s31;
	s1 =	sadd.s32 s1, s30  }
0x47: {  	s0 =	sor.u32 s4, s0;
	s1 =	sshll.u32 s1, $0x11  }
0x48: {  	s0 =	sor.u32 s1, s0  }
0x49: {  	s0 =	sadd.s32 $0x8F2B, s0  }
0x4a: {  	[sflag:s0] =	ssyncadd.remote.s32 $0x1  }
0x4b: {  	_ =	sfence.sel $0xFFFF  }
0x4c: {  	[dreg:$0x0] =	wrdreg $0xFFFFFFFF;
	(pc) =	sbr.abs _section_cstart, $3  }
0x4d: {  	[dreg:$0x1] =	wrdreg $0xFFFFFFFF  }
0x4e: {  	_ =	task.clear_ibuf [dreg:s23], $0x2FFFF;
	_ =	strace $0x9FFFFFFF  }
0x4f: {  	(tm) =	ssettm $0x7FFFFFFF  }
tec
execute0_lowered:
.L_overlay_start_1:
0x0: {  	(tag) =	ssettag $0x1  }
0x1: {  	s0 =	srdreg.scid  }
0x2: {  	s1 =	sshll.u32 s0, $0x4  }
0x3: {  	s4 =	rddreg [dreg:$0x0];
	s0 =	stileid.u32;
	s1 =	sand.u32 $0x10, s1  }
0x4: {  	s2 =	rddreg [dreg:$0x1];
	s7 =	simm.s32 $0x1;
	s1 =	sor.u32 s0, s1  }
0x5: {  	s8 =	simm.s32 $0x2;
	s11 =	simm.s32 $0x0;
	s3 =	sshll.u32 s1, $0x7  }
0x6: {  	s10 =	simm.s32 $0x0;
	s4 =	sadd.s32 $0x321A00, s4;
	s6 =	ssub.s32 $0x32000, s3  }
.Ltmp0:
0x7: {  	s1 =	rddreg [dreg:$0x2];
	s5 =	sand.u32 $0xF80, s6;
	(pc) =	sbr.rel .LBB1_1-.Ltmp0, $4  }
0x8: {  	_ =	strace $0x8000004D;
	s9 =	smov.u32 s3;
	p0 =	sne.s32 s5, $0x0  }
0x9: {  	s6 =	sshrl.u32 s6, $0xC;
	s5 =	simm.s32 $0x1;
	s7 =	simm.s32 @!p0 $0x0  }
0xa: {  	[sflag:s5] =	ssyncpa.u1 $0x0;
	p0 =	por $0x0, $0x0;
	s6 =	sadd.s32 s7, s6  }
0xb: {  	[sflag:s8] =	ssyncpa.u1 $0x0;
	s8 =	simm.s32 $0x190000;
	s7 =	sadd.s32 $0x1, s6  }
.LBB1_4:
0xc: {  	s14 =	sshll.u32 s11, $0x3  }
0xd: {  	s30 =	sand.u32 $0x7F, s11;
	s15 =	sand.u32 $0xFFFFFC00, s14  }
0xe: {  	s11 =	sor.u32 s30, s15  }
0xf: {  	s15 =	smulhi.u32 $0x51EB851F, s11  }
0x10: {  	s14 =	smulhi.u32 $0x51EB851F, s14  }
0x11: {  	s15 =	sshrl.u32 s15, $0x10  }
0x12: {  	s14 =	sshrl.u32 s14, $0x10;
	s15 =	smul.u32 $0x32000, s15  }
0x13: {  	s14 =	sand.u32 $0x3F, s14  }
0x14: {  	s14 =	smul.u32 $0x6400, s14;
	s11 =	ssub.s32 s11, s15  }
0x15: {  	[tilespmem:s13+$0x810 ss:$0x81] =	vst.msk $0xffff, v2;
	s15 =	sand.u32 $0x7, s11  }
0x16: {  	[tilespmem:s13+$0x1020 ss:$0x81] =	vst.msk $0xffff, v0;
	s14 =	sadd.s32 s2, s14;
	s11 =	sshrl.u32 s11, $0x3;
	s15 =	sshll.u32 s15, $0x12  }
0x17: {  	[tilespmem:s13+$0x0 ss:$0x81] =	vst.msk $0xffff, v1;
	s11 =	sadd.s32 s11, s14;
	s31 =	sor.u32 $0x400, s15  }
0x18: {  	[hbm4b:s11+s31] =	stream.strided.scatter [tilespmem:s12], [sflag:$0x2], $0x2000, s8, s31, $0x20;
	[tilespmem:$0x8080] =	vst v63  }
.LBB1_5:
0x19: {  	s13 =	sadd.s32 $0x1000, s9  }
0x1a: {  	p2 =	sgt.s32 s13, $0x31FFF  }
0x1b: {  	s13 =	smov.u32 @p2 s3;
	p2 =	sne.s32 s10, s7  }
.Ltmp1:
0x1c: {  	p1 =	slt.u32 s10, $0x2;
	(pc) =	sbr.rel @!p2 .LBB1_6-.Ltmp1, $4  }
0x1d: {  	s12 =	simm.s32 @!p1 $0x2  }
0x1e: {  	s14 =	sadd.s32 $0x1, s10;
	_ =	swait.ge @!p1 [sflag:s12], $0x2000  }
0x1f: {  	s11 =	smov.u32 s9;
	p0 =	por !p0, !p0;
	[sflag:s12] =	ssyncset.done @!p1 $0x0  }
0x20: {  	s10 =	smov.u32 s14;
	s9 =	smov.u32 s13;
	[sflag:s12] =	ssyncadd.s32 @!p1 $0xFFFFE000  }
.LBB1_1:
0x21: {  	p1 =	sge.u32 s10, s6  }
0x22: {  	s12 =	sand.u32 @!p1 $0x1FFFFFF, s9  }
0x23: {  	s13 =	smulhi.u32 @!p1 $0x147AE15, s12;
	_ =	sdelay $0x1  }
0x24: {  	s13 =	sshrl.u32 @!p1 s13, $0xA  }
0x25: {  	s13 =	smul.u32 @!p1 $0x32000, s13;
	_ =	sdelay $0x1  }
0x26: {  	s31 =	sadd.s32 $0xFFFFFFFF, s10;
	s14 =	sxor.u32 @!p1 $0xFFFFFFFF, s10;
	s12 =	ssub.s32 @!p1 s12, s13  }
0x27: {  	s15 =	simm.s32 @!p1 $0x80;
	s14 =	sshll.u32 @!p1 s14, $0xD;
	s12 =	sshll.u32 @!p1 s12, $0x4  }
0x28: {  	s13 =	sand.u32 @!p1 $0x2000, s14;
	s14 =	simm.s32 @!p1 $0x40;
	s12 =	sadd.s32 @!p1 s4, s12  }
0x29: {  	[tilespmem:s13], [sflag:$0x1] =	stream.strided.gather @!p1 [hbm4b:s12+s14], $0x2000, s15, s14, $0x38;
	[tilespmem:$0x8080] =	vst v63  }
0x2a: {  	p1 =	sge.u32 s31, s6  }
.Ltmp2:
0x2b: {  	_ = 	snop;
	(pc) =	sbr.rel @p1 .LBB1_5-.Ltmp2, $1  }
0x2c: {  	_ =	sdelay $0x3  }
0x2d: {  	s12 =	simm.s32 $0x1  }
0x2e: {  	_ =	swait.ge [sflag:s5], $0x2000;
	s12 =	simm.s32 @!p0 $0x0  }
0x2f: {  	[sflag:s5] =	ssyncset.done $0x0;
	s13 =	sshll.u32 s12, $0xD  }
0x30: {  	[sflag:s5] =	ssyncadd.s32 $0xFFFFE000;
	s16 =	sor.u32 $0x20, s13  }
0x31: {  	s12 =	smul.u32 $0x8100, s12;
	v3 =	vld [tilespmem:s16+$0x10]  }
0x32: {  	s30 =	sand.u32 $0x1, s10;
	v2 =	vld [tilespmem:s16+$0xFFFFFFF0]  }
0x33: {  	s13 =	smul.u32 $0x8100, s30;
	s12 =	sshrl.u32 s12, $0x2;
	v0 =	vld [tilespmem:s16+$0x0]  }
0x34: {  	v1 =	vld [tilespmem:s16+$0xFFFFFFE0];
	s14 =	sor.u32 $0x4000, s12  }
0x35: {  	s31 =	sshrl.u32 s13, $0x2;
	s13 =	sadd.s32 $0x0, s14  }
0x36: {  	s15 =	simm.s32 $0x4;
	s16 =	sadd.s32 $0x40, s16;
	s12 =	sor.u32 $0x4000, s31;
	[tilespmem:s13+$0x1830 ss:$0x81] =	vst.msk $0xffff, v3  }
.LBB1_3:
0x37: {  	v3 =	vld [tilespmem:s16+$0x10];
	p1 =	sne.s32 s15, $0x1FC;
	[tilespmem:s13+$0x810 ss:$0x81] =	vst.msk $0xffff, v2;
	s17 =	smov.u32 s15;
	s15 =	sadd.s32 $0x4, s15  }
.Ltmp3:
0x38: {  	v2 =	vld [tilespmem:s16+$0xFFFFFFF0];
	[tilespmem:s13+$0x1020 ss:$0x81] =	vst.msk $0xffff, v0;
	(pc) =	sbr.rel @p1 .LBB1_3-.Ltmp3, $4  }
0x39: {  	v0 =	vld [tilespmem:s16+$0x0];
	[tilespmem:s13+$0x0 ss:$0x81] =	vst.msk $0xffff, v1  }
0x3a: {  	s13 =	sshra.s32 s17, $0x2;
	v1 =	vld [tilespmem:s16+$0xFFFFFFE0]  }
0x3b: {  	s13 =	sadd.s32 s13, s14  }
0x3c: {  	s16 =	sadd.s32 $0x40, s16;
	[tilespmem:s13+$0x1830 ss:$0x81] =	vst.msk $0xffff, v3  }
.Ltmp4:
0x3d: {  	_ = 	snop;
	(pc) =	sbr.rel .LBB1_4-.Ltmp4, $1  }
0x3e: {  	_ =	sdelay $0x3  }
.LBB1_6:
0x3f: {  	_ =	sfence.sel $0x180000  }
0x40: {  	s2 =	simm.s32 $0x1;
	[bflag:$0x0] =	sbarrier.arrive $0xFFFF  }
0x41: {  	s31 =	simm.s32 $0x2;
	[sflag:s2] =	ssyncpa.u1 $0x1  }
0x42: {  	[sflag:s31] =	ssyncpa.u1 $0x1  }
0x43: {  	p0 =	sne.s32 s0, $0x0;
	_ =	strace $0x9000004D  }
0x44: {  	s0 =	sadd.s32 @!p0 $0x100000, s1;
	[bflag:$0x2] =	sbarrier.arrive $0xFFFF  }
0x45: {  	[sflag:s0] =	ssyncadd.tile.s32 @!p0 $0x1;
	_ =	shalt  }
.Lfunc_end1:
_tile_overlayer_lowered:
.L_overlay_start_2:
0x46: {  	(tag) =	ssettag $0x2  }
0x47: {  	s0 =	rddreg [dreg:$0x0];
	s2 =	stileid.u32  }
0x48: {  	s1 =	rddreg [dreg:$0x1];
	p0 =	sne.s32 s2, $0x0  }
0x49: {  	s3 =	rddreg [dreg:$0x2];
	[bflag:$0x3] =	sbarrier.arrive $0xFFFF;
	s2 =	simm.s32 @!p0 $0x1C01  }
0x4a: {  	[timem:s3], [sflag:s2] =	dma.local @!p0 [hbm:s0], s1  }
0x4b: {  	s0 =	simm.s32 @!p0 $0x1  }
0x4c: {  	_ =	swait.ge @!p0 [sflag:s0], s1  }
0x4d: {  	s1 =	ssub.s32 @!p0 $0x0, s1;
	[sflag:s0] =	ssyncset.done @!p0 $0x0  }
0x4e: {  	[sflag:s0] =	ssyncadd.s32 @!p0 s1  }
0x4f: {  	[bflag:$0x3] =	sbarrier.arrive $0xFFFF  }
0x50: {  	_ =	shalt  }

// kernel: sparse-core-data-format-call.cloned.1.call-start
scs
called_computation_lowered:
.L_overlay_start_0:
0x0: {  	s2 =	sld [smem:$0x3FD9]  }
0x1: {  	s3 =	sld [smem:$0x3FFE];
	_ =	sdelay $0x1  }
0x2: {  	s1 =	srdreg.scid  }
0x3: {  	s0 =	sand.u32 $0x1, s1  }
0x4: {  	s16 =	sshll.u32 s0, $0xA;
	s2 =	sadd.s32 s3, s2  }
0x5: {  	s2 =	sadd.s32 s2, s16  }
0x6: {  	[smem:$0x3FC1] =	sst s2  }
0x7: {  	_ = 	snop  }
0x8: {  	s2 =	sld [smem:$0x3FD0];
	_ =	sdelay $0x2  }
0x9: {  	s17 =	simm.s32 $0xC;
	s4 =	simm.s32 $0x10  }
0xa: {  	[smem:s4], [sflag:s17] =	dma.local [hbm:s2], $0x1  }
0xb: {  	_ =	swait.eq [sflag:s17], $0x1  }
0xc: {  	[sflag:s17] =	ssyncset.done $0x0  }
0xd: {  	[sflag:s17] =	ssyncadd.s32 $0xFFFFFFFF  }
0xe: {  	s18 =	sld [smem:$0x12];
	(tm) =	ssettm $0x1  }
0xf: {  	s19 =	sld [smem:$0x3FFB];
	_ =	sdelay $0x3  }
0x10: {  	_ =	strace s19  }
0x11: {  	s2 =	sld [smem:$0x3FFC];
	_ =	sdelay $0x3  }
0x12: {  	_ =	strace s2  }
0x13: {  	s2 =	sld [smem:$0x3FFD];
	_ =	sdelay $0x3  }
0x14: {  	_ =	strace s2  }
0x15: {  	_ =	strace $0x8FFFFFFF  }
0x16: {  	s20 =	sld [smem:$0x3FDB];
	_ =	sdelay $0x1  }
0x17: {  	s21 =	simm.s32 $_scs_section_size  }
0x18: {  	s5 =	simm.s32 $_size__tile_overlayer_lowered;
	s6 =	simm.s32 $_tile_overlayer_lowered  }
0x19: {  	s7 =	simm.s32 $0x1BFF;
	s22 =	sshll.u32 s6, $0x1;
	s4 =	sadd.s32 s21, s20  }
0x1a: {  	s23 =	simm.s32 $0x0;
	s5 =	sshll.u32 s5, $0x1;
	s6 =	sadd.s32 s22, s4  }
0x1b: {  	[timem:s23], [sflag:s7] =	dma.local [hbm:s6], s5  }
0x1c: {  	_ =	swait.ge [sflag:s7], s5  }
0x1d: {  	s5 =	ssub.s32 $0x0, s5;
	[sflag:s7] =	ssyncset.done $0x0  }
0x1e: {  	[sflag:s7] =	ssyncadd.s32 s5;
	_ =	sdelay $0x1  }
0x1f: {  	s24 =	simm.s32 $0x1B8B  }
0x20: {  	_ =	swait.ge [sflag:s24], $0x1  }
0x21: {  	[sflag:s24] =	ssyncset.done $0x0  }
0x22: {  	[sflag:s24] =	ssyncadd.s32 $0xFFFFFFFF  }
0x23: {  	s5 =	sld [smem:$0x0]  }
0x24: {  	s6 =	sand.u32 $0xFFFFFFFE, s1  }
0x25: {  	p0 =	sne.s32 s1, s6  }
0x26: {  	s6 =	sshll.u32 @p0 s6, $0xE  }
0x27: {  	s6 =	sadd.s32 @p0 $0x11B8D, s6;
	s7 =	sshll.u32 @p0 s5, $0x11  }
0x28: {  	s6 =	sor.u32 @p0 s7, s6  }
0x29: {  	[sflag:s6] =	ssyncadd.remote.s32 @p0 $0x1;
	_ =	sdelay $0x1  }
0x2a: {  	s6 =	simm.s32 @p0 $0x1B8D  }
0x2b: {  	_ =	swait.eq @p0 [sflag:s6], $0x1  }
0x2c: {  	[sflag:s6] =	ssyncadd.s32 @p0 $0xFFFFFFFF  }
0x2d: {  	s7 =	sshll.u32 @!p0 s1, $0xE  }
0x2e: {  	s7 =	sor.u32 @!p0 $0x4000, s7;
	s6 =	simm.s32 @!p0 $0x1B8D  }
0x2f: {  	s5 =	sshll.u32 @!p0 s5, $0x11;
	s7 =	sadd.s32 @!p0 $0x11B8D, s7;
	_ =	swait.eq @!p0 [sflag:s6], $0x1  }
0x30: {  	s5 =	sor.u32 @!p0 s5, s7;
	[sflag:s6] =	ssyncadd.s32 @!p0 $0xFFFFFFFF  }
0x31: {  	s26 =	simm.s32 $0x1B8E;
	s25 =	sld [smem:$0x3FFE];
	[sflag:s5] =	ssyncadd.remote.s32 @!p0 $0x1  }
0x32: {  	s27 =	simm.s32 $execute0_lowered;
	[smem:$0x3FD2] =	sst s26  }
0x33: {  	s6 =	sshll.u32 s27, $0x1;
	_ =	strace $0x8000004F;
	[dreg:$0x1] =	wrdreg $0xFFFFFFFF  }
0x34: {  	s28 =	simm.s32 $_size_execute0_lowered;
	s4 =	sadd.s32 s4, s6;
	[dreg:$0x0] =	wrdreg $0x0  }
0x35: {  	s6 =	sshll.u32 s28, $0x1;
	[dreg:$0x2] =	wrdreg s4  }
0x36: {  	[dreg:$0x3] =	wrdreg s6  }
0x37: {  	[dreg:$0x4] =	wrdreg $0xC0  }
0x38: {  	_ =	task [dreg:s23], $0x5FFFF  }
0x39: {  	[dreg:$0x1] =	wrdreg $0xFFFFFFFF  }
0x3a: {  	[dreg:$0x0] =	wrdreg $0x60  }
0x3b: {  	[dreg:$0x2] =	wrdreg s25  }
0x3c: {  	[dreg:$0x3] =	wrdreg s18  }
0x3d: {  	[dreg:$0x4] =	wrdreg $0x9  }
0x3e: {  	_ =	task.clear_ibuf [dreg:s23], $0x5FFFF;
	_ =	strace $0x9000004F  }
0x3f: {  	s29 =	simm.s32 $0x9;
	_ =	strace $0x80000051  }
0x40: {  	_ =	swait.ge [sflag:s29], $0x1  }
0x41: {  	[sflag:s29] =	ssyncadd.s32 $0xFFFFFFFF  }
0x42: {  	_ =	strace $0x90000051  }
0x43: {  	_ =	sfence  }
0x44: {  	s30 =	sld [smem:$0x0];
	_ =	sdelay $0x2  }
0x45: {  	s31 =	sshll.u32 s1, $0xD;
	s1 =	sshrl.u32 s1, $0x2  }
0x46: {  	s4 =	sand.u32 $0x4000, s31;
	s1 =	sadd.s32 s1, s30  }
0x47: {  	s0 =	sor.u32 s4, s0;
	s1 =	sshll.u32 s1, $0x11  }
0x48: {  	s0 =	sor.u32 s1, s0  }
0x49: {  	s0 =	sadd.s32 $0x8F2B, s0  }
0x4a: {  	[sflag:s0] =	ssyncadd.remote.s32 $0x1  }
0x4b: {  	_ =	sfence.sel $0xFFFF  }
0x4c: {  	[dreg:$0x0] =	wrdreg $0xFFFFFFFF;
	(pc) =	sbr.abs _section_cstart, $3  }
0x4d: {  	[dreg:$0x1] =	wrdreg $0xFFFFFFFF  }
0x4e: {  	_ =	task.clear_ibuf [dreg:s23], $0x2FFFF;
	_ =	strace $0x9FFFFFFF  }
0x4f: {  	(tm) =	ssettm $0x7FFFFFFF  }
tec
execute0_lowered:
.L_overlay_start_1:
0x0: {  	(tag) =	ssettag $0x1  }
0x1: {  	s0 =	srdreg.scid  }
0x2: {  	s1 =	sshll.u32 s0, $0x4  }
0x3: {  	s4 =	rddreg [dreg:$0x0];
	s0 =	stileid.u32;
	s1 =	sand.u32 $0x10, s1  }
0x4: {  	s2 =	rddreg [dreg:$0x1];
	s7 =	simm.s32 $0x1;
	s1 =	sor.u32 s0, s1  }
0x5: {  	s8 =	simm.s32 $0x2;
	s11 =	simm.s32 $0x0;
	s3 =	sshll.u32 s1, $0x7  }
0x6: {  	s10 =	simm.s32 $0x0;
	s4 =	sadd.s32 $0x641A00, s4;
	s6 =	ssub.s32 $0x32000, s3  }
.Ltmp0:
0x7: {  	s1 =	rddreg [dreg:$0x2];
	s5 =	sand.u32 $0xF80, s6;
	(pc) =	sbr.rel .LBB1_1-.Ltmp0, $4  }
0x8: {  	_ =	strace $0x80000050;
	s9 =	smov.u32 s3;
	p0 =	sne.s32 s5, $0x0  }
0x9: {  	s6 =	sshrl.u32 s6, $0xC;
	s5 =	simm.s32 $0x1;
	s7 =	simm.s32 @!p0 $0x0  }
0xa: {  	[sflag:s5] =	ssyncpa.u1 $0x0;
	p0 =	por $0x0, $0x0;
	s6 =	sadd.s32 s7, s6  }
0xb: {  	[sflag:s8] =	ssyncpa.u1 $0x0;
	s8 =	simm.s32 $0x190000;
	s7 =	sadd.s32 $0x1, s6  }
.LBB1_4:
0xc: {  	s14 =	sshll.u32 s11, $0x3  }
0xd: {  	s30 =	sand.u32 $0x7F, s11;
	s15 =	sand.u32 $0xFFFFFC00, s14  }
0xe: {  	s11 =	sor.u32 s30, s15  }
0xf: {  	s15 =	smulhi.u32 $0x51EB851F, s11  }
0x10: {  	s14 =	smulhi.u32 $0x51EB851F, s14  }
0x11: {  	s15 =	sshrl.u32 s15, $0x10  }
0x12: {  	s14 =	sshrl.u32 s14, $0x10;
	s15 =	smul.u32 $0x32000, s15  }
0x13: {  	s14 =	sand.u32 $0x3F, s14  }
0x14: {  	s14 =	smul.u32 $0x6400, s14;
	s11 =	ssub.s32 s11, s15  }
0x15: {  	[tilespmem:s13+$0x810 ss:$0x81] =	vst.msk $0xffff, v2;
	s15 =	sand.u32 $0x7, s11  }
0x16: {  	[tilespmem:s13+$0x1020 ss:$0x81] =	vst.msk $0xffff, v0;
	s14 =	sadd.s32 s2, s14;
	s11 =	sshrl.u32 s11, $0x3;
	s15 =	sshll.u32 s15, $0x12  }
0x17: {  	[tilespmem:s13+$0x0 ss:$0x81] =	vst.msk $0xffff, v1;
	s11 =	sadd.s32 s11, s14;
	s31 =	sor.u32 $0x400, s15  }
0x18: {  	[hbm4b:s11+s31] =	stream.strided.scatter [tilespmem:s12], [sflag:$0x2], $0x2000, s8, s31, $0x20;
	[tilespmem:$0x8080] =	vst v63  }
.LBB1_5:
0x19: {  	s13 =	sadd.s32 $0x1000, s9  }
0x1a: {  	p2 =	sgt.s32 s13, $0x31FFF  }
0x1b: {  	s13 =	smov.u32 @p2 s3;
	p2 =	sne.s32 s10, s7  }
.Ltmp1:
0x1c: {  	p1 =	slt.u32 s10, $0x2;
	(pc) =	sbr.rel @!p2 .LBB1_6-.Ltmp1, $4  }
0x1d: {  	s12 =	simm.s32 @!p1 $0x2  }
0x1e: {  	s14 =	sadd.s32 $0x1, s10;
	_ =	swait.ge @!p1 [sflag:s12], $0x2000  }
0x1f: {  	s11 =	smov.u32 s9;
	p0 =	por !p0, !p0;
	[sflag:s12] =	ssyncset.done @!p1 $0x0  }
0x20: {  	s10 =	smov.u32 s14;
	s9 =	smov.u32 s13;
	[sflag:s12] =	ssyncadd.s32 @!p1 $0xFFFFE000  }
.LBB1_1:
0x21: {  	p1 =	sge.u32 s10, s6  }
0x22: {  	s12 =	sand.u32 @!p1 $0x1FFFFFF, s9  }
0x23: {  	s13 =	smulhi.u32 @!p1 $0x147AE15, s12;
	_ =	sdelay $0x1  }
0x24: {  	s13 =	sshrl.u32 @!p1 s13, $0xA  }
0x25: {  	s13 =	smul.u32 @!p1 $0x32000, s13;
	_ =	sdelay $0x1  }
0x26: {  	s31 =	sadd.s32 $0xFFFFFFFF, s10;
	s14 =	sxor.u32 @!p1 $0xFFFFFFFF, s10;
	s12 =	ssub.s32 @!p1 s12, s13  }
0x27: {  	s15 =	simm.s32 @!p1 $0x80;
	s14 =	sshll.u32 @!p1 s14, $0xD;
	s12 =	sshll.u32 @!p1 s12, $0x4  }
0x28: {  	s13 =	sand.u32 @!p1 $0x2000, s14;
	s14 =	simm.s32 @!p1 $0x40;
	s12 =	sadd.s32 @!p1 s4, s12  }
0x29: {  	[tilespmem:s13], [sflag:$0x1] =	stream.strided.gather @!p1 [hbm4b:s12+s14], $0x2000, s15, s14, $0x38;
	[tilespmem:$0x8080] =	vst v63  }
0x2a: {  	p1 =	sge.u32 s31, s6  }
.Ltmp2:
0x2b: {  	_ = 	snop;
	(pc) =	sbr.rel @p1 .LBB1_5-.Ltmp2, $1  }
0x2c: {  	_ =	sdelay $0x3  }
0x2d: {  	s12 =	simm.s32 $0x1  }
0x2e: {  	_ =	swait.ge [sflag:s5], $0x2000;
	s12 =	simm.s32 @!p0 $0x0  }
0x2f: {  	[sflag:s5] =	ssyncset.done $0x0;
	s13 =	sshll.u32 s12, $0xD  }
0x30: {  	[sflag:s5] =	ssyncadd.s32 $0xFFFFE000;
	s16 =	sor.u32 $0x20, s13  }
0x31: {  	s12 =	smul.u32 $0x8100, s12;
	v3 =	vld [tilespmem:s16+$0x10]  }
0x32: {  	s30 =	sand.u32 $0x1, s10;
	v2 =	vld [tilespmem:s16+$0xFFFFFFF0]  }
0x33: {  	s13 =	smul.u32 $0x8100, s30;
	s12 =	sshrl.u32 s12, $0x2;
	v0 =	vld [tilespmem:s16+$0x0]  }
0x34: {  	v1 =	vld [tilespmem:s16+$0xFFFFFFE0];
	s14 =	sor.u32 $0x4000, s12  }
0x35: {  	s31 =	sshrl.u32 s13, $0x2;
	s13 =	sadd.s32 $0x0, s14  }
0x36: {  	s15 =	simm.s32 $0x4;
	s16 =	sadd.s32 $0x40, s16;
	s12 =	sor.u32 $0x4000, s31;
	[tilespmem:s13+$0x1830 ss:$0x81] =	vst.msk $0xffff, v3  }
.LBB1_3:
0x37: {  	v3 =	vld [tilespmem:s16+$0x10];
	p1 =	sne.s32 s15, $0x1FC;
	[tilespmem:s13+$0x810 ss:$0x81] =	vst.msk $0xffff, v2;
	s17 =	smov.u32 s15;
	s15 =	sadd.s32 $0x4, s15  }
.Ltmp3:
0x38: {  	v2 =	vld [tilespmem:s16+$0xFFFFFFF0];
	[tilespmem:s13+$0x1020 ss:$0x81] =	vst.msk $0xffff, v0;
	(pc) =	sbr.rel @p1 .LBB1_3-.Ltmp3, $4  }
0x39: {  	v0 =	vld [tilespmem:s16+$0x0];
	[tilespmem:s13+$0x0 ss:$0x81] =	vst.msk $0xffff, v1  }
0x3a: {  	s13 =	sshra.s32 s17, $0x2;
	v1 =	vld [tilespmem:s16+$0xFFFFFFE0]  }
0x3b: {  	s13 =	sadd.s32 s13, s14  }
0x3c: {  	s16 =	sadd.s32 $0x40, s16;
	[tilespmem:s13+$0x1830 ss:$0x81] =	vst.msk $0xffff, v3  }
.Ltmp4:
0x3d: {  	_ = 	snop;
	(pc) =	sbr.rel .LBB1_4-.Ltmp4, $1  }
0x3e: {  	_ =	sdelay $0x3  }
.LBB1_6:
0x3f: {  	_ =	sfence.sel $0x180000  }
0x40: {  	s2 =	simm.s32 $0x1;
	[bflag:$0x0] =	sbarrier.arrive $0xFFFF  }
0x41: {  	s31 =	simm.s32 $0x2;
	[sflag:s2] =	ssyncpa.u1 $0x1  }
0x42: {  	[sflag:s31] =	ssyncpa.u1 $0x1  }
0x43: {  	p0 =	sne.s32 s0, $0x0;
	_ =	strace $0x90000050  }
0x44: {  	s0 =	sadd.s32 @!p0 $0x100000, s1;
	[bflag:$0x2] =	sbarrier.arrive $0xFFFF  }
0x45: {  	[sflag:s0] =	ssyncadd.tile.s32 @!p0 $0x1;
	_ =	shalt  }
.Lfunc_end1:
_tile_overlayer_lowered:
.L_overlay_start_2:
0x46: {  	(tag) =	ssettag $0x2  }
0x47: {  	s0 =	rddreg [dreg:$0x0];
	s2 =	stileid.u32  }
0x48: {  	s1 =	rddreg [dreg:$0x1];
	p0 =	sne.s32 s2, $0x0  }
0x49: {  	s3 =	rddreg [dreg:$0x2];
	[bflag:$0x3] =	sbarrier.arrive $0xFFFF;
	s2 =	simm.s32 @!p0 $0x1C01  }
0x4a: {  	[timem:s3], [sflag:s2] =	dma.local @!p0 [hbm:s0], s1  }
0x4b: {  	s0 =	simm.s32 @!p0 $0x1  }
0x4c: {  	_ =	swait.ge @!p0 [sflag:s0], s1  }
0x4d: {  	s1 =	ssub.s32 @!p0 $0x0, s1;
	[sflag:s0] =	ssyncset.done @!p0 $0x0  }
0x4e: {  	[sflag:s0] =	ssyncadd.s32 @!p0 s1  }
0x4f: {  	[bflag:$0x3] =	sbarrier.arrive $0xFFFF  }
0x50: {  	_ =	shalt  }

</sc_bundles>
